<compile_context>
chip_gen: v7x
topology: tpu7x:2x2x1
jax: 0.10.2.dev20260603
libtpu: 0.0.44.dev20260713+nightly
codegen_flags: <defaults>
</compile_context>

<pallas_src>
import functools

import jax
import jax.numpy as jnp
import numpy as np
from jax import lax
from jax.experimental import pallas as pl
from jax.experimental.pallas import tpu as pltpu
from jax.experimental.pallas import tpu_sc as plsc

NC = 2
NS = 16
NW = NC * NS

BB = 32
LANES = 16


def _unit_map(u, wid, nblk, max_len):
    j = u // nblk
    i = u - j * nblk
    if isinstance(u, int):
        w = wid if j % 2 == 0 else NW - 1 - wid
        t = min(w + NW * j, max_len - 1)
    else:
        w = jnp.where(j % 2 == 0, wid, NW - 1 - wid)
        t = jnp.minimum(w + NW * j, max_len - 1)
    return t, i * BB


def _idx_table(n_units, nblk, max_len):
    tri = [(b * (b - 1)) // 2 for b in range(nblk * BB)]
    idxt = np.zeros((NW, n_units, BB), np.int32)
    for w in range(NW):
        for u in range(n_units):
            t, bb = _unit_map(u, w, nblk, max_len)
            for bl in range(BB):
                b = bb + bl
                idxt[w, u, bl] = max(tri[b] + min(t, b - 1), 0)
    return idxt


def _assemble_sc(data, zeros_src, B, max_len):
    d = data.shape[1]
    nblk = B // BB
    tpw = (max_len + NW - 1) // NW
    n_units = tpw * nblk
    mesh = plsc.VectorSubcoreMesh(
        core_axis_name="c", subcore_axis_name="s", num_cores=NC, num_subcores=NS
    )

    @functools.partial(
        pl.kernel,
        out_type=jax.ShapeDtypeStruct((max_len, B, d), data.dtype),
        mesh=mesh,
        scratch_types=[
            pltpu.VMEM((BB, d), data.dtype),
            pltpu.VMEM((BB, d), data.dtype),
            pltpu.VMEM((BB, d), data.dtype),
            pltpu.VMEM((2, BB), jnp.int32),
            pltpu.SemaphoreType.DMA,
            pltpu.SemaphoreType.DMA,
            pltpu.SemaphoreType.DMA,
            pltpu.SemaphoreType.DMA,
        ],
    )
    def assemble_kernel(data_hbm, zeros_hbm, idxt_hbm, out_hbm, buf0, buf1,
                        zbuf, idx, sem0, sem1, gsem0, gsem1):
        wid = lax.axis_index("c") * NS + lax.axis_index("s")
        bufs = (buf0, buf1)
        sems = (sem0, sem1)
        gsems = (gsem0, gsem1)
        zvec = jnp.zeros((LANES,), data.dtype)

        pltpu.sync_copy(zeros_hbm, zbuf)

        def unit_tb(u):
            return _unit_map(u, wid, nblk, max_len)

        def gdesc(q):
            return pltpu.make_async_copy(
                data_hbm.at[idx.at[jnp.int32(q)]], bufs[q], gsems[q]
            )

        def sdesc(q, t, bb):
            return pltpu.make_async_copy(
                bufs[q], out_hbm.at[t, pl.ds(pl.multiple_of(bb, 8), BB)],
                sems[q],
            )

        def start(u, q):
            t, bb = unit_tb(u)

            @pl.when(u >= 2)
            def _():
                sdesc(q, t, bb).wait()

            @pl.when(t < bb + BB - 1)
            def _():
                pltpu.sync_copy(
                    idxt_hbm.at[wid, u], idx.at[jnp.int32(q)]
                )
                gdesc(q).start()

        def finish(u, q):
            t, bb = unit_tb(u)

            @pl.when(t < bb + BB - 1)
            def _():
                gdesc(q).wait()

                z1 = jnp.clip(t - bb + 1, 0, BB)

                def zrow(r, c):
                    for jj in range(d // LANES):
                        bufs[q][r, pl.ds(jj * LANES, LANES)] = zvec
                    return c

                lax.fori_loop(jnp.int32(0), z1.astype(jnp.int32), zrow,
                              jnp.int32(0))
                sdesc(q, t, bb).start()

            @pl.when(t >= bb + BB - 1)
            def _():
                pltpu.make_async_copy(
                    zbuf, out_hbm.at[t, pl.ds(pl.multiple_of(bb, 8), BB)],
                    sems[q],
                ).start()

        def body(g, carry):
            for j in range(2):
                u = 2 * g + j
                start(u, j)

                @pl.when(u >= 1)
                def _():
                    finish(u - 1, 1 - j)
            return carry

        lax.fori_loop(jnp.int32(0), jnp.int32(n_units // 2), body, jnp.int32(0))
        finish(jnp.int32(n_units - 1), (n_units - 1) % 2)
        for u in (n_units - 2, n_units - 1):
            t, bb = unit_tb(jnp.int32(u))
            sdesc(u % 2, t, bb).wait()

    idxt = jnp.asarray(_idx_table(n_units, nblk, max_len))
    return assemble_kernel(data, zeros_src, idxt)


def _mask_body(len_ref, mask_ref):
    t = lax.broadcasted_iota(jnp.int32, mask_ref.shape, 1)
    mask_ref[...] = t < len_ref[...]


def kernel(data, lengths):
    B = int(lengths.shape[0])
    max_len = B - 1
    d = int(data.shape[1])
    assert B % BB == 0 and d % LANES == 0 and B % NW == 0

    zeros_src = jnp.zeros((BB, d), dtype=data.dtype)
    out_t = _assemble_sc(data, zeros_src, B, max_len)
    padded = jnp.transpose(out_t, (1, 0, 2))

    mask = pl.pallas_call(
        _mask_body,
        out_shape=jax.ShapeDtypeStruct((B, max_len), jnp.bool_),
    )(lengths.astype(jnp.int32).reshape(B, 1))
    return (padded, mask)

# --- scband reference (transcript-rebuilt; emitter-appended) ---
"""Pipeline reference for scband-torch-model-27565100105966 (READ-ONLY COPY).

The authoritative reference and input builder live on the scoring server;
editing this copy changes nothing except your own understanding.
"""

import jax, jax.numpy as jnp
import numpy as np

jax.config.update("jax_enable_x64", True)


def _pad_and_mask(data, lengths):
    # Faithful port of TorchModel.create_masked_tensor with is_tiger=False.
    # torch: padded[mask] = data  (boolean-mask scatter in row-major order)
    # jax:   scatter via explicit flat indices computed from lengths.
    B = int(lengths.shape[0])
    max_len = B - 1
    total = int(data.shape[0])
    cums = jnp.cumsum(lengths)
    offsets = jnp.concatenate([jnp.zeros(1, dtype=lengths.dtype), cums[:-1]])
    arange_total = jnp.arange(total, dtype=lengths.dtype)
    seg_ids = jnp.searchsorted(cums, arange_total, side="right")
    pos = arange_total - offsets[seg_ids]
    flat_idx = seg_ids * max_len + pos
    mask = jnp.arange(max_len)[None, :] < lengths[:, None]
    if data.ndim == 1:
        padded = jnp.zeros((B * max_len,), dtype=data.dtype).at[flat_idx].set(data)
        padded = padded.reshape(B, max_len)
    else:
        d = int(data.shape[-1])
        padded = jnp.zeros((B * max_len, d), dtype=data.dtype).at[flat_idx].set(data)
        padded = padded.reshape(B, max_len, d)
    return padded, mask


def setup_inputs(seed: int = 0) -> dict:
    key = jax.random.key(seed)
    B = 256
    d = 1024
    lengths = jnp.arange(B, dtype=jnp.int64)  # sum = 32640, max = 255
    total = int(np.arange(B).sum())
    data = jax.random.normal(jax.random.fold_in(key, 1), (total, d), dtype=jnp.float32)
    return {"data": data, "lengths": lengths}


def reference(data, lengths):
    padded, mask = _pad_and_mask(data, lengths)
    return (padded, mask)

if __name__ == "__main__":
    import jax
    _d = setup_inputs()
    print(jax.jit(kernel)(*tuple(_d.values())))

</pallas_src>

<mosaic_0001>
#map = affine_map<(d0, d1) -> (0, 0)>
#map1 = affine_map<(d0, d1) -> (0, 0, 0)>
module attributes {stable_mosaic.version = 14 : i64} {
  func.func @assemble_kernel(%arg0: i32, %arg1: i32, %arg2: memref<32640x1024xf32, #tpu.memory_space<hbm>>, %arg3: memref<32x1024xf32, #tpu.memory_space<hbm>>, %arg4: memref<32x64x32xi32, #tpu.memory_space<hbm>>, %arg5: memref<255x256x1024xf32, #tpu.memory_space<hbm>>, %arg6: memref<32x1024xf32, #tpu.memory_space<vmem>>, %arg7: memref<32x1024xf32, #tpu.memory_space<vmem>>, %arg8: memref<32x1024xf32, #tpu.memory_space<vmem>>, %arg9: memref<2x32xi32, #tpu.memory_space<vmem>>, %arg10: memref<!tpu.dma_semaphore, #tpu.memory_space<semaphore_mem>>, %arg11: memref<!tpu.dma_semaphore, #tpu.memory_space<semaphore_mem>>, %arg12: memref<!tpu.dma_semaphore, #tpu.memory_space<semaphore_mem>>, %arg13: memref<!tpu.dma_semaphore, #tpu.memory_space<semaphore_mem>>) attributes {dimension_semantics = [#tpu.dimension_semantics<core_parallel>, #tpu.dimension_semantics<subcore_parallel>], iteration_bounds = array<i64: 2, 16>, scalar_prefetch = 0 : i64, scratch_operands = 8 : i64, tpu.core_type = #tpu.core_type<sc_vector_subcore>, window_params = [{transform_indices = #map}, {transform_indices = #map}, {transform_indices = #map1}, {transform_indices = #map1}]} {
    %mul3A = arith.constant 16 : i32
    %mul3A_0 = arith.muli %arg0, %mul3A : i32
    %add3A = arith.addi %mul3A_0, %arg1 : i32
    %broadcast_in_dim3A = arith.constant 0.000000e+00 : f32
    %broadcast_in_dim3A_1 = vector.broadcast %broadcast_in_dim3A : f32 to vector<16xf32>
    "tpu.region"() ({
      %run_scoped3A = tpu.sem_alloc : memref<!tpu.dma_semaphore, #tpu.memory_space<semaphore_mem>>
      tpu.enqueue_dma source(%arg3 : memref<32x1024xf32, #tpu.memory_space<hbm>>) target(%arg8 : memref<32x1024xf32, #tpu.memory_space<vmem>>) target_semaphore(%run_scoped3A : memref<!tpu.dma_semaphore, #tpu.memory_space<semaphore_mem>>)
      tpu.wait_dma2 semaphore(%run_scoped3A : memref<!tpu.dma_semaphore, #tpu.memory_space<semaphore_mem>>) src(%arg3 : memref<32x1024xf32, #tpu.memory_space<hbm>>) dst(%arg8 : memref<32x1024xf32, #tpu.memory_space<vmem>>)
      tpu.yield
    }) : () -> ()
    %while3A = arith.constant 0 : i32
    %while3A_2 = arith.constant 0 : i32
    %while3A_3 = arith.constant 32 : i32
    %while3A_4 = arith.subi %while3A_3, %while3A_2 : i32
    %while3A_5 = arith.addi %while3A_2, %while3A_4 : i32
    %while3A_6 = arith.constant 1 : i32
    %while3A_7 = arith.divsi %while3A_4, %while3A_6 : i32
    %while3A_8 = arith.muli %while3A_7, %while3A_6 : i32
    %while3A_9 = arith.addi %while3A_2, %while3A_8 : i32
    %while3A_10 = arith.constant 1 : i32
    scf.for %while3A_203 = %while3A_2 to %while3A_9 step %while3A_10  : i32 {
      %mul3A_204 = arith.constant 2 : i32
      %mul3A_205 = arith.muli %mul3A_204, %while3A_203 : i32
      %add3A_206 = arith.constant 0 : i32
      %add3A_207 = arith.addi %mul3A_205, %add3A_206 : i32
      %jit3A_208 = arith.constant 8 : i64
      %convert_element_type3A_209 = arith.trunci %jit3A_208 : i64 to i32
      %div3A_210 = arith.divsi %add3A_207, %convert_element_type3A_209 : i32
      %sign3A_211 = arith.constant 0 : i32
      %sign3A_212 = arith.cmpi sgt, %add3A_207, %sign3A_211 : i32
      %sign3A_213 = arith.extui %sign3A_212 : i1 to i32
      %sign3A_214 = arith.constant 0 : i32
      %sign3A_215 = arith.cmpi slt, %add3A_207, %sign3A_214 : i32
      %sign3A_216 = arith.extui %sign3A_215 : i1 to i32
      %sign3A_217 = arith.subi %sign3A_213, %sign3A_216 : i32
      %sign3A_218 = arith.constant 0 : i32
      %sign3A_219 = arith.cmpi sgt, %convert_element_type3A_209, %sign3A_218 : i32
      %sign3A_220 = arith.extui %sign3A_219 : i1 to i32
      %sign3A_221 = arith.constant 0 : i32
      %sign3A_222 = arith.cmpi slt, %convert_element_type3A_209, %sign3A_221 : i32
      %sign3A_223 = arith.extui %sign3A_222 : i1 to i32
      %sign3A_224 = arith.subi %sign3A_220, %sign3A_223 : i32
      %ne3A_225 = arith.cmpi ne, %sign3A_217, %sign3A_224 : i32
      %rem3A_226 = arith.remsi %add3A_207, %convert_element_type3A_209 : i32
      %ne3A_227 = arith.constant 0 : i32
      %ne3A_228 = arith.cmpi ne, %rem3A_226, %ne3A_227 : i32
      %and3A_229 = arith.andi %ne3A_225, %ne3A_228 : i1
      %sub3A_230 = arith.constant 1 : i32
      %sub3A_231 = arith.subi %div3A_210, %sub3A_230 : i32
      %select_n3A_232 = arith.select %and3A_229, %sub3A_231, %div3A_210 : i32
      %mul3A_233 = arith.constant 8 : i32
      %mul3A_234 = arith.muli %select_n3A_232, %mul3A_233 : i32
      %sub3A_235 = arith.subi %add3A_207, %mul3A_234 : i32
      %jit3A_236 = arith.constant 2 : i64
      %convert_element_type3A_237 = arith.trunci %jit3A_236 : i64 to i32
      %eq3A_238 = arith.constant 0 : i32
      %eq3A_239 = arith.cmpi eq, %convert_element_type3A_237, %eq3A_238 : i32
      %jit3A_240 = arith.constant 1 : i32
      %select_n3A_241 = arith.select %eq3A_239, %jit3A_240, %convert_element_type3A_237 : i32
      %rem3A_242 = arith.remsi %select_n3A_232, %select_n3A_241 : i32
      %ne3A_243 = arith.constant 0 : i32
      %ne3A_244 = arith.cmpi ne, %rem3A_242, %ne3A_243 : i32
      %lt3A_245 = arith.constant 0 : i32
      %lt3A_246 = arith.cmpi slt, %rem3A_242, %lt3A_245 : i32
      %lt3A_247 = arith.constant 0 : i32
      %lt3A_248 = arith.cmpi slt, %select_n3A_241, %lt3A_247 : i32
      %ne3A_249 = arith.xori %lt3A_246, %lt3A_248 : i1
      %and3A_250 = arith.andi %ne3A_249, %ne3A_244 : i1
      %add3A_251 = arith.addi %rem3A_242, %select_n3A_241 : i32
      %select_n3A_252 = arith.select %and3A_250, %add3A_251, %rem3A_242 : i32
      %eq3A_253 = arith.constant 0 : i32
      %eq3A_254 = arith.cmpi eq, %select_n3A_252, %eq3A_253 : i32
      %sub3A_255 = arith.constant 31 : i32
      %sub3A_256 = arith.subi %sub3A_255, %add3A : i32
      %select_n3A_257 = arith.select %eq3A_254, %add3A, %sub3A_256 : i32
      %mul3A_258 = arith.constant 32 : i32
      %mul3A_259 = arith.muli %mul3A_258, %select_n3A_232 : i32
      %add3A_260 = arith.addi %select_n3A_257, %mul3A_259 : i32
      %min3A_261 = arith.constant 254 : i32
      %min3A_262 = arith.minsi %add3A_260, %min3A_261 : i32
      %mul3A_263 = arith.constant 32 : i32
      %mul3A_264 = arith.muli %sub3A_235, %mul3A_263 : i32
      %ge3A_265 = arith.constant 2 : i32
      %ge3A_266 = arith.cmpi sge, %add3A_207, %ge3A_265 : i32
      %convert_element_type3A_267 = arith.extui %ge3A_266 : i1 to i32
      %cond3A_268 = arith.constant 0 : i32
      %cond3A_269 = arith.cmpi ne, %convert_element_type3A_267, %cond3A_268 : i32
      scf.if %cond3A_269 {
        %multiple_of3A_362 = tpu.assume_multiple %mul3A_264, 8 : i32
        %dma_wait3A_363 = arith.constant 0 : i32
        %dma_wait3A_364 = tpu.memref_slice %arg5[%min3A_262, %multiple_of3A_362, %dma_wait3A_363] : memref<255x256x1024xf32, #tpu.memory_space<hbm>> -> memref<1x32x1024xf32, #tpu.memory_space<hbm>>
        %dma_wait3A_365 = tpu.memref_squeeze %dma_wait3A_364 : memref<1x32x1024xf32, #tpu.memory_space<hbm>> -> memref<32x1024xf32, #tpu.memory_space<hbm>>
        %dma_wait3A_366 = arith.constant 0 : i32
        %dma_wait3A_367 = tpu.memref_slice %arg5[%min3A_262, %multiple_of3A_362, %dma_wait3A_366] : memref<255x256x1024xf32, #tpu.memory_space<hbm>> -> memref<1x32x1024xf32, #tpu.memory_space<hbm>>
        %dma_wait3A_368 = tpu.memref_squeeze %dma_wait3A_367 : memref<1x32x1024xf32, #tpu.memory_space<hbm>> -> memref<32x1024xf32, #tpu.memory_space<hbm>>
        tpu.wait_dma2 semaphore(%arg10 : memref<!tpu.dma_semaphore, #tpu.memory_space<semaphore_mem>>) src(%arg6 : memref<32x1024xf32, #tpu.memory_space<vmem>>) dst(%dma_wait3A_368 : memref<32x1024xf32, #tpu.memory_space<hbm>>)
      } else {
      }
      %add3A_270 = arith.constant 32 : i32
      %add3A_271 = arith.addi %mul3A_264, %add3A_270 : i32
      %sub3A_272 = arith.constant 1 : i32
      %sub3A_273 = arith.subi %add3A_271, %sub3A_272 : i32
      %lt3A_274 = arith.cmpi slt, %min3A_262, %sub3A_273 : i32
      %convert_element_type3A_275 = arith.extui %lt3A_274 : i1 to i32
      %cond3A_276 = arith.constant 0 : i32
      %cond3A_277 = arith.cmpi ne, %convert_element_type3A_275, %cond3A_276 : i32
      scf.if %cond3A_277 {
        %run_scoped3A = arith.constant 0 : i32
        "tpu.region"() ({
          %run_scoped3A_368 = tpu.sem_alloc : memref<!tpu.dma_semaphore, #tpu.memory_space<semaphore_mem>>
          %dma_start3A_369 = arith.constant 0 : i32
          %dma_start3A_370 = tpu.memref_slice %arg9[%run_scoped3A, %dma_start3A_369] : memref<2x32xi32, #tpu.memory_space<vmem>> -> memref<1x32xi32, #tpu.memory_space<vmem>>
          %dma_start3A_371 = tpu.memref_squeeze %dma_start3A_370 : memref<1x32xi32, #tpu.memory_space<vmem>> -> memref<32xi32, #tpu.memory_space<vmem>>
          %dma_start3A_372 = arith.constant 0 : i32
          %dma_start3A_373 = tpu.memref_slice %arg4[%add3A, %add3A_207, %dma_start3A_372] : memref<32x64x32xi32, #tpu.memory_space<hbm>> -> memref<1x1x32xi32, #tpu.memory_space<hbm>>
          %dma_start3A_374 = tpu.memref_squeeze %dma_start3A_373 : memref<1x1x32xi32, #tpu.memory_space<hbm>> -> memref<32xi32, #tpu.memory_space<hbm>>
          %dma_start3A_375 = arith.constant 0 : i32
          %dma_start3A_376 = tpu.memref_slice %arg9[%run_scoped3A, %dma_start3A_375] : memref<2x32xi32, #tpu.memory_space<vmem>> -> memref<1x32xi32, #tpu.memory_space<vmem>>
          %dma_start3A_377 = tpu.memref_squeeze %dma_start3A_376 : memref<1x32xi32, #tpu.memory_space<vmem>> -> memref<32xi32, #tpu.memory_space<vmem>>
          %dma_start3A_378 = arith.constant 0 : i32
          %dma_start3A_379 = tpu.memref_slice %arg4[%add3A, %add3A_207, %dma_start3A_378] : memref<32x64x32xi32, #tpu.memory_space<hbm>> -> memref<1x1x32xi32, #tpu.memory_space<hbm>>
          %dma_start3A_380 = tpu.memref_squeeze %dma_start3A_379 : memref<1x1x32xi32, #tpu.memory_space<hbm>> -> memref<32xi32, #tpu.memory_space<hbm>>
          tpu.enqueue_dma source(%dma_start3A_380 : memref<32xi32, #tpu.memory_space<hbm>>) target(%dma_start3A_377 : memref<32xi32, #tpu.memory_space<vmem>>) target_semaphore(%run_scoped3A_368 : memref<!tpu.dma_semaphore, #tpu.memory_space<semaphore_mem>>)
          %dma_wait3A_381 = arith.constant 0 : i32
          %dma_wait3A_382 = tpu.memref_slice %arg9[%run_scoped3A, %dma_wait3A_381] : memref<2x32xi32, #tpu.memory_space<vmem>> -> memref<1x32xi32, #tpu.memory_space<vmem>>
          %dma_wait3A_383 = tpu.memref_squeeze %dma_wait3A_382 : memref<1x32xi32, #tpu.memory_space<vmem>> -> memref<32xi32, #tpu.memory_space<vmem>>
          %dma_wait3A_384 = arith.constant 0 : i32
          %dma_wait3A_385 = tpu.memref_slice %arg4[%add3A, %add3A_207, %dma_wait3A_384] : memref<32x64x32xi32, #tpu.memory_space<hbm>> -> memref<1x1x32xi32, #tpu.memory_space<hbm>>
          %dma_wait3A_386 = tpu.memref_squeeze %dma_wait3A_385 : memref<1x1x32xi32, #tpu.memory_space<hbm>> -> memref<32xi32, #tpu.memory_space<hbm>>
          %dma_wait3A_387 = arith.constant 0 : i32
          %dma_wait3A_388 = tpu.memref_slice %arg9[%run_scoped3A, %dma_wait3A_387] : memref<2x32xi32, #tpu.memory_space<vmem>> -> memref<1x32xi32, #tpu.memory_space<vmem>>
          %dma_wait3A_389 = tpu.memref_squeeze %dma_wait3A_388 : memref<1x32xi32, #tpu.memory_space<vmem>> -> memref<32xi32, #tpu.memory_space<vmem>>
          %dma_wait3A_390 = arith.constant 0 : i32
          %dma_wait3A_391 = tpu.memref_slice %arg4[%add3A, %add3A_207, %dma_wait3A_390] : memref<32x64x32xi32, #tpu.memory_space<hbm>> -> memref<1x1x32xi32, #tpu.memory_space<hbm>>
          %dma_wait3A_392 = tpu.memref_squeeze %dma_wait3A_391 : memref<1x1x32xi32, #tpu.memory_space<hbm>> -> memref<32xi32, #tpu.memory_space<hbm>>
          tpu.wait_dma2 semaphore(%run_scoped3A_368 : memref<!tpu.dma_semaphore, #tpu.memory_space<semaphore_mem>>) src(%dma_wait3A_392 : memref<32xi32, #tpu.memory_space<hbm>>) dst(%dma_wait3A_389 : memref<32xi32, #tpu.memory_space<vmem>>)
          tpu.yield
        }) : () -> ()
        %dma_start3A = arith.constant 0 : i32
        %dma_start3A_362 = arith.constant 0 : i32
        %dma_start3A_363 = tpu.memref_slice %arg9[%dma_start3A, %dma_start3A_362] : memref<2x32xi32, #tpu.memory_space<vmem>> -> memref<1x32xi32, #tpu.memory_space<vmem>>
        %dma_start3A_364 = tpu.memref_squeeze %dma_start3A_363 : memref<1x32xi32, #tpu.memory_space<vmem>> -> memref<32xi32, #tpu.memory_space<vmem>>
        %dma_start3A_365 = arith.constant 0 : i32
        %dma_start3A_366 = arith.constant 0 : i32
        %dma_start3A_367 = tpu.memref_slice %arg2[%dma_start3A_365, %dma_start3A_366] : memref<32640x1024xf32, #tpu.memory_space<hbm>> -> memref<32640x1024xf32, #tpu.memory_space<hbm>>
        tpu.enqueue_indirect_dma source(%dma_start3A_367 : memref<32640x1024xf32, #tpu.memory_space<hbm>>) target(%arg6 : memref<32x1024xf32, #tpu.memory_space<vmem>>) offsets(%dma_start3A_364 : memref<32xi32, #tpu.memory_space<vmem>>) semaphore(%arg12 : memref<!tpu.dma_semaphore, #tpu.memory_space<semaphore_mem>>)
      } else {
      }
      %ge3A_278 = arith.constant 1 : i32
      %ge3A_279 = arith.cmpi sge, %add3A_207, %ge3A_278 : i32
      %convert_element_type3A_280 = arith.extui %ge3A_279 : i1 to i32
      %cond3A_281 = arith.constant 0 : i32
      %cond3A_282 = arith.cmpi ne, %convert_element_type3A_280, %cond3A_281 : i32
      scf.if %cond3A_282 {
        %sub3A_362 = arith.constant 1 : i32
        %sub3A_363 = arith.subi %add3A_207, %sub3A_362 : i32
        %jit3A_364 = arith.constant 8 : i64
        %convert_element_type3A_365 = arith.trunci %jit3A_364 : i64 to i32
        %div3A_366 = arith.divsi %sub3A_363, %convert_element_type3A_365 : i32
        %sign3A_367 = arith.constant 0 : i32
        %sign3A_368 = arith.cmpi sgt, %sub3A_363, %sign3A_367 : i32
        %sign3A_369 = arith.extui %sign3A_368 : i1 to i32
        %sign3A_370 = arith.constant 0 : i32
        %sign3A_371 = arith.cmpi slt, %sub3A_363, %sign3A_370 : i32
        %sign3A_372 = arith.extui %sign3A_371 : i1 to i32
        %sign3A_373 = arith.subi %sign3A_369, %sign3A_372 : i32
        %sign3A_374 = arith.constant 0 : i32
        %sign3A_375 = arith.cmpi sgt, %convert_element_type3A_365, %sign3A_374 : i32
        %sign3A_376 = arith.extui %sign3A_375 : i1 to i32
        %sign3A_377 = arith.constant 0 : i32
        %sign3A_378 = arith.cmpi slt, %convert_element_type3A_365, %sign3A_377 : i32
        %sign3A_379 = arith.extui %sign3A_378 : i1 to i32
        %sign3A_380 = arith.subi %sign3A_376, %sign3A_379 : i32
        %ne3A_381 = arith.cmpi ne, %sign3A_373, %sign3A_380 : i32
        %rem3A_382 = arith.remsi %sub3A_363, %convert_element_type3A_365 : i32
        %ne3A_383 = arith.constant 0 : i32
        %ne3A_384 = arith.cmpi ne, %rem3A_382, %ne3A_383 : i32
        %and3A_385 = arith.andi %ne3A_381, %ne3A_384 : i1
        %sub3A_386 = arith.constant 1 : i32
        %sub3A_387 = arith.subi %div3A_366, %sub3A_386 : i32
        %select_n3A_388 = arith.select %and3A_385, %sub3A_387, %div3A_366 : i32
        %mul3A_389 = arith.constant 8 : i32
        %mul3A_390 = arith.muli %select_n3A_388, %mul3A_389 : i32
        %sub3A_391 = arith.subi %sub3A_363, %mul3A_390 : i32
        %jit3A_392 = arith.constant 2 : i64
        %convert_element_type3A_393 = arith.trunci %jit3A_392 : i64 to i32
        %eq3A_394 = arith.constant 0 : i32
        %eq3A_395 = arith.cmpi eq, %convert_element_type3A_393, %eq3A_394 : i32
        %jit3A_396 = arith.constant 1 : i32
        %select_n3A_397 = arith.select %eq3A_395, %jit3A_396, %convert_element_type3A_393 : i32
        %rem3A_398 = arith.remsi %select_n3A_388, %select_n3A_397 : i32
        %ne3A_399 = arith.constant 0 : i32
        %ne3A_400 = arith.cmpi ne, %rem3A_398, %ne3A_399 : i32
        %lt3A_401 = arith.constant 0 : i32
        %lt3A_402 = arith.cmpi slt, %rem3A_398, %lt3A_401 : i32
        %lt3A_403 = arith.constant 0 : i32
        %lt3A_404 = arith.cmpi slt, %select_n3A_397, %lt3A_403 : i32
        %ne3A_405 = arith.xori %lt3A_402, %lt3A_404 : i1
        %and3A_406 = arith.andi %ne3A_405, %ne3A_400 : i1
        %add3A_407 = arith.addi %rem3A_398, %select_n3A_397 : i32
        %select_n3A_408 = arith.select %and3A_406, %add3A_407, %rem3A_398 : i32
        %eq3A_409 = arith.constant 0 : i32
        %eq3A_410 = arith.cmpi eq, %select_n3A_408, %eq3A_409 : i32
        %sub3A_411 = arith.constant 31 : i32
        %sub3A_412 = arith.subi %sub3A_411, %add3A : i32
        %select_n3A_413 = arith.select %eq3A_410, %add3A, %sub3A_412 : i32
        %mul3A_414 = arith.constant 32 : i32
        %mul3A_415 = arith.muli %mul3A_414, %select_n3A_388 : i32
        %add3A_416 = arith.addi %select_n3A_413, %mul3A_415 : i32
        %min3A_417 = arith.constant 254 : i32
        %min3A_418 = arith.minsi %add3A_416, %min3A_417 : i32
        %mul3A_419 = arith.constant 32 : i32
        %mul3A_420 = arith.muli %sub3A_391, %mul3A_419 : i32
        %add3A_421 = arith.constant 32 : i32
        %add3A_422 = arith.addi %mul3A_420, %add3A_421 : i32
        %sub3A_423 = arith.constant 1 : i32
        %sub3A_424 = arith.subi %add3A_422, %sub3A_423 : i32
        %lt3A_425 = arith.cmpi slt, %min3A_418, %sub3A_424 : i32
        %convert_element_type3A_426 = arith.extui %lt3A_425 : i1 to i32
        %cond3A_427 = arith.constant 0 : i32
        %cond3A_428 = arith.cmpi ne, %convert_element_type3A_426, %cond3A_427 : i32
        scf.if %cond3A_428 {
          %dma_wait3A_437 = arith.constant 1 : i32
          %dma_wait3A_438 = arith.constant 0 : i32
          %dma_wait3A_439 = tpu.memref_slice %arg9[%dma_wait3A_437, %dma_wait3A_438] : memref<2x32xi32, #tpu.memory_space<vmem>> -> memref<1x32xi32, #tpu.memory_space<vmem>>
          %dma_wait3A_440 = tpu.memref_squeeze %dma_wait3A_439 : memref<1x32xi32, #tpu.memory_space<vmem>> -> memref<32xi32, #tpu.memory_space<vmem>>
          %dma_wait3A_441 = arith.constant 0 : i32
          %dma_wait3A_442 = arith.constant 0 : i32
          %dma_wait3A_443 = tpu.memref_slice %arg2[%dma_wait3A_441, %dma_wait3A_442] : memref<32640x1024xf32, #tpu.memory_space<hbm>> -> memref<32640x1024xf32, #tpu.memory_space<hbm>>
          tpu.wait_indirect_dma semaphore(%arg13 : memref<!tpu.dma_semaphore, #tpu.memory_space<semaphore_mem>>) src(%dma_wait3A_443 : memref<32640x1024xf32, #tpu.memory_space<hbm>>) dst(%arg7 : memref<32x1024xf32, #tpu.memory_space<vmem>>)
          %sub3A_444 = arith.subi %min3A_418, %mul3A_420 : i32
          %add3A_445 = arith.constant 1 : i32
          %add3A_446 = arith.addi %sub3A_444, %add3A_445 : i32
          %jit3A_447 = arith.constant 0 : i64
          %jit3A_448 = arith.constant 32 : i64
          %convert_element_type3A_449 = arith.trunci %jit3A_447 : i64 to i32
          %max3A = arith.maxsi %convert_element_type3A_449, %add3A_446 : i32
          %convert_element_type3A_450 = arith.trunci %jit3A_448 : i64 to i32
          %min3A_451 = arith.minsi %convert_element_type3A_450, %max3A : i32
          %while3A_452 = arith.constant 0 : i32
          %while3A_453 = arith.constant 0 : i32
          %while3A_454 = arith.subi %min3A_451, %while3A_453 : i32
          %while3A_455 = arith.addi %while3A_453, %while3A_454 : i32
          %while3A_456 = arith.constant 1 : i32
          %while3A_457 = arith.divsi %while3A_454, %while3A_456 : i32
          %while3A_458 = arith.muli %while3A_457, %while3A_456 : i32
          %while3A_459 = arith.addi %while3A_453, %while3A_458 : i32
          %while3A_460 = arith.constant 1 : i32
          scf.for %while3A_468 = %while3A_453 to %while3A_459 step %while3A_460  : i32 {
            %swap3A = arith.index_cast %while3A_468 : i32 to index
            %swap3A_469 = arith.constant 0 : index
            %swap3A_470 = tpu.vector_load %arg7[%swap3A, %swap3A_469] {strides = array<i32>} : memref<32x1024xf32, #tpu.memory_space<vmem>>, vector<1x16xf32>,
            %swap3A_471 = vector.shape_cast %swap3A_470 : vector<1x16xf32> to vector<16xf32>
            %swap3A_472 = vector.shape_cast %broadcast_in_dim3A_1 : vector<16xf32> to vector<1x16xf32>
            tpu.vector_store %arg7[%swap3A, %swap3A_469], %swap3A_472 {strides = array<i32>} : memref<32x1024xf32, #tpu.memory_space<vmem>>, vector<1x16xf32>,
            %swap3A_473 = arith.index_cast %while3A_468 : i32 to index
            %swap3A_474 = arith.constant 16 : index
            %swap3A_475 = tpu.vector_load %arg7[%swap3A_473, %swap3A_474] {strides = array<i32>} : memref<32x1024xf32, #tpu.memory_space<vmem>>, vector<1x16xf32>,
            %swap3A_476 = vector.shape_cast %swap3A_475 : vector<1x16xf32> to vector<16xf32>
            %swap3A_477 = vector.shape_cast %broadcast_in_dim3A_1 : vector<16xf32> to vector<1x16xf32>
            tpu.vector_store %arg7[%swap3A_473, %swap3A_474], %swap3A_477 {strides = array<i32>} : memref<32x1024xf32, #tpu.memory_space<vmem>>, vector<1x16xf32>,
            %swap3A_478 = arith.index_cast %while3A_468 : i32 to index
            %swap3A_479 = arith.constant 32 : index
            %swap3A_480 = tpu.vector_load %arg7[%swap3A_478, %swap3A_479] {strides = array<i32>} : memref<32x1024xf32, #tpu.memory_space<vmem>>, vector<1x16xf32>,
            %swap3A_481 = vector.shape_cast %swap3A_480 : vector<1x16xf32> to vector<16xf32>
            %swap3A_482 = vector.shape_cast %broadcast_in_dim3A_1 : vector<16xf32> to vector<1x16xf32>
            tpu.vector_store %arg7[%swap3A_478, %swap3A_479], %swap3A_482 {strides = array<i32>} : memref<32x1024xf32, #tpu.memory_space<vmem>>, vector<1x16xf32>,
            %swap3A_483 = arith.index_cast %while3A_468 : i32 to index
            %swap3A_484 = arith.constant 48 : index
            %swap3A_485 = tpu.vector_load %arg7[%swap3A_483, %swap3A_484] {strides = array<i32>} : memref<32x1024xf32, #tpu.memory_space<vmem>>, vector<1x16xf32>,
            %swap3A_486 = vector.shape_cast %swap3A_485 : vector<1x16xf32> to vector<16xf32>
            %swap3A_487 = vector.shape_cast %broadcast_in_dim3A_1 : vector<16xf32> to vector<1x16xf32>
            tpu.vector_store %arg7[%swap3A_483, %swap3A_484], %swap3A_487 {strides = array<i32>} : memref<32x1024xf32, #tpu.memory_space<vmem>>, vector<1x16xf32>,
            %swap3A_488 = arith.index_cast %while3A_468 : i32 to index
            %swap3A_489 = arith.constant 64 : index
            %swap3A_490 = tpu.vector_load %arg7[%swap3A_488, %swap3A_489] {strides = array<i32>} : memref<32x1024xf32, #tpu.memory_space<vmem>>, vector<1x16xf32>,
            %swap3A_491 = vector.shape_cast %swap3A_490 : vector<1x16xf32> to vector<16xf32>
            %swap3A_492 = vector.shape_cast %broadcast_in_dim3A_1 : vector<16xf32> to vector<1x16xf32>
            tpu.vector_store %arg7[%swap3A_488, %swap3A_489], %swap3A_492 {strides = array<i32>} : memref<32x1024xf32, #tpu.memory_space<vmem>>, vector<1x16xf32>,
            %swap3A_493 = arith.index_cast %while3A_468 : i32 to index
            %swap3A_494 = arith.constant 80 : index
            %swap3A_495 = tpu.vector_load %arg7[%swap3A_493, %swap3A_494] {strides = array<i32>} : memref<32x1024xf32, #tpu.memory_space<vmem>>, vector<1x16xf32>,
            %swap3A_496 = vector.shape_cast %swap3A_495 : vector<1x16xf32> to vector<16xf32>
            %swap3A_497 = vector.shape_cast %broadcast_in_dim3A_1 : vector<16xf32> to vector<1x16xf32>
            tpu.vector_store %arg7[%swap3A_493, %swap3A_494], %swap3A_497 {strides = array<i32>} : memref<32x1024xf32, #tpu.memory_space<vmem>>, vector<1x16xf32>,
            %swap3A_498 = arith.index_cast %while3A_468 : i32 to index
            %swap3A_499 = arith.constant 96 : index
            %swap3A_500 = tpu.vector_load %arg7[%swap3A_498, %swap3A_499] {strides = array<i32>} : memref<32x1024xf32, #tpu.memory_space<vmem>>, vector<1x16xf32>,
            %swap3A_501 = vector.shape_cast %swap3A_500 : vector<1x16xf32> to vector<16xf32>
            %swap3A_502 = vector.shape_cast %broadcast_in_dim3A_1 : vector<16xf32> to vector<1x16xf32>
            tpu.vector_store %arg7[%swap3A_498, %swap3A_499], %swap3A_502 {strides = array<i32>} : memref<32x1024xf32, #tpu.memory_space<vmem>>, vector<1x16xf32>,
            %swap3A_503 = arith.index_cast %while3A_468 : i32 to index
            %swap3A_504 = arith.constant 112 : index
            %swap3A_505 = tpu.vector_load %arg7[%swap3A_503, %swap3A_504] {strides = array<i32>} : memref<32x1024xf32, #tpu.memory_space<vmem>>, vector<1x16xf32>,
            %swap3A_506 = vector.shape_cast %swap3A_505 : vector<1x16xf32> to vector<16xf32>
            %swap3A_507 = vector.shape_cast %broadcast_in_dim3A_1 : vector<16xf32> to vector<1x16xf32>
            tpu.vector_store %arg7[%swap3A_503, %swap3A_504], %swap3A_507 {strides = array<i32>} : memref<32x1024xf32, #tpu.memory_space<vmem>>, vector<1x16xf32>,
            %swap3A_508 = arith.index_cast %while3A_468 : i32 to index
            %swap3A_509 = arith.constant 128 : index
            %swap3A_510 = tpu.vector_load %arg7[%swap3A_508, %swap3A_509] {strides = array<i32>} : memref<32x1024xf32, #tpu.memory_space<vmem>>, vector<1x16xf32>,
            %swap3A_511 = vector.shape_cast %swap3A_510 : vector<1x16xf32> to vector<16xf32>
            %swap3A_512 = vector.shape_cast %broadcast_in_dim3A_1 : vector<16xf32> to vector<1x16xf32>
            tpu.vector_store %arg7[%swap3A_508, %swap3A_509], %swap3A_512 {strides = array<i32>} : memref<32x1024xf32, #tpu.memory_space<vmem>>, vector<1x16xf32>,
            %swap3A_513 = arith.index_cast %while3A_468 : i32 to index
            %swap3A_514 = arith.constant 144 : index
            %swap3A_515 = tpu.vector_load %arg7[%swap3A_513, %swap3A_514] {strides = array<i32>} : memref<32x1024xf32, #tpu.memory_space<vmem>>, vector<1x16xf32>,
            %swap3A_516 = vector.shape_cast %swap3A_515 : vector<1x16xf32> to vector<16xf32>
            %swap3A_517 = vector.shape_cast %broadcast_in_dim3A_1 : vector<16xf32> to vector<1x16xf32>
            tpu.vector_store %arg7[%swap3A_513, %swap3A_514], %swap3A_517 {strides = array<i32>} : memref<32x1024xf32, #tpu.memory_space<vmem>>, vector<1x16xf32>,
            %swap3A_518 = arith.index_cast %while3A_468 : i32 to index
            %swap3A_519 = arith.constant 160 : index
            %swap3A_520 = tpu.vector_load %arg7[%swap3A_518, %swap3A_519] {strides = array<i32>} : memref<32x1024xf32, #tpu.memory_space<vmem>>, vector<1x16xf32>,
            %swap3A_521 = vector.shape_cast %swap3A_520 : vector<1x16xf32> to vector<16xf32>
            %swap3A_522 = vector.shape_cast %broadcast_in_dim3A_1 : vector<16xf32> to vector<1x16xf32>
            tpu.vector_store %arg7[%swap3A_518, %swap3A_519], %swap3A_522 {strides = array<i32>} : memref<32x1024xf32, #tpu.memory_space<vmem>>, vector<1x16xf32>,
            %swap3A_523 = arith.index_cast %while3A_468 : i32 to index
            %swap3A_524 = arith.constant 176 : index
            %swap3A_525 = tpu.vector_load %arg7[%swap3A_523, %swap3A_524] {strides = array<i32>} : memref<32x1024xf32, #tpu.memory_space<vmem>>, vector<1x16xf32>,
            %swap3A_526 = vector.shape_cast %swap3A_525 : vector<1x16xf32> to vector<16xf32>
            %swap3A_527 = vector.shape_cast %broadcast_in_dim3A_1 : vector<16xf32> to vector<1x16xf32>
            tpu.vector_store %arg7[%swap3A_523, %swap3A_524], %swap3A_527 {strides = array<i32>} : memref<32x1024xf32, #tpu.memory_space<vmem>>, vector<1x16xf32>,
            %swap3A_528 = arith.index_cast %while3A_468 : i32 to index
            %swap3A_529 = arith.constant 192 : index
            %swap3A_530 = tpu.vector_load %arg7[%swap3A_528, %swap3A_529] {strides = array<i32>} : memref<32x1024xf32, #tpu.memory_space<vmem>>, vector<1x16xf32>,
            %swap3A_531 = vector.shape_cast %swap3A_530 : vector<1x16xf32> to vector<16xf32>
            %swap3A_532 = vector.shape_cast %broadcast_in_dim3A_1 : vector<16xf32> to vector<1x16xf32>
            tpu.vector_store %arg7[%swap3A_528, %swap3A_529], %swap3A_532 {strides = array<i32>} : memref<32x1024xf32, #tpu.memory_space<vmem>>, vector<1x16xf32>,
            %swap3A_533 = arith.index_cast %while3A_468 : i32 to index
            %swap3A_534 = arith.constant 208 : index
            %swap3A_535 = tpu.vector_load %arg7[%swap3A_533, %swap3A_534] {strides = array<i32>} : memref<32x1024xf32, #tpu.memory_space<vmem>>, vector<1x16xf32>,
            %swap3A_536 = vector.shape_cast %swap3A_535 : vector<1x16xf32> to vector<16xf32>
            %swap3A_537 = vector.shape_cast %broadcast_in_dim3A_1 : vector<16xf32> to vector<1x16xf32>
            tpu.vector_store %arg7[%swap3A_533, %swap3A_534], %swap3A_537 {strides = array<i32>} : memref<32x1024xf32, #tpu.memory_space<vmem>>, vector<1x16xf32>,
            %swap3A_538 = arith.index_cast %while3A_468 : i32 to index
            %swap3A_539 = arith.constant 224 : index
            %swap3A_540 = tpu.vector_load %arg7[%swap3A_538, %swap3A_539] {strides = array<i32>} : memref<32x1024xf32, #tpu.memory_space<vmem>>, vector<1x16xf32>,
            %swap3A_541 = vector.shape_cast %swap3A_540 : vector<1x16xf32> to vector<16xf32>
            %swap3A_542 = vector.shape_cast %broadcast_in_dim3A_1 : vector<16xf32> to vector<1x16xf32>
            tpu.vector_store %arg7[%swap3A_538, %swap3A_539], %swap3A_542 {strides = array<i32>} : memref<32x1024xf32, #tpu.memory_space<vmem>>, vector<1x16xf32>,
            %swap3A_543 = arith.index_cast %while3A_468 : i32 to index
            %swap3A_544 = arith.constant 240 : index
            %swap3A_545 = tpu.vector_load %arg7[%swap3A_543, %swap3A_544] {strides = array<i32>} : memref<32x1024xf32, #tpu.memory_space<vmem>>, vector<1x16xf32>,
            %swap3A_546 = vector.shape_cast %swap3A_545 : vector<1x16xf32> to vector<16xf32>
            %swap3A_547 = vector.shape_cast %broadcast_in_dim3A_1 : vector<16xf32> to vector<1x16xf32>
            tpu.vector_store %arg7[%swap3A_543, %swap3A_544], %swap3A_547 {strides = array<i32>} : memref<32x1024xf32, #tpu.memory_space<vmem>>, vector<1x16xf32>,
            %swap3A_548 = arith.index_cast %while3A_468 : i32 to index
            %swap3A_549 = arith.constant 256 : index
            %swap3A_550 = tpu.vector_load %arg7[%swap3A_548, %swap3A_549] {strides = array<i32>} : memref<32x1024xf32, #tpu.memory_space<vmem>>, vector<1x16xf32>,
            %swap3A_551 = vector.shape_cast %swap3A_550 : vector<1x16xf32> to vector<16xf32>
            %swap3A_552 = vector.shape_cast %broadcast_in_dim3A_1 : vector<16xf32> to vector<1x16xf32>
            tpu.vector_store %arg7[%swap3A_548, %swap3A_549], %swap3A_552 {strides = array<i32>} : memref<32x1024xf32, #tpu.memory_space<vmem>>, vector<1x16xf32>,
            %swap3A_553 = arith.index_cast %while3A_468 : i32 to index
            %swap3A_554 = arith.constant 272 : index
            %swap3A_555 = tpu.vector_load %arg7[%swap3A_553, %swap3A_554] {strides = array<i32>} : memref<32x1024xf32, #tpu.memory_space<vmem>>, vector<1x16xf32>,
            %swap3A_556 = vector.shape_cast %swap3A_555 : vector<1x16xf32> to vector<16xf32>
            %swap3A_557 = vector.shape_cast %broadcast_in_dim3A_1 : vector<16xf32> to vector<1x16xf32>
            tpu.vector_store %arg7[%swap3A_553, %swap3A_554], %swap3A_557 {strides = array<i32>} : memref<32x1024xf32, #tpu.memory_space<vmem>>, vector<1x16xf32>,
            %swap3A_558 = arith.index_cast %while3A_468 : i32 to index
            %swap3A_559 = arith.constant 288 : index
            %swap3A_560 = tpu.vector_load %arg7[%swap3A_558, %swap3A_559] {strides = array<i32>} : memref<32x1024xf32, #tpu.memory_space<vmem>>, vector<1x16xf32>,
            %swap3A_561 = vector.shape_cast %swap3A_560 : vector<1x16xf32> to vector<16xf32>
            %swap3A_562 = vector.shape_cast %broadcast_in_dim3A_1 : vector<16xf32> to vector<1x16xf32>
            tpu.vector_store %arg7[%swap3A_558, %swap3A_559], %swap3A_562 {strides = array<i32>} : memref<32x1024xf32, #tpu.memory_space<vmem>>, vector<1x16xf32>,
            %swap3A_563 = arith.index_cast %while3A_468 : i32 to index
            %swap3A_564 = arith.constant 304 : index
            %swap3A_565 = tpu.vector_load %arg7[%swap3A_563, %swap3A_564] {strides = array<i32>} : memref<32x1024xf32, #tpu.memory_space<vmem>>, vector<1x16xf32>,
            %swap3A_566 = vector.shape_cast %swap3A_565 : vector<1x16xf32> to vector<16xf32>
            %swap3A_567 = vector.shape_cast %broadcast_in_dim3A_1 : vector<16xf32> to vector<1x16xf32>
            tpu.vector_store %arg7[%swap3A_563, %swap3A_564], %swap3A_567 {strides = array<i32>} : memref<32x1024xf32, #tpu.memory_space<vmem>>, vector<1x16xf32>,
            %swap3A_568 = arith.index_cast %while3A_468 : i32 to index
            %swap3A_569 = arith.constant 320 : index
            %swap3A_570 = tpu.vector_load %arg7[%swap3A_568, %swap3A_569] {strides = array<i32>} : memref<32x1024xf32, #tpu.memory_space<vmem>>, vector<1x16xf32>,
            %swap3A_571 = vector.shape_cast %swap3A_570 : vector<1x16xf32> to vector<16xf32>
            %swap3A_572 = vector.shape_cast %broadcast_in_dim3A_1 : vector<16xf32> to vector<1x16xf32>
            tpu.vector_store %arg7[%swap3A_568, %swap3A_569], %swap3A_572 {strides = array<i32>} : memref<32x1024xf32, #tpu.memory_space<vmem>>, vector<1x16xf32>,
            %swap3A_573 = arith.index_cast %while3A_468 : i32 to index
            %swap3A_574 = arith.constant 336 : index
            %swap3A_575 = tpu.vector_load %arg7[%swap3A_573, %swap3A_574] {strides = array<i32>} : memref<32x1024xf32, #tpu.memory_space<vmem>>, vector<1x16xf32>,
            %swap3A_576 = vector.shape_cast %swap3A_575 : vector<1x16xf32> to vector<16xf32>
            %swap3A_577 = vector.shape_cast %broadcast_in_dim3A_1 : vector<16xf32> to vector<1x16xf32>
            tpu.vector_store %arg7[%swap3A_573, %swap3A_574], %swap3A_577 {strides = array<i32>} : memref<32x1024xf32, #tpu.memory_space<vmem>>, vector<1x16xf32>,
            %swap3A_578 = arith.index_cast %while3A_468 : i32 to index
            %swap3A_579 = arith.constant 352 : index
            %swap3A_580 = tpu.vector_load %arg7[%swap3A_578, %swap3A_579] {strides = array<i32>} : memref<32x1024xf32, #tpu.memory_space<vmem>>, vector<1x16xf32>,
            %swap3A_581 = vector.shape_cast %swap3A_580 : vector<1x16xf32> to vector<16xf32>
            %swap3A_582 = vector.shape_cast %broadcast_in_dim3A_1 : vector<16xf32> to vector<1x16xf32>
            tpu.vector_store %arg7[%swap3A_578, %swap3A_579], %swap3A_582 {strides = array<i32>} : memref<32x1024xf32, #tpu.memory_space<vmem>>, vector<1x16xf32>,
            %swap3A_583 = arith.index_cast %while3A_468 : i32 to index
            %swap3A_584 = arith.constant 368 : index
            %swap3A_585 = tpu.vector_load %arg7[%swap3A_583, %swap3A_584] {strides = array<i32>} : memref<32x1024xf32, #tpu.memory_space<vmem>>, vector<1x16xf32>,
            %swap3A_586 = vector.shape_cast %swap3A_585 : vector<1x16xf32> to vector<16xf32>
            %swap3A_587 = vector.shape_cast %broadcast_in_dim3A_1 : vector<16xf32> to vector<1x16xf32>
            tpu.vector_store %arg7[%swap3A_583, %swap3A_584], %swap3A_587 {strides = array<i32>} : memref<32x1024xf32, #tpu.memory_space<vmem>>, vector<1x16xf32>,
            %swap3A_588 = arith.index_cast %while3A_468 : i32 to index
            %swap3A_589 = arith.constant 384 : index
            %swap3A_590 = tpu.vector_load %arg7[%swap3A_588, %swap3A_589] {strides = array<i32>} : memref<32x1024xf32, #tpu.memory_space<vmem>>, vector<1x16xf32>,
            %swap3A_591 = vector.shape_cast %swap3A_590 : vector<1x16xf32> to vector<16xf32>
            %swap3A_592 = vector.shape_cast %broadcast_in_dim3A_1 : vector<16xf32> to vector<1x16xf32>
            tpu.vector_store %arg7[%swap3A_588, %swap3A_589], %swap3A_592 {strides = array<i32>} : memref<32x1024xf32, #tpu.memory_space<vmem>>, vector<1x16xf32>,
            %swap3A_593 = arith.index_cast %while3A_468 : i32 to index
            %swap3A_594 = arith.constant 400 : index
            %swap3A_595 = tpu.vector_load %arg7[%swap3A_593, %swap3A_594] {strides = array<i32>} : memref<32x1024xf32, #tpu.memory_space<vmem>>, vector<1x16xf32>,
            %swap3A_596 = vector.shape_cast %swap3A_595 : vector<1x16xf32> to vector<16xf32>
            %swap3A_597 = vector.shape_cast %broadcast_in_dim3A_1 : vector<16xf32> to vector<1x16xf32>
            tpu.vector_store %arg7[%swap3A_593, %swap3A_594], %swap3A_597 {strides = array<i32>} : memref<32x1024xf32, #tpu.memory_space<vmem>>, vector<1x16xf32>,
            %swap3A_598 = arith.index_cast %while3A_468 : i32 to index
            %swap3A_599 = arith.constant 416 : index
            %swap3A_600 = tpu.vector_load %arg7[%swap3A_598, %swap3A_599] {strides = array<i32>} : memref<32x1024xf32, #tpu.memory_space<vmem>>, vector<1x16xf32>,
            %swap3A_601 = vector.shape_cast %swap3A_600 : vector<1x16xf32> to vector<16xf32>
            %swap3A_602 = vector.shape_cast %broadcast_in_dim3A_1 : vector<16xf32> to vector<1x16xf32>
            tpu.vector_store %arg7[%swap3A_598, %swap3A_599], %swap3A_602 {strides = array<i32>} : memref<32x1024xf32, #tpu.memory_space<vmem>>, vector<1x16xf32>,
            %swap3A_603 = arith.index_cast %while3A_468 : i32 to index
            %swap3A_604 = arith.constant 432 : index
            %swap3A_605 = tpu.vector_load %arg7[%swap3A_603, %swap3A_604] {strides = array<i32>} : memref<32x1024xf32, #tpu.memory_space<vmem>>, vector<1x16xf32>,
            %swap3A_606 = vector.shape_cast %swap3A_605 : vector<1x16xf32> to vector<16xf32>
            %swap3A_607 = vector.shape_cast %broadcast_in_dim3A_1 : vector<16xf32> to vector<1x16xf32>
            tpu.vector_store %arg7[%swap3A_603, %swap3A_604], %swap3A_607 {strides = array<i32>} : memref<32x1024xf32, #tpu.memory_space<vmem>>, vector<1x16xf32>,
            %swap3A_608 = arith.index_cast %while3A_468 : i32 to index
            %swap3A_609 = arith.constant 448 : index
            %swap3A_610 = tpu.vector_load %arg7[%swap3A_608, %swap3A_609] {strides = array<i32>} : memref<32x1024xf32, #tpu.memory_space<vmem>>, vector<1x16xf32>,
            %swap3A_611 = vector.shape_cast %swap3A_610 : vector<1x16xf32> to vector<16xf32>
            %swap3A_612 = vector.shape_cast %broadcast_in_dim3A_1 : vector<16xf32> to vector<1x16xf32>
            tpu.vector_store %arg7[%swap3A_608, %swap3A_609], %swap3A_612 {strides = array<i32>} : memref<32x1024xf32, #tpu.memory_space<vmem>>, vector<1x16xf32>,
            %swap3A_613 = arith.index_cast %while3A_468 : i32 to index
            %swap3A_614 = arith.constant 464 : index
            %swap3A_615 = tpu.vector_load %arg7[%swap3A_613, %swap3A_614] {strides = array<i32>} : memref<32x1024xf32, #tpu.memory_space<vmem>>, vector<1x16xf32>,
            %swap3A_616 = vector.shape_cast %swap3A_615 : vector<1x16xf32> to vector<16xf32>
            %swap3A_617 = vector.shape_cast %broadcast_in_dim3A_1 : vector<16xf32> to vector<1x16xf32>
            tpu.vector_store %arg7[%swap3A_613, %swap3A_614], %swap3A_617 {strides = array<i32>} : memref<32x1024xf32, #tpu.memory_space<vmem>>, vector<1x16xf32>,
            %swap3A_618 = arith.index_cast %while3A_468 : i32 to index
            %swap3A_619 = arith.constant 480 : index
            %swap3A_620 = tpu.vector_load %arg7[%swap3A_618, %swap3A_619] {strides = array<i32>} : memref<32x1024xf32, #tpu.memory_space<vmem>>, vector<1x16xf32>,
            %swap3A_621 = vector.shape_cast %swap3A_620 : vector<1x16xf32> to vector<16xf32>
            %swap3A_622 = vector.shape_cast %broadcast_in_dim3A_1 : vector<16xf32> to vector<1x16xf32>
            tpu.vector_store %arg7[%swap3A_618, %swap3A_619], %swap3A_622 {strides = array<i32>} : memref<32x1024xf32, #tpu.memory_space<vmem>>, vector<1x16xf32>,
            %swap3A_623 = arith.index_cast %while3A_468 : i32 to index
            %swap3A_624 = arith.constant 496 : index
            %swap3A_625 = tpu.vector_load %arg7[%swap3A_623, %swap3A_624] {strides = array<i32>} : memref<32x1024xf32, #tpu.memory_space<vmem>>, vector<1x16xf32>,
            %swap3A_626 = vector.shape_cast %swap3A_625 : vector<1x16xf32> to vector<16xf32>
            %swap3A_627 = vector.shape_cast %broadcast_in_dim3A_1 : vector<16xf32> to vector<1x16xf32>
            tpu.vector_store %arg7[%swap3A_623, %swap3A_624], %swap3A_627 {strides = array<i32>} : memref<32x1024xf32, #tpu.memory_space<vmem>>, vector<1x16xf32>,
            %swap3A_628 = arith.index_cast %while3A_468 : i32 to index
            %swap3A_629 = arith.constant 512 : index
            %swap3A_630 = tpu.vector_load %arg7[%swap3A_628, %swap3A_629] {strides = array<i32>} : memref<32x1024xf32, #tpu.memory_space<vmem>>, vector<1x16xf32>,
            %swap3A_631 = vector.shape_cast %swap3A_630 : vector<1x16xf32> to vector<16xf32>
            %swap3A_632 = vector.shape_cast %broadcast_in_dim3A_1 : vector<16xf32> to vector<1x16xf32>
            tpu.vector_store %arg7[%swap3A_628, %swap3A_629], %swap3A_632 {strides = array<i32>} : memref<32x1024xf32, #tpu.memory_space<vmem>>, vector<1x16xf32>,
            %swap3A_633 = arith.index_cast %while3A_468 : i32 to index
            %swap3A_634 = arith.constant 528 : index
            %swap3A_635 = tpu.vector_load %arg7[%swap3A_633, %swap3A_634] {strides = array<i32>} : memref<32x1024xf32, #tpu.memory_space<vmem>>, vector<1x16xf32>,
            %swap3A_636 = vector.shape_cast %swap3A_635 : vector<1x16xf32> to vector<16xf32>
            %swap3A_637 = vector.shape_cast %broadcast_in_dim3A_1 : vector<16xf32> to vector<1x16xf32>
            tpu.vector_store %arg7[%swap3A_633, %swap3A_634], %swap3A_637 {strides = array<i32>} : memref<32x1024xf32, #tpu.memory_space<vmem>>, vector<1x16xf32>,
            %swap3A_638 = arith.index_cast %while3A_468 : i32 to index
            %swap3A_639 = arith.constant 544 : index
            %swap3A_640 = tpu.vector_load %arg7[%swap3A_638, %swap3A_639] {strides = array<i32>} : memref<32x1024xf32, #tpu.memory_space<vmem>>, vector<1x16xf32>,
            %swap3A_641 = vector.shape_cast %swap3A_640 : vector<1x16xf32> to vector<16xf32>
            %swap3A_642 = vector.shape_cast %broadcast_in_dim3A_1 : vector<16xf32> to vector<1x16xf32>
            tpu.vector_store %arg7[%swap3A_638, %swap3A_639], %swap3A_642 {strides = array<i32>} : memref<32x1024xf32, #tpu.memory_space<vmem>>, vector<1x16xf32>,
            %swap3A_643 = arith.index_cast %while3A_468 : i32 to index
            %swap3A_644 = arith.constant 560 : index
            %swap3A_645 = tpu.vector_load %arg7[%swap3A_643, %swap3A_644] {strides = array<i32>} : memref<32x1024xf32, #tpu.memory_space<vmem>>, vector<1x16xf32>,
            %swap3A_646 = vector.shape_cast %swap3A_645 : vector<1x16xf32> to vector<16xf32>
            %swap3A_647 = vector.shape_cast %broadcast_in_dim3A_1 : vector<16xf32> to vector<1x16xf32>
            tpu.vector_store %arg7[%swap3A_643, %swap3A_644], %swap3A_647 {strides = array<i32>} : memref<32x1024xf32, #tpu.memory_space<vmem>>, vector<1x16xf32>,
            %swap3A_648 = arith.index_cast %while3A_468 : i32 to index
            %swap3A_649 = arith.constant 576 : index
            %swap3A_650 = tpu.vector_load %arg7[%swap3A_648, %swap3A_649] {strides = array<i32>} : memref<32x1024xf32, #tpu.memory_space<vmem>>, vector<1x16xf32>,
            %swap3A_651 = vector.shape_cast %swap3A_650 : vector<1x16xf32> to vector<16xf32>
            %swap3A_652 = vector.shape_cast %broadcast_in_dim3A_1 : vector<16xf32> to vector<1x16xf32>
            tpu.vector_store %arg7[%swap3A_648, %swap3A_649], %swap3A_652 {strides = array<i32>} : memref<32x1024xf32, #tpu.memory_space<vmem>>, vector<1x16xf32>,
            %swap3A_653 = arith.index_cast %while3A_468 : i32 to index
            %swap3A_654 = arith.constant 592 : index
            %swap3A_655 = tpu.vector_load %arg7[%swap3A_653, %swap3A_654] {strides = array<i32>} : memref<32x1024xf32, #tpu.memory_space<vmem>>, vector<1x16xf32>,
            %swap3A_656 = vector.shape_cast %swap3A_655 : vector<1x16xf32> to vector<16xf32>
            %swap3A_657 = vector.shape_cast %broadcast_in_dim3A_1 : vector<16xf32> to vector<1x16xf32>
            tpu.vector_store %arg7[%swap3A_653, %swap3A_654], %swap3A_657 {strides = array<i32>} : memref<32x1024xf32, #tpu.memory_space<vmem>>, vector<1x16xf32>,
            %swap3A_658 = arith.index_cast %while3A_468 : i32 to index
            %swap3A_659 = arith.constant 608 : index
            %swap3A_660 = tpu.vector_load %arg7[%swap3A_658, %swap3A_659] {strides = array<i32>} : memref<32x1024xf32, #tpu.memory_space<vmem>>, vector<1x16xf32>,
            %swap3A_661 = vector.shape_cast %swap3A_660 : vector<1x16xf32> to vector<16xf32>
            %swap3A_662 = vector.shape_cast %broadcast_in_dim3A_1 : vector<16xf32> to vector<1x16xf32>
            tpu.vector_store %arg7[%swap3A_658, %swap3A_659], %swap3A_662 {strides = array<i32>} : memref<32x1024xf32, #tpu.memory_space<vmem>>, vector<1x16xf32>,
            %swap3A_663 = arith.index_cast %while3A_468 : i32 to index
            %swap3A_664 = arith.constant 624 : index
            %swap3A_665 = tpu.vector_load %arg7[%swap3A_663, %swap3A_664] {strides = array<i32>} : memref<32x1024xf32, #tpu.memory_space<vmem>>, vector<1x16xf32>,
            %swap3A_666 = vector.shape_cast %swap3A_665 : vector<1x16xf32> to vector<16xf32>
            %swap3A_667 = vector.shape_cast %broadcast_in_dim3A_1 : vector<16xf32> to vector<1x16xf32>
            tpu.vector_store %arg7[%swap3A_663, %swap3A_664], %swap3A_667 {strides = array<i32>} : memref<32x1024xf32, #tpu.memory_space<vmem>>, vector<1x16xf32>,
            %swap3A_668 = arith.index_cast %while3A_468 : i32 to index
            %swap3A_669 = arith.constant 640 : index
            %swap3A_670 = tpu.vector_load %arg7[%swap3A_668, %swap3A_669] {strides = array<i32>} : memref<32x1024xf32, #tpu.memory_space<vmem>>, vector<1x16xf32>,
            %swap3A_671 = vector.shape_cast %swap3A_670 : vector<1x16xf32> to vector<16xf32>
            %swap3A_672 = vector.shape_cast %broadcast_in_dim3A_1 : vector<16xf32> to vector<1x16xf32>
            tpu.vector_store %arg7[%swap3A_668, %swap3A_669], %swap3A_672 {strides = array<i32>} : memref<32x1024xf32, #tpu.memory_space<vmem>>, vector<1x16xf32>,
            %swap3A_673 = arith.index_cast %while3A_468 : i32 to index
            %swap3A_674 = arith.constant 656 : index
            %swap3A_675 = tpu.vector_load %arg7[%swap3A_673, %swap3A_674] {strides = array<i32>} : memref<32x1024xf32, #tpu.memory_space<vmem>>, vector<1x16xf32>,
            %swap3A_676 = vector.shape_cast %swap3A_675 : vector<1x16xf32> to vector<16xf32>
            %swap3A_677 = vector.shape_cast %broadcast_in_dim3A_1 : vector<16xf32> to vector<1x16xf32>
            tpu.vector_store %arg7[%swap3A_673, %swap3A_674], %swap3A_677 {strides = array<i32>} : memref<32x1024xf32, #tpu.memory_space<vmem>>, vector<1x16xf32>,
            %swap3A_678 = arith.index_cast %while3A_468 : i32 to index
            %swap3A_679 = arith.constant 672 : index
            %swap3A_680 = tpu.vector_load %arg7[%swap3A_678, %swap3A_679] {strides = array<i32>} : memref<32x1024xf32, #tpu.memory_space<vmem>>, vector<1x16xf32>,
            %swap3A_681 = vector.shape_cast %swap3A_680 : vector<1x16xf32> to vector<16xf32>
            %swap3A_682 = vector.shape_cast %broadcast_in_dim3A_1 : vector<16xf32> to vector<1x16xf32>
            tpu.vector_store %arg7[%swap3A_678, %swap3A_679], %swap3A_682 {strides = array<i32>} : memref<32x1024xf32, #tpu.memory_space<vmem>>, vector<1x16xf32>,
            %swap3A_683 = arith.index_cast %while3A_468 : i32 to index
            %swap3A_684 = arith.constant 688 : index
            %swap3A_685 = tpu.vector_load %arg7[%swap3A_683, %swap3A_684] {strides = array<i32>} : memref<32x1024xf32, #tpu.memory_space<vmem>>, vector<1x16xf32>,
            %swap3A_686 = vector.shape_cast %swap3A_685 : vector<1x16xf32> to vector<16xf32>
            %swap3A_687 = vector.shape_cast %broadcast_in_dim3A_1 : vector<16xf32> to vector<1x16xf32>
            tpu.vector_store %arg7[%swap3A_683, %swap3A_684], %swap3A_687 {strides = array<i32>} : memref<32x1024xf32, #tpu.memory_space<vmem>>, vector<1x16xf32>,
            %swap3A_688 = arith.index_cast %while3A_468 : i32 to index
            %swap3A_689 = arith.constant 704 : index
            %swap3A_690 = tpu.vector_load %arg7[%swap3A_688, %swap3A_689] {strides = array<i32>} : memref<32x1024xf32, #tpu.memory_space<vmem>>, vector<1x16xf32>,
            %swap3A_691 = vector.shape_cast %swap3A_690 : vector<1x16xf32> to vector<16xf32>
            %swap3A_692 = vector.shape_cast %broadcast_in_dim3A_1 : vector<16xf32> to vector<1x16xf32>
            tpu.vector_store %arg7[%swap3A_688, %swap3A_689], %swap3A_692 {strides = array<i32>} : memref<32x1024xf32, #tpu.memory_space<vmem>>, vector<1x16xf32>,
            %swap3A_693 = arith.index_cast %while3A_468 : i32 to index
            %swap3A_694 = arith.constant 720 : index
            %swap3A_695 = tpu.vector_load %arg7[%swap3A_693, %swap3A_694] {strides = array<i32>} : memref<32x1024xf32, #tpu.memory_space<vmem>>, vector<1x16xf32>,
            %swap3A_696 = vector.shape_cast %swap3A_695 : vector<1x16xf32> to vector<16xf32>
            %swap3A_697 = vector.shape_cast %broadcast_in_dim3A_1 : vector<16xf32> to vector<1x16xf32>
            tpu.vector_store %arg7[%swap3A_693, %swap3A_694], %swap3A_697 {strides = array<i32>} : memref<32x1024xf32, #tpu.memory_space<vmem>>, vector<1x16xf32>,
            %swap3A_698 = arith.index_cast %while3A_468 : i32 to index
            %swap3A_699 = arith.constant 736 : index
            %swap3A_700 = tpu.vector_load %arg7[%swap3A_698, %swap3A_699] {strides = array<i32>} : memref<32x1024xf32, #tpu.memory_space<vmem>>, vector<1x16xf32>,
            %swap3A_701 = vector.shape_cast %swap3A_700 : vector<1x16xf32> to vector<16xf32>
            %swap3A_702 = vector.shape_cast %broadcast_in_dim3A_1 : vector<16xf32> to vector<1x16xf32>
            tpu.vector_store %arg7[%swap3A_698, %swap3A_699], %swap3A_702 {strides = array<i32>} : memref<32x1024xf32, #tpu.memory_space<vmem>>, vector<1x16xf32>,
            %swap3A_703 = arith.index_cast %while3A_468 : i32 to index
            %swap3A_704 = arith.constant 752 : index
            %swap3A_705 = tpu.vector_load %arg7[%swap3A_703, %swap3A_704] {strides = array<i32>} : memref<32x1024xf32, #tpu.memory_space<vmem>>, vector<1x16xf32>,
            %swap3A_706 = vector.shape_cast %swap3A_705 : vector<1x16xf32> to vector<16xf32>
            %swap3A_707 = vector.shape_cast %broadcast_in_dim3A_1 : vector<16xf32> to vector<1x16xf32>
            tpu.vector_store %arg7[%swap3A_703, %swap3A_704], %swap3A_707 {strides = array<i32>} : memref<32x1024xf32, #tpu.memory_space<vmem>>, vector<1x16xf32>,
            %swap3A_708 = arith.index_cast %while3A_468 : i32 to index
            %swap3A_709 = arith.constant 768 : index
            %swap3A_710 = tpu.vector_load %arg7[%swap3A_708, %swap3A_709] {strides = array<i32>} : memref<32x1024xf32, #tpu.memory_space<vmem>>, vector<1x16xf32>,
            %swap3A_711 = vector.shape_cast %swap3A_710 : vector<1x16xf32> to vector<16xf32>
            %swap3A_712 = vector.shape_cast %broadcast_in_dim3A_1 : vector<16xf32> to vector<1x16xf32>
            tpu.vector_store %arg7[%swap3A_708, %swap3A_709], %swap3A_712 {strides = array<i32>} : memref<32x1024xf32, #tpu.memory_space<vmem>>, vector<1x16xf32>,
            %swap3A_713 = arith.index_cast %while3A_468 : i32 to index
            %swap3A_714 = arith.constant 784 : index
            %swap3A_715 = tpu.vector_load %arg7[%swap3A_713, %swap3A_714] {strides = array<i32>} : memref<32x1024xf32, #tpu.memory_space<vmem>>, vector<1x16xf32>,
            %swap3A_716 = vector.shape_cast %swap3A_715 : vector<1x16xf32> to vector<16xf32>
            %swap3A_717 = vector.shape_cast %broadcast_in_dim3A_1 : vector<16xf32> to vector<1x16xf32>
            tpu.vector_store %arg7[%swap3A_713, %swap3A_714], %swap3A_717 {strides = array<i32>} : memref<32x1024xf32, #tpu.memory_space<vmem>>, vector<1x16xf32>,
            %swap3A_718 = arith.index_cast %while3A_468 : i32 to index
            %swap3A_719 = arith.constant 800 : index
            %swap3A_720 = tpu.vector_load %arg7[%swap3A_718, %swap3A_719] {strides = array<i32>} : memref<32x1024xf32, #tpu.memory_space<vmem>>, vector<1x16xf32>,
            %swap3A_721 = vector.shape_cast %swap3A_720 : vector<1x16xf32> to vector<16xf32>
            %swap3A_722 = vector.shape_cast %broadcast_in_dim3A_1 : vector<16xf32> to vector<1x16xf32>
            tpu.vector_store %arg7[%swap3A_718, %swap3A_719], %swap3A_722 {strides = array<i32>} : memref<32x1024xf32, #tpu.memory_space<vmem>>, vector<1x16xf32>,
            %swap3A_723 = arith.index_cast %while3A_468 : i32 to index
            %swap3A_724 = arith.constant 816 : index
            %swap3A_725 = tpu.vector_load %arg7[%swap3A_723, %swap3A_724] {strides = array<i32>} : memref<32x1024xf32, #tpu.memory_space<vmem>>, vector<1x16xf32>,
            %swap3A_726 = vector.shape_cast %swap3A_725 : vector<1x16xf32> to vector<16xf32>
            %swap3A_727 = vector.shape_cast %broadcast_in_dim3A_1 : vector<16xf32> to vector<1x16xf32>
            tpu.vector_store %arg7[%swap3A_723, %swap3A_724], %swap3A_727 {strides = array<i32>} : memref<32x1024xf32, #tpu.memory_space<vmem>>, vector<1x16xf32>,
            %swap3A_728 = arith.index_cast %while3A_468 : i32 to index
            %swap3A_729 = arith.constant 832 : index
            %swap3A_730 = tpu.vector_load %arg7[%swap3A_728, %swap3A_729] {strides = array<i32>} : memref<32x1024xf32, #tpu.memory_space<vmem>>, vector<1x16xf32>,
            %swap3A_731 = vector.shape_cast %swap3A_730 : vector<1x16xf32> to vector<16xf32>
            %swap3A_732 = vector.shape_cast %broadcast_in_dim3A_1 : vector<16xf32> to vector<1x16xf32>
            tpu.vector_store %arg7[%swap3A_728, %swap3A_729], %swap3A_732 {strides = array<i32>} : memref<32x1024xf32, #tpu.memory_space<vmem>>, vector<1x16xf32>,
            %swap3A_733 = arith.index_cast %while3A_468 : i32 to index
            %swap3A_734 = arith.constant 848 : index
            %swap3A_735 = tpu.vector_load %arg7[%swap3A_733, %swap3A_734] {strides = array<i32>} : memref<32x1024xf32, #tpu.memory_space<vmem>>, vector<1x16xf32>,
            %swap3A_736 = vector.shape_cast %swap3A_735 : vector<1x16xf32> to vector<16xf32>
            %swap3A_737 = vector.shape_cast %broadcast_in_dim3A_1 : vector<16xf32> to vector<1x16xf32>
            tpu.vector_store %arg7[%swap3A_733, %swap3A_734], %swap3A_737 {strides = array<i32>} : memref<32x1024xf32, #tpu.memory_space<vmem>>, vector<1x16xf32>,
            %swap3A_738 = arith.index_cast %while3A_468 : i32 to index
            %swap3A_739 = arith.constant 864 : index
            %swap3A_740 = tpu.vector_load %arg7[%swap3A_738, %swap3A_739] {strides = array<i32>} : memref<32x1024xf32, #tpu.memory_space<vmem>>, vector<1x16xf32>,
            %swap3A_741 = vector.shape_cast %swap3A_740 : vector<1x16xf32> to vector<16xf32>
            %swap3A_742 = vector.shape_cast %broadcast_in_dim3A_1 : vector<16xf32> to vector<1x16xf32>
            tpu.vector_store %arg7[%swap3A_738, %swap3A_739], %swap3A_742 {strides = array<i32>} : memref<32x1024xf32, #tpu.memory_space<vmem>>, vector<1x16xf32>,
            %swap3A_743 = arith.index_cast %while3A_468 : i32 to index
            %swap3A_744 = arith.constant 880 : index
            %swap3A_745 = tpu.vector_load %arg7[%swap3A_743, %swap3A_744] {strides = array<i32>} : memref<32x1024xf32, #tpu.memory_space<vmem>>, vector<1x16xf32>,
            %swap3A_746 = vector.shape_cast %swap3A_745 : vector<1x16xf32> to vector<16xf32>
            %swap3A_747 = vector.shape_cast %broadcast_in_dim3A_1 : vector<16xf32> to vector<1x16xf32>
            tpu.vector_store %arg7[%swap3A_743, %swap3A_744], %swap3A_747 {strides = array<i32>} : memref<32x1024xf32, #tpu.memory_space<vmem>>, vector<1x16xf32>,
            %swap3A_748 = arith.index_cast %while3A_468 : i32 to index
            %swap3A_749 = arith.constant 896 : index
            %swap3A_750 = tpu.vector_load %arg7[%swap3A_748, %swap3A_749] {strides = array<i32>} : memref<32x1024xf32, #tpu.memory_space<vmem>>, vector<1x16xf32>,
            %swap3A_751 = vector.shape_cast %swap3A_750 : vector<1x16xf32> to vector<16xf32>
            %swap3A_752 = vector.shape_cast %broadcast_in_dim3A_1 : vector<16xf32> to vector<1x16xf32>
            tpu.vector_store %arg7[%swap3A_748, %swap3A_749], %swap3A_752 {strides = array<i32>} : memref<32x1024xf32, #tpu.memory_space<vmem>>, vector<1x16xf32>,
            %swap3A_753 = arith.index_cast %while3A_468 : i32 to index
            %swap3A_754 = arith.constant 912 : index
            %swap3A_755 = tpu.vector_load %arg7[%swap3A_753, %swap3A_754] {strides = array<i32>} : memref<32x1024xf32, #tpu.memory_space<vmem>>, vector<1x16xf32>,
            %swap3A_756 = vector.shape_cast %swap3A_755 : vector<1x16xf32> to vector<16xf32>
            %swap3A_757 = vector.shape_cast %broadcast_in_dim3A_1 : vector<16xf32> to vector<1x16xf32>
            tpu.vector_store %arg7[%swap3A_753, %swap3A_754], %swap3A_757 {strides = array<i32>} : memref<32x1024xf32, #tpu.memory_space<vmem>>, vector<1x16xf32>,
            %swap3A_758 = arith.index_cast %while3A_468 : i32 to index
            %swap3A_759 = arith.constant 928 : index
            %swap3A_760 = tpu.vector_load %arg7[%swap3A_758, %swap3A_759] {strides = array<i32>} : memref<32x1024xf32, #tpu.memory_space<vmem>>, vector<1x16xf32>,
            %swap3A_761 = vector.shape_cast %swap3A_760 : vector<1x16xf32> to vector<16xf32>
            %swap3A_762 = vector.shape_cast %broadcast_in_dim3A_1 : vector<16xf32> to vector<1x16xf32>
            tpu.vector_store %arg7[%swap3A_758, %swap3A_759], %swap3A_762 {strides = array<i32>} : memref<32x1024xf32, #tpu.memory_space<vmem>>, vector<1x16xf32>,
            %swap3A_763 = arith.index_cast %while3A_468 : i32 to index
            %swap3A_764 = arith.constant 944 : index
            %swap3A_765 = tpu.vector_load %arg7[%swap3A_763, %swap3A_764] {strides = array<i32>} : memref<32x1024xf32, #tpu.memory_space<vmem>>, vector<1x16xf32>,
            %swap3A_766 = vector.shape_cast %swap3A_765 : vector<1x16xf32> to vector<16xf32>
            %swap3A_767 = vector.shape_cast %broadcast_in_dim3A_1 : vector<16xf32> to vector<1x16xf32>
            tpu.vector_store %arg7[%swap3A_763, %swap3A_764], %swap3A_767 {strides = array<i32>} : memref<32x1024xf32, #tpu.memory_space<vmem>>, vector<1x16xf32>,
            %swap3A_768 = arith.index_cast %while3A_468 : i32 to index
            %swap3A_769 = arith.constant 960 : index
            %swap3A_770 = tpu.vector_load %arg7[%swap3A_768, %swap3A_769] {strides = array<i32>} : memref<32x1024xf32, #tpu.memory_space<vmem>>, vector<1x16xf32>,
            %swap3A_771 = vector.shape_cast %swap3A_770 : vector<1x16xf32> to vector<16xf32>
            %swap3A_772 = vector.shape_cast %broadcast_in_dim3A_1 : vector<16xf32> to vector<1x16xf32>
            tpu.vector_store %arg7[%swap3A_768, %swap3A_769], %swap3A_772 {strides = array<i32>} : memref<32x1024xf32, #tpu.memory_space<vmem>>, vector<1x16xf32>,
            %swap3A_773 = arith.index_cast %while3A_468 : i32 to index
            %swap3A_774 = arith.constant 976 : index
            %swap3A_775 = tpu.vector_load %arg7[%swap3A_773, %swap3A_774] {strides = array<i32>} : memref<32x1024xf32, #tpu.memory_space<vmem>>, vector<1x16xf32>,
            %swap3A_776 = vector.shape_cast %swap3A_775 : vector<1x16xf32> to vector<16xf32>
            %swap3A_777 = vector.shape_cast %broadcast_in_dim3A_1 : vector<16xf32> to vector<1x16xf32>
            tpu.vector_store %arg7[%swap3A_773, %swap3A_774], %swap3A_777 {strides = array<i32>} : memref<32x1024xf32, #tpu.memory_space<vmem>>, vector<1x16xf32>,
            %swap3A_778 = arith.index_cast %while3A_468 : i32 to index
            %swap3A_779 = arith.constant 992 : index
            %swap3A_780 = tpu.vector_load %arg7[%swap3A_778, %swap3A_779] {strides = array<i32>} : memref<32x1024xf32, #tpu.memory_space<vmem>>, vector<1x16xf32>,
            %swap3A_781 = vector.shape_cast %swap3A_780 : vector<1x16xf32> to vector<16xf32>
            %swap3A_782 = vector.shape_cast %broadcast_in_dim3A_1 : vector<16xf32> to vector<1x16xf32>
            tpu.vector_store %arg7[%swap3A_778, %swap3A_779], %swap3A_782 {strides = array<i32>} : memref<32x1024xf32, #tpu.memory_space<vmem>>, vector<1x16xf32>,
            %swap3A_783 = arith.index_cast %while3A_468 : i32 to index
            %swap3A_784 = arith.constant 1008 : index
            %swap3A_785 = tpu.vector_load %arg7[%swap3A_783, %swap3A_784] {strides = array<i32>} : memref<32x1024xf32, #tpu.memory_space<vmem>>, vector<1x16xf32>,
            %swap3A_786 = vector.shape_cast %swap3A_785 : vector<1x16xf32> to vector<16xf32>
            %swap3A_787 = vector.shape_cast %broadcast_in_dim3A_1 : vector<16xf32> to vector<1x16xf32>
            tpu.vector_store %arg7[%swap3A_783, %swap3A_784], %swap3A_787 {strides = array<i32>} : memref<32x1024xf32, #tpu.memory_space<vmem>>, vector<1x16xf32>,
          }
          %while3A_461 = arith.constant 1 : i32
          scf.for %while3A_468 = %while3A_459 to %while3A_455 step %while3A_461  : i32 {
            %swap3A = arith.index_cast %while3A_468 : i32 to index
            %swap3A_469 = arith.constant 0 : index
            %swap3A_470 = tpu.vector_load %arg7[%swap3A, %swap3A_469] {strides = array<i32>} : memref<32x1024xf32, #tpu.memory_space<vmem>>, vector<1x16xf32>,
            %swap3A_471 = vector.shape_cast %swap3A_470 : vector<1x16xf32> to vector<16xf32>
            %swap3A_472 = vector.shape_cast %broadcast_in_dim3A_1 : vector<16xf32> to vector<1x16xf32>
            tpu.vector_store %arg7[%swap3A, %swap3A_469], %swap3A_472 {strides = array<i32>} : memref<32x1024xf32, #tpu.memory_space<vmem>>, vector<1x16xf32>,
            %swap3A_473 = arith.index_cast %while3A_468 : i32 to index
            %swap3A_474 = arith.constant 16 : index
            %swap3A_475 = tpu.vector_load %arg7[%swap3A_473, %swap3A_474] {strides = array<i32>} : memref<32x1024xf32, #tpu.memory_space<vmem>>, vector<1x16xf32>,
            %swap3A_476 = vector.shape_cast %swap3A_475 : vector<1x16xf32> to vector<16xf32>
            %swap3A_477 = vector.shape_cast %broadcast_in_dim3A_1 : vector<16xf32> to vector<1x16xf32>
            tpu.vector_store %arg7[%swap3A_473, %swap3A_474], %swap3A_477 {strides = array<i32>} : memref<32x1024xf32, #tpu.memory_space<vmem>>, vector<1x16xf32>,
            %swap3A_478 = arith.index_cast %while3A_468 : i32 to index
            %swap3A_479 = arith.constant 32 : index
            %swap3A_480 = tpu.vector_load %arg7[%swap3A_478, %swap3A_479] {strides = array<i32>} : memref<32x1024xf32, #tpu.memory_space<vmem>>, vector<1x16xf32>,
            %swap3A_481 = vector.shape_cast %swap3A_480 : vector<1x16xf32> to vector<16xf32>
            %swap3A_482 = vector.shape_cast %broadcast_in_dim3A_1 : vector<16xf32> to vector<1x16xf32>
            tpu.vector_store %arg7[%swap3A_478, %swap3A_479], %swap3A_482 {strides = array<i32>} : memref<32x1024xf32, #tpu.memory_space<vmem>>, vector<1x16xf32>,
            %swap3A_483 = arith.index_cast %while3A_468 : i32 to index
            %swap3A_484 = arith.constant 48 : index
            %swap3A_485 = tpu.vector_load %arg7[%swap3A_483, %swap3A_484] {strides = array<i32>} : memref<32x1024xf32, #tpu.memory_space<vmem>>, vector<1x16xf32>,
            %swap3A_486 = vector.shape_cast %swap3A_485 : vector<1x16xf32> to vector<16xf32>
            %swap3A_487 = vector.shape_cast %broadcast_in_dim3A_1 : vector<16xf32> to vector<1x16xf32>
            tpu.vector_store %arg7[%swap3A_483, %swap3A_484], %swap3A_487 {strides = array<i32>} : memref<32x1024xf32, #tpu.memory_space<vmem>>, vector<1x16xf32>,
            %swap3A_488 = arith.index_cast %while3A_468 : i32 to index
            %swap3A_489 = arith.constant 64 : index
            %swap3A_490 = tpu.vector_load %arg7[%swap3A_488, %swap3A_489] {strides = array<i32>} : memref<32x1024xf32, #tpu.memory_space<vmem>>, vector<1x16xf32>,
            %swap3A_491 = vector.shape_cast %swap3A_490 : vector<1x16xf32> to vector<16xf32>
            %swap3A_492 = vector.shape_cast %broadcast_in_dim3A_1 : vector<16xf32> to vector<1x16xf32>
            tpu.vector_store %arg7[%swap3A_488, %swap3A_489], %swap3A_492 {strides = array<i32>} : memref<32x1024xf32, #tpu.memory_space<vmem>>, vector<1x16xf32>,
            %swap3A_493 = arith.index_cast %while3A_468 : i32 to index
            %swap3A_494 = arith.constant 80 : index
            %swap3A_495 = tpu.vector_load %arg7[%swap3A_493, %swap3A_494] {strides = array<i32>} : memref<32x1024xf32, #tpu.memory_space<vmem>>, vector<1x16xf32>,
            %swap3A_496 = vector.shape_cast %swap3A_495 : vector<1x16xf32> to vector<16xf32>
            %swap3A_497 = vector.shape_cast %broadcast_in_dim3A_1 : vector<16xf32> to vector<1x16xf32>
            tpu.vector_store %arg7[%swap3A_493, %swap3A_494], %swap3A_497 {strides = array<i32>} : memref<32x1024xf32, #tpu.memory_space<vmem>>, vector<1x16xf32>,
            %swap3A_498 = arith.index_cast %while3A_468 : i32 to index
            %swap3A_499 = arith.constant 96 : index
            %swap3A_500 = tpu.vector_load %arg7[%swap3A_498, %swap3A_499] {strides = array<i32>} : memref<32x1024xf32, #tpu.memory_space<vmem>>, vector<1x16xf32>,
            %swap3A_501 = vector.shape_cast %swap3A_500 : vector<1x16xf32> to vector<16xf32>
            %swap3A_502 = vector.shape_cast %broadcast_in_dim3A_1 : vector<16xf32> to vector<1x16xf32>
            tpu.vector_store %arg7[%swap3A_498, %swap3A_499], %swap3A_502 {strides = array<i32>} : memref<32x1024xf32, #tpu.memory_space<vmem>>, vector<1x16xf32>,
            %swap3A_503 = arith.index_cast %while3A_468 : i32 to index
            %swap3A_504 = arith.constant 112 : index
            %swap3A_505 = tpu.vector_load %arg7[%swap3A_503, %swap3A_504] {strides = array<i32>} : memref<32x1024xf32, #tpu.memory_space<vmem>>, vector<1x16xf32>,
            %swap3A_506 = vector.shape_cast %swap3A_505 : vector<1x16xf32> to vector<16xf32>
            %swap3A_507 = vector.shape_cast %broadcast_in_dim3A_1 : vector<16xf32> to vector<1x16xf32>
            tpu.vector_store %arg7[%swap3A_503, %swap3A_504], %swap3A_507 {strides = array<i32>} : memref<32x1024xf32, #tpu.memory_space<vmem>>, vector<1x16xf32>,
            %swap3A_508 = arith.index_cast %while3A_468 : i32 to index
            %swap3A_509 = arith.constant 128 : index
            %swap3A_510 = tpu.vector_load %arg7[%swap3A_508, %swap3A_509] {strides = array<i32>} : memref<32x1024xf32, #tpu.memory_space<vmem>>, vector<1x16xf32>,
            %swap3A_511 = vector.shape_cast %swap3A_510 : vector<1x16xf32> to vector<16xf32>
            %swap3A_512 = vector.shape_cast %broadcast_in_dim3A_1 : vector<16xf32> to vector<1x16xf32>
            tpu.vector_store %arg7[%swap3A_508, %swap3A_509], %swap3A_512 {strides = array<i32>} : memref<32x1024xf32, #tpu.memory_space<vmem>>, vector<1x16xf32>,
            %swap3A_513 = arith.index_cast %while3A_468 : i32 to index
            %swap3A_514 = arith.constant 144 : index
            %swap3A_515 = tpu.vector_load %arg7[%swap3A_513, %swap3A_514] {strides = array<i32>} : memref<32x1024xf32, #tpu.memory_space<vmem>>, vector<1x16xf32>,
            %swap3A_516 = vector.shape_cast %swap3A_515 : vector<1x16xf32> to vector<16xf32>
            %swap3A_517 = vector.shape_cast %broadcast_in_dim3A_1 : vector<16xf32> to vector<1x16xf32>
            tpu.vector_store %arg7[%swap3A_513, %swap3A_514], %swap3A_517 {strides = array<i32>} : memref<32x1024xf32, #tpu.memory_space<vmem>>, vector<1x16xf32>,
            %swap3A_518 = arith.index_cast %while3A_468 : i32 to index
            %swap3A_519 = arith.constant 160 : index
            %swap3A_520 = tpu.vector_load %arg7[%swap3A_518, %swap3A_519] {strides = array<i32>} : memref<32x1024xf32, #tpu.memory_space<vmem>>, vector<1x16xf32>,
            %swap3A_521 = vector.shape_cast %swap3A_520 : vector<1x16xf32> to vector<16xf32>
            %swap3A_522 = vector.shape_cast %broadcast_in_dim3A_1 : vector<16xf32> to vector<1x16xf32>
            tpu.vector_store %arg7[%swap3A_518, %swap3A_519], %swap3A_522 {strides = array<i32>} : memref<32x1024xf32, #tpu.memory_space<vmem>>, vector<1x16xf32>,
            %swap3A_523 = arith.index_cast %while3A_468 : i32 to index
            %swap3A_524 = arith.constant 176 : index
            %swap3A_525 = tpu.vector_load %arg7[%swap3A_523, %swap3A_524] {strides = array<i32>} : memref<32x1024xf32, #tpu.memory_space<vmem>>, vector<1x16xf32>,
            %swap3A_526 = vector.shape_cast %swap3A_525 : vector<1x16xf32> to vector<16xf32>
            %swap3A_527 = vector.shape_cast %broadcast_in_dim3A_1 : vector<16xf32> to vector<1x16xf32>
            tpu.vector_store %arg7[%swap3A_523, %swap3A_524], %swap3A_527 {strides = array<i32>} : memref<32x1024xf32, #tpu.memory_space<vmem>>, vector<1x16xf32>,
            %swap3A_528 = arith.index_cast %while3A_468 : i32 to index
            %swap3A_529 = arith.constant 192 : index
            %swap3A_530 = tpu.vector_load %arg7[%swap3A_528, %swap3A_529] {strides = array<i32>} : memref<32x1024xf32, #tpu.memory_space<vmem>>, vector<1x16xf32>,
            %swap3A_531 = vector.shape_cast %swap3A_530 : vector<1x16xf32> to vector<16xf32>
            %swap3A_532 = vector.shape_cast %broadcast_in_dim3A_1 : vector<16xf32> to vector<1x16xf32>
            tpu.vector_store %arg7[%swap3A_528, %swap3A_529], %swap3A_532 {strides = array<i32>} : memref<32x1024xf32, #tpu.memory_space<vmem>>, vector<1x16xf32>,
            %swap3A_533 = arith.index_cast %while3A_468 : i32 to index
            %swap3A_534 = arith.constant 208 : index
            %swap3A_535 = tpu.vector_load %arg7[%swap3A_533, %swap3A_534] {strides = array<i32>} : memref<32x1024xf32, #tpu.memory_space<vmem>>, vector<1x16xf32>,
            %swap3A_536 = vector.shape_cast %swap3A_535 : vector<1x16xf32> to vector<16xf32>
            %swap3A_537 = vector.shape_cast %broadcast_in_dim3A_1 : vector<16xf32> to vector<1x16xf32>
            tpu.vector_store %arg7[%swap3A_533, %swap3A_534], %swap3A_537 {strides = array<i32>} : memref<32x1024xf32, #tpu.memory_space<vmem>>, vector<1x16xf32>,
            %swap3A_538 = arith.index_cast %while3A_468 : i32 to index
            %swap3A_539 = arith.constant 224 : index
            %swap3A_540 = tpu.vector_load %arg7[%swap3A_538, %swap3A_539] {strides = array<i32>} : memref<32x1024xf32, #tpu.memory_space<vmem>>, vector<1x16xf32>,
            %swap3A_541 = vector.shape_cast %swap3A_540 : vector<1x16xf32> to vector<16xf32>
            %swap3A_542 = vector.shape_cast %broadcast_in_dim3A_1 : vector<16xf32> to vector<1x16xf32>
            tpu.vector_store %arg7[%swap3A_538, %swap3A_539], %swap3A_542 {strides = array<i32>} : memref<32x1024xf32, #tpu.memory_space<vmem>>, vector<1x16xf32>,
            %swap3A_543 = arith.index_cast %while3A_468 : i32 to index
            %swap3A_544 = arith.constant 240 : index
            %swap3A_545 = tpu.vector_load %arg7[%swap3A_543, %swap3A_544] {strides = array<i32>} : memref<32x1024xf32, #tpu.memory_space<vmem>>, vector<1x16xf32>,
            %swap3A_546 = vector.shape_cast %swap3A_545 : vector<1x16xf32> to vector<16xf32>
            %swap3A_547 = vector.shape_cast %broadcast_in_dim3A_1 : vector<16xf32> to vector<1x16xf32>
            tpu.vector_store %arg7[%swap3A_543, %swap3A_544], %swap3A_547 {strides = array<i32>} : memref<32x1024xf32, #tpu.memory_space<vmem>>, vector<1x16xf32>,
            %swap3A_548 = arith.index_cast %while3A_468 : i32 to index
            %swap3A_549 = arith.constant 256 : index
            %swap3A_550 = tpu.vector_load %arg7[%swap3A_548, %swap3A_549] {strides = array<i32>} : memref<32x1024xf32, #tpu.memory_space<vmem>>, vector<1x16xf32>,
            %swap3A_551 = vector.shape_cast %swap3A_550 : vector<1x16xf32> to vector<16xf32>
            %swap3A_552 = vector.shape_cast %broadcast_in_dim3A_1 : vector<16xf32> to vector<1x16xf32>
            tpu.vector_store %arg7[%swap3A_548, %swap3A_549], %swap3A_552 {strides = array<i32>} : memref<32x1024xf32, #tpu.memory_space<vmem>>, vector<1x16xf32>,
            %swap3A_553 = arith.index_cast %while3A_468 : i32 to index
            %swap3A_554 = arith.constant 272 : index
            %swap3A_555 = tpu.vector_load %arg7[%swap3A_553, %swap3A_554] {strides = array<i32>} : memref<32x1024xf32, #tpu.memory_space<vmem>>, vector<1x16xf32>,
            %swap3A_556 = vector.shape_cast %swap3A_555 : vector<1x16xf32> to vector<16xf32>
            %swap3A_557 = vector.shape_cast %broadcast_in_dim3A_1 : vector<16xf32> to vector<1x16xf32>
            tpu.vector_store %arg7[%swap3A_553, %swap3A_554], %swap3A_557 {strides = array<i32>} : memref<32x1024xf32, #tpu.memory_space<vmem>>, vector<1x16xf32>,
            %swap3A_558 = arith.index_cast %while3A_468 : i32 to index
            %swap3A_559 = arith.constant 288 : index
            %swap3A_560 = tpu.vector_load %arg7[%swap3A_558, %swap3A_559] {strides = array<i32>} : memref<32x1024xf32, #tpu.memory_space<vmem>>, vector<1x16xf32>,
            %swap3A_561 = vector.shape_cast %swap3A_560 : vector<1x16xf32> to vector<16xf32>
            %swap3A_562 = vector.shape_cast %broadcast_in_dim3A_1 : vector<16xf32> to vector<1x16xf32>
            tpu.vector_store %arg7[%swap3A_558, %swap3A_559], %swap3A_562 {strides = array<i32>} : memref<32x1024xf32, #tpu.memory_space<vmem>>, vector<1x16xf32>,
            %swap3A_563 = arith.index_cast %while3A_468 : i32 to index
            %swap3A_564 = arith.constant 304 : index
            %swap3A_565 = tpu.vector_load %arg7[%swap3A_563, %swap3A_564] {strides = array<i32>} : memref<32x1024xf32, #tpu.memory_space<vmem>>, vector<1x16xf32>,
            %swap3A_566 = vector.shape_cast %swap3A_565 : vector<1x16xf32> to vector<16xf32>
            %swap3A_567 = vector.shape_cast %broadcast_in_dim3A_1 : vector<16xf32> to vector<1x16xf32>
            tpu.vector_store %arg7[%swap3A_563, %swap3A_564], %swap3A_567 {strides = array<i32>} : memref<32x1024xf32, #tpu.memory_space<vmem>>, vector<1x16xf32>,
            %swap3A_568 = arith.index_cast %while3A_468 : i32 to index
            %swap3A_569 = arith.constant 320 : index
            %swap3A_570 = tpu.vector_load %arg7[%swap3A_568, %swap3A_569] {strides = array<i32>} : memref<32x1024xf32, #tpu.memory_space<vmem>>, vector<1x16xf32>,
            %swap3A_571 = vector.shape_cast %swap3A_570 : vector<1x16xf32> to vector<16xf32>
            %swap3A_572 = vector.shape_cast %broadcast_in_dim3A_1 : vector<16xf32> to vector<1x16xf32>
            tpu.vector_store %arg7[%swap3A_568, %swap3A_569], %swap3A_572 {strides = array<i32>} : memref<32x1024xf32, #tpu.memory_space<vmem>>, vector<1x16xf32>,
            %swap3A_573 = arith.index_cast %while3A_468 : i32 to index
            %swap3A_574 = arith.constant 336 : index
            %swap3A_575 = tpu.vector_load %arg7[%swap3A_573, %swap3A_574] {strides = array<i32>} : memref<32x1024xf32, #tpu.memory_space<vmem>>, vector<1x16xf32>,
            %swap3A_576 = vector.shape_cast %swap3A_575 : vector<1x16xf32> to vector<16xf32>
            %swap3A_577 = vector.shape_cast %broadcast_in_dim3A_1 : vector<16xf32> to vector<1x16xf32>
            tpu.vector_store %arg7[%swap3A_573, %swap3A_574], %swap3A_577 {strides = array<i32>} : memref<32x1024xf32, #tpu.memory_space<vmem>>, vector<1x16xf32>,
            %swap3A_578 = arith.index_cast %while3A_468 : i32 to index
            %swap3A_579 = arith.constant 352 : index
            %swap3A_580 = tpu.vector_load %arg7[%swap3A_578, %swap3A_579] {strides = array<i32>} : memref<32x1024xf32, #tpu.memory_space<vmem>>, vector<1x16xf32>,
            %swap3A_581 = vector.shape_cast %swap3A_580 : vector<1x16xf32> to vector<16xf32>
            %swap3A_582 = vector.shape_cast %broadcast_in_dim3A_1 : vector<16xf32> to vector<1x16xf32>
            tpu.vector_store %arg7[%swap3A_578, %swap3A_579], %swap3A_582 {strides = array<i32>} : memref<32x1024xf32, #tpu.memory_space<vmem>>, vector<1x16xf32>,
            %swap3A_583 = arith.index_cast %while3A_468 : i32 to index
            %swap3A_584 = arith.constant 368 : index
            %swap3A_585 = tpu.vector_load %arg7[%swap3A_583, %swap3A_584] {strides = array<i32>} : memref<32x1024xf32, #tpu.memory_space<vmem>>, vector<1x16xf32>,
            %swap3A_586 = vector.shape_cast %swap3A_585 : vector<1x16xf32> to vector<16xf32>
            %swap3A_587 = vector.shape_cast %broadcast_in_dim3A_1 : vector<16xf32> to vector<1x16xf32>
            tpu.vector_store %arg7[%swap3A_583, %swap3A_584], %swap3A_587 {strides = array<i32>} : memref<32x1024xf32, #tpu.memory_space<vmem>>, vector<1x16xf32>,
            %swap3A_588 = arith.index_cast %while3A_468 : i32 to index
            %swap3A_589 = arith.constant 384 : index
            %swap3A_590 = tpu.vector_load %arg7[%swap3A_588, %swap3A_589] {strides = array<i32>} : memref<32x1024xf32, #tpu.memory_space<vmem>>, vector<1x16xf32>,
            %swap3A_591 = vector.shape_cast %swap3A_590 : vector<1x16xf32> to vector<16xf32>
            %swap3A_592 = vector.shape_cast %broadcast_in_dim3A_1 : vector<16xf32> to vector<1x16xf32>
            tpu.vector_store %arg7[%swap3A_588, %swap3A_589], %swap3A_592 {strides = array<i32>} : memref<32x1024xf32, #tpu.memory_space<vmem>>, vector<1x16xf32>,
            %swap3A_593 = arith.index_cast %while3A_468 : i32 to index
            %swap3A_594 = arith.constant 400 : index
            %swap3A_595 = tpu.vector_load %arg7[%swap3A_593, %swap3A_594] {strides = array<i32>} : memref<32x1024xf32, #tpu.memory_space<vmem>>, vector<1x16xf32>,
            %swap3A_596 = vector.shape_cast %swap3A_595 : vector<1x16xf32> to vector<16xf32>
            %swap3A_597 = vector.shape_cast %broadcast_in_dim3A_1 : vector<16xf32> to vector<1x16xf32>
            tpu.vector_store %arg7[%swap3A_593, %swap3A_594], %swap3A_597 {strides = array<i32>} : memref<32x1024xf32, #tpu.memory_space<vmem>>, vector<1x16xf32>,
            %swap3A_598 = arith.index_cast %while3A_468 : i32 to index
            %swap3A_599 = arith.constant 416 : index
            %swap3A_600 = tpu.vector_load %arg7[%swap3A_598, %swap3A_599] {strides = array<i32>} : memref<32x1024xf32, #tpu.memory_space<vmem>>, vector<1x16xf32>,
            %swap3A_601 = vector.shape_cast %swap3A_600 : vector<1x16xf32> to vector<16xf32>
            %swap3A_602 = vector.shape_cast %broadcast_in_dim3A_1 : vector<16xf32> to vector<1x16xf32>
            tpu.vector_store %arg7[%swap3A_598, %swap3A_599], %swap3A_602 {strides = array<i32>} : memref<32x1024xf32, #tpu.memory_space<vmem>>, vector<1x16xf32>,
            %swap3A_603 = arith.index_cast %while3A_468 : i32 to index
            %swap3A_604 = arith.constant 432 : index
            %swap3A_605 = tpu.vector_load %arg7[%swap3A_603, %swap3A_604] {strides = array<i32>} : memref<32x1024xf32, #tpu.memory_space<vmem>>, vector<1x16xf32>,
            %swap3A_606 = vector.shape_cast %swap3A_605 : vector<1x16xf32> to vector<16xf32>
            %swap3A_607 = vector.shape_cast %broadcast_in_dim3A_1 : vector<16xf32> to vector<1x16xf32>
            tpu.vector_store %arg7[%swap3A_603, %swap3A_604], %swap3A_607 {strides = array<i32>} : memref<32x1024xf32, #tpu.memory_space<vmem>>, vector<1x16xf32>,
            %swap3A_608 = arith.index_cast %while3A_468 : i32 to index
            %swap3A_609 = arith.constant 448 : index
            %swap3A_610 = tpu.vector_load %arg7[%swap3A_608, %swap3A_609] {strides = array<i32>} : memref<32x1024xf32, #tpu.memory_space<vmem>>, vector<1x16xf32>,
            %swap3A_611 = vector.shape_cast %swap3A_610 : vector<1x16xf32> to vector<16xf32>
            %swap3A_612 = vector.shape_cast %broadcast_in_dim3A_1 : vector<16xf32> to vector<1x16xf32>
            tpu.vector_store %arg7[%swap3A_608, %swap3A_609], %swap3A_612 {strides = array<i32>} : memref<32x1024xf32, #tpu.memory_space<vmem>>, vector<1x16xf32>,
            %swap3A_613 = arith.index_cast %while3A_468 : i32 to index
            %swap3A_614 = arith.constant 464 : index
            %swap3A_615 = tpu.vector_load %arg7[%swap3A_613, %swap3A_614] {strides = array<i32>} : memref<32x1024xf32, #tpu.memory_space<vmem>>, vector<1x16xf32>,
            %swap3A_616 = vector.shape_cast %swap3A_615 : vector<1x16xf32> to vector<16xf32>
            %swap3A_617 = vector.shape_cast %broadcast_in_dim3A_1 : vector<16xf32> to vector<1x16xf32>
            tpu.vector_store %arg7[%swap3A_613, %swap3A_614], %swap3A_617 {strides = array<i32>} : memref<32x1024xf32, #tpu.memory_space<vmem>>, vector<1x16xf32>,
            %swap3A_618 = arith.index_cast %while3A_468 : i32 to index
            %swap3A_619 = arith.constant 480 : index
            %swap3A_620 = tpu.vector_load %arg7[%swap3A_618, %swap3A_619] {strides = array<i32>} : memref<32x1024xf32, #tpu.memory_space<vmem>>, vector<1x16xf32>,
            %swap3A_621 = vector.shape_cast %swap3A_620 : vector<1x16xf32> to vector<16xf32>
            %swap3A_622 = vector.shape_cast %broadcast_in_dim3A_1 : vector<16xf32> to vector<1x16xf32>
            tpu.vector_store %arg7[%swap3A_618, %swap3A_619], %swap3A_622 {strides = array<i32>} : memref<32x1024xf32, #tpu.memory_space<vmem>>, vector<1x16xf32>,
            %swap3A_623 = arith.index_cast %while3A_468 : i32 to index
            %swap3A_624 = arith.constant 496 : index
            %swap3A_625 = tpu.vector_load %arg7[%swap3A_623, %swap3A_624] {strides = array<i32>} : memref<32x1024xf32, #tpu.memory_space<vmem>>, vector<1x16xf32>,
            %swap3A_626 = vector.shape_cast %swap3A_625 : vector<1x16xf32> to vector<16xf32>
            %swap3A_627 = vector.shape_cast %broadcast_in_dim3A_1 : vector<16xf32> to vector<1x16xf32>
            tpu.vector_store %arg7[%swap3A_623, %swap3A_624], %swap3A_627 {strides = array<i32>} : memref<32x1024xf32, #tpu.memory_space<vmem>>, vector<1x16xf32>,
            %swap3A_628 = arith.index_cast %while3A_468 : i32 to index
            %swap3A_629 = arith.constant 512 : index
            %swap3A_630 = tpu.vector_load %arg7[%swap3A_628, %swap3A_629] {strides = array<i32>} : memref<32x1024xf32, #tpu.memory_space<vmem>>, vector<1x16xf32>,
            %swap3A_631 = vector.shape_cast %swap3A_630 : vector<1x16xf32> to vector<16xf32>
            %swap3A_632 = vector.shape_cast %broadcast_in_dim3A_1 : vector<16xf32> to vector<1x16xf32>
            tpu.vector_store %arg7[%swap3A_628, %swap3A_629], %swap3A_632 {strides = array<i32>} : memref<32x1024xf32, #tpu.memory_space<vmem>>, vector<1x16xf32>,
            %swap3A_633 = arith.index_cast %while3A_468 : i32 to index
            %swap3A_634 = arith.constant 528 : index
            %swap3A_635 = tpu.vector_load %arg7[%swap3A_633, %swap3A_634] {strides = array<i32>} : memref<32x1024xf32, #tpu.memory_space<vmem>>, vector<1x16xf32>,
            %swap3A_636 = vector.shape_cast %swap3A_635 : vector<1x16xf32> to vector<16xf32>
            %swap3A_637 = vector.shape_cast %broadcast_in_dim3A_1 : vector<16xf32> to vector<1x16xf32>
            tpu.vector_store %arg7[%swap3A_633, %swap3A_634], %swap3A_637 {strides = array<i32>} : memref<32x1024xf32, #tpu.memory_space<vmem>>, vector<1x16xf32>,
            %swap3A_638 = arith.index_cast %while3A_468 : i32 to index
            %swap3A_639 = arith.constant 544 : index
            %swap3A_640 = tpu.vector_load %arg7[%swap3A_638, %swap3A_639] {strides = array<i32>} : memref<32x1024xf32, #tpu.memory_space<vmem>>, vector<1x16xf32>,
            %swap3A_641 = vector.shape_cast %swap3A_640 : vector<1x16xf32> to vector<16xf32>
            %swap3A_642 = vector.shape_cast %broadcast_in_dim3A_1 : vector<16xf32> to vector<1x16xf32>
            tpu.vector_store %arg7[%swap3A_638, %swap3A_639], %swap3A_642 {strides = array<i32>} : memref<32x1024xf32, #tpu.memory_space<vmem>>, vector<1x16xf32>,
            %swap3A_643 = arith.index_cast %while3A_468 : i32 to index
            %swap3A_644 = arith.constant 560 : index
            %swap3A_645 = tpu.vector_load %arg7[%swap3A_643, %swap3A_644] {strides = array<i32>} : memref<32x1024xf32, #tpu.memory_space<vmem>>, vector<1x16xf32>,
            %swap3A_646 = vector.shape_cast %swap3A_645 : vector<1x16xf32> to vector<16xf32>
            %swap3A_647 = vector.shape_cast %broadcast_in_dim3A_1 : vector<16xf32> to vector<1x16xf32>
            tpu.vector_store %arg7[%swap3A_643, %swap3A_644], %swap3A_647 {strides = array<i32>} : memref<32x1024xf32, #tpu.memory_space<vmem>>, vector<1x16xf32>,
            %swap3A_648 = arith.index_cast %while3A_468 : i32 to index
            %swap3A_649 = arith.constant 576 : index
            %swap3A_650 = tpu.vector_load %arg7[%swap3A_648, %swap3A_649] {strides = array<i32>} : memref<32x1024xf32, #tpu.memory_space<vmem>>, vector<1x16xf32>,
            %swap3A_651 = vector.shape_cast %swap3A_650 : vector<1x16xf32> to vector<16xf32>
            %swap3A_652 = vector.shape_cast %broadcast_in_dim3A_1 : vector<16xf32> to vector<1x16xf32>
            tpu.vector_store %arg7[%swap3A_648, %swap3A_649], %swap3A_652 {strides = array<i32>} : memref<32x1024xf32, #tpu.memory_space<vmem>>, vector<1x16xf32>,
            %swap3A_653 = arith.index_cast %while3A_468 : i32 to index
            %swap3A_654 = arith.constant 592 : index
            %swap3A_655 = tpu.vector_load %arg7[%swap3A_653, %swap3A_654] {strides = array<i32>} : memref<32x1024xf32, #tpu.memory_space<vmem>>, vector<1x16xf32>,
            %swap3A_656 = vector.shape_cast %swap3A_655 : vector<1x16xf32> to vector<16xf32>
            %swap3A_657 = vector.shape_cast %broadcast_in_dim3A_1 : vector<16xf32> to vector<1x16xf32>
            tpu.vector_store %arg7[%swap3A_653, %swap3A_654], %swap3A_657 {strides = array<i32>} : memref<32x1024xf32, #tpu.memory_space<vmem>>, vector<1x16xf32>,
            %swap3A_658 = arith.index_cast %while3A_468 : i32 to index
            %swap3A_659 = arith.constant 608 : index
            %swap3A_660 = tpu.vector_load %arg7[%swap3A_658, %swap3A_659] {strides = array<i32>} : memref<32x1024xf32, #tpu.memory_space<vmem>>, vector<1x16xf32>,
            %swap3A_661 = vector.shape_cast %swap3A_660 : vector<1x16xf32> to vector<16xf32>
            %swap3A_662 = vector.shape_cast %broadcast_in_dim3A_1 : vector<16xf32> to vector<1x16xf32>
            tpu.vector_store %arg7[%swap3A_658, %swap3A_659], %swap3A_662 {strides = array<i32>} : memref<32x1024xf32, #tpu.memory_space<vmem>>, vector<1x16xf32>,
            %swap3A_663 = arith.index_cast %while3A_468 : i32 to index
            %swap3A_664 = arith.constant 624 : index
            %swap3A_665 = tpu.vector_load %arg7[%swap3A_663, %swap3A_664] {strides = array<i32>} : memref<32x1024xf32, #tpu.memory_space<vmem>>, vector<1x16xf32>,
            %swap3A_666 = vector.shape_cast %swap3A_665 : vector<1x16xf32> to vector<16xf32>
            %swap3A_667 = vector.shape_cast %broadcast_in_dim3A_1 : vector<16xf32> to vector<1x16xf32>
            tpu.vector_store %arg7[%swap3A_663, %swap3A_664], %swap3A_667 {strides = array<i32>} : memref<32x1024xf32, #tpu.memory_space<vmem>>, vector<1x16xf32>,
            %swap3A_668 = arith.index_cast %while3A_468 : i32 to index
            %swap3A_669 = arith.constant 640 : index
            %swap3A_670 = tpu.vector_load %arg7[%swap3A_668, %swap3A_669] {strides = array<i32>} : memref<32x1024xf32, #tpu.memory_space<vmem>>, vector<1x16xf32>,
            %swap3A_671 = vector.shape_cast %swap3A_670 : vector<1x16xf32> to vector<16xf32>
            %swap3A_672 = vector.shape_cast %broadcast_in_dim3A_1 : vector<16xf32> to vector<1x16xf32>
            tpu.vector_store %arg7[%swap3A_668, %swap3A_669], %swap3A_672 {strides = array<i32>} : memref<32x1024xf32, #tpu.memory_space<vmem>>, vector<1x16xf32>,
            %swap3A_673 = arith.index_cast %while3A_468 : i32 to index
            %swap3A_674 = arith.constant 656 : index
            %swap3A_675 = tpu.vector_load %arg7[%swap3A_673, %swap3A_674] {strides = array<i32>} : memref<32x1024xf32, #tpu.memory_space<vmem>>, vector<1x16xf32>,
            %swap3A_676 = vector.shape_cast %swap3A_675 : vector<1x16xf32> to vector<16xf32>
            %swap3A_677 = vector.shape_cast %broadcast_in_dim3A_1 : vector<16xf32> to vector<1x16xf32>
            tpu.vector_store %arg7[%swap3A_673, %swap3A_674], %swap3A_677 {strides = array<i32>} : memref<32x1024xf32, #tpu.memory_space<vmem>>, vector<1x16xf32>,
            %swap3A_678 = arith.index_cast %while3A_468 : i32 to index
            %swap3A_679 = arith.constant 672 : index
            %swap3A_680 = tpu.vector_load %arg7[%swap3A_678, %swap3A_679] {strides = array<i32>} : memref<32x1024xf32, #tpu.memory_space<vmem>>, vector<1x16xf32>,
            %swap3A_681 = vector.shape_cast %swap3A_680 : vector<1x16xf32> to vector<16xf32>
            %swap3A_682 = vector.shape_cast %broadcast_in_dim3A_1 : vector<16xf32> to vector<1x16xf32>
            tpu.vector_store %arg7[%swap3A_678, %swap3A_679], %swap3A_682 {strides = array<i32>} : memref<32x1024xf32, #tpu.memory_space<vmem>>, vector<1x16xf32>,
            %swap3A_683 = arith.index_cast %while3A_468 : i32 to index
            %swap3A_684 = arith.constant 688 : index
            %swap3A_685 = tpu.vector_load %arg7[%swap3A_683, %swap3A_684] {strides = array<i32>} : memref<32x1024xf32, #tpu.memory_space<vmem>>, vector<1x16xf32>,
            %swap3A_686 = vector.shape_cast %swap3A_685 : vector<1x16xf32> to vector<16xf32>
            %swap3A_687 = vector.shape_cast %broadcast_in_dim3A_1 : vector<16xf32> to vector<1x16xf32>
            tpu.vector_store %arg7[%swap3A_683, %swap3A_684], %swap3A_687 {strides = array<i32>} : memref<32x1024xf32, #tpu.memory_space<vmem>>, vector<1x16xf32>,
            %swap3A_688 = arith.index_cast %while3A_468 : i32 to index
            %swap3A_689 = arith.constant 704 : index
            %swap3A_690 = tpu.vector_load %arg7[%swap3A_688, %swap3A_689] {strides = array<i32>} : memref<32x1024xf32, #tpu.memory_space<vmem>>, vector<1x16xf32>,
            %swap3A_691 = vector.shape_cast %swap3A_690 : vector<1x16xf32> to vector<16xf32>
            %swap3A_692 = vector.shape_cast %broadcast_in_dim3A_1 : vector<16xf32> to vector<1x16xf32>
            tpu.vector_store %arg7[%swap3A_688, %swap3A_689], %swap3A_692 {strides = array<i32>} : memref<32x1024xf32, #tpu.memory_space<vmem>>, vector<1x16xf32>,
            %swap3A_693 = arith.index_cast %while3A_468 : i32 to index
            %swap3A_694 = arith.constant 720 : index
            %swap3A_695 = tpu.vector_load %arg7[%swap3A_693, %swap3A_694] {strides = array<i32>} : memref<32x1024xf32, #tpu.memory_space<vmem>>, vector<1x16xf32>,
            %swap3A_696 = vector.shape_cast %swap3A_695 : vector<1x16xf32> to vector<16xf32>
            %swap3A_697 = vector.shape_cast %broadcast_in_dim3A_1 : vector<16xf32> to vector<1x16xf32>
            tpu.vector_store %arg7[%swap3A_693, %swap3A_694], %swap3A_697 {strides = array<i32>} : memref<32x1024xf32, #tpu.memory_space<vmem>>, vector<1x16xf32>,
            %swap3A_698 = arith.index_cast %while3A_468 : i32 to index
            %swap3A_699 = arith.constant 736 : index
            %swap3A_700 = tpu.vector_load %arg7[%swap3A_698, %swap3A_699] {strides = array<i32>} : memref<32x1024xf32, #tpu.memory_space<vmem>>, vector<1x16xf32>,
            %swap3A_701 = vector.shape_cast %swap3A_700 : vector<1x16xf32> to vector<16xf32>
            %swap3A_702 = vector.shape_cast %broadcast_in_dim3A_1 : vector<16xf32> to vector<1x16xf32>
            tpu.vector_store %arg7[%swap3A_698, %swap3A_699], %swap3A_702 {strides = array<i32>} : memref<32x1024xf32, #tpu.memory_space<vmem>>, vector<1x16xf32>,
            %swap3A_703 = arith.index_cast %while3A_468 : i32 to index
            %swap3A_704 = arith.constant 752 : index
            %swap3A_705 = tpu.vector_load %arg7[%swap3A_703, %swap3A_704] {strides = array<i32>} : memref<32x1024xf32, #tpu.memory_space<vmem>>, vector<1x16xf32>,
            %swap3A_706 = vector.shape_cast %swap3A_705 : vector<1x16xf32> to vector<16xf32>
            %swap3A_707 = vector.shape_cast %broadcast_in_dim3A_1 : vector<16xf32> to vector<1x16xf32>
            tpu.vector_store %arg7[%swap3A_703, %swap3A_704], %swap3A_707 {strides = array<i32>} : memref<32x1024xf32, #tpu.memory_space<vmem>>, vector<1x16xf32>,
            %swap3A_708 = arith.index_cast %while3A_468 : i32 to index
            %swap3A_709 = arith.constant 768 : index
            %swap3A_710 = tpu.vector_load %arg7[%swap3A_708, %swap3A_709] {strides = array<i32>} : memref<32x1024xf32, #tpu.memory_space<vmem>>, vector<1x16xf32>,
            %swap3A_711 = vector.shape_cast %swap3A_710 : vector<1x16xf32> to vector<16xf32>
            %swap3A_712 = vector.shape_cast %broadcast_in_dim3A_1 : vector<16xf32> to vector<1x16xf32>
            tpu.vector_store %arg7[%swap3A_708, %swap3A_709], %swap3A_712 {strides = array<i32>} : memref<32x1024xf32, #tpu.memory_space<vmem>>, vector<1x16xf32>,
            %swap3A_713 = arith.index_cast %while3A_468 : i32 to index
            %swap3A_714 = arith.constant 784 : index
            %swap3A_715 = tpu.vector_load %arg7[%swap3A_713, %swap3A_714] {strides = array<i32>} : memref<32x1024xf32, #tpu.memory_space<vmem>>, vector<1x16xf32>,
            %swap3A_716 = vector.shape_cast %swap3A_715 : vector<1x16xf32> to vector<16xf32>
            %swap3A_717 = vector.shape_cast %broadcast_in_dim3A_1 : vector<16xf32> to vector<1x16xf32>
            tpu.vector_store %arg7[%swap3A_713, %swap3A_714], %swap3A_717 {strides = array<i32>} : memref<32x1024xf32, #tpu.memory_space<vmem>>, vector<1x16xf32>,
            %swap3A_718 = arith.index_cast %while3A_468 : i32 to index
            %swap3A_719 = arith.constant 800 : index
            %swap3A_720 = tpu.vector_load %arg7[%swap3A_718, %swap3A_719] {strides = array<i32>} : memref<32x1024xf32, #tpu.memory_space<vmem>>, vector<1x16xf32>,
            %swap3A_721 = vector.shape_cast %swap3A_720 : vector<1x16xf32> to vector<16xf32>
            %swap3A_722 = vector.shape_cast %broadcast_in_dim3A_1 : vector<16xf32> to vector<1x16xf32>
            tpu.vector_store %arg7[%swap3A_718, %swap3A_719], %swap3A_722 {strides = array<i32>} : memref<32x1024xf32, #tpu.memory_space<vmem>>, vector<1x16xf32>,
            %swap3A_723 = arith.index_cast %while3A_468 : i32 to index
            %swap3A_724 = arith.constant 816 : index
            %swap3A_725 = tpu.vector_load %arg7[%swap3A_723, %swap3A_724] {strides = array<i32>} : memref<32x1024xf32, #tpu.memory_space<vmem>>, vector<1x16xf32>,
            %swap3A_726 = vector.shape_cast %swap3A_725 : vector<1x16xf32> to vector<16xf32>
            %swap3A_727 = vector.shape_cast %broadcast_in_dim3A_1 : vector<16xf32> to vector<1x16xf32>
            tpu.vector_store %arg7[%swap3A_723, %swap3A_724], %swap3A_727 {strides = array<i32>} : memref<32x1024xf32, #tpu.memory_space<vmem>>, vector<1x16xf32>,
            %swap3A_728 = arith.index_cast %while3A_468 : i32 to index
            %swap3A_729 = arith.constant 832 : index
            %swap3A_730 = tpu.vector_load %arg7[%swap3A_728, %swap3A_729] {strides = array<i32>} : memref<32x1024xf32, #tpu.memory_space<vmem>>, vector<1x16xf32>,
            %swap3A_731 = vector.shape_cast %swap3A_730 : vector<1x16xf32> to vector<16xf32>
            %swap3A_732 = vector.shape_cast %broadcast_in_dim3A_1 : vector<16xf32> to vector<1x16xf32>
            tpu.vector_store %arg7[%swap3A_728, %swap3A_729], %swap3A_732 {strides = array<i32>} : memref<32x1024xf32, #tpu.memory_space<vmem>>, vector<1x16xf32>,
            %swap3A_733 = arith.index_cast %while3A_468 : i32 to index
            %swap3A_734 = arith.constant 848 : index
            %swap3A_735 = tpu.vector_load %arg7[%swap3A_733, %swap3A_734] {strides = array<i32>} : memref<32x1024xf32, #tpu.memory_space<vmem>>, vector<1x16xf32>,
            %swap3A_736 = vector.shape_cast %swap3A_735 : vector<1x16xf32> to vector<16xf32>
            %swap3A_737 = vector.shape_cast %broadcast_in_dim3A_1 : vector<16xf32> to vector<1x16xf32>
            tpu.vector_store %arg7[%swap3A_733, %swap3A_734], %swap3A_737 {strides = array<i32>} : memref<32x1024xf32, #tpu.memory_space<vmem>>, vector<1x16xf32>,
            %swap3A_738 = arith.index_cast %while3A_468 : i32 to index
            %swap3A_739 = arith.constant 864 : index
            %swap3A_740 = tpu.vector_load %arg7[%swap3A_738, %swap3A_739] {strides = array<i32>} : memref<32x1024xf32, #tpu.memory_space<vmem>>, vector<1x16xf32>,
            %swap3A_741 = vector.shape_cast %swap3A_740 : vector<1x16xf32> to vector<16xf32>
            %swap3A_742 = vector.shape_cast %broadcast_in_dim3A_1 : vector<16xf32> to vector<1x16xf32>
            tpu.vector_store %arg7[%swap3A_738, %swap3A_739], %swap3A_742 {strides = array<i32>} : memref<32x1024xf32, #tpu.memory_space<vmem>>, vector<1x16xf32>,
            %swap3A_743 = arith.index_cast %while3A_468 : i32 to index
            %swap3A_744 = arith.constant 880 : index
            %swap3A_745 = tpu.vector_load %arg7[%swap3A_743, %swap3A_744] {strides = array<i32>} : memref<32x1024xf32, #tpu.memory_space<vmem>>, vector<1x16xf32>,
            %swap3A_746 = vector.shape_cast %swap3A_745 : vector<1x16xf32> to vector<16xf32>
            %swap3A_747 = vector.shape_cast %broadcast_in_dim3A_1 : vector<16xf32> to vector<1x16xf32>
            tpu.vector_store %arg7[%swap3A_743, %swap3A_744], %swap3A_747 {strides = array<i32>} : memref<32x1024xf32, #tpu.memory_space<vmem>>, vector<1x16xf32>,
            %swap3A_748 = arith.index_cast %while3A_468 : i32 to index
            %swap3A_749 = arith.constant 896 : index
            %swap3A_750 = tpu.vector_load %arg7[%swap3A_748, %swap3A_749] {strides = array<i32>} : memref<32x1024xf32, #tpu.memory_space<vmem>>, vector<1x16xf32>,
            %swap3A_751 = vector.shape_cast %swap3A_750 : vector<1x16xf32> to vector<16xf32>
            %swap3A_752 = vector.shape_cast %broadcast_in_dim3A_1 : vector<16xf32> to vector<1x16xf32>
            tpu.vector_store %arg7[%swap3A_748, %swap3A_749], %swap3A_752 {strides = array<i32>} : memref<32x1024xf32, #tpu.memory_space<vmem>>, vector<1x16xf32>,
            %swap3A_753 = arith.index_cast %while3A_468 : i32 to index
            %swap3A_754 = arith.constant 912 : index
            %swap3A_755 = tpu.vector_load %arg7[%swap3A_753, %swap3A_754] {strides = array<i32>} : memref<32x1024xf32, #tpu.memory_space<vmem>>, vector<1x16xf32>,
            %swap3A_756 = vector.shape_cast %swap3A_755 : vector<1x16xf32> to vector<16xf32>
            %swap3A_757 = vector.shape_cast %broadcast_in_dim3A_1 : vector<16xf32> to vector<1x16xf32>
            tpu.vector_store %arg7[%swap3A_753, %swap3A_754], %swap3A_757 {strides = array<i32>} : memref<32x1024xf32, #tpu.memory_space<vmem>>, vector<1x16xf32>,
            %swap3A_758 = arith.index_cast %while3A_468 : i32 to index
            %swap3A_759 = arith.constant 928 : index
            %swap3A_760 = tpu.vector_load %arg7[%swap3A_758, %swap3A_759] {strides = array<i32>} : memref<32x1024xf32, #tpu.memory_space<vmem>>, vector<1x16xf32>,
            %swap3A_761 = vector.shape_cast %swap3A_760 : vector<1x16xf32> to vector<16xf32>
            %swap3A_762 = vector.shape_cast %broadcast_in_dim3A_1 : vector<16xf32> to vector<1x16xf32>
            tpu.vector_store %arg7[%swap3A_758, %swap3A_759], %swap3A_762 {strides = array<i32>} : memref<32x1024xf32, #tpu.memory_space<vmem>>, vector<1x16xf32>,
            %swap3A_763 = arith.index_cast %while3A_468 : i32 to index
            %swap3A_764 = arith.constant 944 : index
            %swap3A_765 = tpu.vector_load %arg7[%swap3A_763, %swap3A_764] {strides = array<i32>} : memref<32x1024xf32, #tpu.memory_space<vmem>>, vector<1x16xf32>,
            %swap3A_766 = vector.shape_cast %swap3A_765 : vector<1x16xf32> to vector<16xf32>
            %swap3A_767 = vector.shape_cast %broadcast_in_dim3A_1 : vector<16xf32> to vector<1x16xf32>
            tpu.vector_store %arg7[%swap3A_763, %swap3A_764], %swap3A_767 {strides = array<i32>} : memref<32x1024xf32, #tpu.memory_space<vmem>>, vector<1x16xf32>,
            %swap3A_768 = arith.index_cast %while3A_468 : i32 to index
            %swap3A_769 = arith.constant 960 : index
            %swap3A_770 = tpu.vector_load %arg7[%swap3A_768, %swap3A_769] {strides = array<i32>} : memref<32x1024xf32, #tpu.memory_space<vmem>>, vector<1x16xf32>,
            %swap3A_771 = vector.shape_cast %swap3A_770 : vector<1x16xf32> to vector<16xf32>
            %swap3A_772 = vector.shape_cast %broadcast_in_dim3A_1 : vector<16xf32> to vector<1x16xf32>
            tpu.vector_store %arg7[%swap3A_768, %swap3A_769], %swap3A_772 {strides = array<i32>} : memref<32x1024xf32, #tpu.memory_space<vmem>>, vector<1x16xf32>,
            %swap3A_773 = arith.index_cast %while3A_468 : i32 to index
            %swap3A_774 = arith.constant 976 : index
            %swap3A_775 = tpu.vector_load %arg7[%swap3A_773, %swap3A_774] {strides = array<i32>} : memref<32x1024xf32, #tpu.memory_space<vmem>>, vector<1x16xf32>,
            %swap3A_776 = vector.shape_cast %swap3A_775 : vector<1x16xf32> to vector<16xf32>
            %swap3A_777 = vector.shape_cast %broadcast_in_dim3A_1 : vector<16xf32> to vector<1x16xf32>
            tpu.vector_store %arg7[%swap3A_773, %swap3A_774], %swap3A_777 {strides = array<i32>} : memref<32x1024xf32, #tpu.memory_space<vmem>>, vector<1x16xf32>,
            %swap3A_778 = arith.index_cast %while3A_468 : i32 to index
            %swap3A_779 = arith.constant 992 : index
            %swap3A_780 = tpu.vector_load %arg7[%swap3A_778, %swap3A_779] {strides = array<i32>} : memref<32x1024xf32, #tpu.memory_space<vmem>>, vector<1x16xf32>,
            %swap3A_781 = vector.shape_cast %swap3A_780 : vector<1x16xf32> to vector<16xf32>
            %swap3A_782 = vector.shape_cast %broadcast_in_dim3A_1 : vector<16xf32> to vector<1x16xf32>
            tpu.vector_store %arg7[%swap3A_778, %swap3A_779], %swap3A_782 {strides = array<i32>} : memref<32x1024xf32, #tpu.memory_space<vmem>>, vector<1x16xf32>,
            %swap3A_783 = arith.index_cast %while3A_468 : i32 to index
            %swap3A_784 = arith.constant 1008 : index
            %swap3A_785 = tpu.vector_load %arg7[%swap3A_783, %swap3A_784] {strides = array<i32>} : memref<32x1024xf32, #tpu.memory_space<vmem>>, vector<1x16xf32>,
            %swap3A_786 = vector.shape_cast %swap3A_785 : vector<1x16xf32> to vector<16xf32>
            %swap3A_787 = vector.shape_cast %broadcast_in_dim3A_1 : vector<16xf32> to vector<1x16xf32>
            tpu.vector_store %arg7[%swap3A_783, %swap3A_784], %swap3A_787 {strides = array<i32>} : memref<32x1024xf32, #tpu.memory_space<vmem>>, vector<1x16xf32>,
          }
          %multiple_of3A_462 = tpu.assume_multiple %mul3A_420, 8 : i32
          %dma_start3A = arith.constant 0 : i32
          %dma_start3A_463 = tpu.memref_slice %arg5[%min3A_418, %multiple_of3A_462, %dma_start3A] : memref<255x256x1024xf32, #tpu.memory_space<hbm>> -> memref<1x32x1024xf32, #tpu.memory_space<hbm>>
          %dma_start3A_464 = tpu.memref_squeeze %dma_start3A_463 : memref<1x32x1024xf32, #tpu.memory_space<hbm>> -> memref<32x1024xf32, #tpu.memory_space<hbm>>
          %dma_start3A_465 = arith.constant 0 : i32
          %dma_start3A_466 = tpu.memref_slice %arg5[%min3A_418, %multiple_of3A_462, %dma_start3A_465] : memref<255x256x1024xf32, #tpu.memory_space<hbm>> -> memref<1x32x1024xf32, #tpu.memory_space<hbm>>
          %dma_start3A_467 = tpu.memref_squeeze %dma_start3A_466 : memref<1x32x1024xf32, #tpu.memory_space<hbm>> -> memref<32x1024xf32, #tpu.memory_space<hbm>>
          tpu.enqueue_dma source(%arg7 : memref<32x1024xf32, #tpu.memory_space<vmem>>) target(%dma_start3A_467 : memref<32x1024xf32, #tpu.memory_space<hbm>>) target_semaphore(%arg11 : memref<!tpu.dma_semaphore, #tpu.memory_space<semaphore_mem>>)
        } else {
        }
        %add3A_429 = arith.constant 32 : i32
        %add3A_430 = arith.addi %mul3A_420, %add3A_429 : i32
        %sub3A_431 = arith.constant 1 : i32
        %sub3A_432 = arith.subi %add3A_430, %sub3A_431 : i32
        %ge3A_433 = arith.cmpi sge, %min3A_418, %sub3A_432 : i32
        %convert_element_type3A_434 = arith.extui %ge3A_433 : i1 to i32
        %cond3A_435 = arith.constant 0 : i32
        %cond3A_436 = arith.cmpi ne, %convert_element_type3A_434, %cond3A_435 : i32
        scf.if %cond3A_436 {
          %multiple_of3A_437 = tpu.assume_multiple %mul3A_420, 8 : i32
          %dma_start3A = arith.constant 0 : i32
          %dma_start3A_438 = tpu.memref_slice %arg5[%min3A_418, %multiple_of3A_437, %dma_start3A] : memref<255x256x1024xf32, #tpu.memory_space<hbm>> -> memref<1x32x1024xf32, #tpu.memory_space<hbm>>
          %dma_start3A_439 = tpu.memref_squeeze %dma_start3A_438 : memref<1x32x1024xf32, #tpu.memory_space<hbm>> -> memref<32x1024xf32, #tpu.memory_space<hbm>>
          %dma_start3A_440 = arith.constant 0 : i32
          %dma_start3A_441 = tpu.memref_slice %arg5[%min3A_418, %multiple_of3A_437, %dma_start3A_440] : memref<255x256x1024xf32, #tpu.memory_space<hbm>> -> memref<1x32x1024xf32, #tpu.memory_space<hbm>>
          %dma_start3A_442 = tpu.memref_squeeze %dma_start3A_441 : memref<1x32x1024xf32, #tpu.memory_space<hbm>> -> memref<32x1024xf32, #tpu.memory_space<hbm>>
          tpu.enqueue_dma source(%arg8 : memref<32x1024xf32, #tpu.memory_space<vmem>>) target(%dma_start3A_442 : memref<32x1024xf32, #tpu.memory_space<hbm>>) target_semaphore(%arg11 : memref<!tpu.dma_semaphore, #tpu.memory_space<semaphore_mem>>)
        } else {
        }
      } else {
      }
      %mul3A_283 = arith.constant 2 : i32
      %mul3A_284 = arith.muli %mul3A_283, %while3A_203 : i32
      %add3A_285 = arith.constant 1 : i32
      %add3A_286 = arith.addi %mul3A_284, %add3A_285 : i32
      %jit3A_287 = arith.constant 8 : i64
      %convert_element_type3A_288 = arith.trunci %jit3A_287 : i64 to i32
      %div3A_289 = arith.divsi %add3A_286, %convert_element_type3A_288 : i32
      %sign3A_290 = arith.constant 0 : i32
      %sign3A_291 = arith.cmpi sgt, %add3A_286, %sign3A_290 : i32
      %sign3A_292 = arith.extui %sign3A_291 : i1 to i32
      %sign3A_293 = arith.constant 0 : i32
      %sign3A_294 = arith.cmpi slt, %add3A_286, %sign3A_293 : i32
      %sign3A_295 = arith.extui %sign3A_294 : i1 to i32
      %sign3A_296 = arith.subi %sign3A_292, %sign3A_295 : i32
      %sign3A_297 = arith.constant 0 : i32
      %sign3A_298 = arith.cmpi sgt, %convert_element_type3A_288, %sign3A_297 : i32
      %sign3A_299 = arith.extui %sign3A_298 : i1 to i32
      %sign3A_300 = arith.constant 0 : i32
      %sign3A_301 = arith.cmpi slt, %convert_element_type3A_288, %sign3A_300 : i32
      %sign3A_302 = arith.extui %sign3A_301 : i1 to i32
      %sign3A_303 = arith.subi %sign3A_299, %sign3A_302 : i32
      %ne3A_304 = arith.cmpi ne, %sign3A_296, %sign3A_303 : i32
      %rem3A_305 = arith.remsi %add3A_286, %convert_element_type3A_288 : i32
      %ne3A_306 = arith.constant 0 : i32
      %ne3A_307 = arith.cmpi ne, %rem3A_305, %ne3A_306 : i32
      %and3A_308 = arith.andi %ne3A_304, %ne3A_307 : i1
      %sub3A_309 = arith.constant 1 : i32
      %sub3A_310 = arith.subi %div3A_289, %sub3A_309 : i32
      %select_n3A_311 = arith.select %and3A_308, %sub3A_310, %div3A_289 : i32
      %mul3A_312 = arith.constant 8 : i32
      %mul3A_313 = arith.muli %select_n3A_311, %mul3A_312 : i32
      %sub3A_314 = arith.subi %add3A_286, %mul3A_313 : i32
      %jit3A_315 = arith.constant 2 : i64
      %convert_element_type3A_316 = arith.trunci %jit3A_315 : i64 to i32
      %eq3A_317 = arith.constant 0 : i32
      %eq3A_318 = arith.cmpi eq, %convert_element_type3A_316, %eq3A_317 : i32
      %jit3A_319 = arith.constant 1 : i32
      %select_n3A_320 = arith.select %eq3A_318, %jit3A_319, %convert_element_type3A_316 : i32
      %rem3A_321 = arith.remsi %select_n3A_311, %select_n3A_320 : i32
      %ne3A_322 = arith.constant 0 : i32
      %ne3A_323 = arith.cmpi ne, %rem3A_321, %ne3A_322 : i32
      %lt3A_324 = arith.constant 0 : i32
      %lt3A_325 = arith.cmpi slt, %rem3A_321, %lt3A_324 : i32
      %lt3A_326 = arith.constant 0 : i32
      %lt3A_327 = arith.cmpi slt, %select_n3A_320, %lt3A_326 : i32
      %ne3A_328 = arith.xori %lt3A_325, %lt3A_327 : i1
      %and3A_329 = arith.andi %ne3A_328, %ne3A_323 : i1
      %add3A_330 = arith.addi %rem3A_321, %select_n3A_320 : i32
      %select_n3A_331 = arith.select %and3A_329, %add3A_330, %rem3A_321 : i32
      %eq3A_332 = arith.constant 0 : i32
      %eq3A_333 = arith.cmpi eq, %select_n3A_331, %eq3A_332 : i32
      %sub3A_334 = arith.constant 31 : i32
      %sub3A_335 = arith.subi %sub3A_334, %add3A : i32
      %select_n3A_336 = arith.select %eq3A_333, %add3A, %sub3A_335 : i32
      %mul3A_337 = arith.constant 32 : i32
      %mul3A_338 = arith.muli %mul3A_337, %select_n3A_311 : i32
      %add3A_339 = arith.addi %select_n3A_336, %mul3A_338 : i32
      %min3A_340 = arith.constant 254 : i32
      %min3A_341 = arith.minsi %add3A_339, %min3A_340 : i32
      %mul3A_342 = arith.constant 32 : i32
      %mul3A_343 = arith.muli %sub3A_314, %mul3A_342 : i32
      %ge3A_344 = arith.constant 2 : i32
      %ge3A_345 = arith.cmpi sge, %add3A_286, %ge3A_344 : i32
      %convert_element_type3A_346 = arith.extui %ge3A_345 : i1 to i32
      %cond3A_347 = arith.constant 0 : i32
      %cond3A_348 = arith.cmpi ne, %convert_element_type3A_346, %cond3A_347 : i32
      scf.if %cond3A_348 {
        %multiple_of3A_362 = tpu.assume_multiple %mul3A_343, 8 : i32
        %dma_wait3A_363 = arith.constant 0 : i32
        %dma_wait3A_364 = tpu.memref_slice %arg5[%min3A_341, %multiple_of3A_362, %dma_wait3A_363] : memref<255x256x1024xf32, #tpu.memory_space<hbm>> -> memref<1x32x1024xf32, #tpu.memory_space<hbm>>
        %dma_wait3A_365 = tpu.memref_squeeze %dma_wait3A_364 : memref<1x32x1024xf32, #tpu.memory_space<hbm>> -> memref<32x1024xf32, #tpu.memory_space<hbm>>
        %dma_wait3A_366 = arith.constant 0 : i32
        %dma_wait3A_367 = tpu.memref_slice %arg5[%min3A_341, %multiple_of3A_362, %dma_wait3A_366] : memref<255x256x1024xf32, #tpu.memory_space<hbm>> -> memref<1x32x1024xf32, #tpu.memory_space<hbm>>
        %dma_wait3A_368 = tpu.memref_squeeze %dma_wait3A_367 : memref<1x32x1024xf32, #tpu.memory_space<hbm>> -> memref<32x1024xf32, #tpu.memory_space<hbm>>
        tpu.wait_dma2 semaphore(%arg11 : memref<!tpu.dma_semaphore, #tpu.memory_space<semaphore_mem>>) src(%arg7 : memref<32x1024xf32, #tpu.memory_space<vmem>>) dst(%dma_wait3A_368 : memref<32x1024xf32, #tpu.memory_space<hbm>>)
      } else {
      }
      %add3A_349 = arith.constant 32 : i32
      %add3A_350 = arith.addi %mul3A_343, %add3A_349 : i32
      %sub3A_351 = arith.constant 1 : i32
      %sub3A_352 = arith.subi %add3A_350, %sub3A_351 : i32
      %lt3A_353 = arith.cmpi slt, %min3A_341, %sub3A_352 : i32
      %convert_element_type3A_354 = arith.extui %lt3A_353 : i1 to i32
      %cond3A_355 = arith.constant 0 : i32
      %cond3A_356 = arith.cmpi ne, %convert_element_type3A_354, %cond3A_355 : i32
      scf.if %cond3A_356 {
        %run_scoped3A = arith.constant 1 : i32
        "tpu.region"() ({
          %run_scoped3A_368 = tpu.sem_alloc : memref<!tpu.dma_semaphore, #tpu.memory_space<semaphore_mem>>
          %dma_start3A_369 = arith.constant 0 : i32
          %dma_start3A_370 = tpu.memref_slice %arg9[%run_scoped3A, %dma_start3A_369] : memref<2x32xi32, #tpu.memory_space<vmem>> -> memref<1x32xi32, #tpu.memory_space<vmem>>
          %dma_start3A_371 = tpu.memref_squeeze %dma_start3A_370 : memref<1x32xi32, #tpu.memory_space<vmem>> -> memref<32xi32, #tpu.memory_space<vmem>>
          %dma_start3A_372 = arith.constant 0 : i32
          %dma_start3A_373 = tpu.memref_slice %arg4[%add3A, %add3A_286, %dma_start3A_372] : memref<32x64x32xi32, #tpu.memory_space<hbm>> -> memref<1x1x32xi32, #tpu.memory_space<hbm>>
          %dma_start3A_374 = tpu.memref_squeeze %dma_start3A_373 : memref<1x1x32xi32, #tpu.memory_space<hbm>> -> memref<32xi32, #tpu.memory_space<hbm>>
          %dma_start3A_375 = arith.constant 0 : i32
          %dma_start3A_376 = tpu.memref_slice %arg9[%run_scoped3A, %dma_start3A_375] : memref<2x32xi32, #tpu.memory_space<vmem>> -> memref<1x32xi32, #tpu.memory_space<vmem>>
          %dma_start3A_377 = tpu.memref_squeeze %dma_start3A_376 : memref<1x32xi32, #tpu.memory_space<vmem>> -> memref<32xi32, #tpu.memory_space<vmem>>
          %dma_start3A_378 = arith.constant 0 : i32
          %dma_start3A_379 = tpu.memref_slice %arg4[%add3A, %add3A_286, %dma_start3A_378] : memref<32x64x32xi32, #tpu.memory_space<hbm>> -> memref<1x1x32xi32, #tpu.memory_space<hbm>>
          %dma_start3A_380 = tpu.memref_squeeze %dma_start3A_379 : memref<1x1x32xi32, #tpu.memory_space<hbm>> -> memref<32xi32, #tpu.memory_space<hbm>>
          tpu.enqueue_dma source(%dma_start3A_380 : memref<32xi32, #tpu.memory_space<hbm>>) target(%dma_start3A_377 : memref<32xi32, #tpu.memory_space<vmem>>) target_semaphore(%run_scoped3A_368 : memref<!tpu.dma_semaphore, #tpu.memory_space<semaphore_mem>>)
          %dma_wait3A_381 = arith.constant 0 : i32
          %dma_wait3A_382 = tpu.memref_slice %arg9[%run_scoped3A, %dma_wait3A_381] : memref<2x32xi32, #tpu.memory_space<vmem>> -> memref<1x32xi32, #tpu.memory_space<vmem>>
          %dma_wait3A_383 = tpu.memref_squeeze %dma_wait3A_382 : memref<1x32xi32, #tpu.memory_space<vmem>> -> memref<32xi32, #tpu.memory_space<vmem>>
          %dma_wait3A_384 = arith.constant 0 : i32
          %dma_wait3A_385 = tpu.memref_slice %arg4[%add3A, %add3A_286, %dma_wait3A_384] : memref<32x64x32xi32, #tpu.memory_space<hbm>> -> memref<1x1x32xi32, #tpu.memory_space<hbm>>
          %dma_wait3A_386 = tpu.memref_squeeze %dma_wait3A_385 : memref<1x1x32xi32, #tpu.memory_space<hbm>> -> memref<32xi32, #tpu.memory_space<hbm>>
          %dma_wait3A_387 = arith.constant 0 : i32
          %dma_wait3A_388 = tpu.memref_slice %arg9[%run_scoped3A, %dma_wait3A_387] : memref<2x32xi32, #tpu.memory_space<vmem>> -> memref<1x32xi32, #tpu.memory_space<vmem>>
          %dma_wait3A_389 = tpu.memref_squeeze %dma_wait3A_388 : memref<1x32xi32, #tpu.memory_space<vmem>> -> memref<32xi32, #tpu.memory_space<vmem>>
          %dma_wait3A_390 = arith.constant 0 : i32
          %dma_wait3A_391 = tpu.memref_slice %arg4[%add3A, %add3A_286, %dma_wait3A_390] : memref<32x64x32xi32, #tpu.memory_space<hbm>> -> memref<1x1x32xi32, #tpu.memory_space<hbm>>
          %dma_wait3A_392 = tpu.memref_squeeze %dma_wait3A_391 : memref<1x1x32xi32, #tpu.memory_space<hbm>> -> memref<32xi32, #tpu.memory_space<hbm>>
          tpu.wait_dma2 semaphore(%run_scoped3A_368 : memref<!tpu.dma_semaphore, #tpu.memory_space<semaphore_mem>>) src(%dma_wait3A_392 : memref<32xi32, #tpu.memory_space<hbm>>) dst(%dma_wait3A_389 : memref<32xi32, #tpu.memory_space<vmem>>)
          tpu.yield
        }) : () -> ()
        %dma_start3A = arith.constant 1 : i32
        %dma_start3A_362 = arith.constant 0 : i32
        %dma_start3A_363 = tpu.memref_slice %arg9[%dma_start3A, %dma_start3A_362] : memref<2x32xi32, #tpu.memory_space<vmem>> -> memref<1x32xi32, #tpu.memory_space<vmem>>
        %dma_start3A_364 = tpu.memref_squeeze %dma_start3A_363 : memref<1x32xi32, #tpu.memory_space<vmem>> -> memref<32xi32, #tpu.memory_space<vmem>>
        %dma_start3A_365 = arith.constant 0 : i32
        %dma_start3A_366 = arith.constant 0 : i32
        %dma_start3A_367 = tpu.memref_slice %arg2[%dma_start3A_365, %dma_start3A_366] : memref<32640x1024xf32, #tpu.memory_space<hbm>> -> memref<32640x1024xf32, #tpu.memory_space<hbm>>
        tpu.enqueue_indirect_dma source(%dma_start3A_367 : memref<32640x1024xf32, #tpu.memory_space<hbm>>) target(%arg7 : memref<32x1024xf32, #tpu.memory_space<vmem>>) offsets(%dma_start3A_364 : memref<32xi32, #tpu.memory_space<vmem>>) semaphore(%arg13 : memref<!tpu.dma_semaphore, #tpu.memory_space<semaphore_mem>>)
      } else {
      }
      %ge3A_357 = arith.constant 1 : i32
      %ge3A_358 = arith.cmpi sge, %add3A_286, %ge3A_357 : i32
      %convert_element_type3A_359 = arith.extui %ge3A_358 : i1 to i32
      %cond3A_360 = arith.constant 0 : i32
      %cond3A_361 = arith.cmpi ne, %convert_element_type3A_359, %cond3A_360 : i32
      scf.if %cond3A_361 {
        %sub3A_362 = arith.constant 1 : i32
        %sub3A_363 = arith.subi %add3A_286, %sub3A_362 : i32
        %jit3A_364 = arith.constant 8 : i64
        %convert_element_type3A_365 = arith.trunci %jit3A_364 : i64 to i32
        %div3A_366 = arith.divsi %sub3A_363, %convert_element_type3A_365 : i32
        %sign3A_367 = arith.constant 0 : i32
        %sign3A_368 = arith.cmpi sgt, %sub3A_363, %sign3A_367 : i32
        %sign3A_369 = arith.extui %sign3A_368 : i1 to i32
        %sign3A_370 = arith.constant 0 : i32
        %sign3A_371 = arith.cmpi slt, %sub3A_363, %sign3A_370 : i32
        %sign3A_372 = arith.extui %sign3A_371 : i1 to i32
        %sign3A_373 = arith.subi %sign3A_369, %sign3A_372 : i32
        %sign3A_374 = arith.constant 0 : i32
        %sign3A_375 = arith.cmpi sgt, %convert_element_type3A_365, %sign3A_374 : i32
        %sign3A_376 = arith.extui %sign3A_375 : i1 to i32
        %sign3A_377 = arith.constant 0 : i32
        %sign3A_378 = arith.cmpi slt, %convert_element_type3A_365, %sign3A_377 : i32
        %sign3A_379 = arith.extui %sign3A_378 : i1 to i32
        %sign3A_380 = arith.subi %sign3A_376, %sign3A_379 : i32
        %ne3A_381 = arith.cmpi ne, %sign3A_373, %sign3A_380 : i32
        %rem3A_382 = arith.remsi %sub3A_363, %convert_element_type3A_365 : i32
        %ne3A_383 = arith.constant 0 : i32
        %ne3A_384 = arith.cmpi ne, %rem3A_382, %ne3A_383 : i32
        %and3A_385 = arith.andi %ne3A_381, %ne3A_384 : i1
        %sub3A_386 = arith.constant 1 : i32
        %sub3A_387 = arith.subi %div3A_366, %sub3A_386 : i32
        %select_n3A_388 = arith.select %and3A_385, %sub3A_387, %div3A_366 : i32
        %mul3A_389 = arith.constant 8 : i32
        %mul3A_390 = arith.muli %select_n3A_388, %mul3A_389 : i32
        %sub3A_391 = arith.subi %sub3A_363, %mul3A_390 : i32
        %jit3A_392 = arith.constant 2 : i64
        %convert_element_type3A_393 = arith.trunci %jit3A_392 : i64 to i32
        %eq3A_394 = arith.constant 0 : i32
        %eq3A_395 = arith.cmpi eq, %convert_element_type3A_393, %eq3A_394 : i32
        %jit3A_396 = arith.constant 1 : i32
        %select_n3A_397 = arith.select %eq3A_395, %jit3A_396, %convert_element_type3A_393 : i32
        %rem3A_398 = arith.remsi %select_n3A_388, %select_n3A_397 : i32
        %ne3A_399 = arith.constant 0 : i32
        %ne3A_400 = arith.cmpi ne, %rem3A_398, %ne3A_399 : i32
        %lt3A_401 = arith.constant 0 : i32
        %lt3A_402 = arith.cmpi slt, %rem3A_398, %lt3A_401 : i32
        %lt3A_403 = arith.constant 0 : i32
        %lt3A_404 = arith.cmpi slt, %select_n3A_397, %lt3A_403 : i32
        %ne3A_405 = arith.xori %lt3A_402, %lt3A_404 : i1
        %and3A_406 = arith.andi %ne3A_405, %ne3A_400 : i1
        %add3A_407 = arith.addi %rem3A_398, %select_n3A_397 : i32
        %select_n3A_408 = arith.select %and3A_406, %add3A_407, %rem3A_398 : i32
        %eq3A_409 = arith.constant 0 : i32
        %eq3A_410 = arith.cmpi eq, %select_n3A_408, %eq3A_409 : i32
        %sub3A_411 = arith.constant 31 : i32
        %sub3A_412 = arith.subi %sub3A_411, %add3A : i32
        %select_n3A_413 = arith.select %eq3A_410, %add3A, %sub3A_412 : i32
        %mul3A_414 = arith.constant 32 : i32
        %mul3A_415 = arith.muli %mul3A_414, %select_n3A_388 : i32
        %add3A_416 = arith.addi %select_n3A_413, %mul3A_415 : i32
        %min3A_417 = arith.constant 254 : i32
        %min3A_418 = arith.minsi %add3A_416, %min3A_417 : i32
        %mul3A_419 = arith.constant 32 : i32
        %mul3A_420 = arith.muli %sub3A_391, %mul3A_419 : i32
        %add3A_421 = arith.constant 32 : i32
        %add3A_422 = arith.addi %mul3A_420, %add3A_421 : i32
        %sub3A_423 = arith.constant 1 : i32
        %sub3A_424 = arith.subi %add3A_422, %sub3A_423 : i32
        %lt3A_425 = arith.cmpi slt, %min3A_418, %sub3A_424 : i32
        %convert_element_type3A_426 = arith.extui %lt3A_425 : i1 to i32
        %cond3A_427 = arith.constant 0 : i32
        %cond3A_428 = arith.cmpi ne, %convert_element_type3A_426, %cond3A_427 : i32
        scf.if %cond3A_428 {
          %dma_wait3A_437 = arith.constant 0 : i32
          %dma_wait3A_438 = arith.constant 0 : i32
          %dma_wait3A_439 = tpu.memref_slice %arg9[%dma_wait3A_437, %dma_wait3A_438] : memref<2x32xi32, #tpu.memory_space<vmem>> -> memref<1x32xi32, #tpu.memory_space<vmem>>
          %dma_wait3A_440 = tpu.memref_squeeze %dma_wait3A_439 : memref<1x32xi32, #tpu.memory_space<vmem>> -> memref<32xi32, #tpu.memory_space<vmem>>
          %dma_wait3A_441 = arith.constant 0 : i32
          %dma_wait3A_442 = arith.constant 0 : i32
          %dma_wait3A_443 = tpu.memref_slice %arg2[%dma_wait3A_441, %dma_wait3A_442] : memref<32640x1024xf32, #tpu.memory_space<hbm>> -> memref<32640x1024xf32, #tpu.memory_space<hbm>>
          tpu.wait_indirect_dma semaphore(%arg12 : memref<!tpu.dma_semaphore, #tpu.memory_space<semaphore_mem>>) src(%dma_wait3A_443 : memref<32640x1024xf32, #tpu.memory_space<hbm>>) dst(%arg6 : memref<32x1024xf32, #tpu.memory_space<vmem>>)
          %sub3A_444 = arith.subi %min3A_418, %mul3A_420 : i32
          %add3A_445 = arith.constant 1 : i32
          %add3A_446 = arith.addi %sub3A_444, %add3A_445 : i32
          %jit3A_447 = arith.constant 0 : i64
          %jit3A_448 = arith.constant 32 : i64
          %convert_element_type3A_449 = arith.trunci %jit3A_447 : i64 to i32
          %max3A = arith.maxsi %convert_element_type3A_449, %add3A_446 : i32
          %convert_element_type3A_450 = arith.trunci %jit3A_448 : i64 to i32
          %min3A_451 = arith.minsi %convert_element_type3A_450, %max3A : i32
          %while3A_452 = arith.constant 0 : i32
          %while3A_453 = arith.constant 0 : i32
          %while3A_454 = arith.subi %min3A_451, %while3A_453 : i32
          %while3A_455 = arith.addi %while3A_453, %while3A_454 : i32
          %while3A_456 = arith.constant 1 : i32
          %while3A_457 = arith.divsi %while3A_454, %while3A_456 : i32
          %while3A_458 = arith.muli %while3A_457, %while3A_456 : i32
          %while3A_459 = arith.addi %while3A_453, %while3A_458 : i32
          %while3A_460 = arith.constant 1 : i32
          scf.for %while3A_468 = %while3A_453 to %while3A_459 step %while3A_460  : i32 {
            %swap3A = arith.index_cast %while3A_468 : i32 to index
            %swap3A_469 = arith.constant 0 : index
            %swap3A_470 = tpu.vector_load %arg6[%swap3A, %swap3A_469] {strides = array<i32>} : memref<32x1024xf32, #tpu.memory_space<vmem>>, vector<1x16xf32>,
            %swap3A_471 = vector.shape_cast %swap3A_470 : vector<1x16xf32> to vector<16xf32>
            %swap3A_472 = vector.shape_cast %broadcast_in_dim3A_1 : vector<16xf32> to vector<1x16xf32>
            tpu.vector_store %arg6[%swap3A, %swap3A_469], %swap3A_472 {strides = array<i32>} : memref<32x1024xf32, #tpu.memory_space<vmem>>, vector<1x16xf32>,
            %swap3A_473 = arith.index_cast %while3A_468 : i32 to index
            %swap3A_474 = arith.constant 16 : index
            %swap3A_475 = tpu.vector_load %arg6[%swap3A_473, %swap3A_474] {strides = array<i32>} : memref<32x1024xf32, #tpu.memory_space<vmem>>, vector<1x16xf32>,
            %swap3A_476 = vector.shape_cast %swap3A_475 : vector<1x16xf32> to vector<16xf32>
            %swap3A_477 = vector.shape_cast %broadcast_in_dim3A_1 : vector<16xf32> to vector<1x16xf32>
            tpu.vector_store %arg6[%swap3A_473, %swap3A_474], %swap3A_477 {strides = array<i32>} : memref<32x1024xf32, #tpu.memory_space<vmem>>, vector<1x16xf32>,
            %swap3A_478 = arith.index_cast %while3A_468 : i32 to index
            %swap3A_479 = arith.constant 32 : index
            %swap3A_480 = tpu.vector_load %arg6[%swap3A_478, %swap3A_479] {strides = array<i32>} : memref<32x1024xf32, #tpu.memory_space<vmem>>, vector<1x16xf32>,
            %swap3A_481 = vector.shape_cast %swap3A_480 : vector<1x16xf32> to vector<16xf32>
            %swap3A_482 = vector.shape_cast %broadcast_in_dim3A_1 : vector<16xf32> to vector<1x16xf32>
            tpu.vector_store %arg6[%swap3A_478, %swap3A_479], %swap3A_482 {strides = array<i32>} : memref<32x1024xf32, #tpu.memory_space<vmem>>, vector<1x16xf32>,
            %swap3A_483 = arith.index_cast %while3A_468 : i32 to index
            %swap3A_484 = arith.constant 48 : index
            %swap3A_485 = tpu.vector_load %arg6[%swap3A_483, %swap3A_484] {strides = array<i32>} : memref<32x1024xf32, #tpu.memory_space<vmem>>, vector<1x16xf32>,
            %swap3A_486 = vector.shape_cast %swap3A_485 : vector<1x16xf32> to vector<16xf32>
            %swap3A_487 = vector.shape_cast %broadcast_in_dim3A_1 : vector<16xf32> to vector<1x16xf32>
            tpu.vector_store %arg6[%swap3A_483, %swap3A_484], %swap3A_487 {strides = array<i32>} : memref<32x1024xf32, #tpu.memory_space<vmem>>, vector<1x16xf32>,
            %swap3A_488 = arith.index_cast %while3A_468 : i32 to index
            %swap3A_489 = arith.constant 64 : index
            %swap3A_490 = tpu.vector_load %arg6[%swap3A_488, %swap3A_489] {strides = array<i32>} : memref<32x1024xf32, #tpu.memory_space<vmem>>, vector<1x16xf32>,
            %swap3A_491 = vector.shape_cast %swap3A_490 : vector<1x16xf32> to vector<16xf32>
            %swap3A_492 = vector.shape_cast %broadcast_in_dim3A_1 : vector<16xf32> to vector<1x16xf32>
            tpu.vector_store %arg6[%swap3A_488, %swap3A_489], %swap3A_492 {strides = array<i32>} : memref<32x1024xf32, #tpu.memory_space<vmem>>, vector<1x16xf32>,
            %swap3A_493 = arith.index_cast %while3A_468 : i32 to index
            %swap3A_494 = arith.constant 80 : index
            %swap3A_495 = tpu.vector_load %arg6[%swap3A_493, %swap3A_494] {strides = array<i32>} : memref<32x1024xf32, #tpu.memory_space<vmem>>, vector<1x16xf32>,
            %swap3A_496 = vector.shape_cast %swap3A_495 : vector<1x16xf32> to vector<16xf32>
            %swap3A_497 = vector.shape_cast %broadcast_in_dim3A_1 : vector<16xf32> to vector<1x16xf32>
            tpu.vector_store %arg6[%swap3A_493, %swap3A_494], %swap3A_497 {strides = array<i32>} : memref<32x1024xf32, #tpu.memory_space<vmem>>, vector<1x16xf32>,
            %swap3A_498 = arith.index_cast %while3A_468 : i32 to index
            %swap3A_499 = arith.constant 96 : index
            %swap3A_500 = tpu.vector_load %arg6[%swap3A_498, %swap3A_499] {strides = array<i32>} : memref<32x1024xf32, #tpu.memory_space<vmem>>, vector<1x16xf32>,
            %swap3A_501 = vector.shape_cast %swap3A_500 : vector<1x16xf32> to vector<16xf32>
            %swap3A_502 = vector.shape_cast %broadcast_in_dim3A_1 : vector<16xf32> to vector<1x16xf32>
            tpu.vector_store %arg6[%swap3A_498, %swap3A_499], %swap3A_502 {strides = array<i32>} : memref<32x1024xf32, #tpu.memory_space<vmem>>, vector<1x16xf32>,
            %swap3A_503 = arith.index_cast %while3A_468 : i32 to index
            %swap3A_504 = arith.constant 112 : index
            %swap3A_505 = tpu.vector_load %arg6[%swap3A_503, %swap3A_504] {strides = array<i32>} : memref<32x1024xf32, #tpu.memory_space<vmem>>, vector<1x16xf32>,
            %swap3A_506 = vector.shape_cast %swap3A_505 : vector<1x16xf32> to vector<16xf32>
            %swap3A_507 = vector.shape_cast %broadcast_in_dim3A_1 : vector<16xf32> to vector<1x16xf32>
            tpu.vector_store %arg6[%swap3A_503, %swap3A_504], %swap3A_507 {strides = array<i32>} : memref<32x1024xf32, #tpu.memory_space<vmem>>, vector<1x16xf32>,
            %swap3A_508 = arith.index_cast %while3A_468 : i32 to index
            %swap3A_509 = arith.constant 128 : index
            %swap3A_510 = tpu.vector_load %arg6[%swap3A_508, %swap3A_509] {strides = array<i32>} : memref<32x1024xf32, #tpu.memory_space<vmem>>, vector<1x16xf32>,
            %swap3A_511 = vector.shape_cast %swap3A_510 : vector<1x16xf32> to vector<16xf32>
            %swap3A_512 = vector.shape_cast %broadcast_in_dim3A_1 : vector<16xf32> to vector<1x16xf32>
            tpu.vector_store %arg6[%swap3A_508, %swap3A_509], %swap3A_512 {strides = array<i32>} : memref<32x1024xf32, #tpu.memory_space<vmem>>, vector<1x16xf32>,
            %swap3A_513 = arith.index_cast %while3A_468 : i32 to index
            %swap3A_514 = arith.constant 144 : index
            %swap3A_515 = tpu.vector_load %arg6[%swap3A_513, %swap3A_514] {strides = array<i32>} : memref<32x1024xf32, #tpu.memory_space<vmem>>, vector<1x16xf32>,
            %swap3A_516 = vector.shape_cast %swap3A_515 : vector<1x16xf32> to vector<16xf32>
            %swap3A_517 = vector.shape_cast %broadcast_in_dim3A_1 : vector<16xf32> to vector<1x16xf32>
            tpu.vector_store %arg6[%swap3A_513, %swap3A_514], %swap3A_517 {strides = array<i32>} : memref<32x1024xf32, #tpu.memory_space<vmem>>, vector<1x16xf32>,
            %swap3A_518 = arith.index_cast %while3A_468 : i32 to index
            %swap3A_519 = arith.constant 160 : index
            %swap3A_520 = tpu.vector_load %arg6[%swap3A_518, %swap3A_519] {strides = array<i32>} : memref<32x1024xf32, #tpu.memory_space<vmem>>, vector<1x16xf32>,
            %swap3A_521 = vector.shape_cast %swap3A_520 : vector<1x16xf32> to vector<16xf32>
            %swap3A_522 = vector.shape_cast %broadcast_in_dim3A_1 : vector<16xf32> to vector<1x16xf32>
            tpu.vector_store %arg6[%swap3A_518, %swap3A_519], %swap3A_522 {strides = array<i32>} : memref<32x1024xf32, #tpu.memory_space<vmem>>, vector<1x16xf32>,
            %swap3A_523 = arith.index_cast %while3A_468 : i32 to index
            %swap3A_524 = arith.constant 176 : index
            %swap3A_525 = tpu.vector_load %arg6[%swap3A_523, %swap3A_524] {strides = array<i32>} : memref<32x1024xf32, #tpu.memory_space<vmem>>, vector<1x16xf32>,
            %swap3A_526 = vector.shape_cast %swap3A_525 : vector<1x16xf32> to vector<16xf32>
            %swap3A_527 = vector.shape_cast %broadcast_in_dim3A_1 : vector<16xf32> to vector<1x16xf32>
            tpu.vector_store %arg6[%swap3A_523, %swap3A_524], %swap3A_527 {strides = array<i32>} : memref<32x1024xf32, #tpu.memory_space<vmem>>, vector<1x16xf32>,
            %swap3A_528 = arith.index_cast %while3A_468 : i32 to index
            %swap3A_529 = arith.constant 192 : index
            %swap3A_530 = tpu.vector_load %arg6[%swap3A_528, %swap3A_529] {strides = array<i32>} : memref<32x1024xf32, #tpu.memory_space<vmem>>, vector<1x16xf32>,
            %swap3A_531 = vector.shape_cast %swap3A_530 : vector<1x16xf32> to vector<16xf32>
            %swap3A_532 = vector.shape_cast %broadcast_in_dim3A_1 : vector<16xf32> to vector<1x16xf32>
            tpu.vector_store %arg6[%swap3A_528, %swap3A_529], %swap3A_532 {strides = array<i32>} : memref<32x1024xf32, #tpu.memory_space<vmem>>, vector<1x16xf32>,
            %swap3A_533 = arith.index_cast %while3A_468 : i32 to index
            %swap3A_534 = arith.constant 208 : index
            %swap3A_535 = tpu.vector_load %arg6[%swap3A_533, %swap3A_534] {strides = array<i32>} : memref<32x1024xf32, #tpu.memory_space<vmem>>, vector<1x16xf32>,
            %swap3A_536 = vector.shape_cast %swap3A_535 : vector<1x16xf32> to vector<16xf32>
            %swap3A_537 = vector.shape_cast %broadcast_in_dim3A_1 : vector<16xf32> to vector<1x16xf32>
            tpu.vector_store %arg6[%swap3A_533, %swap3A_534], %swap3A_537 {strides = array<i32>} : memref<32x1024xf32, #tpu.memory_space<vmem>>, vector<1x16xf32>,
            %swap3A_538 = arith.index_cast %while3A_468 : i32 to index
            %swap3A_539 = arith.constant 224 : index
            %swap3A_540 = tpu.vector_load %arg6[%swap3A_538, %swap3A_539] {strides = array<i32>} : memref<32x1024xf32, #tpu.memory_space<vmem>>, vector<1x16xf32>,
            %swap3A_541 = vector.shape_cast %swap3A_540 : vector<1x16xf32> to vector<16xf32>
            %swap3A_542 = vector.shape_cast %broadcast_in_dim3A_1 : vector<16xf32> to vector<1x16xf32>
            tpu.vector_store %arg6[%swap3A_538, %swap3A_539], %swap3A_542 {strides = array<i32>} : memref<32x1024xf32, #tpu.memory_space<vmem>>, vector<1x16xf32>,
            %swap3A_543 = arith.index_cast %while3A_468 : i32 to index
            %swap3A_544 = arith.constant 240 : index
            %swap3A_545 = tpu.vector_load %arg6[%swap3A_543, %swap3A_544] {strides = array<i32>} : memref<32x1024xf32, #tpu.memory_space<vmem>>, vector<1x16xf32>,
            %swap3A_546 = vector.shape_cast %swap3A_545 : vector<1x16xf32> to vector<16xf32>
            %swap3A_547 = vector.shape_cast %broadcast_in_dim3A_1 : vector<16xf32> to vector<1x16xf32>
            tpu.vector_store %arg6[%swap3A_543, %swap3A_544], %swap3A_547 {strides = array<i32>} : memref<32x1024xf32, #tpu.memory_space<vmem>>, vector<1x16xf32>,
            %swap3A_548 = arith.index_cast %while3A_468 : i32 to index
            %swap3A_549 = arith.constant 256 : index
            %swap3A_550 = tpu.vector_load %arg6[%swap3A_548, %swap3A_549] {strides = array<i32>} : memref<32x1024xf32, #tpu.memory_space<vmem>>, vector<1x16xf32>,
            %swap3A_551 = vector.shape_cast %swap3A_550 : vector<1x16xf32> to vector<16xf32>
            %swap3A_552 = vector.shape_cast %broadcast_in_dim3A_1 : vector<16xf32> to vector<1x16xf32>
            tpu.vector_store %arg6[%swap3A_548, %swap3A_549], %swap3A_552 {strides = array<i32>} : memref<32x1024xf32, #tpu.memory_space<vmem>>, vector<1x16xf32>,
            %swap3A_553 = arith.index_cast %while3A_468 : i32 to index
            %swap3A_554 = arith.constant 272 : index
            %swap3A_555 = tpu.vector_load %arg6[%swap3A_553, %swap3A_554] {strides = array<i32>} : memref<32x1024xf32, #tpu.memory_space<vmem>>, vector<1x16xf32>,
            %swap3A_556 = vector.shape_cast %swap3A_555 : vector<1x16xf32> to vector<16xf32>
            %swap3A_557 = vector.shape_cast %broadcast_in_dim3A_1 : vector<16xf32> to vector<1x16xf32>
            tpu.vector_store %arg6[%swap3A_553, %swap3A_554], %swap3A_557 {strides = array<i32>} : memref<32x1024xf32, #tpu.memory_space<vmem>>, vector<1x16xf32>,
            %swap3A_558 = arith.index_cast %while3A_468 : i32 to index
            %swap3A_559 = arith.constant 288 : index
            %swap3A_560 = tpu.vector_load %arg6[%swap3A_558, %swap3A_559] {strides = array<i32>} : memref<32x1024xf32, #tpu.memory_space<vmem>>, vector<1x16xf32>,
            %swap3A_561 = vector.shape_cast %swap3A_560 : vector<1x16xf32> to vector<16xf32>
            %swap3A_562 = vector.shape_cast %broadcast_in_dim3A_1 : vector<16xf32> to vector<1x16xf32>
            tpu.vector_store %arg6[%swap3A_558, %swap3A_559], %swap3A_562 {strides = array<i32>} : memref<32x1024xf32, #tpu.memory_space<vmem>>, vector<1x16xf32>,
            %swap3A_563 = arith.index_cast %while3A_468 : i32 to index
            %swap3A_564 = arith.constant 304 : index
            %swap3A_565 = tpu.vector_load %arg6[%swap3A_563, %swap3A_564] {strides = array<i32>} : memref<32x1024xf32, #tpu.memory_space<vmem>>, vector<1x16xf32>,
            %swap3A_566 = vector.shape_cast %swap3A_565 : vector<1x16xf32> to vector<16xf32>
            %swap3A_567 = vector.shape_cast %broadcast_in_dim3A_1 : vector<16xf32> to vector<1x16xf32>
            tpu.vector_store %arg6[%swap3A_563, %swap3A_564], %swap3A_567 {strides = array<i32>} : memref<32x1024xf32, #tpu.memory_space<vmem>>, vector<1x16xf32>,
            %swap3A_568 = arith.index_cast %while3A_468 : i32 to index
            %swap3A_569 = arith.constant 320 : index
            %swap3A_570 = tpu.vector_load %arg6[%swap3A_568, %swap3A_569] {strides = array<i32>} : memref<32x1024xf32, #tpu.memory_space<vmem>>, vector<1x16xf32>,
            %swap3A_571 = vector.shape_cast %swap3A_570 : vector<1x16xf32> to vector<16xf32>
            %swap3A_572 = vector.shape_cast %broadcast_in_dim3A_1 : vector<16xf32> to vector<1x16xf32>
            tpu.vector_store %arg6[%swap3A_568, %swap3A_569], %swap3A_572 {strides = array<i32>} : memref<32x1024xf32, #tpu.memory_space<vmem>>, vector<1x16xf32>,
            %swap3A_573 = arith.index_cast %while3A_468 : i32 to index
            %swap3A_574 = arith.constant 336 : index
            %swap3A_575 = tpu.vector_load %arg6[%swap3A_573, %swap3A_574] {strides = array<i32>} : memref<32x1024xf32, #tpu.memory_space<vmem>>, vector<1x16xf32>,
            %swap3A_576 = vector.shape_cast %swap3A_575 : vector<1x16xf32> to vector<16xf32>
            %swap3A_577 = vector.shape_cast %broadcast_in_dim3A_1 : vector<16xf32> to vector<1x16xf32>
            tpu.vector_store %arg6[%swap3A_573, %swap3A_574], %swap3A_577 {strides = array<i32>} : memref<32x1024xf32, #tpu.memory_space<vmem>>, vector<1x16xf32>,
            %swap3A_578 = arith.index_cast %while3A_468 : i32 to index
            %swap3A_579 = arith.constant 352 : index
            %swap3A_580 = tpu.vector_load %arg6[%swap3A_578, %swap3A_579] {strides = array<i32>} : memref<32x1024xf32, #tpu.memory_space<vmem>>, vector<1x16xf32>,
            %swap3A_581 = vector.shape_cast %swap3A_580 : vector<1x16xf32> to vector<16xf32>
            %swap3A_582 = vector.shape_cast %broadcast_in_dim3A_1 : vector<16xf32> to vector<1x16xf32>
            tpu.vector_store %arg6[%swap3A_578, %swap3A_579], %swap3A_582 {strides = array<i32>} : memref<32x1024xf32, #tpu.memory_space<vmem>>, vector<1x16xf32>,
            %swap3A_583 = arith.index_cast %while3A_468 : i32 to index
            %swap3A_584 = arith.constant 368 : index
            %swap3A_585 = tpu.vector_load %arg6[%swap3A_583, %swap3A_584] {strides = array<i32>} : memref<32x1024xf32, #tpu.memory_space<vmem>>, vector<1x16xf32>,
            %swap3A_586 = vector.shape_cast %swap3A_585 : vector<1x16xf32> to vector<16xf32>
            %swap3A_587 = vector.shape_cast %broadcast_in_dim3A_1 : vector<16xf32> to vector<1x16xf32>
            tpu.vector_store %arg6[%swap3A_583, %swap3A_584], %swap3A_587 {strides = array<i32>} : memref<32x1024xf32, #tpu.memory_space<vmem>>, vector<1x16xf32>,
            %swap3A_588 = arith.index_cast %while3A_468 : i32 to index
            %swap3A_589 = arith.constant 384 : index
            %swap3A_590 = tpu.vector_load %arg6[%swap3A_588, %swap3A_589] {strides = array<i32>} : memref<32x1024xf32, #tpu.memory_space<vmem>>, vector<1x16xf32>,
            %swap3A_591 = vector.shape_cast %swap3A_590 : vector<1x16xf32> to vector<16xf32>
            %swap3A_592 = vector.shape_cast %broadcast_in_dim3A_1 : vector<16xf32> to vector<1x16xf32>
            tpu.vector_store %arg6[%swap3A_588, %swap3A_589], %swap3A_592 {strides = array<i32>} : memref<32x1024xf32, #tpu.memory_space<vmem>>, vector<1x16xf32>,
            %swap3A_593 = arith.index_cast %while3A_468 : i32 to index
            %swap3A_594 = arith.constant 400 : index
            %swap3A_595 = tpu.vector_load %arg6[%swap3A_593, %swap3A_594] {strides = array<i32>} : memref<32x1024xf32, #tpu.memory_space<vmem>>, vector<1x16xf32>,
            %swap3A_596 = vector.shape_cast %swap3A_595 : vector<1x16xf32> to vector<16xf32>
            %swap3A_597 = vector.shape_cast %broadcast_in_dim3A_1 : vector<16xf32> to vector<1x16xf32>
            tpu.vector_store %arg6[%swap3A_593, %swap3A_594], %swap3A_597 {strides = array<i32>} : memref<32x1024xf32, #tpu.memory_space<vmem>>, vector<1x16xf32>,
            %swap3A_598 = arith.index_cast %while3A_468 : i32 to index
            %swap3A_599 = arith.constant 416 : index
            %swap3A_600 = tpu.vector_load %arg6[%swap3A_598, %swap3A_599] {strides = array<i32>} : memref<32x1024xf32, #tpu.memory_space<vmem>>, vector<1x16xf32>,
            %swap3A_601 = vector.shape_cast %swap3A_600 : vector<1x16xf32> to vector<16xf32>
            %swap3A_602 = vector.shape_cast %broadcast_in_dim3A_1 : vector<16xf32> to vector<1x16xf32>
            tpu.vector_store %arg6[%swap3A_598, %swap3A_599], %swap3A_602 {strides = array<i32>} : memref<32x1024xf32, #tpu.memory_space<vmem>>, vector<1x16xf32>,
            %swap3A_603 = arith.index_cast %while3A_468 : i32 to index
            %swap3A_604 = arith.constant 432 : index
            %swap3A_605 = tpu.vector_load %arg6[%swap3A_603, %swap3A_604] {strides = array<i32>} : memref<32x1024xf32, #tpu.memory_space<vmem>>, vector<1x16xf32>,
            %swap3A_606 = vector.shape_cast %swap3A_605 : vector<1x16xf32> to vector<16xf32>
            %swap3A_607 = vector.shape_cast %broadcast_in_dim3A_1 : vector<16xf32> to vector<1x16xf32>
            tpu.vector_store %arg6[%swap3A_603, %swap3A_604], %swap3A_607 {strides = array<i32>} : memref<32x1024xf32, #tpu.memory_space<vmem>>, vector<1x16xf32>,
            %swap3A_608 = arith.index_cast %while3A_468 : i32 to index
            %swap3A_609 = arith.constant 448 : index
            %swap3A_610 = tpu.vector_load %arg6[%swap3A_608, %swap3A_609] {strides = array<i32>} : memref<32x1024xf32, #tpu.memory_space<vmem>>, vector<1x16xf32>,
            %swap3A_611 = vector.shape_cast %swap3A_610 : vector<1x16xf32> to vector<16xf32>
            %swap3A_612 = vector.shape_cast %broadcast_in_dim3A_1 : vector<16xf32> to vector<1x16xf32>
            tpu.vector_store %arg6[%swap3A_608, %swap3A_609], %swap3A_612 {strides = array<i32>} : memref<32x1024xf32, #tpu.memory_space<vmem>>, vector<1x16xf32>,
            %swap3A_613 = arith.index_cast %while3A_468 : i32 to index
            %swap3A_614 = arith.constant 464 : index
            %swap3A_615 = tpu.vector_load %arg6[%swap3A_613, %swap3A_614] {strides = array<i32>} : memref<32x1024xf32, #tpu.memory_space<vmem>>, vector<1x16xf32>,
            %swap3A_616 = vector.shape_cast %swap3A_615 : vector<1x16xf32> to vector<16xf32>
            %swap3A_617 = vector.shape_cast %broadcast_in_dim3A_1 : vector<16xf32> to vector<1x16xf32>
            tpu.vector_store %arg6[%swap3A_613, %swap3A_614], %swap3A_617 {strides = array<i32>} : memref<32x1024xf32, #tpu.memory_space<vmem>>, vector<1x16xf32>,
            %swap3A_618 = arith.index_cast %while3A_468 : i32 to index
            %swap3A_619 = arith.constant 480 : index
            %swap3A_620 = tpu.vector_load %arg6[%swap3A_618, %swap3A_619] {strides = array<i32>} : memref<32x1024xf32, #tpu.memory_space<vmem>>, vector<1x16xf32>,
            %swap3A_621 = vector.shape_cast %swap3A_620 : vector<1x16xf32> to vector<16xf32>
            %swap3A_622 = vector.shape_cast %broadcast_in_dim3A_1 : vector<16xf32> to vector<1x16xf32>
            tpu.vector_store %arg6[%swap3A_618, %swap3A_619], %swap3A_622 {strides = array<i32>} : memref<32x1024xf32, #tpu.memory_space<vmem>>, vector<1x16xf32>,
            %swap3A_623 = arith.index_cast %while3A_468 : i32 to index
            %swap3A_624 = arith.constant 496 : index
            %swap3A_625 = tpu.vector_load %arg6[%swap3A_623, %swap3A_624] {strides = array<i32>} : memref<32x1024xf32, #tpu.memory_space<vmem>>, vector<1x16xf32>,
            %swap3A_626 = vector.shape_cast %swap3A_625 : vector<1x16xf32> to vector<16xf32>
            %swap3A_627 = vector.shape_cast %broadcast_in_dim3A_1 : vector<16xf32> to vector<1x16xf32>
            tpu.vector_store %arg6[%swap3A_623, %swap3A_624], %swap3A_627 {strides = array<i32>} : memref<32x1024xf32, #tpu.memory_space<vmem>>, vector<1x16xf32>,
            %swap3A_628 = arith.index_cast %while3A_468 : i32 to index
            %swap3A_629 = arith.constant 512 : index
            %swap3A_630 = tpu.vector_load %arg6[%swap3A_628, %swap3A_629] {strides = array<i32>} : memref<32x1024xf32, #tpu.memory_space<vmem>>, vector<1x16xf32>,
            %swap3A_631 = vector.shape_cast %swap3A_630 : vector<1x16xf32> to vector<16xf32>
            %swap3A_632 = vector.shape_cast %broadcast_in_dim3A_1 : vector<16xf32> to vector<1x16xf32>
            tpu.vector_store %arg6[%swap3A_628, %swap3A_629], %swap3A_632 {strides = array<i32>} : memref<32x1024xf32, #tpu.memory_space<vmem>>, vector<1x16xf32>,
            %swap3A_633 = arith.index_cast %while3A_468 : i32 to index
            %swap3A_634 = arith.constant 528 : index
            %swap3A_635 = tpu.vector_load %arg6[%swap3A_633, %swap3A_634] {strides = array<i32>} : memref<32x1024xf32, #tpu.memory_space<vmem>>, vector<1x16xf32>,
            %swap3A_636 = vector.shape_cast %swap3A_635 : vector<1x16xf32> to vector<16xf32>
            %swap3A_637 = vector.shape_cast %broadcast_in_dim3A_1 : vector<16xf32> to vector<1x16xf32>
            tpu.vector_store %arg6[%swap3A_633, %swap3A_634], %swap3A_637 {strides = array<i32>} : memref<32x1024xf32, #tpu.memory_space<vmem>>, vector<1x16xf32>,
            %swap3A_638 = arith.index_cast %while3A_468 : i32 to index
            %swap3A_639 = arith.constant 544 : index
            %swap3A_640 = tpu.vector_load %arg6[%swap3A_638, %swap3A_639] {strides = array<i32>} : memref<32x1024xf32, #tpu.memory_space<vmem>>, vector<1x16xf32>,
            %swap3A_641 = vector.shape_cast %swap3A_640 : vector<1x16xf32> to vector<16xf32>
            %swap3A_642 = vector.shape_cast %broadcast_in_dim3A_1 : vector<16xf32> to vector<1x16xf32>
            tpu.vector_store %arg6[%swap3A_638, %swap3A_639], %swap3A_642 {strides = array<i32>} : memref<32x1024xf32, #tpu.memory_space<vmem>>, vector<1x16xf32>,
            %swap3A_643 = arith.index_cast %while3A_468 : i32 to index
            %swap3A_644 = arith.constant 560 : index
            %swap3A_645 = tpu.vector_load %arg6[%swap3A_643, %swap3A_644] {strides = array<i32>} : memref<32x1024xf32, #tpu.memory_space<vmem>>, vector<1x16xf32>,
            %swap3A_646 = vector.shape_cast %swap3A_645 : vector<1x16xf32> to vector<16xf32>
            %swap3A_647 = vector.shape_cast %broadcast_in_dim3A_1 : vector<16xf32> to vector<1x16xf32>
            tpu.vector_store %arg6[%swap3A_643, %swap3A_644], %swap3A_647 {strides = array<i32>} : memref<32x1024xf32, #tpu.memory_space<vmem>>, vector<1x16xf32>,
            %swap3A_648 = arith.index_cast %while3A_468 : i32 to index
            %swap3A_649 = arith.constant 576 : index
            %swap3A_650 = tpu.vector_load %arg6[%swap3A_648, %swap3A_649] {strides = array<i32>} : memref<32x1024xf32, #tpu.memory_space<vmem>>, vector<1x16xf32>,
            %swap3A_651 = vector.shape_cast %swap3A_650 : vector<1x16xf32> to vector<16xf32>
            %swap3A_652 = vector.shape_cast %broadcast_in_dim3A_1 : vector<16xf32> to vector<1x16xf32>
            tpu.vector_store %arg6[%swap3A_648, %swap3A_649], %swap3A_652 {strides = array<i32>} : memref<32x1024xf32, #tpu.memory_space<vmem>>, vector<1x16xf32>,
            %swap3A_653 = arith.index_cast %while3A_468 : i32 to index
            %swap3A_654 = arith.constant 592 : index
            %swap3A_655 = tpu.vector_load %arg6[%swap3A_653, %swap3A_654] {strides = array<i32>} : memref<32x1024xf32, #tpu.memory_space<vmem>>, vector<1x16xf32>,
            %swap3A_656 = vector.shape_cast %swap3A_655 : vector<1x16xf32> to vector<16xf32>
            %swap3A_657 = vector.shape_cast %broadcast_in_dim3A_1 : vector<16xf32> to vector<1x16xf32>
            tpu.vector_store %arg6[%swap3A_653, %swap3A_654], %swap3A_657 {strides = array<i32>} : memref<32x1024xf32, #tpu.memory_space<vmem>>, vector<1x16xf32>,
            %swap3A_658 = arith.index_cast %while3A_468 : i32 to index
            %swap3A_659 = arith.constant 608 : index
            %swap3A_660 = tpu.vector_load %arg6[%swap3A_658, %swap3A_659] {strides = array<i32>} : memref<32x1024xf32, #tpu.memory_space<vmem>>, vector<1x16xf32>,
            %swap3A_661 = vector.shape_cast %swap3A_660 : vector<1x16xf32> to vector<16xf32>
            %swap3A_662 = vector.shape_cast %broadcast_in_dim3A_1 : vector<16xf32> to vector<1x16xf32>
            tpu.vector_store %arg6[%swap3A_658, %swap3A_659], %swap3A_662 {strides = array<i32>} : memref<32x1024xf32, #tpu.memory_space<vmem>>, vector<1x16xf32>,
            %swap3A_663 = arith.index_cast %while3A_468 : i32 to index
            %swap3A_664 = arith.constant 624 : index
            %swap3A_665 = tpu.vector_load %arg6[%swap3A_663, %swap3A_664] {strides = array<i32>} : memref<32x1024xf32, #tpu.memory_space<vmem>>, vector<1x16xf32>,
            %swap3A_666 = vector.shape_cast %swap3A_665 : vector<1x16xf32> to vector<16xf32>
            %swap3A_667 = vector.shape_cast %broadcast_in_dim3A_1 : vector<16xf32> to vector<1x16xf32>
            tpu.vector_store %arg6[%swap3A_663, %swap3A_664], %swap3A_667 {strides = array<i32>} : memref<32x1024xf32, #tpu.memory_space<vmem>>, vector<1x16xf32>,
            %swap3A_668 = arith.index_cast %while3A_468 : i32 to index
            %swap3A_669 = arith.constant 640 : index
            %swap3A_670 = tpu.vector_load %arg6[%swap3A_668, %swap3A_669] {strides = array<i32>} : memref<32x1024xf32, #tpu.memory_space<vmem>>, vector<1x16xf32>,
            %swap3A_671 = vector.shape_cast %swap3A_670 : vector<1x16xf32> to vector<16xf32>
            %swap3A_672 = vector.shape_cast %broadcast_in_dim3A_1 : vector<16xf32> to vector<1x16xf32>
            tpu.vector_store %arg6[%swap3A_668, %swap3A_669], %swap3A_672 {strides = array<i32>} : memref<32x1024xf32, #tpu.memory_space<vmem>>, vector<1x16xf32>,
            %swap3A_673 = arith.index_cast %while3A_468 : i32 to index
            %swap3A_674 = arith.constant 656 : index
            %swap3A_675 = tpu.vector_load %arg6[%swap3A_673, %swap3A_674] {strides = array<i32>} : memref<32x1024xf32, #tpu.memory_space<vmem>>, vector<1x16xf32>,
            %swap3A_676 = vector.shape_cast %swap3A_675 : vector<1x16xf32> to vector<16xf32>
            %swap3A_677 = vector.shape_cast %broadcast_in_dim3A_1 : vector<16xf32> to vector<1x16xf32>
            tpu.vector_store %arg6[%swap3A_673, %swap3A_674], %swap3A_677 {strides = array<i32>} : memref<32x1024xf32, #tpu.memory_space<vmem>>, vector<1x16xf32>,
            %swap3A_678 = arith.index_cast %while3A_468 : i32 to index
            %swap3A_679 = arith.constant 672 : index
            %swap3A_680 = tpu.vector_load %arg6[%swap3A_678, %swap3A_679] {strides = array<i32>} : memref<32x1024xf32, #tpu.memory_space<vmem>>, vector<1x16xf32>,
            %swap3A_681 = vector.shape_cast %swap3A_680 : vector<1x16xf32> to vector<16xf32>
            %swap3A_682 = vector.shape_cast %broadcast_in_dim3A_1 : vector<16xf32> to vector<1x16xf32>
            tpu.vector_store %arg6[%swap3A_678, %swap3A_679], %swap3A_682 {strides = array<i32>} : memref<32x1024xf32, #tpu.memory_space<vmem>>, vector<1x16xf32>,
            %swap3A_683 = arith.index_cast %while3A_468 : i32 to index
            %swap3A_684 = arith.constant 688 : index
            %swap3A_685 = tpu.vector_load %arg6[%swap3A_683, %swap3A_684] {strides = array<i32>} : memref<32x1024xf32, #tpu.memory_space<vmem>>, vector<1x16xf32>,
            %swap3A_686 = vector.shape_cast %swap3A_685 : vector<1x16xf32> to vector<16xf32>
            %swap3A_687 = vector.shape_cast %broadcast_in_dim3A_1 : vector<16xf32> to vector<1x16xf32>
            tpu.vector_store %arg6[%swap3A_683, %swap3A_684], %swap3A_687 {strides = array<i32>} : memref<32x1024xf32, #tpu.memory_space<vmem>>, vector<1x16xf32>,
            %swap3A_688 = arith.index_cast %while3A_468 : i32 to index
            %swap3A_689 = arith.constant 704 : index
            %swap3A_690 = tpu.vector_load %arg6[%swap3A_688, %swap3A_689] {strides = array<i32>} : memref<32x1024xf32, #tpu.memory_space<vmem>>, vector<1x16xf32>,
            %swap3A_691 = vector.shape_cast %swap3A_690 : vector<1x16xf32> to vector<16xf32>
            %swap3A_692 = vector.shape_cast %broadcast_in_dim3A_1 : vector<16xf32> to vector<1x16xf32>
            tpu.vector_store %arg6[%swap3A_688, %swap3A_689], %swap3A_692 {strides = array<i32>} : memref<32x1024xf32, #tpu.memory_space<vmem>>, vector<1x16xf32>,
            %swap3A_693 = arith.index_cast %while3A_468 : i32 to index
            %swap3A_694 = arith.constant 720 : index
            %swap3A_695 = tpu.vector_load %arg6[%swap3A_693, %swap3A_694] {strides = array<i32>} : memref<32x1024xf32, #tpu.memory_space<vmem>>, vector<1x16xf32>,
            %swap3A_696 = vector.shape_cast %swap3A_695 : vector<1x16xf32> to vector<16xf32>
            %swap3A_697 = vector.shape_cast %broadcast_in_dim3A_1 : vector<16xf32> to vector<1x16xf32>
            tpu.vector_store %arg6[%swap3A_693, %swap3A_694], %swap3A_697 {strides = array<i32>} : memref<32x1024xf32, #tpu.memory_space<vmem>>, vector<1x16xf32>,
            %swap3A_698 = arith.index_cast %while3A_468 : i32 to index
            %swap3A_699 = arith.constant 736 : index
            %swap3A_700 = tpu.vector_load %arg6[%swap3A_698, %swap3A_699] {strides = array<i32>} : memref<32x1024xf32, #tpu.memory_space<vmem>>, vector<1x16xf32>,
            %swap3A_701 = vector.shape_cast %swap3A_700 : vector<1x16xf32> to vector<16xf32>
            %swap3A_702 = vector.shape_cast %broadcast_in_dim3A_1 : vector<16xf32> to vector<1x16xf32>
            tpu.vector_store %arg6[%swap3A_698, %swap3A_699], %swap3A_702 {strides = array<i32>} : memref<32x1024xf32, #tpu.memory_space<vmem>>, vector<1x16xf32>,
            %swap3A_703 = arith.index_cast %while3A_468 : i32 to index
            %swap3A_704 = arith.constant 752 : index
            %swap3A_705 = tpu.vector_load %arg6[%swap3A_703, %swap3A_704] {strides = array<i32>} : memref<32x1024xf32, #tpu.memory_space<vmem>>, vector<1x16xf32>,
            %swap3A_706 = vector.shape_cast %swap3A_705 : vector<1x16xf32> to vector<16xf32>
            %swap3A_707 = vector.shape_cast %broadcast_in_dim3A_1 : vector<16xf32> to vector<1x16xf32>
            tpu.vector_store %arg6[%swap3A_703, %swap3A_704], %swap3A_707 {strides = array<i32>} : memref<32x1024xf32, #tpu.memory_space<vmem>>, vector<1x16xf32>,
            %swap3A_708 = arith.index_cast %while3A_468 : i32 to index
            %swap3A_709 = arith.constant 768 : index
            %swap3A_710 = tpu.vector_load %arg6[%swap3A_708, %swap3A_709] {strides = array<i32>} : memref<32x1024xf32, #tpu.memory_space<vmem>>, vector<1x16xf32>,
            %swap3A_711 = vector.shape_cast %swap3A_710 : vector<1x16xf32> to vector<16xf32>
            %swap3A_712 = vector.shape_cast %broadcast_in_dim3A_1 : vector<16xf32> to vector<1x16xf32>
            tpu.vector_store %arg6[%swap3A_708, %swap3A_709], %swap3A_712 {strides = array<i32>} : memref<32x1024xf32, #tpu.memory_space<vmem>>, vector<1x16xf32>,
            %swap3A_713 = arith.index_cast %while3A_468 : i32 to index
            %swap3A_714 = arith.constant 784 : index
            %swap3A_715 = tpu.vector_load %arg6[%swap3A_713, %swap3A_714] {strides = array<i32>} : memref<32x1024xf32, #tpu.memory_space<vmem>>, vector<1x16xf32>,
            %swap3A_716 = vector.shape_cast %swap3A_715 : vector<1x16xf32> to vector<16xf32>
            %swap3A_717 = vector.shape_cast %broadcast_in_dim3A_1 : vector<16xf32> to vector<1x16xf32>
            tpu.vector_store %arg6[%swap3A_713, %swap3A_714], %swap3A_717 {strides = array<i32>} : memref<32x1024xf32, #tpu.memory_space<vmem>>, vector<1x16xf32>,
            %swap3A_718 = arith.index_cast %while3A_468 : i32 to index
            %swap3A_719 = arith.constant 800 : index
            %swap3A_720 = tpu.vector_load %arg6[%swap3A_718, %swap3A_719] {strides = array<i32>} : memref<32x1024xf32, #tpu.memory_space<vmem>>, vector<1x16xf32>,
            %swap3A_721 = vector.shape_cast %swap3A_720 : vector<1x16xf32> to vector<16xf32>
            %swap3A_722 = vector.shape_cast %broadcast_in_dim3A_1 : vector<16xf32> to vector<1x16xf32>
            tpu.vector_store %arg6[%swap3A_718, %swap3A_719], %swap3A_722 {strides = array<i32>} : memref<32x1024xf32, #tpu.memory_space<vmem>>, vector<1x16xf32>,
            %swap3A_723 = arith.index_cast %while3A_468 : i32 to index
            %swap3A_724 = arith.constant 816 : index
            %swap3A_725 = tpu.vector_load %arg6[%swap3A_723, %swap3A_724] {strides = array<i32>} : memref<32x1024xf32, #tpu.memory_space<vmem>>, vector<1x16xf32>,
            %swap3A_726 = vector.shape_cast %swap3A_725 : vector<1x16xf32> to vector<16xf32>
            %swap3A_727 = vector.shape_cast %broadcast_in_dim3A_1 : vector<16xf32> to vector<1x16xf32>
            tpu.vector_store %arg6[%swap3A_723, %swap3A_724], %swap3A_727 {strides = array<i32>} : memref<32x1024xf32, #tpu.memory_space<vmem>>, vector<1x16xf32>,
            %swap3A_728 = arith.index_cast %while3A_468 : i32 to index
            %swap3A_729 = arith.constant 832 : index
            %swap3A_730 = tpu.vector_load %arg6[%swap3A_728, %swap3A_729] {strides = array<i32>} : memref<32x1024xf32, #tpu.memory_space<vmem>>, vector<1x16xf32>,
            %swap3A_731 = vector.shape_cast %swap3A_730 : vector<1x16xf32> to vector<16xf32>
            %swap3A_732 = vector.shape_cast %broadcast_in_dim3A_1 : vector<16xf32> to vector<1x16xf32>
            tpu.vector_store %arg6[%swap3A_728, %swap3A_729], %swap3A_732 {strides = array<i32>} : memref<32x1024xf32, #tpu.memory_space<vmem>>, vector<1x16xf32>,
            %swap3A_733 = arith.index_cast %while3A_468 : i32 to index
            %swap3A_734 = arith.constant 848 : index
            %swap3A_735 = tpu.vector_load %arg6[%swap3A_733, %swap3A_734] {strides = array<i32>} : memref<32x1024xf32, #tpu.memory_space<vmem>>, vector<1x16xf32>,
            %swap3A_736 = vector.shape_cast %swap3A_735 : vector<1x16xf32> to vector<16xf32>
            %swap3A_737 = vector.shape_cast %broadcast_in_dim3A_1 : vector<16xf32> to vector<1x16xf32>
            tpu.vector_store %arg6[%swap3A_733, %swap3A_734], %swap3A_737 {strides = array<i32>} : memref<32x1024xf32, #tpu.memory_space<vmem>>, vector<1x16xf32>,
            %swap3A_738 = arith.index_cast %while3A_468 : i32 to index
            %swap3A_739 = arith.constant 864 : index
            %swap3A_740 = tpu.vector_load %arg6[%swap3A_738, %swap3A_739] {strides = array<i32>} : memref<32x1024xf32, #tpu.memory_space<vmem>>, vector<1x16xf32>,
            %swap3A_741 = vector.shape_cast %swap3A_740 : vector<1x16xf32> to vector<16xf32>
            %swap3A_742 = vector.shape_cast %broadcast_in_dim3A_1 : vector<16xf32> to vector<1x16xf32>
            tpu.vector_store %arg6[%swap3A_738, %swap3A_739], %swap3A_742 {strides = array<i32>} : memref<32x1024xf32, #tpu.memory_space<vmem>>, vector<1x16xf32>,
            %swap3A_743 = arith.index_cast %while3A_468 : i32 to index
            %swap3A_744 = arith.constant 880 : index
            %swap3A_745 = tpu.vector_load %arg6[%swap3A_743, %swap3A_744] {strides = array<i32>} : memref<32x1024xf32, #tpu.memory_space<vmem>>, vector<1x16xf32>,
            %swap3A_746 = vector.shape_cast %swap3A_745 : vector<1x16xf32> to vector<16xf32>
            %swap3A_747 = vector.shape_cast %broadcast_in_dim3A_1 : vector<16xf32> to vector<1x16xf32>
            tpu.vector_store %arg6[%swap3A_743, %swap3A_744], %swap3A_747 {strides = array<i32>} : memref<32x1024xf32, #tpu.memory_space<vmem>>, vector<1x16xf32>,
            %swap3A_748 = arith.index_cast %while3A_468 : i32 to index
            %swap3A_749 = arith.constant 896 : index
            %swap3A_750 = tpu.vector_load %arg6[%swap3A_748, %swap3A_749] {strides = array<i32>} : memref<32x1024xf32, #tpu.memory_space<vmem>>, vector<1x16xf32>,
            %swap3A_751 = vector.shape_cast %swap3A_750 : vector<1x16xf32> to vector<16xf32>
            %swap3A_752 = vector.shape_cast %broadcast_in_dim3A_1 : vector<16xf32> to vector<1x16xf32>
            tpu.vector_store %arg6[%swap3A_748, %swap3A_749], %swap3A_752 {strides = array<i32>} : memref<32x1024xf32, #tpu.memory_space<vmem>>, vector<1x16xf32>,
            %swap3A_753 = arith.index_cast %while3A_468 : i32 to index
            %swap3A_754 = arith.constant 912 : index
            %swap3A_755 = tpu.vector_load %arg6[%swap3A_753, %swap3A_754] {strides = array<i32>} : memref<32x1024xf32, #tpu.memory_space<vmem>>, vector<1x16xf32>,
            %swap3A_756 = vector.shape_cast %swap3A_755 : vector<1x16xf32> to vector<16xf32>
            %swap3A_757 = vector.shape_cast %broadcast_in_dim3A_1 : vector<16xf32> to vector<1x16xf32>
            tpu.vector_store %arg6[%swap3A_753, %swap3A_754], %swap3A_757 {strides = array<i32>} : memref<32x1024xf32, #tpu.memory_space<vmem>>, vector<1x16xf32>,
            %swap3A_758 = arith.index_cast %while3A_468 : i32 to index
            %swap3A_759 = arith.constant 928 : index
            %swap3A_760 = tpu.vector_load %arg6[%swap3A_758, %swap3A_759] {strides = array<i32>} : memref<32x1024xf32, #tpu.memory_space<vmem>>, vector<1x16xf32>,
            %swap3A_761 = vector.shape_cast %swap3A_760 : vector<1x16xf32> to vector<16xf32>
            %swap3A_762 = vector.shape_cast %broadcast_in_dim3A_1 : vector<16xf32> to vector<1x16xf32>
            tpu.vector_store %arg6[%swap3A_758, %swap3A_759], %swap3A_762 {strides = array<i32>} : memref<32x1024xf32, #tpu.memory_space<vmem>>, vector<1x16xf32>,
            %swap3A_763 = arith.index_cast %while3A_468 : i32 to index
            %swap3A_764 = arith.constant 944 : index
            %swap3A_765 = tpu.vector_load %arg6[%swap3A_763, %swap3A_764] {strides = array<i32>} : memref<32x1024xf32, #tpu.memory_space<vmem>>, vector<1x16xf32>,
            %swap3A_766 = vector.shape_cast %swap3A_765 : vector<1x16xf32> to vector<16xf32>
            %swap3A_767 = vector.shape_cast %broadcast_in_dim3A_1 : vector<16xf32> to vector<1x16xf32>
            tpu.vector_store %arg6[%swap3A_763, %swap3A_764], %swap3A_767 {strides = array<i32>} : memref<32x1024xf32, #tpu.memory_space<vmem>>, vector<1x16xf32>,
            %swap3A_768 = arith.index_cast %while3A_468 : i32 to index
            %swap3A_769 = arith.constant 960 : index
            %swap3A_770 = tpu.vector_load %arg6[%swap3A_768, %swap3A_769] {strides = array<i32>} : memref<32x1024xf32, #tpu.memory_space<vmem>>, vector<1x16xf32>,
            %swap3A_771 = vector.shape_cast %swap3A_770 : vector<1x16xf32> to vector<16xf32>
            %swap3A_772 = vector.shape_cast %broadcast_in_dim3A_1 : vector<16xf32> to vector<1x16xf32>
            tpu.vector_store %arg6[%swap3A_768, %swap3A_769], %swap3A_772 {strides = array<i32>} : memref<32x1024xf32, #tpu.memory_space<vmem>>, vector<1x16xf32>,
            %swap3A_773 = arith.index_cast %while3A_468 : i32 to index
            %swap3A_774 = arith.constant 976 : index
            %swap3A_775 = tpu.vector_load %arg6[%swap3A_773, %swap3A_774] {strides = array<i32>} : memref<32x1024xf32, #tpu.memory_space<vmem>>, vector<1x16xf32>,
            %swap3A_776 = vector.shape_cast %swap3A_775 : vector<1x16xf32> to vector<16xf32>
            %swap3A_777 = vector.shape_cast %broadcast_in_dim3A_1 : vector<16xf32> to vector<1x16xf32>
            tpu.vector_store %arg6[%swap3A_773, %swap3A_774], %swap3A_777 {strides = array<i32>} : memref<32x1024xf32, #tpu.memory_space<vmem>>, vector<1x16xf32>,
            %swap3A_778 = arith.index_cast %while3A_468 : i32 to index
            %swap3A_779 = arith.constant 992 : index
            %swap3A_780 = tpu.vector_load %arg6[%swap3A_778, %swap3A_779] {strides = array<i32>} : memref<32x1024xf32, #tpu.memory_space<vmem>>, vector<1x16xf32>,
            %swap3A_781 = vector.shape_cast %swap3A_780 : vector<1x16xf32> to vector<16xf32>
            %swap3A_782 = vector.shape_cast %broadcast_in_dim3A_1 : vector<16xf32> to vector<1x16xf32>
            tpu.vector_store %arg6[%swap3A_778, %swap3A_779], %swap3A_782 {strides = array<i32>} : memref<32x1024xf32, #tpu.memory_space<vmem>>, vector<1x16xf32>,
            %swap3A_783 = arith.index_cast %while3A_468 : i32 to index
            %swap3A_784 = arith.constant 1008 : index
            %swap3A_785 = tpu.vector_load %arg6[%swap3A_783, %swap3A_784] {strides = array<i32>} : memref<32x1024xf32, #tpu.memory_space<vmem>>, vector<1x16xf32>,
            %swap3A_786 = vector.shape_cast %swap3A_785 : vector<1x16xf32> to vector<16xf32>
            %swap3A_787 = vector.shape_cast %broadcast_in_dim3A_1 : vector<16xf32> to vector<1x16xf32>
            tpu.vector_store %arg6[%swap3A_783, %swap3A_784], %swap3A_787 {strides = array<i32>} : memref<32x1024xf32, #tpu.memory_space<vmem>>, vector<1x16xf32>,
          }
          %while3A_461 = arith.constant 1 : i32
          scf.for %while3A_468 = %while3A_459 to %while3A_455 step %while3A_461  : i32 {
            %swap3A = arith.index_cast %while3A_468 : i32 to index
            %swap3A_469 = arith.constant 0 : index
            %swap3A_470 = tpu.vector_load %arg6[%swap3A, %swap3A_469] {strides = array<i32>} : memref<32x1024xf32, #tpu.memory_space<vmem>>, vector<1x16xf32>,
            %swap3A_471 = vector.shape_cast %swap3A_470 : vector<1x16xf32> to vector<16xf32>
            %swap3A_472 = vector.shape_cast %broadcast_in_dim3A_1 : vector<16xf32> to vector<1x16xf32>
            tpu.vector_store %arg6[%swap3A, %swap3A_469], %swap3A_472 {strides = array<i32>} : memref<32x1024xf32, #tpu.memory_space<vmem>>, vector<1x16xf32>,
            %swap3A_473 = arith.index_cast %while3A_468 : i32 to index
            %swap3A_474 = arith.constant 16 : index
            %swap3A_475 = tpu.vector_load %arg6[%swap3A_473, %swap3A_474] {strides = array<i32>} : memref<32x1024xf32, #tpu.memory_space<vmem>>, vector<1x16xf32>,
            %swap3A_476 = vector.shape_cast %swap3A_475 : vector<1x16xf32> to vector<16xf32>
            %swap3A_477 = vector.shape_cast %broadcast_in_dim3A_1 : vector<16xf32> to vector<1x16xf32>
            tpu.vector_store %arg6[%swap3A_473, %swap3A_474], %swap3A_477 {strides = array<i32>} : memref<32x1024xf32, #tpu.memory_space<vmem>>, vector<1x16xf32>,
            %swap3A_478 = arith.index_cast %while3A_468 : i32 to index
            %swap3A_479 = arith.constant 32 : index
            %swap3A_480 = tpu.vector_load %arg6[%swap3A_478, %swap3A_479] {strides = array<i32>} : memref<32x1024xf32, #tpu.memory_space<vmem>>, vector<1x16xf32>,
            %swap3A_481 = vector.shape_cast %swap3A_480 : vector<1x16xf32> to vector<16xf32>
            %swap3A_482 = vector.shape_cast %broadcast_in_dim3A_1 : vector<16xf32> to vector<1x16xf32>
            tpu.vector_store %arg6[%swap3A_478, %swap3A_479], %swap3A_482 {strides = array<i32>} : memref<32x1024xf32, #tpu.memory_space<vmem>>, vector<1x16xf32>,
            %swap3A_483 = arith.index_cast %while3A_468 : i32 to index
            %swap3A_484 = arith.constant 48 : index
            %swap3A_485 = tpu.vector_load %arg6[%swap3A_483, %swap3A_484] {strides = array<i32>} : memref<32x1024xf32, #tpu.memory_space<vmem>>, vector<1x16xf32>,
            %swap3A_486 = vector.shape_cast %swap3A_485 : vector<1x16xf32> to vector<16xf32>
            %swap3A_487 = vector.shape_cast %broadcast_in_dim3A_1 : vector<16xf32> to vector<1x16xf32>
            tpu.vector_store %arg6[%swap3A_483, %swap3A_484], %swap3A_487 {strides = array<i32>} : memref<32x1024xf32, #tpu.memory_space<vmem>>, vector<1x16xf32>,
            %swap3A_488 = arith.index_cast %while3A_468 : i32 to index
            %swap3A_489 = arith.constant 64 : index
            %swap3A_490 = tpu.vector_load %arg6[%swap3A_488, %swap3A_489] {strides = array<i32>} : memref<32x1024xf32, #tpu.memory_space<vmem>>, vector<1x16xf32>,
            %swap3A_491 = vector.shape_cast %swap3A_490 : vector<1x16xf32> to vector<16xf32>
            %swap3A_492 = vector.shape_cast %broadcast_in_dim3A_1 : vector<16xf32> to vector<1x16xf32>
            tpu.vector_store %arg6[%swap3A_488, %swap3A_489], %swap3A_492 {strides = array<i32>} : memref<32x1024xf32, #tpu.memory_space<vmem>>, vector<1x16xf32>,
            %swap3A_493 = arith.index_cast %while3A_468 : i32 to index
            %swap3A_494 = arith.constant 80 : index
            %swap3A_495 = tpu.vector_load %arg6[%swap3A_493, %swap3A_494] {strides = array<i32>} : memref<32x1024xf32, #tpu.memory_space<vmem>>, vector<1x16xf32>,
            %swap3A_496 = vector.shape_cast %swap3A_495 : vector<1x16xf32> to vector<16xf32>
            %swap3A_497 = vector.shape_cast %broadcast_in_dim3A_1 : vector<16xf32> to vector<1x16xf32>
            tpu.vector_store %arg6[%swap3A_493, %swap3A_494], %swap3A_497 {strides = array<i32>} : memref<32x1024xf32, #tpu.memory_space<vmem>>, vector<1x16xf32>,
            %swap3A_498 = arith.index_cast %while3A_468 : i32 to index
            %swap3A_499 = arith.constant 96 : index
            %swap3A_500 = tpu.vector_load %arg6[%swap3A_498, %swap3A_499] {strides = array<i32>} : memref<32x1024xf32, #tpu.memory_space<vmem>>, vector<1x16xf32>,
            %swap3A_501 = vector.shape_cast %swap3A_500 : vector<1x16xf32> to vector<16xf32>
            %swap3A_502 = vector.shape_cast %broadcast_in_dim3A_1 : vector<16xf32> to vector<1x16xf32>
            tpu.vector_store %arg6[%swap3A_498, %swap3A_499], %swap3A_502 {strides = array<i32>} : memref<32x1024xf32, #tpu.memory_space<vmem>>, vector<1x16xf32>,
            %swap3A_503 = arith.index_cast %while3A_468 : i32 to index
            %swap3A_504 = arith.constant 112 : index
            %swap3A_505 = tpu.vector_load %arg6[%swap3A_503, %swap3A_504] {strides = array<i32>} : memref<32x1024xf32, #tpu.memory_space<vmem>>, vector<1x16xf32>,
            %swap3A_506 = vector.shape_cast %swap3A_505 : vector<1x16xf32> to vector<16xf32>
            %swap3A_507 = vector.shape_cast %broadcast_in_dim3A_1 : vector<16xf32> to vector<1x16xf32>
            tpu.vector_store %arg6[%swap3A_503, %swap3A_504], %swap3A_507 {strides = array<i32>} : memref<32x1024xf32, #tpu.memory_space<vmem>>, vector<1x16xf32>,
            %swap3A_508 = arith.index_cast %while3A_468 : i32 to index
            %swap3A_509 = arith.constant 128 : index
            %swap3A_510 = tpu.vector_load %arg6[%swap3A_508, %swap3A_509] {strides = array<i32>} : memref<32x1024xf32, #tpu.memory_space<vmem>>, vector<1x16xf32>,
            %swap3A_511 = vector.shape_cast %swap3A_510 : vector<1x16xf32> to vector<16xf32>
            %swap3A_512 = vector.shape_cast %broadcast_in_dim3A_1 : vector<16xf32> to vector<1x16xf32>
            tpu.vector_store %arg6[%swap3A_508, %swap3A_509], %swap3A_512 {strides = array<i32>} : memref<32x1024xf32, #tpu.memory_space<vmem>>, vector<1x16xf32>,
            %swap3A_513 = arith.index_cast %while3A_468 : i32 to index
            %swap3A_514 = arith.constant 144 : index
            %swap3A_515 = tpu.vector_load %arg6[%swap3A_513, %swap3A_514] {strides = array<i32>} : memref<32x1024xf32, #tpu.memory_space<vmem>>, vector<1x16xf32>,
            %swap3A_516 = vector.shape_cast %swap3A_515 : vector<1x16xf32> to vector<16xf32>
            %swap3A_517 = vector.shape_cast %broadcast_in_dim3A_1 : vector<16xf32> to vector<1x16xf32>
            tpu.vector_store %arg6[%swap3A_513, %swap3A_514], %swap3A_517 {strides = array<i32>} : memref<32x1024xf32, #tpu.memory_space<vmem>>, vector<1x16xf32>,
            %swap3A_518 = arith.index_cast %while3A_468 : i32 to index
            %swap3A_519 = arith.constant 160 : index
            %swap3A_520 = tpu.vector_load %arg6[%swap3A_518, %swap3A_519] {strides = array<i32>} : memref<32x1024xf32, #tpu.memory_space<vmem>>, vector<1x16xf32>,
            %swap3A_521 = vector.shape_cast %swap3A_520 : vector<1x16xf32> to vector<16xf32>
            %swap3A_522 = vector.shape_cast %broadcast_in_dim3A_1 : vector<16xf32> to vector<1x16xf32>
            tpu.vector_store %arg6[%swap3A_518, %swap3A_519], %swap3A_522 {strides = array<i32>} : memref<32x1024xf32, #tpu.memory_space<vmem>>, vector<1x16xf32>,
            %swap3A_523 = arith.index_cast %while3A_468 : i32 to index
            %swap3A_524 = arith.constant 176 : index
            %swap3A_525 = tpu.vector_load %arg6[%swap3A_523, %swap3A_524] {strides = array<i32>} : memref<32x1024xf32, #tpu.memory_space<vmem>>, vector<1x16xf32>,
            %swap3A_526 = vector.shape_cast %swap3A_525 : vector<1x16xf32> to vector<16xf32>
            %swap3A_527 = vector.shape_cast %broadcast_in_dim3A_1 : vector<16xf32> to vector<1x16xf32>
            tpu.vector_store %arg6[%swap3A_523, %swap3A_524], %swap3A_527 {strides = array<i32>} : memref<32x1024xf32, #tpu.memory_space<vmem>>, vector<1x16xf32>,
            %swap3A_528 = arith.index_cast %while3A_468 : i32 to index
            %swap3A_529 = arith.constant 192 : index
            %swap3A_530 = tpu.vector_load %arg6[%swap3A_528, %swap3A_529] {strides = array<i32>} : memref<32x1024xf32, #tpu.memory_space<vmem>>, vector<1x16xf32>,
            %swap3A_531 = vector.shape_cast %swap3A_530 : vector<1x16xf32> to vector<16xf32>
            %swap3A_532 = vector.shape_cast %broadcast_in_dim3A_1 : vector<16xf32> to vector<1x16xf32>
            tpu.vector_store %arg6[%swap3A_528, %swap3A_529], %swap3A_532 {strides = array<i32>} : memref<32x1024xf32, #tpu.memory_space<vmem>>, vector<1x16xf32>,
            %swap3A_533 = arith.index_cast %while3A_468 : i32 to index
            %swap3A_534 = arith.constant 208 : index
            %swap3A_535 = tpu.vector_load %arg6[%swap3A_533, %swap3A_534] {strides = array<i32>} : memref<32x1024xf32, #tpu.memory_space<vmem>>, vector<1x16xf32>,
            %swap3A_536 = vector.shape_cast %swap3A_535 : vector<1x16xf32> to vector<16xf32>
            %swap3A_537 = vector.shape_cast %broadcast_in_dim3A_1 : vector<16xf32> to vector<1x16xf32>
            tpu.vector_store %arg6[%swap3A_533, %swap3A_534], %swap3A_537 {strides = array<i32>} : memref<32x1024xf32, #tpu.memory_space<vmem>>, vector<1x16xf32>,
            %swap3A_538 = arith.index_cast %while3A_468 : i32 to index
            %swap3A_539 = arith.constant 224 : index
            %swap3A_540 = tpu.vector_load %arg6[%swap3A_538, %swap3A_539] {strides = array<i32>} : memref<32x1024xf32, #tpu.memory_space<vmem>>, vector<1x16xf32>,
            %swap3A_541 = vector.shape_cast %swap3A_540 : vector<1x16xf32> to vector<16xf32>
            %swap3A_542 = vector.shape_cast %broadcast_in_dim3A_1 : vector<16xf32> to vector<1x16xf32>
            tpu.vector_store %arg6[%swap3A_538, %swap3A_539], %swap3A_542 {strides = array<i32>} : memref<32x1024xf32, #tpu.memory_space<vmem>>, vector<1x16xf32>,
            %swap3A_543 = arith.index_cast %while3A_468 : i32 to index
            %swap3A_544 = arith.constant 240 : index
            %swap3A_545 = tpu.vector_load %arg6[%swap3A_543, %swap3A_544] {strides = array<i32>} : memref<32x1024xf32, #tpu.memory_space<vmem>>, vector<1x16xf32>,
            %swap3A_546 = vector.shape_cast %swap3A_545 : vector<1x16xf32> to vector<16xf32>
            %swap3A_547 = vector.shape_cast %broadcast_in_dim3A_1 : vector<16xf32> to vector<1x16xf32>
            tpu.vector_store %arg6[%swap3A_543, %swap3A_544], %swap3A_547 {strides = array<i32>} : memref<32x1024xf32, #tpu.memory_space<vmem>>, vector<1x16xf32>,
            %swap3A_548 = arith.index_cast %while3A_468 : i32 to index
            %swap3A_549 = arith.constant 256 : index
            %swap3A_550 = tpu.vector_load %arg6[%swap3A_548, %swap3A_549] {strides = array<i32>} : memref<32x1024xf32, #tpu.memory_space<vmem>>, vector<1x16xf32>,
            %swap3A_551 = vector.shape_cast %swap3A_550 : vector<1x16xf32> to vector<16xf32>
            %swap3A_552 = vector.shape_cast %broadcast_in_dim3A_1 : vector<16xf32> to vector<1x16xf32>
            tpu.vector_store %arg6[%swap3A_548, %swap3A_549], %swap3A_552 {strides = array<i32>} : memref<32x1024xf32, #tpu.memory_space<vmem>>, vector<1x16xf32>,
            %swap3A_553 = arith.index_cast %while3A_468 : i32 to index
            %swap3A_554 = arith.constant 272 : index
            %swap3A_555 = tpu.vector_load %arg6[%swap3A_553, %swap3A_554] {strides = array<i32>} : memref<32x1024xf32, #tpu.memory_space<vmem>>, vector<1x16xf32>,
            %swap3A_556 = vector.shape_cast %swap3A_555 : vector<1x16xf32> to vector<16xf32>
            %swap3A_557 = vector.shape_cast %broadcast_in_dim3A_1 : vector<16xf32> to vector<1x16xf32>
            tpu.vector_store %arg6[%swap3A_553, %swap3A_554], %swap3A_557 {strides = array<i32>} : memref<32x1024xf32, #tpu.memory_space<vmem>>, vector<1x16xf32>,
            %swap3A_558 = arith.index_cast %while3A_468 : i32 to index
            %swap3A_559 = arith.constant 288 : index
            %swap3A_560 = tpu.vector_load %arg6[%swap3A_558, %swap3A_559] {strides = array<i32>} : memref<32x1024xf32, #tpu.memory_space<vmem>>, vector<1x16xf32>,
            %swap3A_561 = vector.shape_cast %swap3A_560 : vector<1x16xf32> to vector<16xf32>
            %swap3A_562 = vector.shape_cast %broadcast_in_dim3A_1 : vector<16xf32> to vector<1x16xf32>
            tpu.vector_store %arg6[%swap3A_558, %swap3A_559], %swap3A_562 {strides = array<i32>} : memref<32x1024xf32, #tpu.memory_space<vmem>>, vector<1x16xf32>,
            %swap3A_563 = arith.index_cast %while3A_468 : i32 to index
            %swap3A_564 = arith.constant 304 : index
            %swap3A_565 = tpu.vector_load %arg6[%swap3A_563, %swap3A_564] {strides = array<i32>} : memref<32x1024xf32, #tpu.memory_space<vmem>>, vector<1x16xf32>,
            %swap3A_566 = vector.shape_cast %swap3A_565 : vector<1x16xf32> to vector<16xf32>
            %swap3A_567 = vector.shape_cast %broadcast_in_dim3A_1 : vector<16xf32> to vector<1x16xf32>
            tpu.vector_store %arg6[%swap3A_563, %swap3A_564], %swap3A_567 {strides = array<i32>} : memref<32x1024xf32, #tpu.memory_space<vmem>>, vector<1x16xf32>,
            %swap3A_568 = arith.index_cast %while3A_468 : i32 to index
            %swap3A_569 = arith.constant 320 : index
            %swap3A_570 = tpu.vector_load %arg6[%swap3A_568, %swap3A_569] {strides = array<i32>} : memref<32x1024xf32, #tpu.memory_space<vmem>>, vector<1x16xf32>,
            %swap3A_571 = vector.shape_cast %swap3A_570 : vector<1x16xf32> to vector<16xf32>
            %swap3A_572 = vector.shape_cast %broadcast_in_dim3A_1 : vector<16xf32> to vector<1x16xf32>
            tpu.vector_store %arg6[%swap3A_568, %swap3A_569], %swap3A_572 {strides = array<i32>} : memref<32x1024xf32, #tpu.memory_space<vmem>>, vector<1x16xf32>,
            %swap3A_573 = arith.index_cast %while3A_468 : i32 to index
            %swap3A_574 = arith.constant 336 : index
            %swap3A_575 = tpu.vector_load %arg6[%swap3A_573, %swap3A_574] {strides = array<i32>} : memref<32x1024xf32, #tpu.memory_space<vmem>>, vector<1x16xf32>,
            %swap3A_576 = vector.shape_cast %swap3A_575 : vector<1x16xf32> to vector<16xf32>
            %swap3A_577 = vector.shape_cast %broadcast_in_dim3A_1 : vector<16xf32> to vector<1x16xf32>
            tpu.vector_store %arg6[%swap3A_573, %swap3A_574], %swap3A_577 {strides = array<i32>} : memref<32x1024xf32, #tpu.memory_space<vmem>>, vector<1x16xf32>,
            %swap3A_578 = arith.index_cast %while3A_468 : i32 to index
            %swap3A_579 = arith.constant 352 : index
            %swap3A_580 = tpu.vector_load %arg6[%swap3A_578, %swap3A_579] {strides = array<i32>} : memref<32x1024xf32, #tpu.memory_space<vmem>>, vector<1x16xf32>,
            %swap3A_581 = vector.shape_cast %swap3A_580 : vector<1x16xf32> to vector<16xf32>
            %swap3A_582 = vector.shape_cast %broadcast_in_dim3A_1 : vector<16xf32> to vector<1x16xf32>
            tpu.vector_store %arg6[%swap3A_578, %swap3A_579], %swap3A_582 {strides = array<i32>} : memref<32x1024xf32, #tpu.memory_space<vmem>>, vector<1x16xf32>,
            %swap3A_583 = arith.index_cast %while3A_468 : i32 to index
            %swap3A_584 = arith.constant 368 : index
            %swap3A_585 = tpu.vector_load %arg6[%swap3A_583, %swap3A_584] {strides = array<i32>} : memref<32x1024xf32, #tpu.memory_space<vmem>>, vector<1x16xf32>,
            %swap3A_586 = vector.shape_cast %swap3A_585 : vector<1x16xf32> to vector<16xf32>
            %swap3A_587 = vector.shape_cast %broadcast_in_dim3A_1 : vector<16xf32> to vector<1x16xf32>
            tpu.vector_store %arg6[%swap3A_583, %swap3A_584], %swap3A_587 {strides = array<i32>} : memref<32x1024xf32, #tpu.memory_space<vmem>>, vector<1x16xf32>,
            %swap3A_588 = arith.index_cast %while3A_468 : i32 to index
            %swap3A_589 = arith.constant 384 : index
            %swap3A_590 = tpu.vector_load %arg6[%swap3A_588, %swap3A_589] {strides = array<i32>} : memref<32x1024xf32, #tpu.memory_space<vmem>>, vector<1x16xf32>,
            %swap3A_591 = vector.shape_cast %swap3A_590 : vector<1x16xf32> to vector<16xf32>
            %swap3A_592 = vector.shape_cast %broadcast_in_dim3A_1 : vector<16xf32> to vector<1x16xf32>
            tpu.vector_store %arg6[%swap3A_588, %swap3A_589], %swap3A_592 {strides = array<i32>} : memref<32x1024xf32, #tpu.memory_space<vmem>>, vector<1x16xf32>,
            %swap3A_593 = arith.index_cast %while3A_468 : i32 to index
            %swap3A_594 = arith.constant 400 : index
            %swap3A_595 = tpu.vector_load %arg6[%swap3A_593, %swap3A_594] {strides = array<i32>} : memref<32x1024xf32, #tpu.memory_space<vmem>>, vector<1x16xf32>,
            %swap3A_596 = vector.shape_cast %swap3A_595 : vector<1x16xf32> to vector<16xf32>
            %swap3A_597 = vector.shape_cast %broadcast_in_dim3A_1 : vector<16xf32> to vector<1x16xf32>
            tpu.vector_store %arg6[%swap3A_593, %swap3A_594], %swap3A_597 {strides = array<i32>} : memref<32x1024xf32, #tpu.memory_space<vmem>>, vector<1x16xf32>,
            %swap3A_598 = arith.index_cast %while3A_468 : i32 to index
            %swap3A_599 = arith.constant 416 : index
            %swap3A_600 = tpu.vector_load %arg6[%swap3A_598, %swap3A_599] {strides = array<i32>} : memref<32x1024xf32, #tpu.memory_space<vmem>>, vector<1x16xf32>,
            %swap3A_601 = vector.shape_cast %swap3A_600 : vector<1x16xf32> to vector<16xf32>
            %swap3A_602 = vector.shape_cast %broadcast_in_dim3A_1 : vector<16xf32> to vector<1x16xf32>
            tpu.vector_store %arg6[%swap3A_598, %swap3A_599], %swap3A_602 {strides = array<i32>} : memref<32x1024xf32, #tpu.memory_space<vmem>>, vector<1x16xf32>,
            %swap3A_603 = arith.index_cast %while3A_468 : i32 to index
            %swap3A_604 = arith.constant 432 : index
            %swap3A_605 = tpu.vector_load %arg6[%swap3A_603, %swap3A_604] {strides = array<i32>} : memref<32x1024xf32, #tpu.memory_space<vmem>>, vector<1x16xf32>,
            %swap3A_606 = vector.shape_cast %swap3A_605 : vector<1x16xf32> to vector<16xf32>
            %swap3A_607 = vector.shape_cast %broadcast_in_dim3A_1 : vector<16xf32> to vector<1x16xf32>
            tpu.vector_store %arg6[%swap3A_603, %swap3A_604], %swap3A_607 {strides = array<i32>} : memref<32x1024xf32, #tpu.memory_space<vmem>>, vector<1x16xf32>,
            %swap3A_608 = arith.index_cast %while3A_468 : i32 to index
            %swap3A_609 = arith.constant 448 : index
            %swap3A_610 = tpu.vector_load %arg6[%swap3A_608, %swap3A_609] {strides = array<i32>} : memref<32x1024xf32, #tpu.memory_space<vmem>>, vector<1x16xf32>,
            %swap3A_611 = vector.shape_cast %swap3A_610 : vector<1x16xf32> to vector<16xf32>
            %swap3A_612 = vector.shape_cast %broadcast_in_dim3A_1 : vector<16xf32> to vector<1x16xf32>
            tpu.vector_store %arg6[%swap3A_608, %swap3A_609], %swap3A_612 {strides = array<i32>} : memref<32x1024xf32, #tpu.memory_space<vmem>>, vector<1x16xf32>,
            %swap3A_613 = arith.index_cast %while3A_468 : i32 to index
            %swap3A_614 = arith.constant 464 : index
            %swap3A_615 = tpu.vector_load %arg6[%swap3A_613, %swap3A_614] {strides = array<i32>} : memref<32x1024xf32, #tpu.memory_space<vmem>>, vector<1x16xf32>,
            %swap3A_616 = vector.shape_cast %swap3A_615 : vector<1x16xf32> to vector<16xf32>
            %swap3A_617 = vector.shape_cast %broadcast_in_dim3A_1 : vector<16xf32> to vector<1x16xf32>
            tpu.vector_store %arg6[%swap3A_613, %swap3A_614], %swap3A_617 {strides = array<i32>} : memref<32x1024xf32, #tpu.memory_space<vmem>>, vector<1x16xf32>,
            %swap3A_618 = arith.index_cast %while3A_468 : i32 to index
            %swap3A_619 = arith.constant 480 : index
            %swap3A_620 = tpu.vector_load %arg6[%swap3A_618, %swap3A_619] {strides = array<i32>} : memref<32x1024xf32, #tpu.memory_space<vmem>>, vector<1x16xf32>,
            %swap3A_621 = vector.shape_cast %swap3A_620 : vector<1x16xf32> to vector<16xf32>
            %swap3A_622 = vector.shape_cast %broadcast_in_dim3A_1 : vector<16xf32> to vector<1x16xf32>
            tpu.vector_store %arg6[%swap3A_618, %swap3A_619], %swap3A_622 {strides = array<i32>} : memref<32x1024xf32, #tpu.memory_space<vmem>>, vector<1x16xf32>,
            %swap3A_623 = arith.index_cast %while3A_468 : i32 to index
            %swap3A_624 = arith.constant 496 : index
            %swap3A_625 = tpu.vector_load %arg6[%swap3A_623, %swap3A_624] {strides = array<i32>} : memref<32x1024xf32, #tpu.memory_space<vmem>>, vector<1x16xf32>,
            %swap3A_626 = vector.shape_cast %swap3A_625 : vector<1x16xf32> to vector<16xf32>
            %swap3A_627 = vector.shape_cast %broadcast_in_dim3A_1 : vector<16xf32> to vector<1x16xf32>
            tpu.vector_store %arg6[%swap3A_623, %swap3A_624], %swap3A_627 {strides = array<i32>} : memref<32x1024xf32, #tpu.memory_space<vmem>>, vector<1x16xf32>,
            %swap3A_628 = arith.index_cast %while3A_468 : i32 to index
            %swap3A_629 = arith.constant 512 : index
            %swap3A_630 = tpu.vector_load %arg6[%swap3A_628, %swap3A_629] {strides = array<i32>} : memref<32x1024xf32, #tpu.memory_space<vmem>>, vector<1x16xf32>,
            %swap3A_631 = vector.shape_cast %swap3A_630 : vector<1x16xf32> to vector<16xf32>
            %swap3A_632 = vector.shape_cast %broadcast_in_dim3A_1 : vector<16xf32> to vector<1x16xf32>
            tpu.vector_store %arg6[%swap3A_628, %swap3A_629], %swap3A_632 {strides = array<i32>} : memref<32x1024xf32, #tpu.memory_space<vmem>>, vector<1x16xf32>,
            %swap3A_633 = arith.index_cast %while3A_468 : i32 to index
            %swap3A_634 = arith.constant 528 : index
            %swap3A_635 = tpu.vector_load %arg6[%swap3A_633, %swap3A_634] {strides = array<i32>} : memref<32x1024xf32, #tpu.memory_space<vmem>>, vector<1x16xf32>,
            %swap3A_636 = vector.shape_cast %swap3A_635 : vector<1x16xf32> to vector<16xf32>
            %swap3A_637 = vector.shape_cast %broadcast_in_dim3A_1 : vector<16xf32> to vector<1x16xf32>
            tpu.vector_store %arg6[%swap3A_633, %swap3A_634], %swap3A_637 {strides = array<i32>} : memref<32x1024xf32, #tpu.memory_space<vmem>>, vector<1x16xf32>,
            %swap3A_638 = arith.index_cast %while3A_468 : i32 to index
            %swap3A_639 = arith.constant 544 : index
            %swap3A_640 = tpu.vector_load %arg6[%swap3A_638, %swap3A_639] {strides = array<i32>} : memref<32x1024xf32, #tpu.memory_space<vmem>>, vector<1x16xf32>,
            %swap3A_641 = vector.shape_cast %swap3A_640 : vector<1x16xf32> to vector<16xf32>
            %swap3A_642 = vector.shape_cast %broadcast_in_dim3A_1 : vector<16xf32> to vector<1x16xf32>
            tpu.vector_store %arg6[%swap3A_638, %swap3A_639], %swap3A_642 {strides = array<i32>} : memref<32x1024xf32, #tpu.memory_space<vmem>>, vector<1x16xf32>,
            %swap3A_643 = arith.index_cast %while3A_468 : i32 to index
            %swap3A_644 = arith.constant 560 : index
            %swap3A_645 = tpu.vector_load %arg6[%swap3A_643, %swap3A_644] {strides = array<i32>} : memref<32x1024xf32, #tpu.memory_space<vmem>>, vector<1x16xf32>,
            %swap3A_646 = vector.shape_cast %swap3A_645 : vector<1x16xf32> to vector<16xf32>
            %swap3A_647 = vector.shape_cast %broadcast_in_dim3A_1 : vector<16xf32> to vector<1x16xf32>
            tpu.vector_store %arg6[%swap3A_643, %swap3A_644], %swap3A_647 {strides = array<i32>} : memref<32x1024xf32, #tpu.memory_space<vmem>>, vector<1x16xf32>,
            %swap3A_648 = arith.index_cast %while3A_468 : i32 to index
            %swap3A_649 = arith.constant 576 : index
            %swap3A_650 = tpu.vector_load %arg6[%swap3A_648, %swap3A_649] {strides = array<i32>} : memref<32x1024xf32, #tpu.memory_space<vmem>>, vector<1x16xf32>,
            %swap3A_651 = vector.shape_cast %swap3A_650 : vector<1x16xf32> to vector<16xf32>
            %swap3A_652 = vector.shape_cast %broadcast_in_dim3A_1 : vector<16xf32> to vector<1x16xf32>
            tpu.vector_store %arg6[%swap3A_648, %swap3A_649], %swap3A_652 {strides = array<i32>} : memref<32x1024xf32, #tpu.memory_space<vmem>>, vector<1x16xf32>,
            %swap3A_653 = arith.index_cast %while3A_468 : i32 to index
            %swap3A_654 = arith.constant 592 : index
            %swap3A_655 = tpu.vector_load %arg6[%swap3A_653, %swap3A_654] {strides = array<i32>} : memref<32x1024xf32, #tpu.memory_space<vmem>>, vector<1x16xf32>,
            %swap3A_656 = vector.shape_cast %swap3A_655 : vector<1x16xf32> to vector<16xf32>
            %swap3A_657 = vector.shape_cast %broadcast_in_dim3A_1 : vector<16xf32> to vector<1x16xf32>
            tpu.vector_store %arg6[%swap3A_653, %swap3A_654], %swap3A_657 {strides = array<i32>} : memref<32x1024xf32, #tpu.memory_space<vmem>>, vector<1x16xf32>,
            %swap3A_658 = arith.index_cast %while3A_468 : i32 to index
            %swap3A_659 = arith.constant 608 : index
            %swap3A_660 = tpu.vector_load %arg6[%swap3A_658, %swap3A_659] {strides = array<i32>} : memref<32x1024xf32, #tpu.memory_space<vmem>>, vector<1x16xf32>,
            %swap3A_661 = vector.shape_cast %swap3A_660 : vector<1x16xf32> to vector<16xf32>
            %swap3A_662 = vector.shape_cast %broadcast_in_dim3A_1 : vector<16xf32> to vector<1x16xf32>
            tpu.vector_store %arg6[%swap3A_658, %swap3A_659], %swap3A_662 {strides = array<i32>} : memref<32x1024xf32, #tpu.memory_space<vmem>>, vector<1x16xf32>,
            %swap3A_663 = arith.index_cast %while3A_468 : i32 to index
            %swap3A_664 = arith.constant 624 : index
            %swap3A_665 = tpu.vector_load %arg6[%swap3A_663, %swap3A_664] {strides = array<i32>} : memref<32x1024xf32, #tpu.memory_space<vmem>>, vector<1x16xf32>,
            %swap3A_666 = vector.shape_cast %swap3A_665 : vector<1x16xf32> to vector<16xf32>
            %swap3A_667 = vector.shape_cast %broadcast_in_dim3A_1 : vector<16xf32> to vector<1x16xf32>
            tpu.vector_store %arg6[%swap3A_663, %swap3A_664], %swap3A_667 {strides = array<i32>} : memref<32x1024xf32, #tpu.memory_space<vmem>>, vector<1x16xf32>,
            %swap3A_668 = arith.index_cast %while3A_468 : i32 to index
            %swap3A_669 = arith.constant 640 : index
            %swap3A_670 = tpu.vector_load %arg6[%swap3A_668, %swap3A_669] {strides = array<i32>} : memref<32x1024xf32, #tpu.memory_space<vmem>>, vector<1x16xf32>,
            %swap3A_671 = vector.shape_cast %swap3A_670 : vector<1x16xf32> to vector<16xf32>
            %swap3A_672 = vector.shape_cast %broadcast_in_dim3A_1 : vector<16xf32> to vector<1x16xf32>
            tpu.vector_store %arg6[%swap3A_668, %swap3A_669], %swap3A_672 {strides = array<i32>} : memref<32x1024xf32, #tpu.memory_space<vmem>>, vector<1x16xf32>,
            %swap3A_673 = arith.index_cast %while3A_468 : i32 to index
            %swap3A_674 = arith.constant 656 : index
            %swap3A_675 = tpu.vector_load %arg6[%swap3A_673, %swap3A_674] {strides = array<i32>} : memref<32x1024xf32, #tpu.memory_space<vmem>>, vector<1x16xf32>,
            %swap3A_676 = vector.shape_cast %swap3A_675 : vector<1x16xf32> to vector<16xf32>
            %swap3A_677 = vector.shape_cast %broadcast_in_dim3A_1 : vector<16xf32> to vector<1x16xf32>
            tpu.vector_store %arg6[%swap3A_673, %swap3A_674], %swap3A_677 {strides = array<i32>} : memref<32x1024xf32, #tpu.memory_space<vmem>>, vector<1x16xf32>,
            %swap3A_678 = arith.index_cast %while3A_468 : i32 to index
            %swap3A_679 = arith.constant 672 : index
            %swap3A_680 = tpu.vector_load %arg6[%swap3A_678, %swap3A_679] {strides = array<i32>} : memref<32x1024xf32, #tpu.memory_space<vmem>>, vector<1x16xf32>,
            %swap3A_681 = vector.shape_cast %swap3A_680 : vector<1x16xf32> to vector<16xf32>
            %swap3A_682 = vector.shape_cast %broadcast_in_dim3A_1 : vector<16xf32> to vector<1x16xf32>
            tpu.vector_store %arg6[%swap3A_678, %swap3A_679], %swap3A_682 {strides = array<i32>} : memref<32x1024xf32, #tpu.memory_space<vmem>>, vector<1x16xf32>,
            %swap3A_683 = arith.index_cast %while3A_468 : i32 to index
            %swap3A_684 = arith.constant 688 : index
            %swap3A_685 = tpu.vector_load %arg6[%swap3A_683, %swap3A_684] {strides = array<i32>} : memref<32x1024xf32, #tpu.memory_space<vmem>>, vector<1x16xf32>,
            %swap3A_686 = vector.shape_cast %swap3A_685 : vector<1x16xf32> to vector<16xf32>
            %swap3A_687 = vector.shape_cast %broadcast_in_dim3A_1 : vector<16xf32> to vector<1x16xf32>
            tpu.vector_store %arg6[%swap3A_683, %swap3A_684], %swap3A_687 {strides = array<i32>} : memref<32x1024xf32, #tpu.memory_space<vmem>>, vector<1x16xf32>,
            %swap3A_688 = arith.index_cast %while3A_468 : i32 to index
            %swap3A_689 = arith.constant 704 : index
            %swap3A_690 = tpu.vector_load %arg6[%swap3A_688, %swap3A_689] {strides = array<i32>} : memref<32x1024xf32, #tpu.memory_space<vmem>>, vector<1x16xf32>,
            %swap3A_691 = vector.shape_cast %swap3A_690 : vector<1x16xf32> to vector<16xf32>
            %swap3A_692 = vector.shape_cast %broadcast_in_dim3A_1 : vector<16xf32> to vector<1x16xf32>
            tpu.vector_store %arg6[%swap3A_688, %swap3A_689], %swap3A_692 {strides = array<i32>} : memref<32x1024xf32, #tpu.memory_space<vmem>>, vector<1x16xf32>,
            %swap3A_693 = arith.index_cast %while3A_468 : i32 to index
            %swap3A_694 = arith.constant 720 : index
            %swap3A_695 = tpu.vector_load %arg6[%swap3A_693, %swap3A_694] {strides = array<i32>} : memref<32x1024xf32, #tpu.memory_space<vmem>>, vector<1x16xf32>,
            %swap3A_696 = vector.shape_cast %swap3A_695 : vector<1x16xf32> to vector<16xf32>
            %swap3A_697 = vector.shape_cast %broadcast_in_dim3A_1 : vector<16xf32> to vector<1x16xf32>
            tpu.vector_store %arg6[%swap3A_693, %swap3A_694], %swap3A_697 {strides = array<i32>} : memref<32x1024xf32, #tpu.memory_space<vmem>>, vector<1x16xf32>,
            %swap3A_698 = arith.index_cast %while3A_468 : i32 to index
            %swap3A_699 = arith.constant 736 : index
            %swap3A_700 = tpu.vector_load %arg6[%swap3A_698, %swap3A_699] {strides = array<i32>} : memref<32x1024xf32, #tpu.memory_space<vmem>>, vector<1x16xf32>,
            %swap3A_701 = vector.shape_cast %swap3A_700 : vector<1x16xf32> to vector<16xf32>
            %swap3A_702 = vector.shape_cast %broadcast_in_dim3A_1 : vector<16xf32> to vector<1x16xf32>
            tpu.vector_store %arg6[%swap3A_698, %swap3A_699], %swap3A_702 {strides = array<i32>} : memref<32x1024xf32, #tpu.memory_space<vmem>>, vector<1x16xf32>,
            %swap3A_703 = arith.index_cast %while3A_468 : i32 to index
            %swap3A_704 = arith.constant 752 : index
            %swap3A_705 = tpu.vector_load %arg6[%swap3A_703, %swap3A_704] {strides = array<i32>} : memref<32x1024xf32, #tpu.memory_space<vmem>>, vector<1x16xf32>,
            %swap3A_706 = vector.shape_cast %swap3A_705 : vector<1x16xf32> to vector<16xf32>
            %swap3A_707 = vector.shape_cast %broadcast_in_dim3A_1 : vector<16xf32> to vector<1x16xf32>
            tpu.vector_store %arg6[%swap3A_703, %swap3A_704], %swap3A_707 {strides = array<i32>} : memref<32x1024xf32, #tpu.memory_space<vmem>>, vector<1x16xf32>,
            %swap3A_708 = arith.index_cast %while3A_468 : i32 to index
            %swap3A_709 = arith.constant 768 : index
            %swap3A_710 = tpu.vector_load %arg6[%swap3A_708, %swap3A_709] {strides = array<i32>} : memref<32x1024xf32, #tpu.memory_space<vmem>>, vector<1x16xf32>,
            %swap3A_711 = vector.shape_cast %swap3A_710 : vector<1x16xf32> to vector<16xf32>
            %swap3A_712 = vector.shape_cast %broadcast_in_dim3A_1 : vector<16xf32> to vector<1x16xf32>
            tpu.vector_store %arg6[%swap3A_708, %swap3A_709], %swap3A_712 {strides = array<i32>} : memref<32x1024xf32, #tpu.memory_space<vmem>>, vector<1x16xf32>,
            %swap3A_713 = arith.index_cast %while3A_468 : i32 to index
            %swap3A_714 = arith.constant 784 : index
            %swap3A_715 = tpu.vector_load %arg6[%swap3A_713, %swap3A_714] {strides = array<i32>} : memref<32x1024xf32, #tpu.memory_space<vmem>>, vector<1x16xf32>,
            %swap3A_716 = vector.shape_cast %swap3A_715 : vector<1x16xf32> to vector<16xf32>
            %swap3A_717 = vector.shape_cast %broadcast_in_dim3A_1 : vector<16xf32> to vector<1x16xf32>
            tpu.vector_store %arg6[%swap3A_713, %swap3A_714], %swap3A_717 {strides = array<i32>} : memref<32x1024xf32, #tpu.memory_space<vmem>>, vector<1x16xf32>,
            %swap3A_718 = arith.index_cast %while3A_468 : i32 to index
            %swap3A_719 = arith.constant 800 : index
            %swap3A_720 = tpu.vector_load %arg6[%swap3A_718, %swap3A_719] {strides = array<i32>} : memref<32x1024xf32, #tpu.memory_space<vmem>>, vector<1x16xf32>,
            %swap3A_721 = vector.shape_cast %swap3A_720 : vector<1x16xf32> to vector<16xf32>
            %swap3A_722 = vector.shape_cast %broadcast_in_dim3A_1 : vector<16xf32> to vector<1x16xf32>
            tpu.vector_store %arg6[%swap3A_718, %swap3A_719], %swap3A_722 {strides = array<i32>} : memref<32x1024xf32, #tpu.memory_space<vmem>>, vector<1x16xf32>,
            %swap3A_723 = arith.index_cast %while3A_468 : i32 to index
            %swap3A_724 = arith.constant 816 : index
            %swap3A_725 = tpu.vector_load %arg6[%swap3A_723, %swap3A_724] {strides = array<i32>} : memref<32x1024xf32, #tpu.memory_space<vmem>>, vector<1x16xf32>,
            %swap3A_726 = vector.shape_cast %swap3A_725 : vector<1x16xf32> to vector<16xf32>
            %swap3A_727 = vector.shape_cast %broadcast_in_dim3A_1 : vector<16xf32> to vector<1x16xf32>
            tpu.vector_store %arg6[%swap3A_723, %swap3A_724], %swap3A_727 {strides = array<i32>} : memref<32x1024xf32, #tpu.memory_space<vmem>>, vector<1x16xf32>,
            %swap3A_728 = arith.index_cast %while3A_468 : i32 to index
            %swap3A_729 = arith.constant 832 : index
            %swap3A_730 = tpu.vector_load %arg6[%swap3A_728, %swap3A_729] {strides = array<i32>} : memref<32x1024xf32, #tpu.memory_space<vmem>>, vector<1x16xf32>,
            %swap3A_731 = vector.shape_cast %swap3A_730 : vector<1x16xf32> to vector<16xf32>
            %swap3A_732 = vector.shape_cast %broadcast_in_dim3A_1 : vector<16xf32> to vector<1x16xf32>
            tpu.vector_store %arg6[%swap3A_728, %swap3A_729], %swap3A_732 {strides = array<i32>} : memref<32x1024xf32, #tpu.memory_space<vmem>>, vector<1x16xf32>,
            %swap3A_733 = arith.index_cast %while3A_468 : i32 to index
            %swap3A_734 = arith.constant 848 : index
            %swap3A_735 = tpu.vector_load %arg6[%swap3A_733, %swap3A_734] {strides = array<i32>} : memref<32x1024xf32, #tpu.memory_space<vmem>>, vector<1x16xf32>,
            %swap3A_736 = vector.shape_cast %swap3A_735 : vector<1x16xf32> to vector<16xf32>
            %swap3A_737 = vector.shape_cast %broadcast_in_dim3A_1 : vector<16xf32> to vector<1x16xf32>
            tpu.vector_store %arg6[%swap3A_733, %swap3A_734], %swap3A_737 {strides = array<i32>} : memref<32x1024xf32, #tpu.memory_space<vmem>>, vector<1x16xf32>,
            %swap3A_738 = arith.index_cast %while3A_468 : i32 to index
            %swap3A_739 = arith.constant 864 : index
            %swap3A_740 = tpu.vector_load %arg6[%swap3A_738, %swap3A_739] {strides = array<i32>} : memref<32x1024xf32, #tpu.memory_space<vmem>>, vector<1x16xf32>,
            %swap3A_741 = vector.shape_cast %swap3A_740 : vector<1x16xf32> to vector<16xf32>
            %swap3A_742 = vector.shape_cast %broadcast_in_dim3A_1 : vector<16xf32> to vector<1x16xf32>
            tpu.vector_store %arg6[%swap3A_738, %swap3A_739], %swap3A_742 {strides = array<i32>} : memref<32x1024xf32, #tpu.memory_space<vmem>>, vector<1x16xf32>,
            %swap3A_743 = arith.index_cast %while3A_468 : i32 to index
            %swap3A_744 = arith.constant 880 : index
            %swap3A_745 = tpu.vector_load %arg6[%swap3A_743, %swap3A_744] {strides = array<i32>} : memref<32x1024xf32, #tpu.memory_space<vmem>>, vector<1x16xf32>,
            %swap3A_746 = vector.shape_cast %swap3A_745 : vector<1x16xf32> to vector<16xf32>
            %swap3A_747 = vector.shape_cast %broadcast_in_dim3A_1 : vector<16xf32> to vector<1x16xf32>
            tpu.vector_store %arg6[%swap3A_743, %swap3A_744], %swap3A_747 {strides = array<i32>} : memref<32x1024xf32, #tpu.memory_space<vmem>>, vector<1x16xf32>,
            %swap3A_748 = arith.index_cast %while3A_468 : i32 to index
            %swap3A_749 = arith.constant 896 : index
            %swap3A_750 = tpu.vector_load %arg6[%swap3A_748, %swap3A_749] {strides = array<i32>} : memref<32x1024xf32, #tpu.memory_space<vmem>>, vector<1x16xf32>,
            %swap3A_751 = vector.shape_cast %swap3A_750 : vector<1x16xf32> to vector<16xf32>
            %swap3A_752 = vector.shape_cast %broadcast_in_dim3A_1 : vector<16xf32> to vector<1x16xf32>
            tpu.vector_store %arg6[%swap3A_748, %swap3A_749], %swap3A_752 {strides = array<i32>} : memref<32x1024xf32, #tpu.memory_space<vmem>>, vector<1x16xf32>,
            %swap3A_753 = arith.index_cast %while3A_468 : i32 to index
            %swap3A_754 = arith.constant 912 : index
            %swap3A_755 = tpu.vector_load %arg6[%swap3A_753, %swap3A_754] {strides = array<i32>} : memref<32x1024xf32, #tpu.memory_space<vmem>>, vector<1x16xf32>,
            %swap3A_756 = vector.shape_cast %swap3A_755 : vector<1x16xf32> to vector<16xf32>
            %swap3A_757 = vector.shape_cast %broadcast_in_dim3A_1 : vector<16xf32> to vector<1x16xf32>
            tpu.vector_store %arg6[%swap3A_753, %swap3A_754], %swap3A_757 {strides = array<i32>} : memref<32x1024xf32, #tpu.memory_space<vmem>>, vector<1x16xf32>,
            %swap3A_758 = arith.index_cast %while3A_468 : i32 to index
            %swap3A_759 = arith.constant 928 : index
            %swap3A_760 = tpu.vector_load %arg6[%swap3A_758, %swap3A_759] {strides = array<i32>} : memref<32x1024xf32, #tpu.memory_space<vmem>>, vector<1x16xf32>,
            %swap3A_761 = vector.shape_cast %swap3A_760 : vector<1x16xf32> to vector<16xf32>
            %swap3A_762 = vector.shape_cast %broadcast_in_dim3A_1 : vector<16xf32> to vector<1x16xf32>
            tpu.vector_store %arg6[%swap3A_758, %swap3A_759], %swap3A_762 {strides = array<i32>} : memref<32x1024xf32, #tpu.memory_space<vmem>>, vector<1x16xf32>,
            %swap3A_763 = arith.index_cast %while3A_468 : i32 to index
            %swap3A_764 = arith.constant 944 : index
            %swap3A_765 = tpu.vector_load %arg6[%swap3A_763, %swap3A_764] {strides = array<i32>} : memref<32x1024xf32, #tpu.memory_space<vmem>>, vector<1x16xf32>,
            %swap3A_766 = vector.shape_cast %swap3A_765 : vector<1x16xf32> to vector<16xf32>
            %swap3A_767 = vector.shape_cast %broadcast_in_dim3A_1 : vector<16xf32> to vector<1x16xf32>
            tpu.vector_store %arg6[%swap3A_763, %swap3A_764], %swap3A_767 {strides = array<i32>} : memref<32x1024xf32, #tpu.memory_space<vmem>>, vector<1x16xf32>,
            %swap3A_768 = arith.index_cast %while3A_468 : i32 to index
            %swap3A_769 = arith.constant 960 : index
            %swap3A_770 = tpu.vector_load %arg6[%swap3A_768, %swap3A_769] {strides = array<i32>} : memref<32x1024xf32, #tpu.memory_space<vmem>>, vector<1x16xf32>,
            %swap3A_771 = vector.shape_cast %swap3A_770 : vector<1x16xf32> to vector<16xf32>
            %swap3A_772 = vector.shape_cast %broadcast_in_dim3A_1 : vector<16xf32> to vector<1x16xf32>
            tpu.vector_store %arg6[%swap3A_768, %swap3A_769], %swap3A_772 {strides = array<i32>} : memref<32x1024xf32, #tpu.memory_space<vmem>>, vector<1x16xf32>,
            %swap3A_773 = arith.index_cast %while3A_468 : i32 to index
            %swap3A_774 = arith.constant 976 : index
            %swap3A_775 = tpu.vector_load %arg6[%swap3A_773, %swap3A_774] {strides = array<i32>} : memref<32x1024xf32, #tpu.memory_space<vmem>>, vector<1x16xf32>,
            %swap3A_776 = vector.shape_cast %swap3A_775 : vector<1x16xf32> to vector<16xf32>
            %swap3A_777 = vector.shape_cast %broadcast_in_dim3A_1 : vector<16xf32> to vector<1x16xf32>
            tpu.vector_store %arg6[%swap3A_773, %swap3A_774], %swap3A_777 {strides = array<i32>} : memref<32x1024xf32, #tpu.memory_space<vmem>>, vector<1x16xf32>,
            %swap3A_778 = arith.index_cast %while3A_468 : i32 to index
            %swap3A_779 = arith.constant 992 : index
            %swap3A_780 = tpu.vector_load %arg6[%swap3A_778, %swap3A_779] {strides = array<i32>} : memref<32x1024xf32, #tpu.memory_space<vmem>>, vector<1x16xf32>,
            %swap3A_781 = vector.shape_cast %swap3A_780 : vector<1x16xf32> to vector<16xf32>
            %swap3A_782 = vector.shape_cast %broadcast_in_dim3A_1 : vector<16xf32> to vector<1x16xf32>
            tpu.vector_store %arg6[%swap3A_778, %swap3A_779], %swap3A_782 {strides = array<i32>} : memref<32x1024xf32, #tpu.memory_space<vmem>>, vector<1x16xf32>,
            %swap3A_783 = arith.index_cast %while3A_468 : i32 to index
            %swap3A_784 = arith.constant 1008 : index
            %swap3A_785 = tpu.vector_load %arg6[%swap3A_783, %swap3A_784] {strides = array<i32>} : memref<32x1024xf32, #tpu.memory_space<vmem>>, vector<1x16xf32>,
            %swap3A_786 = vector.shape_cast %swap3A_785 : vector<1x16xf32> to vector<16xf32>
            %swap3A_787 = vector.shape_cast %broadcast_in_dim3A_1 : vector<16xf32> to vector<1x16xf32>
            tpu.vector_store %arg6[%swap3A_783, %swap3A_784], %swap3A_787 {strides = array<i32>} : memref<32x1024xf32, #tpu.memory_space<vmem>>, vector<1x16xf32>,
          }
          %multiple_of3A_462 = tpu.assume_multiple %mul3A_420, 8 : i32
          %dma_start3A = arith.constant 0 : i32
          %dma_start3A_463 = tpu.memref_slice %arg5[%min3A_418, %multiple_of3A_462, %dma_start3A] : memref<255x256x1024xf32, #tpu.memory_space<hbm>> -> memref<1x32x1024xf32, #tpu.memory_space<hbm>>
          %dma_start3A_464 = tpu.memref_squeeze %dma_start3A_463 : memref<1x32x1024xf32, #tpu.memory_space<hbm>> -> memref<32x1024xf32, #tpu.memory_space<hbm>>
          %dma_start3A_465 = arith.constant 0 : i32
          %dma_start3A_466 = tpu.memref_slice %arg5[%min3A_418, %multiple_of3A_462, %dma_start3A_465] : memref<255x256x1024xf32, #tpu.memory_space<hbm>> -> memref<1x32x1024xf32, #tpu.memory_space<hbm>>
          %dma_start3A_467 = tpu.memref_squeeze %dma_start3A_466 : memref<1x32x1024xf32, #tpu.memory_space<hbm>> -> memref<32x1024xf32, #tpu.memory_space<hbm>>
          tpu.enqueue_dma source(%arg6 : memref<32x1024xf32, #tpu.memory_space<vmem>>) target(%dma_start3A_467 : memref<32x1024xf32, #tpu.memory_space<hbm>>) target_semaphore(%arg10 : memref<!tpu.dma_semaphore, #tpu.memory_space<semaphore_mem>>)
        } else {
        }
        %add3A_429 = arith.constant 32 : i32
        %add3A_430 = arith.addi %mul3A_420, %add3A_429 : i32
        %sub3A_431 = arith.constant 1 : i32
        %sub3A_432 = arith.subi %add3A_430, %sub3A_431 : i32
        %ge3A_433 = arith.cmpi sge, %min3A_418, %sub3A_432 : i32
        %convert_element_type3A_434 = arith.extui %ge3A_433 : i1 to i32
        %cond3A_435 = arith.constant 0 : i32
        %cond3A_436 = arith.cmpi ne, %convert_element_type3A_434, %cond3A_435 : i32
        scf.if %cond3A_436 {
          %multiple_of3A_437 = tpu.assume_multiple %mul3A_420, 8 : i32
          %dma_start3A = arith.constant 0 : i32
          %dma_start3A_438 = tpu.memref_slice %arg5[%min3A_418, %multiple_of3A_437, %dma_start3A] : memref<255x256x1024xf32, #tpu.memory_space<hbm>> -> memref<1x32x1024xf32, #tpu.memory_space<hbm>>
          %dma_start3A_439 = tpu.memref_squeeze %dma_start3A_438 : memref<1x32x1024xf32, #tpu.memory_space<hbm>> -> memref<32x1024xf32, #tpu.memory_space<hbm>>
          %dma_start3A_440 = arith.constant 0 : i32
          %dma_start3A_441 = tpu.memref_slice %arg5[%min3A_418, %multiple_of3A_437, %dma_start3A_440] : memref<255x256x1024xf32, #tpu.memory_space<hbm>> -> memref<1x32x1024xf32, #tpu.memory_space<hbm>>
          %dma_start3A_442 = tpu.memref_squeeze %dma_start3A_441 : memref<1x32x1024xf32, #tpu.memory_space<hbm>> -> memref<32x1024xf32, #tpu.memory_space<hbm>>
          tpu.enqueue_dma source(%arg8 : memref<32x1024xf32, #tpu.memory_space<vmem>>) target(%dma_start3A_442 : memref<32x1024xf32, #tpu.memory_space<hbm>>) target_semaphore(%arg10 : memref<!tpu.dma_semaphore, #tpu.memory_space<semaphore_mem>>)
        } else {
        }
      } else {
      }
    }
    %while3A_11 = arith.constant 1 : i32
    scf.for %while3A_203 = %while3A_9 to %while3A_5 step %while3A_11  : i32 {
      %mul3A_204 = arith.constant 2 : i32
      %mul3A_205 = arith.muli %mul3A_204, %while3A_203 : i32
      %add3A_206 = arith.constant 0 : i32
      %add3A_207 = arith.addi %mul3A_205, %add3A_206 : i32
      %jit3A_208 = arith.constant 8 : i64
      %convert_element_type3A_209 = arith.trunci %jit3A_208 : i64 to i32
      %div3A_210 = arith.divsi %add3A_207, %convert_element_type3A_209 : i32
      %sign3A_211 = arith.constant 0 : i32
      %sign3A_212 = arith.cmpi sgt, %add3A_207, %sign3A_211 : i32
      %sign3A_213 = arith.extui %sign3A_212 : i1 to i32
      %sign3A_214 = arith.constant 0 : i32
      %sign3A_215 = arith.cmpi slt, %add3A_207, %sign3A_214 : i32
      %sign3A_216 = arith.extui %sign3A_215 : i1 to i32
      %sign3A_217 = arith.subi %sign3A_213, %sign3A_216 : i32
      %sign3A_218 = arith.constant 0 : i32
      %sign3A_219 = arith.cmpi sgt, %convert_element_type3A_209, %sign3A_218 : i32
      %sign3A_220 = arith.extui %sign3A_219 : i1 to i32
      %sign3A_221 = arith.constant 0 : i32
      %sign3A_222 = arith.cmpi slt, %convert_element_type3A_209, %sign3A_221 : i32
      %sign3A_223 = arith.extui %sign3A_222 : i1 to i32
      %sign3A_224 = arith.subi %sign3A_220, %sign3A_223 : i32
      %ne3A_225 = arith.cmpi ne, %sign3A_217, %sign3A_224 : i32
      %rem3A_226 = arith.remsi %add3A_207, %convert_element_type3A_209 : i32
      %ne3A_227 = arith.constant 0 : i32
      %ne3A_228 = arith.cmpi ne, %rem3A_226, %ne3A_227 : i32
      %and3A_229 = arith.andi %ne3A_225, %ne3A_228 : i1
      %sub3A_230 = arith.constant 1 : i32
      %sub3A_231 = arith.subi %div3A_210, %sub3A_230 : i32
      %select_n3A_232 = arith.select %and3A_229, %sub3A_231, %div3A_210 : i32
      %mul3A_233 = arith.constant 8 : i32
      %mul3A_234 = arith.muli %select_n3A_232, %mul3A_233 : i32
      %sub3A_235 = arith.subi %add3A_207, %mul3A_234 : i32
      %jit3A_236 = arith.constant 2 : i64
      %convert_element_type3A_237 = arith.trunci %jit3A_236 : i64 to i32
      %eq3A_238 = arith.constant 0 : i32
      %eq3A_239 = arith.cmpi eq, %convert_element_type3A_237, %eq3A_238 : i32
      %jit3A_240 = arith.constant 1 : i32
      %select_n3A_241 = arith.select %eq3A_239, %jit3A_240, %convert_element_type3A_237 : i32
      %rem3A_242 = arith.remsi %select_n3A_232, %select_n3A_241 : i32
      %ne3A_243 = arith.constant 0 : i32
      %ne3A_244 = arith.cmpi ne, %rem3A_242, %ne3A_243 : i32
      %lt3A_245 = arith.constant 0 : i32
      %lt3A_246 = arith.cmpi slt, %rem3A_242, %lt3A_245 : i32
      %lt3A_247 = arith.constant 0 : i32
      %lt3A_248 = arith.cmpi slt, %select_n3A_241, %lt3A_247 : i32
      %ne3A_249 = arith.xori %lt3A_246, %lt3A_248 : i1
      %and3A_250 = arith.andi %ne3A_249, %ne3A_244 : i1
      %add3A_251 = arith.addi %rem3A_242, %select_n3A_241 : i32
      %select_n3A_252 = arith.select %and3A_250, %add3A_251, %rem3A_242 : i32
      %eq3A_253 = arith.constant 0 : i32
      %eq3A_254 = arith.cmpi eq, %select_n3A_252, %eq3A_253 : i32
      %sub3A_255 = arith.constant 31 : i32
      %sub3A_256 = arith.subi %sub3A_255, %add3A : i32
      %select_n3A_257 = arith.select %eq3A_254, %add3A, %sub3A_256 : i32
      %mul3A_258 = arith.constant 32 : i32
      %mul3A_259 = arith.muli %mul3A_258, %select_n3A_232 : i32
      %add3A_260 = arith.addi %select_n3A_257, %mul3A_259 : i32
      %min3A_261 = arith.constant 254 : i32
      %min3A_262 = arith.minsi %add3A_260, %min3A_261 : i32
      %mul3A_263 = arith.constant 32 : i32
      %mul3A_264 = arith.muli %sub3A_235, %mul3A_263 : i32
      %ge3A_265 = arith.constant 2 : i32
      %ge3A_266 = arith.cmpi sge, %add3A_207, %ge3A_265 : i32
      %convert_element_type3A_267 = arith.extui %ge3A_266 : i1 to i32
      %cond3A_268 = arith.constant 0 : i32
      %cond3A_269 = arith.cmpi ne, %convert_element_type3A_267, %cond3A_268 : i32
      scf.if %cond3A_269 {
        %multiple_of3A_362 = tpu.assume_multiple %mul3A_264, 8 : i32
        %dma_wait3A_363 = arith.constant 0 : i32
        %dma_wait3A_364 = tpu.memref_slice %arg5[%min3A_262, %multiple_of3A_362, %dma_wait3A_363] : memref<255x256x1024xf32, #tpu.memory_space<hbm>> -> memref<1x32x1024xf32, #tpu.memory_space<hbm>>
        %dma_wait3A_365 = tpu.memref_squeeze %dma_wait3A_364 : memref<1x32x1024xf32, #tpu.memory_space<hbm>> -> memref<32x1024xf32, #tpu.memory_space<hbm>>
        %dma_wait3A_366 = arith.constant 0 : i32
        %dma_wait3A_367 = tpu.memref_slice %arg5[%min3A_262, %multiple_of3A_362, %dma_wait3A_366] : memref<255x256x1024xf32, #tpu.memory_space<hbm>> -> memref<1x32x1024xf32, #tpu.memory_space<hbm>>
        %dma_wait3A_368 = tpu.memref_squeeze %dma_wait3A_367 : memref<1x32x1024xf32, #tpu.memory_space<hbm>> -> memref<32x1024xf32, #tpu.memory_space<hbm>>
        tpu.wait_dma2 semaphore(%arg10 : memref<!tpu.dma_semaphore, #tpu.memory_space<semaphore_mem>>) src(%arg6 : memref<32x1024xf32, #tpu.memory_space<vmem>>) dst(%dma_wait3A_368 : memref<32x1024xf32, #tpu.memory_space<hbm>>)
      } else {
      }
      %add3A_270 = arith.constant 32 : i32
      %add3A_271 = arith.addi %mul3A_264, %add3A_270 : i32
      %sub3A_272 = arith.constant 1 : i32
      %sub3A_273 = arith.subi %add3A_271, %sub3A_272 : i32
      %lt3A_274 = arith.cmpi slt, %min3A_262, %sub3A_273 : i32
      %convert_element_type3A_275 = arith.extui %lt3A_274 : i1 to i32
      %cond3A_276 = arith.constant 0 : i32
      %cond3A_277 = arith.cmpi ne, %convert_element_type3A_275, %cond3A_276 : i32
      scf.if %cond3A_277 {
        %run_scoped3A = arith.constant 0 : i32
        "tpu.region"() ({
          %run_scoped3A_368 = tpu.sem_alloc : memref<!tpu.dma_semaphore, #tpu.memory_space<semaphore_mem>>
          %dma_start3A_369 = arith.constant 0 : i32
          %dma_start3A_370 = tpu.memref_slice %arg9[%run_scoped3A, %dma_start3A_369] : memref<2x32xi32, #tpu.memory_space<vmem>> -> memref<1x32xi32, #tpu.memory_space<vmem>>
          %dma_start3A_371 = tpu.memref_squeeze %dma_start3A_370 : memref<1x32xi32, #tpu.memory_space<vmem>> -> memref<32xi32, #tpu.memory_space<vmem>>
          %dma_start3A_372 = arith.constant 0 : i32
          %dma_start3A_373 = tpu.memref_slice %arg4[%add3A, %add3A_207, %dma_start3A_372] : memref<32x64x32xi32, #tpu.memory_space<hbm>> -> memref<1x1x32xi32, #tpu.memory_space<hbm>>
          %dma_start3A_374 = tpu.memref_squeeze %dma_start3A_373 : memref<1x1x32xi32, #tpu.memory_space<hbm>> -> memref<32xi32, #tpu.memory_space<hbm>>
          %dma_start3A_375 = arith.constant 0 : i32
          %dma_start3A_376 = tpu.memref_slice %arg9[%run_scoped3A, %dma_start3A_375] : memref<2x32xi32, #tpu.memory_space<vmem>> -> memref<1x32xi32, #tpu.memory_space<vmem>>
          %dma_start3A_377 = tpu.memref_squeeze %dma_start3A_376 : memref<1x32xi32, #tpu.memory_space<vmem>> -> memref<32xi32, #tpu.memory_space<vmem>>
          %dma_start3A_378 = arith.constant 0 : i32
          %dma_start3A_379 = tpu.memref_slice %arg4[%add3A, %add3A_207, %dma_start3A_378] : memref<32x64x32xi32, #tpu.memory_space<hbm>> -> memref<1x1x32xi32, #tpu.memory_space<hbm>>
          %dma_start3A_380 = tpu.memref_squeeze %dma_start3A_379 : memref<1x1x32xi32, #tpu.memory_space<hbm>> -> memref<32xi32, #tpu.memory_space<hbm>>
          tpu.enqueue_dma source(%dma_start3A_380 : memref<32xi32, #tpu.memory_space<hbm>>) target(%dma_start3A_377 : memref<32xi32, #tpu.memory_space<vmem>>) target_semaphore(%run_scoped3A_368 : memref<!tpu.dma_semaphore, #tpu.memory_space<semaphore_mem>>)
          %dma_wait3A_381 = arith.constant 0 : i32
          %dma_wait3A_382 = tpu.memref_slice %arg9[%run_scoped3A, %dma_wait3A_381] : memref<2x32xi32, #tpu.memory_space<vmem>> -> memref<1x32xi32, #tpu.memory_space<vmem>>
          %dma_wait3A_383 = tpu.memref_squeeze %dma_wait3A_382 : memref<1x32xi32, #tpu.memory_space<vmem>> -> memref<32xi32, #tpu.memory_space<vmem>>
          %dma_wait3A_384 = arith.constant 0 : i32
          %dma_wait3A_385 = tpu.memref_slice %arg4[%add3A, %add3A_207, %dma_wait3A_384] : memref<32x64x32xi32, #tpu.memory_space<hbm>> -> memref<1x1x32xi32, #tpu.memory_space<hbm>>
          %dma_wait3A_386 = tpu.memref_squeeze %dma_wait3A_385 : memref<1x1x32xi32, #tpu.memory_space<hbm>> -> memref<32xi32, #tpu.memory_space<hbm>>
          %dma_wait3A_387 = arith.constant 0 : i32
          %dma_wait3A_388 = tpu.memref_slice %arg9[%run_scoped3A, %dma_wait3A_387] : memref<2x32xi32, #tpu.memory_space<vmem>> -> memref<1x32xi32, #tpu.memory_space<vmem>>
          %dma_wait3A_389 = tpu.memref_squeeze %dma_wait3A_388 : memref<1x32xi32, #tpu.memory_space<vmem>> -> memref<32xi32, #tpu.memory_space<vmem>>
          %dma_wait3A_390 = arith.constant 0 : i32
          %dma_wait3A_391 = tpu.memref_slice %arg4[%add3A, %add3A_207, %dma_wait3A_390] : memref<32x64x32xi32, #tpu.memory_space<hbm>> -> memref<1x1x32xi32, #tpu.memory_space<hbm>>
          %dma_wait3A_392 = tpu.memref_squeeze %dma_wait3A_391 : memref<1x1x32xi32, #tpu.memory_space<hbm>> -> memref<32xi32, #tpu.memory_space<hbm>>
          tpu.wait_dma2 semaphore(%run_scoped3A_368 : memref<!tpu.dma_semaphore, #tpu.memory_space<semaphore_mem>>) src(%dma_wait3A_392 : memref<32xi32, #tpu.memory_space<hbm>>) dst(%dma_wait3A_389 : memref<32xi32, #tpu.memory_space<vmem>>)
          tpu.yield
        }) : () -> ()
        %dma_start3A = arith.constant 0 : i32
        %dma_start3A_362 = arith.constant 0 : i32
        %dma_start3A_363 = tpu.memref_slice %arg9[%dma_start3A, %dma_start3A_362] : memref<2x32xi32, #tpu.memory_space<vmem>> -> memref<1x32xi32, #tpu.memory_space<vmem>>
        %dma_start3A_364 = tpu.memref_squeeze %dma_start3A_363 : memref<1x32xi32, #tpu.memory_space<vmem>> -> memref<32xi32, #tpu.memory_space<vmem>>
        %dma_start3A_365 = arith.constant 0 : i32
        %dma_start3A_366 = arith.constant 0 : i32
        %dma_start3A_367 = tpu.memref_slice %arg2[%dma_start3A_365, %dma_start3A_366] : memref<32640x1024xf32, #tpu.memory_space<hbm>> -> memref<32640x1024xf32, #tpu.memory_space<hbm>>
        tpu.enqueue_indirect_dma source(%dma_start3A_367 : memref<32640x1024xf32, #tpu.memory_space<hbm>>) target(%arg6 : memref<32x1024xf32, #tpu.memory_space<vmem>>) offsets(%dma_start3A_364 : memref<32xi32, #tpu.memory_space<vmem>>) semaphore(%arg12 : memref<!tpu.dma_semaphore, #tpu.memory_space<semaphore_mem>>)
      } else {
      }
      %ge3A_278 = arith.constant 1 : i32
      %ge3A_279 = arith.cmpi sge, %add3A_207, %ge3A_278 : i32
      %convert_element_type3A_280 = arith.extui %ge3A_279 : i1 to i32
      %cond3A_281 = arith.constant 0 : i32
      %cond3A_282 = arith.cmpi ne, %convert_element_type3A_280, %cond3A_281 : i32
      scf.if %cond3A_282 {
        %sub3A_362 = arith.constant 1 : i32
        %sub3A_363 = arith.subi %add3A_207, %sub3A_362 : i32
        %jit3A_364 = arith.constant 8 : i64
        %convert_element_type3A_365 = arith.trunci %jit3A_364 : i64 to i32
        %div3A_366 = arith.divsi %sub3A_363, %convert_element_type3A_365 : i32
        %sign3A_367 = arith.constant 0 : i32
        %sign3A_368 = arith.cmpi sgt, %sub3A_363, %sign3A_367 : i32
        %sign3A_369 = arith.extui %sign3A_368 : i1 to i32
        %sign3A_370 = arith.constant 0 : i32
        %sign3A_371 = arith.cmpi slt, %sub3A_363, %sign3A_370 : i32
        %sign3A_372 = arith.extui %sign3A_371 : i1 to i32
        %sign3A_373 = arith.subi %sign3A_369, %sign3A_372 : i32
        %sign3A_374 = arith.constant 0 : i32
        %sign3A_375 = arith.cmpi sgt, %convert_element_type3A_365, %sign3A_374 : i32
        %sign3A_376 = arith.extui %sign3A_375 : i1 to i32
        %sign3A_377 = arith.constant 0 : i32
        %sign3A_378 = arith.cmpi slt, %convert_element_type3A_365, %sign3A_377 : i32
        %sign3A_379 = arith.extui %sign3A_378 : i1 to i32
        %sign3A_380 = arith.subi %sign3A_376, %sign3A_379 : i32
        %ne3A_381 = arith.cmpi ne, %sign3A_373, %sign3A_380 : i32
        %rem3A_382 = arith.remsi %sub3A_363, %convert_element_type3A_365 : i32
        %ne3A_383 = arith.constant 0 : i32
        %ne3A_384 = arith.cmpi ne, %rem3A_382, %ne3A_383 : i32
        %and3A_385 = arith.andi %ne3A_381, %ne3A_384 : i1
        %sub3A_386 = arith.constant 1 : i32
        %sub3A_387 = arith.subi %div3A_366, %sub3A_386 : i32
        %select_n3A_388 = arith.select %and3A_385, %sub3A_387, %div3A_366 : i32
        %mul3A_389 = arith.constant 8 : i32
        %mul3A_390 = arith.muli %select_n3A_388, %mul3A_389 : i32
        %sub3A_391 = arith.subi %sub3A_363, %mul3A_390 : i32
        %jit3A_392 = arith.constant 2 : i64
        %convert_element_type3A_393 = arith.trunci %jit3A_392 : i64 to i32
        %eq3A_394 = arith.constant 0 : i32
        %eq3A_395 = arith.cmpi eq, %convert_element_type3A_393, %eq3A_394 : i32
        %jit3A_396 = arith.constant 1 : i32
        %select_n3A_397 = arith.select %eq3A_395, %jit3A_396, %convert_element_type3A_393 : i32
        %rem3A_398 = arith.remsi %select_n3A_388, %select_n3A_397 : i32
        %ne3A_399 = arith.constant 0 : i32
        %ne3A_400 = arith.cmpi ne, %rem3A_398, %ne3A_399 : i32
        %lt3A_401 = arith.constant 0 : i32
        %lt3A_402 = arith.cmpi slt, %rem3A_398, %lt3A_401 : i32
        %lt3A_403 = arith.constant 0 : i32
        %lt3A_404 = arith.cmpi slt, %select_n3A_397, %lt3A_403 : i32
        %ne3A_405 = arith.xori %lt3A_402, %lt3A_404 : i1
        %and3A_406 = arith.andi %ne3A_405, %ne3A_400 : i1
        %add3A_407 = arith.addi %rem3A_398, %select_n3A_397 : i32
        %select_n3A_408 = arith.select %and3A_406, %add3A_407, %rem3A_398 : i32
        %eq3A_409 = arith.constant 0 : i32
        %eq3A_410 = arith.cmpi eq, %select_n3A_408, %eq3A_409 : i32
        %sub3A_411 = arith.constant 31 : i32
        %sub3A_412 = arith.subi %sub3A_411, %add3A : i32
        %select_n3A_413 = arith.select %eq3A_410, %add3A, %sub3A_412 : i32
        %mul3A_414 = arith.constant 32 : i32
        %mul3A_415 = arith.muli %mul3A_414, %select_n3A_388 : i32
        %add3A_416 = arith.addi %select_n3A_413, %mul3A_415 : i32
        %min3A_417 = arith.constant 254 : i32
        %min3A_418 = arith.minsi %add3A_416, %min3A_417 : i32
        %mul3A_419 = arith.constant 32 : i32
        %mul3A_420 = arith.muli %sub3A_391, %mul3A_419 : i32
        %add3A_421 = arith.constant 32 : i32
        %add3A_422 = arith.addi %mul3A_420, %add3A_421 : i32
        %sub3A_423 = arith.constant 1 : i32
        %sub3A_424 = arith.subi %add3A_422, %sub3A_423 : i32
        %lt3A_425 = arith.cmpi slt, %min3A_418, %sub3A_424 : i32
        %convert_element_type3A_426 = arith.extui %lt3A_425 : i1 to i32
        %cond3A_427 = arith.constant 0 : i32
        %cond3A_428 = arith.cmpi ne, %convert_element_type3A_426, %cond3A_427 : i32
        scf.if %cond3A_428 {
          %dma_wait3A_437 = arith.constant 1 : i32
          %dma_wait3A_438 = arith.constant 0 : i32
          %dma_wait3A_439 = tpu.memref_slice %arg9[%dma_wait3A_437, %dma_wait3A_438] : memref<2x32xi32, #tpu.memory_space<vmem>> -> memref<1x32xi32, #tpu.memory_space<vmem>>
          %dma_wait3A_440 = tpu.memref_squeeze %dma_wait3A_439 : memref<1x32xi32, #tpu.memory_space<vmem>> -> memref<32xi32, #tpu.memory_space<vmem>>
          %dma_wait3A_441 = arith.constant 0 : i32
          %dma_wait3A_442 = arith.constant 0 : i32
          %dma_wait3A_443 = tpu.memref_slice %arg2[%dma_wait3A_441, %dma_wait3A_442] : memref<32640x1024xf32, #tpu.memory_space<hbm>> -> memref<32640x1024xf32, #tpu.memory_space<hbm>>
          tpu.wait_indirect_dma semaphore(%arg13 : memref<!tpu.dma_semaphore, #tpu.memory_space<semaphore_mem>>) src(%dma_wait3A_443 : memref<32640x1024xf32, #tpu.memory_space<hbm>>) dst(%arg7 : memref<32x1024xf32, #tpu.memory_space<vmem>>)
          %sub3A_444 = arith.subi %min3A_418, %mul3A_420 : i32
          %add3A_445 = arith.constant 1 : i32
          %add3A_446 = arith.addi %sub3A_444, %add3A_445 : i32
          %jit3A_447 = arith.constant 0 : i64
          %jit3A_448 = arith.constant 32 : i64
          %convert_element_type3A_449 = arith.trunci %jit3A_447 : i64 to i32
          %max3A = arith.maxsi %convert_element_type3A_449, %add3A_446 : i32
          %convert_element_type3A_450 = arith.trunci %jit3A_448 : i64 to i32
          %min3A_451 = arith.minsi %convert_element_type3A_450, %max3A : i32
          %while3A_452 = arith.constant 0 : i32
          %while3A_453 = arith.constant 0 : i32
          %while3A_454 = arith.subi %min3A_451, %while3A_453 : i32
          %while3A_455 = arith.addi %while3A_453, %while3A_454 : i32
          %while3A_456 = arith.constant 1 : i32
          %while3A_457 = arith.divsi %while3A_454, %while3A_456 : i32
          %while3A_458 = arith.muli %while3A_457, %while3A_456 : i32
          %while3A_459 = arith.addi %while3A_453, %while3A_458 : i32
          %while3A_460 = arith.constant 1 : i32
          scf.for %while3A_468 = %while3A_453 to %while3A_459 step %while3A_460  : i32 {
            %swap3A = arith.index_cast %while3A_468 : i32 to index
            %swap3A_469 = arith.constant 0 : index
            %swap3A_470 = tpu.vector_load %arg7[%swap3A, %swap3A_469] {strides = array<i32>} : memref<32x1024xf32, #tpu.memory_space<vmem>>, vector<1x16xf32>,
            %swap3A_471 = vector.shape_cast %swap3A_470 : vector<1x16xf32> to vector<16xf32>
            %swap3A_472 = vector.shape_cast %broadcast_in_dim3A_1 : vector<16xf32> to vector<1x16xf32>
            tpu.vector_store %arg7[%swap3A, %swap3A_469], %swap3A_472 {strides = array<i32>} : memref<32x1024xf32, #tpu.memory_space<vmem>>, vector<1x16xf32>,
            %swap3A_473 = arith.index_cast %while3A_468 : i32 to index
            %swap3A_474 = arith.constant 16 : index
            %swap3A_475 = tpu.vector_load %arg7[%swap3A_473, %swap3A_474] {strides = array<i32>} : memref<32x1024xf32, #tpu.memory_space<vmem>>, vector<1x16xf32>,
            %swap3A_476 = vector.shape_cast %swap3A_475 : vector<1x16xf32> to vector<16xf32>
            %swap3A_477 = vector.shape_cast %broadcast_in_dim3A_1 : vector<16xf32> to vector<1x16xf32>
            tpu.vector_store %arg7[%swap3A_473, %swap3A_474], %swap3A_477 {strides = array<i32>} : memref<32x1024xf32, #tpu.memory_space<vmem>>, vector<1x16xf32>,
            %swap3A_478 = arith.index_cast %while3A_468 : i32 to index
            %swap3A_479 = arith.constant 32 : index
            %swap3A_480 = tpu.vector_load %arg7[%swap3A_478, %swap3A_479] {strides = array<i32>} : memref<32x1024xf32, #tpu.memory_space<vmem>>, vector<1x16xf32>,
            %swap3A_481 = vector.shape_cast %swap3A_480 : vector<1x16xf32> to vector<16xf32>
            %swap3A_482 = vector.shape_cast %broadcast_in_dim3A_1 : vector<16xf32> to vector<1x16xf32>
            tpu.vector_store %arg7[%swap3A_478, %swap3A_479], %swap3A_482 {strides = array<i32>} : memref<32x1024xf32, #tpu.memory_space<vmem>>, vector<1x16xf32>,
            %swap3A_483 = arith.index_cast %while3A_468 : i32 to index
            %swap3A_484 = arith.constant 48 : index
            %swap3A_485 = tpu.vector_load %arg7[%swap3A_483, %swap3A_484] {strides = array<i32>} : memref<32x1024xf32, #tpu.memory_space<vmem>>, vector<1x16xf32>,
            %swap3A_486 = vector.shape_cast %swap3A_485 : vector<1x16xf32> to vector<16xf32>
            %swap3A_487 = vector.shape_cast %broadcast_in_dim3A_1 : vector<16xf32> to vector<1x16xf32>
            tpu.vector_store %arg7[%swap3A_483, %swap3A_484], %swap3A_487 {strides = array<i32>} : memref<32x1024xf32, #tpu.memory_space<vmem>>, vector<1x16xf32>,
            %swap3A_488 = arith.index_cast %while3A_468 : i32 to index
            %swap3A_489 = arith.constant 64 : index
            %swap3A_490 = tpu.vector_load %arg7[%swap3A_488, %swap3A_489] {strides = array<i32>} : memref<32x1024xf32, #tpu.memory_space<vmem>>, vector<1x16xf32>,
            %swap3A_491 = vector.shape_cast %swap3A_490 : vector<1x16xf32> to vector<16xf32>
            %swap3A_492 = vector.shape_cast %broadcast_in_dim3A_1 : vector<16xf32> to vector<1x16xf32>
            tpu.vector_store %arg7[%swap3A_488, %swap3A_489], %swap3A_492 {strides = array<i32>} : memref<32x1024xf32, #tpu.memory_space<vmem>>, vector<1x16xf32>,
            %swap3A_493 = arith.index_cast %while3A_468 : i32 to index
            %swap3A_494 = arith.constant 80 : index
            %swap3A_495 = tpu.vector_load %arg7[%swap3A_493, %swap3A_494] {strides = array<i32>} : memref<32x1024xf32, #tpu.memory_space<vmem>>, vector<1x16xf32>,
            %swap3A_496 = vector.shape_cast %swap3A_495 : vector<1x16xf32> to vector<16xf32>
            %swap3A_497 = vector.shape_cast %broadcast_in_dim3A_1 : vector<16xf32> to vector<1x16xf32>
            tpu.vector_store %arg7[%swap3A_493, %swap3A_494], %swap3A_497 {strides = array<i32>} : memref<32x1024xf32, #tpu.memory_space<vmem>>, vector<1x16xf32>,
            %swap3A_498 = arith.index_cast %while3A_468 : i32 to index
            %swap3A_499 = arith.constant 96 : index
            %swap3A_500 = tpu.vector_load %arg7[%swap3A_498, %swap3A_499] {strides = array<i32>} : memref<32x1024xf32, #tpu.memory_space<vmem>>, vector<1x16xf32>,
            %swap3A_501 = vector.shape_cast %swap3A_500 : vector<1x16xf32> to vector<16xf32>
            %swap3A_502 = vector.shape_cast %broadcast_in_dim3A_1 : vector<16xf32> to vector<1x16xf32>
            tpu.vector_store %arg7[%swap3A_498, %swap3A_499], %swap3A_502 {strides = array<i32>} : memref<32x1024xf32, #tpu.memory_space<vmem>>, vector<1x16xf32>,
            %swap3A_503 = arith.index_cast %while3A_468 : i32 to index
            %swap3A_504 = arith.constant 112 : index
            %swap3A_505 = tpu.vector_load %arg7[%swap3A_503, %swap3A_504] {strides = array<i32>} : memref<32x1024xf32, #tpu.memory_space<vmem>>, vector<1x16xf32>,
            %swap3A_506 = vector.shape_cast %swap3A_505 : vector<1x16xf32> to vector<16xf32>
            %swap3A_507 = vector.shape_cast %broadcast_in_dim3A_1 : vector<16xf32> to vector<1x16xf32>
            tpu.vector_store %arg7[%swap3A_503, %swap3A_504], %swap3A_507 {strides = array<i32>} : memref<32x1024xf32, #tpu.memory_space<vmem>>, vector<1x16xf32>,
            %swap3A_508 = arith.index_cast %while3A_468 : i32 to index
            %swap3A_509 = arith.constant 128 : index
            %swap3A_510 = tpu.vector_load %arg7[%swap3A_508, %swap3A_509] {strides = array<i32>} : memref<32x1024xf32, #tpu.memory_space<vmem>>, vector<1x16xf32>,
            %swap3A_511 = vector.shape_cast %swap3A_510 : vector<1x16xf32> to vector<16xf32>
            %swap3A_512 = vector.shape_cast %broadcast_in_dim3A_1 : vector<16xf32> to vector<1x16xf32>
            tpu.vector_store %arg7[%swap3A_508, %swap3A_509], %swap3A_512 {strides = array<i32>} : memref<32x1024xf32, #tpu.memory_space<vmem>>, vector<1x16xf32>,
            %swap3A_513 = arith.index_cast %while3A_468 : i32 to index
            %swap3A_514 = arith.constant 144 : index
            %swap3A_515 = tpu.vector_load %arg7[%swap3A_513, %swap3A_514] {strides = array<i32>} : memref<32x1024xf32, #tpu.memory_space<vmem>>, vector<1x16xf32>,
            %swap3A_516 = vector.shape_cast %swap3A_515 : vector<1x16xf32> to vector<16xf32>
            %swap3A_517 = vector.shape_cast %broadcast_in_dim3A_1 : vector<16xf32> to vector<1x16xf32>
            tpu.vector_store %arg7[%swap3A_513, %swap3A_514], %swap3A_517 {strides = array<i32>} : memref<32x1024xf32, #tpu.memory_space<vmem>>, vector<1x16xf32>,
            %swap3A_518 = arith.index_cast %while3A_468 : i32 to index
            %swap3A_519 = arith.constant 160 : index
            %swap3A_520 = tpu.vector_load %arg7[%swap3A_518, %swap3A_519] {strides = array<i32>} : memref<32x1024xf32, #tpu.memory_space<vmem>>, vector<1x16xf32>,
            %swap3A_521 = vector.shape_cast %swap3A_520 : vector<1x16xf32> to vector<16xf32>
            %swap3A_522 = vector.shape_cast %broadcast_in_dim3A_1 : vector<16xf32> to vector<1x16xf32>
            tpu.vector_store %arg7[%swap3A_518, %swap3A_519], %swap3A_522 {strides = array<i32>} : memref<32x1024xf32, #tpu.memory_space<vmem>>, vector<1x16xf32>,
            %swap3A_523 = arith.index_cast %while3A_468 : i32 to index
            %swap3A_524 = arith.constant 176 : index
            %swap3A_525 = tpu.vector_load %arg7[%swap3A_523, %swap3A_524] {strides = array<i32>} : memref<32x1024xf32, #tpu.memory_space<vmem>>, vector<1x16xf32>,
            %swap3A_526 = vector.shape_cast %swap3A_525 : vector<1x16xf32> to vector<16xf32>
            %swap3A_527 = vector.shape_cast %broadcast_in_dim3A_1 : vector<16xf32> to vector<1x16xf32>
            tpu.vector_store %arg7[%swap3A_523, %swap3A_524], %swap3A_527 {strides = array<i32>} : memref<32x1024xf32, #tpu.memory_space<vmem>>, vector<1x16xf32>,
            %swap3A_528 = arith.index_cast %while3A_468 : i32 to index
            %swap3A_529 = arith.constant 192 : index
            %swap3A_530 = tpu.vector_load %arg7[%swap3A_528, %swap3A_529] {strides = array<i32>} : memref<32x1024xf32, #tpu.memory_space<vmem>>, vector<1x16xf32>,
            %swap3A_531 = vector.shape_cast %swap3A_530 : vector<1x16xf32> to vector<16xf32>
            %swap3A_532 = vector.shape_cast %broadcast_in_dim3A_1 : vector<16xf32> to vector<1x16xf32>
            tpu.vector_store %arg7[%swap3A_528, %swap3A_529], %swap3A_532 {strides = array<i32>} : memref<32x1024xf32, #tpu.memory_space<vmem>>, vector<1x16xf32>,
            %swap3A_533 = arith.index_cast %while3A_468 : i32 to index
            %swap3A_534 = arith.constant 208 : index
            %swap3A_535 = tpu.vector_load %arg7[%swap3A_533, %swap3A_534] {strides = array<i32>} : memref<32x1024xf32, #tpu.memory_space<vmem>>, vector<1x16xf32>,
            %swap3A_536 = vector.shape_cast %swap3A_535 : vector<1x16xf32> to vector<16xf32>
            %swap3A_537 = vector.shape_cast %broadcast_in_dim3A_1 : vector<16xf32> to vector<1x16xf32>
            tpu.vector_store %arg7[%swap3A_533, %swap3A_534], %swap3A_537 {strides = array<i32>} : memref<32x1024xf32, #tpu.memory_space<vmem>>, vector<1x16xf32>,
            %swap3A_538 = arith.index_cast %while3A_468 : i32 to index
            %swap3A_539 = arith.constant 224 : index
            %swap3A_540 = tpu.vector_load %arg7[%swap3A_538, %swap3A_539] {strides = array<i32>} : memref<32x1024xf32, #tpu.memory_space<vmem>>, vector<1x16xf32>,
            %swap3A_541 = vector.shape_cast %swap3A_540 : vector<1x16xf32> to vector<16xf32>
            %swap3A_542 = vector.shape_cast %broadcast_in_dim3A_1 : vector<16xf32> to vector<1x16xf32>
            tpu.vector_store %arg7[%swap3A_538, %swap3A_539], %swap3A_542 {strides = array<i32>} : memref<32x1024xf32, #tpu.memory_space<vmem>>, vector<1x16xf32>,
            %swap3A_543 = arith.index_cast %while3A_468 : i32 to index
            %swap3A_544 = arith.constant 240 : index
            %swap3A_545 = tpu.vector_load %arg7[%swap3A_543, %swap3A_544] {strides = array<i32>} : memref<32x1024xf32, #tpu.memory_space<vmem>>, vector<1x16xf32>,
            %swap3A_546 = vector.shape_cast %swap3A_545 : vector<1x16xf32> to vector<16xf32>
            %swap3A_547 = vector.shape_cast %broadcast_in_dim3A_1 : vector<16xf32> to vector<1x16xf32>
            tpu.vector_store %arg7[%swap3A_543, %swap3A_544], %swap3A_547 {strides = array<i32>} : memref<32x1024xf32, #tpu.memory_space<vmem>>, vector<1x16xf32>,
            %swap3A_548 = arith.index_cast %while3A_468 : i32 to index
            %swap3A_549 = arith.constant 256 : index
            %swap3A_550 = tpu.vector_load %arg7[%swap3A_548, %swap3A_549] {strides = array<i32>} : memref<32x1024xf32, #tpu.memory_space<vmem>>, vector<1x16xf32>,
            %swap3A_551 = vector.shape_cast %swap3A_550 : vector<1x16xf32> to vector<16xf32>
            %swap3A_552 = vector.shape_cast %broadcast_in_dim3A_1 : vector<16xf32> to vector<1x16xf32>
            tpu.vector_store %arg7[%swap3A_548, %swap3A_549], %swap3A_552 {strides = array<i32>} : memref<32x1024xf32, #tpu.memory_space<vmem>>, vector<1x16xf32>,
            %swap3A_553 = arith.index_cast %while3A_468 : i32 to index
            %swap3A_554 = arith.constant 272 : index
            %swap3A_555 = tpu.vector_load %arg7[%swap3A_553, %swap3A_554] {strides = array<i32>} : memref<32x1024xf32, #tpu.memory_space<vmem>>, vector<1x16xf32>,
            %swap3A_556 = vector.shape_cast %swap3A_555 : vector<1x16xf32> to vector<16xf32>
            %swap3A_557 = vector.shape_cast %broadcast_in_dim3A_1 : vector<16xf32> to vector<1x16xf32>
            tpu.vector_store %arg7[%swap3A_553, %swap3A_554], %swap3A_557 {strides = array<i32>} : memref<32x1024xf32, #tpu.memory_space<vmem>>, vector<1x16xf32>,
            %swap3A_558 = arith.index_cast %while3A_468 : i32 to index
            %swap3A_559 = arith.constant 288 : index
            %swap3A_560 = tpu.vector_load %arg7[%swap3A_558, %swap3A_559] {strides = array<i32>} : memref<32x1024xf32, #tpu.memory_space<vmem>>, vector<1x16xf32>,
            %swap3A_561 = vector.shape_cast %swap3A_560 : vector<1x16xf32> to vector<16xf32>
            %swap3A_562 = vector.shape_cast %broadcast_in_dim3A_1 : vector<16xf32> to vector<1x16xf32>
            tpu.vector_store %arg7[%swap3A_558, %swap3A_559], %swap3A_562 {strides = array<i32>} : memref<32x1024xf32, #tpu.memory_space<vmem>>, vector<1x16xf32>,
            %swap3A_563 = arith.index_cast %while3A_468 : i32 to index
            %swap3A_564 = arith.constant 304 : index
            %swap3A_565 = tpu.vector_load %arg7[%swap3A_563, %swap3A_564] {strides = array<i32>} : memref<32x1024xf32, #tpu.memory_space<vmem>>, vector<1x16xf32>,
            %swap3A_566 = vector.shape_cast %swap3A_565 : vector<1x16xf32> to vector<16xf32>
            %swap3A_567 = vector.shape_cast %broadcast_in_dim3A_1 : vector<16xf32> to vector<1x16xf32>
            tpu.vector_store %arg7[%swap3A_563, %swap3A_564], %swap3A_567 {strides = array<i32>} : memref<32x1024xf32, #tpu.memory_space<vmem>>, vector<1x16xf32>,
            %swap3A_568 = arith.index_cast %while3A_468 : i32 to index
            %swap3A_569 = arith.constant 320 : index
            %swap3A_570 = tpu.vector_load %arg7[%swap3A_568, %swap3A_569] {strides = array<i32>} : memref<32x1024xf32, #tpu.memory_space<vmem>>, vector<1x16xf32>,
            %swap3A_571 = vector.shape_cast %swap3A_570 : vector<1x16xf32> to vector<16xf32>
            %swap3A_572 = vector.shape_cast %broadcast_in_dim3A_1 : vector<16xf32> to vector<1x16xf32>
            tpu.vector_store %arg7[%swap3A_568, %swap3A_569], %swap3A_572 {strides = array<i32>} : memref<32x1024xf32, #tpu.memory_space<vmem>>, vector<1x16xf32>,
            %swap3A_573 = arith.index_cast %while3A_468 : i32 to index
            %swap3A_574 = arith.constant 336 : index
            %swap3A_575 = tpu.vector_load %arg7[%swap3A_573, %swap3A_574] {strides = array<i32>} : memref<32x1024xf32, #tpu.memory_space<vmem>>, vector<1x16xf32>,
            %swap3A_576 = vector.shape_cast %swap3A_575 : vector<1x16xf32> to vector<16xf32>
            %swap3A_577 = vector.shape_cast %broadcast_in_dim3A_1 : vector<16xf32> to vector<1x16xf32>
            tpu.vector_store %arg7[%swap3A_573, %swap3A_574], %swap3A_577 {strides = array<i32>} : memref<32x1024xf32, #tpu.memory_space<vmem>>, vector<1x16xf32>,
            %swap3A_578 = arith.index_cast %while3A_468 : i32 to index
            %swap3A_579 = arith.constant 352 : index
            %swap3A_580 = tpu.vector_load %arg7[%swap3A_578, %swap3A_579] {strides = array<i32>} : memref<32x1024xf32, #tpu.memory_space<vmem>>, vector<1x16xf32>,
            %swap3A_581 = vector.shape_cast %swap3A_580 : vector<1x16xf32> to vector<16xf32>
            %swap3A_582 = vector.shape_cast %broadcast_in_dim3A_1 : vector<16xf32> to vector<1x16xf32>
            tpu.vector_store %arg7[%swap3A_578, %swap3A_579], %swap3A_582 {strides = array<i32>} : memref<32x1024xf32, #tpu.memory_space<vmem>>, vector<1x16xf32>,
            %swap3A_583 = arith.index_cast %while3A_468 : i32 to index
            %swap3A_584 = arith.constant 368 : index
            %swap3A_585 = tpu.vector_load %arg7[%swap3A_583, %swap3A_584] {strides = array<i32>} : memref<32x1024xf32, #tpu.memory_space<vmem>>, vector<1x16xf32>,
            %swap3A_586 = vector.shape_cast %swap3A_585 : vector<1x16xf32> to vector<16xf32>
            %swap3A_587 = vector.shape_cast %broadcast_in_dim3A_1 : vector<16xf32> to vector<1x16xf32>
            tpu.vector_store %arg7[%swap3A_583, %swap3A_584], %swap3A_587 {strides = array<i32>} : memref<32x1024xf32, #tpu.memory_space<vmem>>, vector<1x16xf32>,
            %swap3A_588 = arith.index_cast %while3A_468 : i32 to index
            %swap3A_589 = arith.constant 384 : index
            %swap3A_590 = tpu.vector_load %arg7[%swap3A_588, %swap3A_589] {strides = array<i32>} : memref<32x1024xf32, #tpu.memory_space<vmem>>, vector<1x16xf32>,
            %swap3A_591 = vector.shape_cast %swap3A_590 : vector<1x16xf32> to vector<16xf32>
            %swap3A_592 = vector.shape_cast %broadcast_in_dim3A_1 : vector<16xf32> to vector<1x16xf32>
            tpu.vector_store %arg7[%swap3A_588, %swap3A_589], %swap3A_592 {strides = array<i32>} : memref<32x1024xf32, #tpu.memory_space<vmem>>, vector<1x16xf32>,
            %swap3A_593 = arith.index_cast %while3A_468 : i32 to index
            %swap3A_594 = arith.constant 400 : index
            %swap3A_595 = tpu.vector_load %arg7[%swap3A_593, %swap3A_594] {strides = array<i32>} : memref<32x1024xf32, #tpu.memory_space<vmem>>, vector<1x16xf32>,
            %swap3A_596 = vector.shape_cast %swap3A_595 : vector<1x16xf32> to vector<16xf32>
            %swap3A_597 = vector.shape_cast %broadcast_in_dim3A_1 : vector<16xf32> to vector<1x16xf32>
            tpu.vector_store %arg7[%swap3A_593, %swap3A_594], %swap3A_597 {strides = array<i32>} : memref<32x1024xf32, #tpu.memory_space<vmem>>, vector<1x16xf32>,
            %swap3A_598 = arith.index_cast %while3A_468 : i32 to index
            %swap3A_599 = arith.constant 416 : index
            %swap3A_600 = tpu.vector_load %arg7[%swap3A_598, %swap3A_599] {strides = array<i32>} : memref<32x1024xf32, #tpu.memory_space<vmem>>, vector<1x16xf32>,
            %swap3A_601 = vector.shape_cast %swap3A_600 : vector<1x16xf32> to vector<16xf32>
            %swap3A_602 = vector.shape_cast %broadcast_in_dim3A_1 : vector<16xf32> to vector<1x16xf32>
            tpu.vector_store %arg7[%swap3A_598, %swap3A_599], %swap3A_602 {strides = array<i32>} : memref<32x1024xf32, #tpu.memory_space<vmem>>, vector<1x16xf32>,
            %swap3A_603 = arith.index_cast %while3A_468 : i32 to index
            %swap3A_604 = arith.constant 432 : index
            %swap3A_605 = tpu.vector_load %arg7[%swap3A_603, %swap3A_604] {strides = array<i32>} : memref<32x1024xf32, #tpu.memory_space<vmem>>, vector<1x16xf32>,
            %swap3A_606 = vector.shape_cast %swap3A_605 : vector<1x16xf32> to vector<16xf32>
            %swap3A_607 = vector.shape_cast %broadcast_in_dim3A_1 : vector<16xf32> to vector<1x16xf32>
            tpu.vector_store %arg7[%swap3A_603, %swap3A_604], %swap3A_607 {strides = array<i32>} : memref<32x1024xf32, #tpu.memory_space<vmem>>, vector<1x16xf32>,
            %swap3A_608 = arith.index_cast %while3A_468 : i32 to index
            %swap3A_609 = arith.constant 448 : index
            %swap3A_610 = tpu.vector_load %arg7[%swap3A_608, %swap3A_609] {strides = array<i32>} : memref<32x1024xf32, #tpu.memory_space<vmem>>, vector<1x16xf32>,
            %swap3A_611 = vector.shape_cast %swap3A_610 : vector<1x16xf32> to vector<16xf32>
            %swap3A_612 = vector.shape_cast %broadcast_in_dim3A_1 : vector<16xf32> to vector<1x16xf32>
            tpu.vector_store %arg7[%swap3A_608, %swap3A_609], %swap3A_612 {strides = array<i32>} : memref<32x1024xf32, #tpu.memory_space<vmem>>, vector<1x16xf32>,
            %swap3A_613 = arith.index_cast %while3A_468 : i32 to index
            %swap3A_614 = arith.constant 464 : index
            %swap3A_615 = tpu.vector_load %arg7[%swap3A_613, %swap3A_614] {strides = array<i32>} : memref<32x1024xf32, #tpu.memory_space<vmem>>, vector<1x16xf32>,
            %swap3A_616 = vector.shape_cast %swap3A_615 : vector<1x16xf32> to vector<16xf32>
            %swap3A_617 = vector.shape_cast %broadcast_in_dim3A_1 : vector<16xf32> to vector<1x16xf32>
            tpu.vector_store %arg7[%swap3A_613, %swap3A_614], %swap3A_617 {strides = array<i32>} : memref<32x1024xf32, #tpu.memory_space<vmem>>, vector<1x16xf32>,
            %swap3A_618 = arith.index_cast %while3A_468 : i32 to index
            %swap3A_619 = arith.constant 480 : index
            %swap3A_620 = tpu.vector_load %arg7[%swap3A_618, %swap3A_619] {strides = array<i32>} : memref<32x1024xf32, #tpu.memory_space<vmem>>, vector<1x16xf32>,
            %swap3A_621 = vector.shape_cast %swap3A_620 : vector<1x16xf32> to vector<16xf32>
            %swap3A_622 = vector.shape_cast %broadcast_in_dim3A_1 : vector<16xf32> to vector<1x16xf32>
            tpu.vector_store %arg7[%swap3A_618, %swap3A_619], %swap3A_622 {strides = array<i32>} : memref<32x1024xf32, #tpu.memory_space<vmem>>, vector<1x16xf32>,
            %swap3A_623 = arith.index_cast %while3A_468 : i32 to index
            %swap3A_624 = arith.constant 496 : index
            %swap3A_625 = tpu.vector_load %arg7[%swap3A_623, %swap3A_624] {strides = array<i32>} : memref<32x1024xf32, #tpu.memory_space<vmem>>, vector<1x16xf32>,
            %swap3A_626 = vector.shape_cast %swap3A_625 : vector<1x16xf32> to vector<16xf32>
            %swap3A_627 = vector.shape_cast %broadcast_in_dim3A_1 : vector<16xf32> to vector<1x16xf32>
            tpu.vector_store %arg7[%swap3A_623, %swap3A_624], %swap3A_627 {strides = array<i32>} : memref<32x1024xf32, #tpu.memory_space<vmem>>, vector<1x16xf32>,
            %swap3A_628 = arith.index_cast %while3A_468 : i32 to index
            %swap3A_629 = arith.constant 512 : index
            %swap3A_630 = tpu.vector_load %arg7[%swap3A_628, %swap3A_629] {strides = array<i32>} : memref<32x1024xf32, #tpu.memory_space<vmem>>, vector<1x16xf32>,
            %swap3A_631 = vector.shape_cast %swap3A_630 : vector<1x16xf32> to vector<16xf32>
            %swap3A_632 = vector.shape_cast %broadcast_in_dim3A_1 : vector<16xf32> to vector<1x16xf32>
            tpu.vector_store %arg7[%swap3A_628, %swap3A_629], %swap3A_632 {strides = array<i32>} : memref<32x1024xf32, #tpu.memory_space<vmem>>, vector<1x16xf32>,
            %swap3A_633 = arith.index_cast %while3A_468 : i32 to index
            %swap3A_634 = arith.constant 528 : index
            %swap3A_635 = tpu.vector_load %arg7[%swap3A_633, %swap3A_634] {strides = array<i32>} : memref<32x1024xf32, #tpu.memory_space<vmem>>, vector<1x16xf32>,
            %swap3A_636 = vector.shape_cast %swap3A_635 : vector<1x16xf32> to vector<16xf32>
            %swap3A_637 = vector.shape_cast %broadcast_in_dim3A_1 : vector<16xf32> to vector<1x16xf32>
            tpu.vector_store %arg7[%swap3A_633, %swap3A_634], %swap3A_637 {strides = array<i32>} : memref<32x1024xf32, #tpu.memory_space<vmem>>, vector<1x16xf32>,
            %swap3A_638 = arith.index_cast %while3A_468 : i32 to index
            %swap3A_639 = arith.constant 544 : index
            %swap3A_640 = tpu.vector_load %arg7[%swap3A_638, %swap3A_639] {strides = array<i32>} : memref<32x1024xf32, #tpu.memory_space<vmem>>, vector<1x16xf32>,
            %swap3A_641 = vector.shape_cast %swap3A_640 : vector<1x16xf32> to vector<16xf32>
            %swap3A_642 = vector.shape_cast %broadcast_in_dim3A_1 : vector<16xf32> to vector<1x16xf32>
            tpu.vector_store %arg7[%swap3A_638, %swap3A_639], %swap3A_642 {strides = array<i32>} : memref<32x1024xf32, #tpu.memory_space<vmem>>, vector<1x16xf32>,
            %swap3A_643 = arith.index_cast %while3A_468 : i32 to index
            %swap3A_644 = arith.constant 560 : index
            %swap3A_645 = tpu.vector_load %arg7[%swap3A_643, %swap3A_644] {strides = array<i32>} : memref<32x1024xf32, #tpu.memory_space<vmem>>, vector<1x16xf32>,
            %swap3A_646 = vector.shape_cast %swap3A_645 : vector<1x16xf32> to vector<16xf32>
            %swap3A_647 = vector.shape_cast %broadcast_in_dim3A_1 : vector<16xf32> to vector<1x16xf32>
            tpu.vector_store %arg7[%swap3A_643, %swap3A_644], %swap3A_647 {strides = array<i32>} : memref<32x1024xf32, #tpu.memory_space<vmem>>, vector<1x16xf32>,
            %swap3A_648 = arith.index_cast %while3A_468 : i32 to index
            %swap3A_649 = arith.constant 576 : index
            %swap3A_650 = tpu.vector_load %arg7[%swap3A_648, %swap3A_649] {strides = array<i32>} : memref<32x1024xf32, #tpu.memory_space<vmem>>, vector<1x16xf32>,
            %swap3A_651 = vector.shape_cast %swap3A_650 : vector<1x16xf32> to vector<16xf32>
            %swap3A_652 = vector.shape_cast %broadcast_in_dim3A_1 : vector<16xf32> to vector<1x16xf32>
            tpu.vector_store %arg7[%swap3A_648, %swap3A_649], %swap3A_652 {strides = array<i32>} : memref<32x1024xf32, #tpu.memory_space<vmem>>, vector<1x16xf32>,
            %swap3A_653 = arith.index_cast %while3A_468 : i32 to index
            %swap3A_654 = arith.constant 592 : index
            %swap3A_655 = tpu.vector_load %arg7[%swap3A_653, %swap3A_654] {strides = array<i32>} : memref<32x1024xf32, #tpu.memory_space<vmem>>, vector<1x16xf32>,
            %swap3A_656 = vector.shape_cast %swap3A_655 : vector<1x16xf32> to vector<16xf32>
            %swap3A_657 = vector.shape_cast %broadcast_in_dim3A_1 : vector<16xf32> to vector<1x16xf32>
            tpu.vector_store %arg7[%swap3A_653, %swap3A_654], %swap3A_657 {strides = array<i32>} : memref<32x1024xf32, #tpu.memory_space<vmem>>, vector<1x16xf32>,
            %swap3A_658 = arith.index_cast %while3A_468 : i32 to index
            %swap3A_659 = arith.constant 608 : index
            %swap3A_660 = tpu.vector_load %arg7[%swap3A_658, %swap3A_659] {strides = array<i32>} : memref<32x1024xf32, #tpu.memory_space<vmem>>, vector<1x16xf32>,
            %swap3A_661 = vector.shape_cast %swap3A_660 : vector<1x16xf32> to vector<16xf32>
            %swap3A_662 = vector.shape_cast %broadcast_in_dim3A_1 : vector<16xf32> to vector<1x16xf32>
            tpu.vector_store %arg7[%swap3A_658, %swap3A_659], %swap3A_662 {strides = array<i32>} : memref<32x1024xf32, #tpu.memory_space<vmem>>, vector<1x16xf32>,
            %swap3A_663 = arith.index_cast %while3A_468 : i32 to index
            %swap3A_664 = arith.constant 624 : index
            %swap3A_665 = tpu.vector_load %arg7[%swap3A_663, %swap3A_664] {strides = array<i32>} : memref<32x1024xf32, #tpu.memory_space<vmem>>, vector<1x16xf32>,
            %swap3A_666 = vector.shape_cast %swap3A_665 : vector<1x16xf32> to vector<16xf32>
            %swap3A_667 = vector.shape_cast %broadcast_in_dim3A_1 : vector<16xf32> to vector<1x16xf32>
            tpu.vector_store %arg7[%swap3A_663, %swap3A_664], %swap3A_667 {strides = array<i32>} : memref<32x1024xf32, #tpu.memory_space<vmem>>, vector<1x16xf32>,
            %swap3A_668 = arith.index_cast %while3A_468 : i32 to index
            %swap3A_669 = arith.constant 640 : index
            %swap3A_670 = tpu.vector_load %arg7[%swap3A_668, %swap3A_669] {strides = array<i32>} : memref<32x1024xf32, #tpu.memory_space<vmem>>, vector<1x16xf32>,
            %swap3A_671 = vector.shape_cast %swap3A_670 : vector<1x16xf32> to vector<16xf32>
            %swap3A_672 = vector.shape_cast %broadcast_in_dim3A_1 : vector<16xf32> to vector<1x16xf32>
            tpu.vector_store %arg7[%swap3A_668, %swap3A_669], %swap3A_672 {strides = array<i32>} : memref<32x1024xf32, #tpu.memory_space<vmem>>, vector<1x16xf32>,
            %swap3A_673 = arith.index_cast %while3A_468 : i32 to index
            %swap3A_674 = arith.constant 656 : index
            %swap3A_675 = tpu.vector_load %arg7[%swap3A_673, %swap3A_674] {strides = array<i32>} : memref<32x1024xf32, #tpu.memory_space<vmem>>, vector<1x16xf32>,
            %swap3A_676 = vector.shape_cast %swap3A_675 : vector<1x16xf32> to vector<16xf32>
            %swap3A_677 = vector.shape_cast %broadcast_in_dim3A_1 : vector<16xf32> to vector<1x16xf32>
            tpu.vector_store %arg7[%swap3A_673, %swap3A_674], %swap3A_677 {strides = array<i32>} : memref<32x1024xf32, #tpu.memory_space<vmem>>, vector<1x16xf32>,
            %swap3A_678 = arith.index_cast %while3A_468 : i32 to index
            %swap3A_679 = arith.constant 672 : index
            %swap3A_680 = tpu.vector_load %arg7[%swap3A_678, %swap3A_679] {strides = array<i32>} : memref<32x1024xf32, #tpu.memory_space<vmem>>, vector<1x16xf32>,
            %swap3A_681 = vector.shape_cast %swap3A_680 : vector<1x16xf32> to vector<16xf32>
            %swap3A_682 = vector.shape_cast %broadcast_in_dim3A_1 : vector<16xf32> to vector<1x16xf32>
            tpu.vector_store %arg7[%swap3A_678, %swap3A_679], %swap3A_682 {strides = array<i32>} : memref<32x1024xf32, #tpu.memory_space<vmem>>, vector<1x16xf32>,
            %swap3A_683 = arith.index_cast %while3A_468 : i32 to index
            %swap3A_684 = arith.constant 688 : index
            %swap3A_685 = tpu.vector_load %arg7[%swap3A_683, %swap3A_684] {strides = array<i32>} : memref<32x1024xf32, #tpu.memory_space<vmem>>, vector<1x16xf32>,
            %swap3A_686 = vector.shape_cast %swap3A_685 : vector<1x16xf32> to vector<16xf32>
            %swap3A_687 = vector.shape_cast %broadcast_in_dim3A_1 : vector<16xf32> to vector<1x16xf32>
            tpu.vector_store %arg7[%swap3A_683, %swap3A_684], %swap3A_687 {strides = array<i32>} : memref<32x1024xf32, #tpu.memory_space<vmem>>, vector<1x16xf32>,
            %swap3A_688 = arith.index_cast %while3A_468 : i32 to index
            %swap3A_689 = arith.constant 704 : index
            %swap3A_690 = tpu.vector_load %arg7[%swap3A_688, %swap3A_689] {strides = array<i32>} : memref<32x1024xf32, #tpu.memory_space<vmem>>, vector<1x16xf32>,
            %swap3A_691 = vector.shape_cast %swap3A_690 : vector<1x16xf32> to vector<16xf32>
            %swap3A_692 = vector.shape_cast %broadcast_in_dim3A_1 : vector<16xf32> to vector<1x16xf32>
            tpu.vector_store %arg7[%swap3A_688, %swap3A_689], %swap3A_692 {strides = array<i32>} : memref<32x1024xf32, #tpu.memory_space<vmem>>, vector<1x16xf32>,
            %swap3A_693 = arith.index_cast %while3A_468 : i32 to index
            %swap3A_694 = arith.constant 720 : index
            %swap3A_695 = tpu.vector_load %arg7[%swap3A_693, %swap3A_694] {strides = array<i32>} : memref<32x1024xf32, #tpu.memory_space<vmem>>, vector<1x16xf32>,
            %swap3A_696 = vector.shape_cast %swap3A_695 : vector<1x16xf32> to vector<16xf32>
            %swap3A_697 = vector.shape_cast %broadcast_in_dim3A_1 : vector<16xf32> to vector<1x16xf32>
            tpu.vector_store %arg7[%swap3A_693, %swap3A_694], %swap3A_697 {strides = array<i32>} : memref<32x1024xf32, #tpu.memory_space<vmem>>, vector<1x16xf32>,
            %swap3A_698 = arith.index_cast %while3A_468 : i32 to index
            %swap3A_699 = arith.constant 736 : index
            %swap3A_700 = tpu.vector_load %arg7[%swap3A_698, %swap3A_699] {strides = array<i32>} : memref<32x1024xf32, #tpu.memory_space<vmem>>, vector<1x16xf32>,
            %swap3A_701 = vector.shape_cast %swap3A_700 : vector<1x16xf32> to vector<16xf32>
            %swap3A_702 = vector.shape_cast %broadcast_in_dim3A_1 : vector<16xf32> to vector<1x16xf32>
            tpu.vector_store %arg7[%swap3A_698, %swap3A_699], %swap3A_702 {strides = array<i32>} : memref<32x1024xf32, #tpu.memory_space<vmem>>, vector<1x16xf32>,
            %swap3A_703 = arith.index_cast %while3A_468 : i32 to index
            %swap3A_704 = arith.constant 752 : index
            %swap3A_705 = tpu.vector_load %arg7[%swap3A_703, %swap3A_704] {strides = array<i32>} : memref<32x1024xf32, #tpu.memory_space<vmem>>, vector<1x16xf32>,
            %swap3A_706 = vector.shape_cast %swap3A_705 : vector<1x16xf32> to vector<16xf32>
            %swap3A_707 = vector.shape_cast %broadcast_in_dim3A_1 : vector<16xf32> to vector<1x16xf32>
            tpu.vector_store %arg7[%swap3A_703, %swap3A_704], %swap3A_707 {strides = array<i32>} : memref<32x1024xf32, #tpu.memory_space<vmem>>, vector<1x16xf32>,
            %swap3A_708 = arith.index_cast %while3A_468 : i32 to index
            %swap3A_709 = arith.constant 768 : index
            %swap3A_710 = tpu.vector_load %arg7[%swap3A_708, %swap3A_709] {strides = array<i32>} : memref<32x1024xf32, #tpu.memory_space<vmem>>, vector<1x16xf32>,
            %swap3A_711 = vector.shape_cast %swap3A_710 : vector<1x16xf32> to vector<16xf32>
            %swap3A_712 = vector.shape_cast %broadcast_in_dim3A_1 : vector<16xf32> to vector<1x16xf32>
            tpu.vector_store %arg7[%swap3A_708, %swap3A_709], %swap3A_712 {strides = array<i32>} : memref<32x1024xf32, #tpu.memory_space<vmem>>, vector<1x16xf32>,
            %swap3A_713 = arith.index_cast %while3A_468 : i32 to index
            %swap3A_714 = arith.constant 784 : index
            %swap3A_715 = tpu.vector_load %arg7[%swap3A_713, %swap3A_714] {strides = array<i32>} : memref<32x1024xf32, #tpu.memory_space<vmem>>, vector<1x16xf32>,
            %swap3A_716 = vector.shape_cast %swap3A_715 : vector<1x16xf32> to vector<16xf32>
            %swap3A_717 = vector.shape_cast %broadcast_in_dim3A_1 : vector<16xf32> to vector<1x16xf32>
            tpu.vector_store %arg7[%swap3A_713, %swap3A_714], %swap3A_717 {strides = array<i32>} : memref<32x1024xf32, #tpu.memory_space<vmem>>, vector<1x16xf32>,
            %swap3A_718 = arith.index_cast %while3A_468 : i32 to index
            %swap3A_719 = arith.constant 800 : index
            %swap3A_720 = tpu.vector_load %arg7[%swap3A_718, %swap3A_719] {strides = array<i32>} : memref<32x1024xf32, #tpu.memory_space<vmem>>, vector<1x16xf32>,
            %swap3A_721 = vector.shape_cast %swap3A_720 : vector<1x16xf32> to vector<16xf32>
            %swap3A_722 = vector.shape_cast %broadcast_in_dim3A_1 : vector<16xf32> to vector<1x16xf32>
            tpu.vector_store %arg7[%swap3A_718, %swap3A_719], %swap3A_722 {strides = array<i32>} : memref<32x1024xf32, #tpu.memory_space<vmem>>, vector<1x16xf32>,
            %swap3A_723 = arith.index_cast %while3A_468 : i32 to index
            %swap3A_724 = arith.constant 816 : index
            %swap3A_725 = tpu.vector_load %arg7[%swap3A_723, %swap3A_724] {strides = array<i32>} : memref<32x1024xf32, #tpu.memory_space<vmem>>, vector<1x16xf32>,
            %swap3A_726 = vector.shape_cast %swap3A_725 : vector<1x16xf32> to vector<16xf32>
            %swap3A_727 = vector.shape_cast %broadcast_in_dim3A_1 : vector<16xf32> to vector<1x16xf32>
            tpu.vector_store %arg7[%swap3A_723, %swap3A_724], %swap3A_727 {strides = array<i32>} : memref<32x1024xf32, #tpu.memory_space<vmem>>, vector<1x16xf32>,
            %swap3A_728 = arith.index_cast %while3A_468 : i32 to index
            %swap3A_729 = arith.constant 832 : index
            %swap3A_730 = tpu.vector_load %arg7[%swap3A_728, %swap3A_729] {strides = array<i32>} : memref<32x1024xf32, #tpu.memory_space<vmem>>, vector<1x16xf32>,
            %swap3A_731 = vector.shape_cast %swap3A_730 : vector<1x16xf32> to vector<16xf32>
            %swap3A_732 = vector.shape_cast %broadcast_in_dim3A_1 : vector<16xf32> to vector<1x16xf32>
            tpu.vector_store %arg7[%swap3A_728, %swap3A_729], %swap3A_732 {strides = array<i32>} : memref<32x1024xf32, #tpu.memory_space<vmem>>, vector<1x16xf32>,
            %swap3A_733 = arith.index_cast %while3A_468 : i32 to index
            %swap3A_734 = arith.constant 848 : index
            %swap3A_735 = tpu.vector_load %arg7[%swap3A_733, %swap3A_734] {strides = array<i32>} : memref<32x1024xf32, #tpu.memory_space<vmem>>, vector<1x16xf32>,
            %swap3A_736 = vector.shape_cast %swap3A_735 : vector<1x16xf32> to vector<16xf32>
            %swap3A_737 = vector.shape_cast %broadcast_in_dim3A_1 : vector<16xf32> to vector<1x16xf32>
            tpu.vector_store %arg7[%swap3A_733, %swap3A_734], %swap3A_737 {strides = array<i32>} : memref<32x1024xf32, #tpu.memory_space<vmem>>, vector<1x16xf32>,
            %swap3A_738 = arith.index_cast %while3A_468 : i32 to index
            %swap3A_739 = arith.constant 864 : index
            %swap3A_740 = tpu.vector_load %arg7[%swap3A_738, %swap3A_739] {strides = array<i32>} : memref<32x1024xf32, #tpu.memory_space<vmem>>, vector<1x16xf32>,
            %swap3A_741 = vector.shape_cast %swap3A_740 : vector<1x16xf32> to vector<16xf32>
            %swap3A_742 = vector.shape_cast %broadcast_in_dim3A_1 : vector<16xf32> to vector<1x16xf32>
            tpu.vector_store %arg7[%swap3A_738, %swap3A_739], %swap3A_742 {strides = array<i32>} : memref<32x1024xf32, #tpu.memory_space<vmem>>, vector<1x16xf32>,
            %swap3A_743 = arith.index_cast %while3A_468 : i32 to index
            %swap3A_744 = arith.constant 880 : index
            %swap3A_745 = tpu.vector_load %arg7[%swap3A_743, %swap3A_744] {strides = array<i32>} : memref<32x1024xf32, #tpu.memory_space<vmem>>, vector<1x16xf32>,
            %swap3A_746 = vector.shape_cast %swap3A_745 : vector<1x16xf32> to vector<16xf32>
            %swap3A_747 = vector.shape_cast %broadcast_in_dim3A_1 : vector<16xf32> to vector<1x16xf32>
            tpu.vector_store %arg7[%swap3A_743, %swap3A_744], %swap3A_747 {strides = array<i32>} : memref<32x1024xf32, #tpu.memory_space<vmem>>, vector<1x16xf32>,
            %swap3A_748 = arith.index_cast %while3A_468 : i32 to index
            %swap3A_749 = arith.constant 896 : index
            %swap3A_750 = tpu.vector_load %arg7[%swap3A_748, %swap3A_749] {strides = array<i32>} : memref<32x1024xf32, #tpu.memory_space<vmem>>, vector<1x16xf32>,
            %swap3A_751 = vector.shape_cast %swap3A_750 : vector<1x16xf32> to vector<16xf32>
            %swap3A_752 = vector.shape_cast %broadcast_in_dim3A_1 : vector<16xf32> to vector<1x16xf32>
            tpu.vector_store %arg7[%swap3A_748, %swap3A_749], %swap3A_752 {strides = array<i32>} : memref<32x1024xf32, #tpu.memory_space<vmem>>, vector<1x16xf32>,
            %swap3A_753 = arith.index_cast %while3A_468 : i32 to index
            %swap3A_754 = arith.constant 912 : index
            %swap3A_755 = tpu.vector_load %arg7[%swap3A_753, %swap3A_754] {strides = array<i32>} : memref<32x1024xf32, #tpu.memory_space<vmem>>, vector<1x16xf32>,
            %swap3A_756 = vector.shape_cast %swap3A_755 : vector<1x16xf32> to vector<16xf32>
            %swap3A_757 = vector.shape_cast %broadcast_in_dim3A_1 : vector<16xf32> to vector<1x16xf32>
            tpu.vector_store %arg7[%swap3A_753, %swap3A_754], %swap3A_757 {strides = array<i32>} : memref<32x1024xf32, #tpu.memory_space<vmem>>, vector<1x16xf32>,
            %swap3A_758 = arith.index_cast %while3A_468 : i32 to index
            %swap3A_759 = arith.constant 928 : index
            %swap3A_760 = tpu.vector_load %arg7[%swap3A_758, %swap3A_759] {strides = array<i32>} : memref<32x1024xf32, #tpu.memory_space<vmem>>, vector<1x16xf32>,
            %swap3A_761 = vector.shape_cast %swap3A_760 : vector<1x16xf32> to vector<16xf32>
            %swap3A_762 = vector.shape_cast %broadcast_in_dim3A_1 : vector<16xf32> to vector<1x16xf32>
            tpu.vector_store %arg7[%swap3A_758, %swap3A_759], %swap3A_762 {strides = array<i32>} : memref<32x1024xf32, #tpu.memory_space<vmem>>, vector<1x16xf32>,
            %swap3A_763 = arith.index_cast %while3A_468 : i32 to index
            %swap3A_764 = arith.constant 944 : index
            %swap3A_765 = tpu.vector_load %arg7[%swap3A_763, %swap3A_764] {strides = array<i32>} : memref<32x1024xf32, #tpu.memory_space<vmem>>, vector<1x16xf32>,
            %swap3A_766 = vector.shape_cast %swap3A_765 : vector<1x16xf32> to vector<16xf32>
            %swap3A_767 = vector.shape_cast %broadcast_in_dim3A_1 : vector<16xf32> to vector<1x16xf32>
            tpu.vector_store %arg7[%swap3A_763, %swap3A_764], %swap3A_767 {strides = array<i32>} : memref<32x1024xf32, #tpu.memory_space<vmem>>, vector<1x16xf32>,
            %swap3A_768 = arith.index_cast %while3A_468 : i32 to index
            %swap3A_769 = arith.constant 960 : index
            %swap3A_770 = tpu.vector_load %arg7[%swap3A_768, %swap3A_769] {strides = array<i32>} : memref<32x1024xf32, #tpu.memory_space<vmem>>, vector<1x16xf32>,
            %swap3A_771 = vector.shape_cast %swap3A_770 : vector<1x16xf32> to vector<16xf32>
            %swap3A_772 = vector.shape_cast %broadcast_in_dim3A_1 : vector<16xf32> to vector<1x16xf32>
            tpu.vector_store %arg7[%swap3A_768, %swap3A_769], %swap3A_772 {strides = array<i32>} : memref<32x1024xf32, #tpu.memory_space<vmem>>, vector<1x16xf32>,
            %swap3A_773 = arith.index_cast %while3A_468 : i32 to index
            %swap3A_774 = arith.constant 976 : index
            %swap3A_775 = tpu.vector_load %arg7[%swap3A_773, %swap3A_774] {strides = array<i32>} : memref<32x1024xf32, #tpu.memory_space<vmem>>, vector<1x16xf32>,
            %swap3A_776 = vector.shape_cast %swap3A_775 : vector<1x16xf32> to vector<16xf32>
            %swap3A_777 = vector.shape_cast %broadcast_in_dim3A_1 : vector<16xf32> to vector<1x16xf32>
            tpu.vector_store %arg7[%swap3A_773, %swap3A_774], %swap3A_777 {strides = array<i32>} : memref<32x1024xf32, #tpu.memory_space<vmem>>, vector<1x16xf32>,
            %swap3A_778 = arith.index_cast %while3A_468 : i32 to index
            %swap3A_779 = arith.constant 992 : index
            %swap3A_780 = tpu.vector_load %arg7[%swap3A_778, %swap3A_779] {strides = array<i32>} : memref<32x1024xf32, #tpu.memory_space<vmem>>, vector<1x16xf32>,
            %swap3A_781 = vector.shape_cast %swap3A_780 : vector<1x16xf32> to vector<16xf32>
            %swap3A_782 = vector.shape_cast %broadcast_in_dim3A_1 : vector<16xf32> to vector<1x16xf32>
            tpu.vector_store %arg7[%swap3A_778, %swap3A_779], %swap3A_782 {strides = array<i32>} : memref<32x1024xf32, #tpu.memory_space<vmem>>, vector<1x16xf32>,
            %swap3A_783 = arith.index_cast %while3A_468 : i32 to index
            %swap3A_784 = arith.constant 1008 : index
            %swap3A_785 = tpu.vector_load %arg7[%swap3A_783, %swap3A_784] {strides = array<i32>} : memref<32x1024xf32, #tpu.memory_space<vmem>>, vector<1x16xf32>,
            %swap3A_786 = vector.shape_cast %swap3A_785 : vector<1x16xf32> to vector<16xf32>
            %swap3A_787 = vector.shape_cast %broadcast_in_dim3A_1 : vector<16xf32> to vector<1x16xf32>
            tpu.vector_store %arg7[%swap3A_783, %swap3A_784], %swap3A_787 {strides = array<i32>} : memref<32x1024xf32, #tpu.memory_space<vmem>>, vector<1x16xf32>,
          }
          %while3A_461 = arith.constant 1 : i32
          scf.for %while3A_468 = %while3A_459 to %while3A_455 step %while3A_461  : i32 {
            %swap3A = arith.index_cast %while3A_468 : i32 to index
            %swap3A_469 = arith.constant 0 : index
            %swap3A_470 = tpu.vector_load %arg7[%swap3A, %swap3A_469] {strides = array<i32>} : memref<32x1024xf32, #tpu.memory_space<vmem>>, vector<1x16xf32>,
            %swap3A_471 = vector.shape_cast %swap3A_470 : vector<1x16xf32> to vector<16xf32>
            %swap3A_472 = vector.shape_cast %broadcast_in_dim3A_1 : vector<16xf32> to vector<1x16xf32>
            tpu.vector_store %arg7[%swap3A, %swap3A_469], %swap3A_472 {strides = array<i32>} : memref<32x1024xf32, #tpu.memory_space<vmem>>, vector<1x16xf32>,
            %swap3A_473 = arith.index_cast %while3A_468 : i32 to index
            %swap3A_474 = arith.constant 16 : index
            %swap3A_475 = tpu.vector_load %arg7[%swap3A_473, %swap3A_474] {strides = array<i32>} : memref<32x1024xf32, #tpu.memory_space<vmem>>, vector<1x16xf32>,
            %swap3A_476 = vector.shape_cast %swap3A_475 : vector<1x16xf32> to vector<16xf32>
            %swap3A_477 = vector.shape_cast %broadcast_in_dim3A_1 : vector<16xf32> to vector<1x16xf32>
            tpu.vector_store %arg7[%swap3A_473, %swap3A_474], %swap3A_477 {strides = array<i32>} : memref<32x1024xf32, #tpu.memory_space<vmem>>, vector<1x16xf32>,
            %swap3A_478 = arith.index_cast %while3A_468 : i32 to index
            %swap3A_479 = arith.constant 32 : index
            %swap3A_480 = tpu.vector_load %arg7[%swap3A_478, %swap3A_479] {strides = array<i32>} : memref<32x1024xf32, #tpu.memory_space<vmem>>, vector<1x16xf32>,
            %swap3A_481 = vector.shape_cast %swap3A_480 : vector<1x16xf32> to vector<16xf32>
            %swap3A_482 = vector.shape_cast %broadcast_in_dim3A_1 : vector<16xf32> to vector<1x16xf32>
            tpu.vector_store %arg7[%swap3A_478, %swap3A_479], %swap3A_482 {strides = array<i32>} : memref<32x1024xf32, #tpu.memory_space<vmem>>, vector<1x16xf32>,
            %swap3A_483 = arith.index_cast %while3A_468 : i32 to index
            %swap3A_484 = arith.constant 48 : index
            %swap3A_485 = tpu.vector_load %arg7[%swap3A_483, %swap3A_484] {strides = array<i32>} : memref<32x1024xf32, #tpu.memory_space<vmem>>, vector<1x16xf32>,
            %swap3A_486 = vector.shape_cast %swap3A_485 : vector<1x16xf32> to vector<16xf32>
            %swap3A_487 = vector.shape_cast %broadcast_in_dim3A_1 : vector<16xf32> to vector<1x16xf32>
            tpu.vector_store %arg7[%swap3A_483, %swap3A_484], %swap3A_487 {strides = array<i32>} : memref<32x1024xf32, #tpu.memory_space<vmem>>, vector<1x16xf32>,
            %swap3A_488 = arith.index_cast %while3A_468 : i32 to index
            %swap3A_489 = arith.constant 64 : index
            %swap3A_490 = tpu.vector_load %arg7[%swap3A_488, %swap3A_489] {strides = array<i32>} : memref<32x1024xf32, #tpu.memory_space<vmem>>, vector<1x16xf32>,
            %swap3A_491 = vector.shape_cast %swap3A_490 : vector<1x16xf32> to vector<16xf32>
            %swap3A_492 = vector.shape_cast %broadcast_in_dim3A_1 : vector<16xf32> to vector<1x16xf32>
            tpu.vector_store %arg7[%swap3A_488, %swap3A_489], %swap3A_492 {strides = array<i32>} : memref<32x1024xf32, #tpu.memory_space<vmem>>, vector<1x16xf32>,
            %swap3A_493 = arith.index_cast %while3A_468 : i32 to index
            %swap3A_494 = arith.constant 80 : index
            %swap3A_495 = tpu.vector_load %arg7[%swap3A_493, %swap3A_494] {strides = array<i32>} : memref<32x1024xf32, #tpu.memory_space<vmem>>, vector<1x16xf32>,
            %swap3A_496 = vector.shape_cast %swap3A_495 : vector<1x16xf32> to vector<16xf32>
            %swap3A_497 = vector.shape_cast %broadcast_in_dim3A_1 : vector<16xf32> to vector<1x16xf32>
            tpu.vector_store %arg7[%swap3A_493, %swap3A_494], %swap3A_497 {strides = array<i32>} : memref<32x1024xf32, #tpu.memory_space<vmem>>, vector<1x16xf32>,
            %swap3A_498 = arith.index_cast %while3A_468 : i32 to index
            %swap3A_499 = arith.constant 96 : index
            %swap3A_500 = tpu.vector_load %arg7[%swap3A_498, %swap3A_499] {strides = array<i32>} : memref<32x1024xf32, #tpu.memory_space<vmem>>, vector<1x16xf32>,
            %swap3A_501 = vector.shape_cast %swap3A_500 : vector<1x16xf32> to vector<16xf32>
            %swap3A_502 = vector.shape_cast %broadcast_in_dim3A_1 : vector<16xf32> to vector<1x16xf32>
            tpu.vector_store %arg7[%swap3A_498, %swap3A_499], %swap3A_502 {strides = array<i32>} : memref<32x1024xf32, #tpu.memory_space<vmem>>, vector<1x16xf32>,
            %swap3A_503 = arith.index_cast %while3A_468 : i32 to index
            %swap3A_504 = arith.constant 112 : index
            %swap3A_505 = tpu.vector_load %arg7[%swap3A_503, %swap3A_504] {strides = array<i32>} : memref<32x1024xf32, #tpu.memory_space<vmem>>, vector<1x16xf32>,
            %swap3A_506 = vector.shape_cast %swap3A_505 : vector<1x16xf32> to vector<16xf32>
            %swap3A_507 = vector.shape_cast %broadcast_in_dim3A_1 : vector<16xf32> to vector<1x16xf32>
            tpu.vector_store %arg7[%swap3A_503, %swap3A_504], %swap3A_507 {strides = array<i32>} : memref<32x1024xf32, #tpu.memory_space<vmem>>, vector<1x16xf32>,
            %swap3A_508 = arith.index_cast %while3A_468 : i32 to index
            %swap3A_509 = arith.constant 128 : index
            %swap3A_510 = tpu.vector_load %arg7[%swap3A_508, %swap3A_509] {strides = array<i32>} : memref<32x1024xf32, #tpu.memory_space<vmem>>, vector<1x16xf32>,
            %swap3A_511 = vector.shape_cast %swap3A_510 : vector<1x16xf32> to vector<16xf32>
            %swap3A_512 = vector.shape_cast %broadcast_in_dim3A_1 : vector<16xf32> to vector<1x16xf32>
            tpu.vector_store %arg7[%swap3A_508, %swap3A_509], %swap3A_512 {strides = array<i32>} : memref<32x1024xf32, #tpu.memory_space<vmem>>, vector<1x16xf32>,
            %swap3A_513 = arith.index_cast %while3A_468 : i32 to index
            %swap3A_514 = arith.constant 144 : index
            %swap3A_515 = tpu.vector_load %arg7[%swap3A_513, %swap3A_514] {strides = array<i32>} : memref<32x1024xf32, #tpu.memory_space<vmem>>, vector<1x16xf32>,
            %swap3A_516 = vector.shape_cast %swap3A_515 : vector<1x16xf32> to vector<16xf32>
            %swap3A_517 = vector.shape_cast %broadcast_in_dim3A_1 : vector<16xf32> to vector<1x16xf32>
            tpu.vector_store %arg7[%swap3A_513, %swap3A_514], %swap3A_517 {strides = array<i32>} : memref<32x1024xf32, #tpu.memory_space<vmem>>, vector<1x16xf32>,
            %swap3A_518 = arith.index_cast %while3A_468 : i32 to index
            %swap3A_519 = arith.constant 160 : index
            %swap3A_520 = tpu.vector_load %arg7[%swap3A_518, %swap3A_519] {strides = array<i32>} : memref<32x1024xf32, #tpu.memory_space<vmem>>, vector<1x16xf32>,
            %swap3A_521 = vector.shape_cast %swap3A_520 : vector<1x16xf32> to vector<16xf32>
            %swap3A_522 = vector.shape_cast %broadcast_in_dim3A_1 : vector<16xf32> to vector<1x16xf32>
            tpu.vector_store %arg7[%swap3A_518, %swap3A_519], %swap3A_522 {strides = array<i32>} : memref<32x1024xf32, #tpu.memory_space<vmem>>, vector<1x16xf32>,
            %swap3A_523 = arith.index_cast %while3A_468 : i32 to index
            %swap3A_524 = arith.constant 176 : index
            %swap3A_525 = tpu.vector_load %arg7[%swap3A_523, %swap3A_524] {strides = array<i32>} : memref<32x1024xf32, #tpu.memory_space<vmem>>, vector<1x16xf32>,
            %swap3A_526 = vector.shape_cast %swap3A_525 : vector<1x16xf32> to vector<16xf32>
            %swap3A_527 = vector.shape_cast %broadcast_in_dim3A_1 : vector<16xf32> to vector<1x16xf32>
            tpu.vector_store %arg7[%swap3A_523, %swap3A_524], %swap3A_527 {strides = array<i32>} : memref<32x1024xf32, #tpu.memory_space<vmem>>, vector<1x16xf32>,
            %swap3A_528 = arith.index_cast %while3A_468 : i32 to index
            %swap3A_529 = arith.constant 192 : index
            %swap3A_530 = tpu.vector_load %arg7[%swap3A_528, %swap3A_529] {strides = array<i32>} : memref<32x1024xf32, #tpu.memory_space<vmem>>, vector<1x16xf32>,
            %swap3A_531 = vector.shape_cast %swap3A_530 : vector<1x16xf32> to vector<16xf32>
            %swap3A_532 = vector.shape_cast %broadcast_in_dim3A_1 : vector<16xf32> to vector<1x16xf32>
            tpu.vector_store %arg7[%swap3A_528, %swap3A_529], %swap3A_532 {strides = array<i32>} : memref<32x1024xf32, #tpu.memory_space<vmem>>, vector<1x16xf32>,
            %swap3A_533 = arith.index_cast %while3A_468 : i32 to index
            %swap3A_534 = arith.constant 208 : index
            %swap3A_535 = tpu.vector_load %arg7[%swap3A_533, %swap3A_534] {strides = array<i32>} : memref<32x1024xf32, #tpu.memory_space<vmem>>, vector<1x16xf32>,
            %swap3A_536 = vector.shape_cast %swap3A_535 : vector<1x16xf32> to vector<16xf32>
            %swap3A_537 = vector.shape_cast %broadcast_in_dim3A_1 : vector<16xf32> to vector<1x16xf32>
            tpu.vector_store %arg7[%swap3A_533, %swap3A_534], %swap3A_537 {strides = array<i32>} : memref<32x1024xf32, #tpu.memory_space<vmem>>, vector<1x16xf32>,
            %swap3A_538 = arith.index_cast %while3A_468 : i32 to index
            %swap3A_539 = arith.constant 224 : index
            %swap3A_540 = tpu.vector_load %arg7[%swap3A_538, %swap3A_539] {strides = array<i32>} : memref<32x1024xf32, #tpu.memory_space<vmem>>, vector<1x16xf32>,
            %swap3A_541 = vector.shape_cast %swap3A_540 : vector<1x16xf32> to vector<16xf32>
            %swap3A_542 = vector.shape_cast %broadcast_in_dim3A_1 : vector<16xf32> to vector<1x16xf32>
            tpu.vector_store %arg7[%swap3A_538, %swap3A_539], %swap3A_542 {strides = array<i32>} : memref<32x1024xf32, #tpu.memory_space<vmem>>, vector<1x16xf32>,
            %swap3A_543 = arith.index_cast %while3A_468 : i32 to index
            %swap3A_544 = arith.constant 240 : index
            %swap3A_545 = tpu.vector_load %arg7[%swap3A_543, %swap3A_544] {strides = array<i32>} : memref<32x1024xf32, #tpu.memory_space<vmem>>, vector<1x16xf32>,
            %swap3A_546 = vector.shape_cast %swap3A_545 : vector<1x16xf32> to vector<16xf32>
            %swap3A_547 = vector.shape_cast %broadcast_in_dim3A_1 : vector<16xf32> to vector<1x16xf32>
            tpu.vector_store %arg7[%swap3A_543, %swap3A_544], %swap3A_547 {strides = array<i32>} : memref<32x1024xf32, #tpu.memory_space<vmem>>, vector<1x16xf32>,
            %swap3A_548 = arith.index_cast %while3A_468 : i32 to index
            %swap3A_549 = arith.constant 256 : index
            %swap3A_550 = tpu.vector_load %arg7[%swap3A_548, %swap3A_549] {strides = array<i32>} : memref<32x1024xf32, #tpu.memory_space<vmem>>, vector<1x16xf32>,
            %swap3A_551 = vector.shape_cast %swap3A_550 : vector<1x16xf32> to vector<16xf32>
            %swap3A_552 = vector.shape_cast %broadcast_in_dim3A_1 : vector<16xf32> to vector<1x16xf32>
            tpu.vector_store %arg7[%swap3A_548, %swap3A_549], %swap3A_552 {strides = array<i32>} : memref<32x1024xf32, #tpu.memory_space<vmem>>, vector<1x16xf32>,
            %swap3A_553 = arith.index_cast %while3A_468 : i32 to index
            %swap3A_554 = arith.constant 272 : index
            %swap3A_555 = tpu.vector_load %arg7[%swap3A_553, %swap3A_554] {strides = array<i32>} : memref<32x1024xf32, #tpu.memory_space<vmem>>, vector<1x16xf32>,
            %swap3A_556 = vector.shape_cast %swap3A_555 : vector<1x16xf32> to vector<16xf32>
            %swap3A_557 = vector.shape_cast %broadcast_in_dim3A_1 : vector<16xf32> to vector<1x16xf32>
            tpu.vector_store %arg7[%swap3A_553, %swap3A_554], %swap3A_557 {strides = array<i32>} : memref<32x1024xf32, #tpu.memory_space<vmem>>, vector<1x16xf32>,
            %swap3A_558 = arith.index_cast %while3A_468 : i32 to index
            %swap3A_559 = arith.constant 288 : index
            %swap3A_560 = tpu.vector_load %arg7[%swap3A_558, %swap3A_559] {strides = array<i32>} : memref<32x1024xf32, #tpu.memory_space<vmem>>, vector<1x16xf32>,
            %swap3A_561 = vector.shape_cast %swap3A_560 : vector<1x16xf32> to vector<16xf32>
            %swap3A_562 = vector.shape_cast %broadcast_in_dim3A_1 : vector<16xf32> to vector<1x16xf32>
            tpu.vector_store %arg7[%swap3A_558, %swap3A_559], %swap3A_562 {strides = array<i32>} : memref<32x1024xf32, #tpu.memory_space<vmem>>, vector<1x16xf32>,
            %swap3A_563 = arith.index_cast %while3A_468 : i32 to index
            %swap3A_564 = arith.constant 304 : index
            %swap3A_565 = tpu.vector_load %arg7[%swap3A_563, %swap3A_564] {strides = array<i32>} : memref<32x1024xf32, #tpu.memory_space<vmem>>, vector<1x16xf32>,
            %swap3A_566 = vector.shape_cast %swap3A_565 : vector<1x16xf32> to vector<16xf32>
            %swap3A_567 = vector.shape_cast %broadcast_in_dim3A_1 : vector<16xf32> to vector<1x16xf32>
            tpu.vector_store %arg7[%swap3A_563, %swap3A_564], %swap3A_567 {strides = array<i32>} : memref<32x1024xf32, #tpu.memory_space<vmem>>, vector<1x16xf32>,
            %swap3A_568 = arith.index_cast %while3A_468 : i32 to index
            %swap3A_569 = arith.constant 320 : index
            %swap3A_570 = tpu.vector_load %arg7[%swap3A_568, %swap3A_569] {strides = array<i32>} : memref<32x1024xf32, #tpu.memory_space<vmem>>, vector<1x16xf32>,
            %swap3A_571 = vector.shape_cast %swap3A_570 : vector<1x16xf32> to vector<16xf32>
            %swap3A_572 = vector.shape_cast %broadcast_in_dim3A_1 : vector<16xf32> to vector<1x16xf32>
            tpu.vector_store %arg7[%swap3A_568, %swap3A_569], %swap3A_572 {strides = array<i32>} : memref<32x1024xf32, #tpu.memory_space<vmem>>, vector<1x16xf32>,
            %swap3A_573 = arith.index_cast %while3A_468 : i32 to index
            %swap3A_574 = arith.constant 336 : index
            %swap3A_575 = tpu.vector_load %arg7[%swap3A_573, %swap3A_574] {strides = array<i32>} : memref<32x1024xf32, #tpu.memory_space<vmem>>, vector<1x16xf32>,
            %swap3A_576 = vector.shape_cast %swap3A_575 : vector<1x16xf32> to vector<16xf32>
            %swap3A_577 = vector.shape_cast %broadcast_in_dim3A_1 : vector<16xf32> to vector<1x16xf32>
            tpu.vector_store %arg7[%swap3A_573, %swap3A_574], %swap3A_577 {strides = array<i32>} : memref<32x1024xf32, #tpu.memory_space<vmem>>, vector<1x16xf32>,
            %swap3A_578 = arith.index_cast %while3A_468 : i32 to index
            %swap3A_579 = arith.constant 352 : index
            %swap3A_580 = tpu.vector_load %arg7[%swap3A_578, %swap3A_579] {strides = array<i32>} : memref<32x1024xf32, #tpu.memory_space<vmem>>, vector<1x16xf32>,
            %swap3A_581 = vector.shape_cast %swap3A_580 : vector<1x16xf32> to vector<16xf32>
            %swap3A_582 = vector.shape_cast %broadcast_in_dim3A_1 : vector<16xf32> to vector<1x16xf32>
            tpu.vector_store %arg7[%swap3A_578, %swap3A_579], %swap3A_582 {strides = array<i32>} : memref<32x1024xf32, #tpu.memory_space<vmem>>, vector<1x16xf32>,
            %swap3A_583 = arith.index_cast %while3A_468 : i32 to index
            %swap3A_584 = arith.constant 368 : index
            %swap3A_585 = tpu.vector_load %arg7[%swap3A_583, %swap3A_584] {strides = array<i32>} : memref<32x1024xf32, #tpu.memory_space<vmem>>, vector<1x16xf32>,
            %swap3A_586 = vector.shape_cast %swap3A_585 : vector<1x16xf32> to vector<16xf32>
            %swap3A_587 = vector.shape_cast %broadcast_in_dim3A_1 : vector<16xf32> to vector<1x16xf32>
            tpu.vector_store %arg7[%swap3A_583, %swap3A_584], %swap3A_587 {strides = array<i32>} : memref<32x1024xf32, #tpu.memory_space<vmem>>, vector<1x16xf32>,
            %swap3A_588 = arith.index_cast %while3A_468 : i32 to index
            %swap3A_589 = arith.constant 384 : index
            %swap3A_590 = tpu.vector_load %arg7[%swap3A_588, %swap3A_589] {strides = array<i32>} : memref<32x1024xf32, #tpu.memory_space<vmem>>, vector<1x16xf32>,
            %swap3A_591 = vector.shape_cast %swap3A_590 : vector<1x16xf32> to vector<16xf32>
            %swap3A_592 = vector.shape_cast %broadcast_in_dim3A_1 : vector<16xf32> to vector<1x16xf32>
            tpu.vector_store %arg7[%swap3A_588, %swap3A_589], %swap3A_592 {strides = array<i32>} : memref<32x1024xf32, #tpu.memory_space<vmem>>, vector<1x16xf32>,
            %swap3A_593 = arith.index_cast %while3A_468 : i32 to index
            %swap3A_594 = arith.constant 400 : index
            %swap3A_595 = tpu.vector_load %arg7[%swap3A_593, %swap3A_594] {strides = array<i32>} : memref<32x1024xf32, #tpu.memory_space<vmem>>, vector<1x16xf32>,
            %swap3A_596 = vector.shape_cast %swap3A_595 : vector<1x16xf32> to vector<16xf32>
            %swap3A_597 = vector.shape_cast %broadcast_in_dim3A_1 : vector<16xf32> to vector<1x16xf32>
            tpu.vector_store %arg7[%swap3A_593, %swap3A_594], %swap3A_597 {strides = array<i32>} : memref<32x1024xf32, #tpu.memory_space<vmem>>, vector<1x16xf32>,
            %swap3A_598 = arith.index_cast %while3A_468 : i32 to index
            %swap3A_599 = arith.constant 416 : index
            %swap3A_600 = tpu.vector_load %arg7[%swap3A_598, %swap3A_599] {strides = array<i32>} : memref<32x1024xf32, #tpu.memory_space<vmem>>, vector<1x16xf32>,
            %swap3A_601 = vector.shape_cast %swap3A_600 : vector<1x16xf32> to vector<16xf32>
            %swap3A_602 = vector.shape_cast %broadcast_in_dim3A_1 : vector<16xf32> to vector<1x16xf32>
            tpu.vector_store %arg7[%swap3A_598, %swap3A_599], %swap3A_602 {strides = array<i32>} : memref<32x1024xf32, #tpu.memory_space<vmem>>, vector<1x16xf32>,
            %swap3A_603 = arith.index_cast %while3A_468 : i32 to index
            %swap3A_604 = arith.constant 432 : index
            %swap3A_605 = tpu.vector_load %arg7[%swap3A_603, %swap3A_604] {strides = array<i32>} : memref<32x1024xf32, #tpu.memory_space<vmem>>, vector<1x16xf32>,
            %swap3A_606 = vector.shape_cast %swap3A_605 : vector<1x16xf32> to vector<16xf32>
            %swap3A_607 = vector.shape_cast %broadcast_in_dim3A_1 : vector<16xf32> to vector<1x16xf32>
            tpu.vector_store %arg7[%swap3A_603, %swap3A_604], %swap3A_607 {strides = array<i32>} : memref<32x1024xf32, #tpu.memory_space<vmem>>, vector<1x16xf32>,
            %swap3A_608 = arith.index_cast %while3A_468 : i32 to index
            %swap3A_609 = arith.constant 448 : index
            %swap3A_610 = tpu.vector_load %arg7[%swap3A_608, %swap3A_609] {strides = array<i32>} : memref<32x1024xf32, #tpu.memory_space<vmem>>, vector<1x16xf32>,
            %swap3A_611 = vector.shape_cast %swap3A_610 : vector<1x16xf32> to vector<16xf32>
            %swap3A_612 = vector.shape_cast %broadcast_in_dim3A_1 : vector<16xf32> to vector<1x16xf32>
            tpu.vector_store %arg7[%swap3A_608, %swap3A_609], %swap3A_612 {strides = array<i32>} : memref<32x1024xf32, #tpu.memory_space<vmem>>, vector<1x16xf32>,
            %swap3A_613 = arith.index_cast %while3A_468 : i32 to index
            %swap3A_614 = arith.constant 464 : index
            %swap3A_615 = tpu.vector_load %arg7[%swap3A_613, %swap3A_614] {strides = array<i32>} : memref<32x1024xf32, #tpu.memory_space<vmem>>, vector<1x16xf32>,
            %swap3A_616 = vector.shape_cast %swap3A_615 : vector<1x16xf32> to vector<16xf32>
            %swap3A_617 = vector.shape_cast %broadcast_in_dim3A_1 : vector<16xf32> to vector<1x16xf32>
            tpu.vector_store %arg7[%swap3A_613, %swap3A_614], %swap3A_617 {strides = array<i32>} : memref<32x1024xf32, #tpu.memory_space<vmem>>, vector<1x16xf32>,
            %swap3A_618 = arith.index_cast %while3A_468 : i32 to index
            %swap3A_619 = arith.constant 480 : index
            %swap3A_620 = tpu.vector_load %arg7[%swap3A_618, %swap3A_619] {strides = array<i32>} : memref<32x1024xf32, #tpu.memory_space<vmem>>, vector<1x16xf32>,
            %swap3A_621 = vector.shape_cast %swap3A_620 : vector<1x16xf32> to vector<16xf32>
            %swap3A_622 = vector.shape_cast %broadcast_in_dim3A_1 : vector<16xf32> to vector<1x16xf32>
            tpu.vector_store %arg7[%swap3A_618, %swap3A_619], %swap3A_622 {strides = array<i32>} : memref<32x1024xf32, #tpu.memory_space<vmem>>, vector<1x16xf32>,
            %swap3A_623 = arith.index_cast %while3A_468 : i32 to index
            %swap3A_624 = arith.constant 496 : index
            %swap3A_625 = tpu.vector_load %arg7[%swap3A_623, %swap3A_624] {strides = array<i32>} : memref<32x1024xf32, #tpu.memory_space<vmem>>, vector<1x16xf32>,
            %swap3A_626 = vector.shape_cast %swap3A_625 : vector<1x16xf32> to vector<16xf32>
            %swap3A_627 = vector.shape_cast %broadcast_in_dim3A_1 : vector<16xf32> to vector<1x16xf32>
            tpu.vector_store %arg7[%swap3A_623, %swap3A_624], %swap3A_627 {strides = array<i32>} : memref<32x1024xf32, #tpu.memory_space<vmem>>, vector<1x16xf32>,
            %swap3A_628 = arith.index_cast %while3A_468 : i32 to index
            %swap3A_629 = arith.constant 512 : index
            %swap3A_630 = tpu.vector_load %arg7[%swap3A_628, %swap3A_629] {strides = array<i32>} : memref<32x1024xf32, #tpu.memory_space<vmem>>, vector<1x16xf32>,
            %swap3A_631 = vector.shape_cast %swap3A_630 : vector<1x16xf32> to vector<16xf32>
            %swap3A_632 = vector.shape_cast %broadcast_in_dim3A_1 : vector<16xf32> to vector<1x16xf32>
            tpu.vector_store %arg7[%swap3A_628, %swap3A_629], %swap3A_632 {strides = array<i32>} : memref<32x1024xf32, #tpu.memory_space<vmem>>, vector<1x16xf32>,
            %swap3A_633 = arith.index_cast %while3A_468 : i32 to index
            %swap3A_634 = arith.constant 528 : index
            %swap3A_635 = tpu.vector_load %arg7[%swap3A_633, %swap3A_634] {strides = array<i32>} : memref<32x1024xf32, #tpu.memory_space<vmem>>, vector<1x16xf32>,
            %swap3A_636 = vector.shape_cast %swap3A_635 : vector<1x16xf32> to vector<16xf32>
            %swap3A_637 = vector.shape_cast %broadcast_in_dim3A_1 : vector<16xf32> to vector<1x16xf32>
            tpu.vector_store %arg7[%swap3A_633, %swap3A_634], %swap3A_637 {strides = array<i32>} : memref<32x1024xf32, #tpu.memory_space<vmem>>, vector<1x16xf32>,
            %swap3A_638 = arith.index_cast %while3A_468 : i32 to index
            %swap3A_639 = arith.constant 544 : index
            %swap3A_640 = tpu.vector_load %arg7[%swap3A_638, %swap3A_639] {strides = array<i32>} : memref<32x1024xf32, #tpu.memory_space<vmem>>, vector<1x16xf32>,
            %swap3A_641 = vector.shape_cast %swap3A_640 : vector<1x16xf32> to vector<16xf32>
            %swap3A_642 = vector.shape_cast %broadcast_in_dim3A_1 : vector<16xf32> to vector<1x16xf32>
            tpu.vector_store %arg7[%swap3A_638, %swap3A_639], %swap3A_642 {strides = array<i32>} : memref<32x1024xf32, #tpu.memory_space<vmem>>, vector<1x16xf32>,
            %swap3A_643 = arith.index_cast %while3A_468 : i32 to index
            %swap3A_644 = arith.constant 560 : index
            %swap3A_645 = tpu.vector_load %arg7[%swap3A_643, %swap3A_644] {strides = array<i32>} : memref<32x1024xf32, #tpu.memory_space<vmem>>, vector<1x16xf32>,
            %swap3A_646 = vector.shape_cast %swap3A_645 : vector<1x16xf32> to vector<16xf32>
            %swap3A_647 = vector.shape_cast %broadcast_in_dim3A_1 : vector<16xf32> to vector<1x16xf32>
            tpu.vector_store %arg7[%swap3A_643, %swap3A_644], %swap3A_647 {strides = array<i32>} : memref<32x1024xf32, #tpu.memory_space<vmem>>, vector<1x16xf32>,
            %swap3A_648 = arith.index_cast %while3A_468 : i32 to index
            %swap3A_649 = arith.constant 576 : index
            %swap3A_650 = tpu.vector_load %arg7[%swap3A_648, %swap3A_649] {strides = array<i32>} : memref<32x1024xf32, #tpu.memory_space<vmem>>, vector<1x16xf32>,
            %swap3A_651 = vector.shape_cast %swap3A_650 : vector<1x16xf32> to vector<16xf32>
            %swap3A_652 = vector.shape_cast %broadcast_in_dim3A_1 : vector<16xf32> to vector<1x16xf32>
            tpu.vector_store %arg7[%swap3A_648, %swap3A_649], %swap3A_652 {strides = array<i32>} : memref<32x1024xf32, #tpu.memory_space<vmem>>, vector<1x16xf32>,
            %swap3A_653 = arith.index_cast %while3A_468 : i32 to index
            %swap3A_654 = arith.constant 592 : index
            %swap3A_655 = tpu.vector_load %arg7[%swap3A_653, %swap3A_654] {strides = array<i32>} : memref<32x1024xf32, #tpu.memory_space<vmem>>, vector<1x16xf32>,
            %swap3A_656 = vector.shape_cast %swap3A_655 : vector<1x16xf32> to vector<16xf32>
            %swap3A_657 = vector.shape_cast %broadcast_in_dim3A_1 : vector<16xf32> to vector<1x16xf32>
            tpu.vector_store %arg7[%swap3A_653, %swap3A_654], %swap3A_657 {strides = array<i32>} : memref<32x1024xf32, #tpu.memory_space<vmem>>, vector<1x16xf32>,
            %swap3A_658 = arith.index_cast %while3A_468 : i32 to index
            %swap3A_659 = arith.constant 608 : index
            %swap3A_660 = tpu.vector_load %arg7[%swap3A_658, %swap3A_659] {strides = array<i32>} : memref<32x1024xf32, #tpu.memory_space<vmem>>, vector<1x16xf32>,
            %swap3A_661 = vector.shape_cast %swap3A_660 : vector<1x16xf32> to vector<16xf32>
            %swap3A_662 = vector.shape_cast %broadcast_in_dim3A_1 : vector<16xf32> to vector<1x16xf32>
            tpu.vector_store %arg7[%swap3A_658, %swap3A_659], %swap3A_662 {strides = array<i32>} : memref<32x1024xf32, #tpu.memory_space<vmem>>, vector<1x16xf32>,
            %swap3A_663 = arith.index_cast %while3A_468 : i32 to index
            %swap3A_664 = arith.constant 624 : index
            %swap3A_665 = tpu.vector_load %arg7[%swap3A_663, %swap3A_664] {strides = array<i32>} : memref<32x1024xf32, #tpu.memory_space<vmem>>, vector<1x16xf32>,
            %swap3A_666 = vector.shape_cast %swap3A_665 : vector<1x16xf32> to vector<16xf32>
            %swap3A_667 = vector.shape_cast %broadcast_in_dim3A_1 : vector<16xf32> to vector<1x16xf32>
            tpu.vector_store %arg7[%swap3A_663, %swap3A_664], %swap3A_667 {strides = array<i32>} : memref<32x1024xf32, #tpu.memory_space<vmem>>, vector<1x16xf32>,
            %swap3A_668 = arith.index_cast %while3A_468 : i32 to index
            %swap3A_669 = arith.constant 640 : index
            %swap3A_670 = tpu.vector_load %arg7[%swap3A_668, %swap3A_669] {strides = array<i32>} : memref<32x1024xf32, #tpu.memory_space<vmem>>, vector<1x16xf32>,
            %swap3A_671 = vector.shape_cast %swap3A_670 : vector<1x16xf32> to vector<16xf32>
            %swap3A_672 = vector.shape_cast %broadcast_in_dim3A_1 : vector<16xf32> to vector<1x16xf32>
            tpu.vector_store %arg7[%swap3A_668, %swap3A_669], %swap3A_672 {strides = array<i32>} : memref<32x1024xf32, #tpu.memory_space<vmem>>, vector<1x16xf32>,
            %swap3A_673 = arith.index_cast %while3A_468 : i32 to index
            %swap3A_674 = arith.constant 656 : index
            %swap3A_675 = tpu.vector_load %arg7[%swap3A_673, %swap3A_674] {strides = array<i32>} : memref<32x1024xf32, #tpu.memory_space<vmem>>, vector<1x16xf32>,
            %swap3A_676 = vector.shape_cast %swap3A_675 : vector<1x16xf32> to vector<16xf32>
            %swap3A_677 = vector.shape_cast %broadcast_in_dim3A_1 : vector<16xf32> to vector<1x16xf32>
            tpu.vector_store %arg7[%swap3A_673, %swap3A_674], %swap3A_677 {strides = array<i32>} : memref<32x1024xf32, #tpu.memory_space<vmem>>, vector<1x16xf32>,
            %swap3A_678 = arith.index_cast %while3A_468 : i32 to index
            %swap3A_679 = arith.constant 672 : index
            %swap3A_680 = tpu.vector_load %arg7[%swap3A_678, %swap3A_679] {strides = array<i32>} : memref<32x1024xf32, #tpu.memory_space<vmem>>, vector<1x16xf32>,
            %swap3A_681 = vector.shape_cast %swap3A_680 : vector<1x16xf32> to vector<16xf32>
            %swap3A_682 = vector.shape_cast %broadcast_in_dim3A_1 : vector<16xf32> to vector<1x16xf32>
            tpu.vector_store %arg7[%swap3A_678, %swap3A_679], %swap3A_682 {strides = array<i32>} : memref<32x1024xf32, #tpu.memory_space<vmem>>, vector<1x16xf32>,
            %swap3A_683 = arith.index_cast %while3A_468 : i32 to index
            %swap3A_684 = arith.constant 688 : index
            %swap3A_685 = tpu.vector_load %arg7[%swap3A_683, %swap3A_684] {strides = array<i32>} : memref<32x1024xf32, #tpu.memory_space<vmem>>, vector<1x16xf32>,
            %swap3A_686 = vector.shape_cast %swap3A_685 : vector<1x16xf32> to vector<16xf32>
            %swap3A_687 = vector.shape_cast %broadcast_in_dim3A_1 : vector<16xf32> to vector<1x16xf32>
            tpu.vector_store %arg7[%swap3A_683, %swap3A_684], %swap3A_687 {strides = array<i32>} : memref<32x1024xf32, #tpu.memory_space<vmem>>, vector<1x16xf32>,
            %swap3A_688 = arith.index_cast %while3A_468 : i32 to index
            %swap3A_689 = arith.constant 704 : index
            %swap3A_690 = tpu.vector_load %arg7[%swap3A_688, %swap3A_689] {strides = array<i32>} : memref<32x1024xf32, #tpu.memory_space<vmem>>, vector<1x16xf32>,
            %swap3A_691 = vector.shape_cast %swap3A_690 : vector<1x16xf32> to vector<16xf32>
            %swap3A_692 = vector.shape_cast %broadcast_in_dim3A_1 : vector<16xf32> to vector<1x16xf32>
            tpu.vector_store %arg7[%swap3A_688, %swap3A_689], %swap3A_692 {strides = array<i32>} : memref<32x1024xf32, #tpu.memory_space<vmem>>, vector<1x16xf32>,
            %swap3A_693 = arith.index_cast %while3A_468 : i32 to index
            %swap3A_694 = arith.constant 720 : index
            %swap3A_695 = tpu.vector_load %arg7[%swap3A_693, %swap3A_694] {strides = array<i32>} : memref<32x1024xf32, #tpu.memory_space<vmem>>, vector<1x16xf32>,
            %swap3A_696 = vector.shape_cast %swap3A_695 : vector<1x16xf32> to vector<16xf32>
            %swap3A_697 = vector.shape_cast %broadcast_in_dim3A_1 : vector<16xf32> to vector<1x16xf32>
            tpu.vector_store %arg7[%swap3A_693, %swap3A_694], %swap3A_697 {strides = array<i32>} : memref<32x1024xf32, #tpu.memory_space<vmem>>, vector<1x16xf32>,
            %swap3A_698 = arith.index_cast %while3A_468 : i32 to index
            %swap3A_699 = arith.constant 736 : index
            %swap3A_700 = tpu.vector_load %arg7[%swap3A_698, %swap3A_699] {strides = array<i32>} : memref<32x1024xf32, #tpu.memory_space<vmem>>, vector<1x16xf32>,
            %swap3A_701 = vector.shape_cast %swap3A_700 : vector<1x16xf32> to vector<16xf32>
            %swap3A_702 = vector.shape_cast %broadcast_in_dim3A_1 : vector<16xf32> to vector<1x16xf32>
            tpu.vector_store %arg7[%swap3A_698, %swap3A_699], %swap3A_702 {strides = array<i32>} : memref<32x1024xf32, #tpu.memory_space<vmem>>, vector<1x16xf32>,
            %swap3A_703 = arith.index_cast %while3A_468 : i32 to index
            %swap3A_704 = arith.constant 752 : index
            %swap3A_705 = tpu.vector_load %arg7[%swap3A_703, %swap3A_704] {strides = array<i32>} : memref<32x1024xf32, #tpu.memory_space<vmem>>, vector<1x16xf32>,
            %swap3A_706 = vector.shape_cast %swap3A_705 : vector<1x16xf32> to vector<16xf32>
            %swap3A_707 = vector.shape_cast %broadcast_in_dim3A_1 : vector<16xf32> to vector<1x16xf32>
            tpu.vector_store %arg7[%swap3A_703, %swap3A_704], %swap3A_707 {strides = array<i32>} : memref<32x1024xf32, #tpu.memory_space<vmem>>, vector<1x16xf32>,
            %swap3A_708 = arith.index_cast %while3A_468 : i32 to index
            %swap3A_709 = arith.constant 768 : index
            %swap3A_710 = tpu.vector_load %arg7[%swap3A_708, %swap3A_709] {strides = array<i32>} : memref<32x1024xf32, #tpu.memory_space<vmem>>, vector<1x16xf32>,
            %swap3A_711 = vector.shape_cast %swap3A_710 : vector<1x16xf32> to vector<16xf32>
            %swap3A_712 = vector.shape_cast %broadcast_in_dim3A_1 : vector<16xf32> to vector<1x16xf32>
            tpu.vector_store %arg7[%swap3A_708, %swap3A_709], %swap3A_712 {strides = array<i32>} : memref<32x1024xf32, #tpu.memory_space<vmem>>, vector<1x16xf32>,
            %swap3A_713 = arith.index_cast %while3A_468 : i32 to index
            %swap3A_714 = arith.constant 784 : index
            %swap3A_715 = tpu.vector_load %arg7[%swap3A_713, %swap3A_714] {strides = array<i32>} : memref<32x1024xf32, #tpu.memory_space<vmem>>, vector<1x16xf32>,
            %swap3A_716 = vector.shape_cast %swap3A_715 : vector<1x16xf32> to vector<16xf32>
            %swap3A_717 = vector.shape_cast %broadcast_in_dim3A_1 : vector<16xf32> to vector<1x16xf32>
            tpu.vector_store %arg7[%swap3A_713, %swap3A_714], %swap3A_717 {strides = array<i32>} : memref<32x1024xf32, #tpu.memory_space<vmem>>, vector<1x16xf32>,
            %swap3A_718 = arith.index_cast %while3A_468 : i32 to index
            %swap3A_719 = arith.constant 800 : index
            %swap3A_720 = tpu.vector_load %arg7[%swap3A_718, %swap3A_719] {strides = array<i32>} : memref<32x1024xf32, #tpu.memory_space<vmem>>, vector<1x16xf32>,
            %swap3A_721 = vector.shape_cast %swap3A_720 : vector<1x16xf32> to vector<16xf32>
            %swap3A_722 = vector.shape_cast %broadcast_in_dim3A_1 : vector<16xf32> to vector<1x16xf32>
            tpu.vector_store %arg7[%swap3A_718, %swap3A_719], %swap3A_722 {strides = array<i32>} : memref<32x1024xf32, #tpu.memory_space<vmem>>, vector<1x16xf32>,
            %swap3A_723 = arith.index_cast %while3A_468 : i32 to index
            %swap3A_724 = arith.constant 816 : index
            %swap3A_725 = tpu.vector_load %arg7[%swap3A_723, %swap3A_724] {strides = array<i32>} : memref<32x1024xf32, #tpu.memory_space<vmem>>, vector<1x16xf32>,
            %swap3A_726 = vector.shape_cast %swap3A_725 : vector<1x16xf32> to vector<16xf32>
            %swap3A_727 = vector.shape_cast %broadcast_in_dim3A_1 : vector<16xf32> to vector<1x16xf32>
            tpu.vector_store %arg7[%swap3A_723, %swap3A_724], %swap3A_727 {strides = array<i32>} : memref<32x1024xf32, #tpu.memory_space<vmem>>, vector<1x16xf32>,
            %swap3A_728 = arith.index_cast %while3A_468 : i32 to index
            %swap3A_729 = arith.constant 832 : index
            %swap3A_730 = tpu.vector_load %arg7[%swap3A_728, %swap3A_729] {strides = array<i32>} : memref<32x1024xf32, #tpu.memory_space<vmem>>, vector<1x16xf32>,
            %swap3A_731 = vector.shape_cast %swap3A_730 : vector<1x16xf32> to vector<16xf32>
            %swap3A_732 = vector.shape_cast %broadcast_in_dim3A_1 : vector<16xf32> to vector<1x16xf32>
            tpu.vector_store %arg7[%swap3A_728, %swap3A_729], %swap3A_732 {strides = array<i32>} : memref<32x1024xf32, #tpu.memory_space<vmem>>, vector<1x16xf32>,
            %swap3A_733 = arith.index_cast %while3A_468 : i32 to index
            %swap3A_734 = arith.constant 848 : index
            %swap3A_735 = tpu.vector_load %arg7[%swap3A_733, %swap3A_734] {strides = array<i32>} : memref<32x1024xf32, #tpu.memory_space<vmem>>, vector<1x16xf32>,
            %swap3A_736 = vector.shape_cast %swap3A_735 : vector<1x16xf32> to vector<16xf32>
            %swap3A_737 = vector.shape_cast %broadcast_in_dim3A_1 : vector<16xf32> to vector<1x16xf32>
            tpu.vector_store %arg7[%swap3A_733, %swap3A_734], %swap3A_737 {strides = array<i32>} : memref<32x1024xf32, #tpu.memory_space<vmem>>, vector<1x16xf32>,
            %swap3A_738 = arith.index_cast %while3A_468 : i32 to index
            %swap3A_739 = arith.constant 864 : index
            %swap3A_740 = tpu.vector_load %arg7[%swap3A_738, %swap3A_739] {strides = array<i32>} : memref<32x1024xf32, #tpu.memory_space<vmem>>, vector<1x16xf32>,
            %swap3A_741 = vector.shape_cast %swap3A_740 : vector<1x16xf32> to vector<16xf32>
            %swap3A_742 = vector.shape_cast %broadcast_in_dim3A_1 : vector<16xf32> to vector<1x16xf32>
            tpu.vector_store %arg7[%swap3A_738, %swap3A_739], %swap3A_742 {strides = array<i32>} : memref<32x1024xf32, #tpu.memory_space<vmem>>, vector<1x16xf32>,
            %swap3A_743 = arith.index_cast %while3A_468 : i32 to index
            %swap3A_744 = arith.constant 880 : index
            %swap3A_745 = tpu.vector_load %arg7[%swap3A_743, %swap3A_744] {strides = array<i32>} : memref<32x1024xf32, #tpu.memory_space<vmem>>, vector<1x16xf32>,
            %swap3A_746 = vector.shape_cast %swap3A_745 : vector<1x16xf32> to vector<16xf32>
            %swap3A_747 = vector.shape_cast %broadcast_in_dim3A_1 : vector<16xf32> to vector<1x16xf32>
            tpu.vector_store %arg7[%swap3A_743, %swap3A_744], %swap3A_747 {strides = array<i32>} : memref<32x1024xf32, #tpu.memory_space<vmem>>, vector<1x16xf32>,
            %swap3A_748 = arith.index_cast %while3A_468 : i32 to index
            %swap3A_749 = arith.constant 896 : index
            %swap3A_750 = tpu.vector_load %arg7[%swap3A_748, %swap3A_749] {strides = array<i32>} : memref<32x1024xf32, #tpu.memory_space<vmem>>, vector<1x16xf32>,
            %swap3A_751 = vector.shape_cast %swap3A_750 : vector<1x16xf32> to vector<16xf32>
            %swap3A_752 = vector.shape_cast %broadcast_in_dim3A_1 : vector<16xf32> to vector<1x16xf32>
            tpu.vector_store %arg7[%swap3A_748, %swap3A_749], %swap3A_752 {strides = array<i32>} : memref<32x1024xf32, #tpu.memory_space<vmem>>, vector<1x16xf32>,
            %swap3A_753 = arith.index_cast %while3A_468 : i32 to index
            %swap3A_754 = arith.constant 912 : index
            %swap3A_755 = tpu.vector_load %arg7[%swap3A_753, %swap3A_754] {strides = array<i32>} : memref<32x1024xf32, #tpu.memory_space<vmem>>, vector<1x16xf32>,
            %swap3A_756 = vector.shape_cast %swap3A_755 : vector<1x16xf32> to vector<16xf32>
            %swap3A_757 = vector.shape_cast %broadcast_in_dim3A_1 : vector<16xf32> to vector<1x16xf32>
            tpu.vector_store %arg7[%swap3A_753, %swap3A_754], %swap3A_757 {strides = array<i32>} : memref<32x1024xf32, #tpu.memory_space<vmem>>, vector<1x16xf32>,
            %swap3A_758 = arith.index_cast %while3A_468 : i32 to index
            %swap3A_759 = arith.constant 928 : index
            %swap3A_760 = tpu.vector_load %arg7[%swap3A_758, %swap3A_759] {strides = array<i32>} : memref<32x1024xf32, #tpu.memory_space<vmem>>, vector<1x16xf32>,
            %swap3A_761 = vector.shape_cast %swap3A_760 : vector<1x16xf32> to vector<16xf32>
            %swap3A_762 = vector.shape_cast %broadcast_in_dim3A_1 : vector<16xf32> to vector<1x16xf32>
            tpu.vector_store %arg7[%swap3A_758, %swap3A_759], %swap3A_762 {strides = array<i32>} : memref<32x1024xf32, #tpu.memory_space<vmem>>, vector<1x16xf32>,
            %swap3A_763 = arith.index_cast %while3A_468 : i32 to index
            %swap3A_764 = arith.constant 944 : index
            %swap3A_765 = tpu.vector_load %arg7[%swap3A_763, %swap3A_764] {strides = array<i32>} : memref<32x1024xf32, #tpu.memory_space<vmem>>, vector<1x16xf32>,
            %swap3A_766 = vector.shape_cast %swap3A_765 : vector<1x16xf32> to vector<16xf32>
            %swap3A_767 = vector.shape_cast %broadcast_in_dim3A_1 : vector<16xf32> to vector<1x16xf32>
            tpu.vector_store %arg7[%swap3A_763, %swap3A_764], %swap3A_767 {strides = array<i32>} : memref<32x1024xf32, #tpu.memory_space<vmem>>, vector<1x16xf32>,
            %swap3A_768 = arith.index_cast %while3A_468 : i32 to index
            %swap3A_769 = arith.constant 960 : index
            %swap3A_770 = tpu.vector_load %arg7[%swap3A_768, %swap3A_769] {strides = array<i32>} : memref<32x1024xf32, #tpu.memory_space<vmem>>, vector<1x16xf32>,
            %swap3A_771 = vector.shape_cast %swap3A_770 : vector<1x16xf32> to vector<16xf32>
            %swap3A_772 = vector.shape_cast %broadcast_in_dim3A_1 : vector<16xf32> to vector<1x16xf32>
            tpu.vector_store %arg7[%swap3A_768, %swap3A_769], %swap3A_772 {strides = array<i32>} : memref<32x1024xf32, #tpu.memory_space<vmem>>, vector<1x16xf32>,
            %swap3A_773 = arith.index_cast %while3A_468 : i32 to index
            %swap3A_774 = arith.constant 976 : index
            %swap3A_775 = tpu.vector_load %arg7[%swap3A_773, %swap3A_774] {strides = array<i32>} : memref<32x1024xf32, #tpu.memory_space<vmem>>, vector<1x16xf32>,
            %swap3A_776 = vector.shape_cast %swap3A_775 : vector<1x16xf32> to vector<16xf32>
            %swap3A_777 = vector.shape_cast %broadcast_in_dim3A_1 : vector<16xf32> to vector<1x16xf32>
            tpu.vector_store %arg7[%swap3A_773, %swap3A_774], %swap3A_777 {strides = array<i32>} : memref<32x1024xf32, #tpu.memory_space<vmem>>, vector<1x16xf32>,
            %swap3A_778 = arith.index_cast %while3A_468 : i32 to index
            %swap3A_779 = arith.constant 992 : index
            %swap3A_780 = tpu.vector_load %arg7[%swap3A_778, %swap3A_779] {strides = array<i32>} : memref<32x1024xf32, #tpu.memory_space<vmem>>, vector<1x16xf32>,
            %swap3A_781 = vector.shape_cast %swap3A_780 : vector<1x16xf32> to vector<16xf32>
            %swap3A_782 = vector.shape_cast %broadcast_in_dim3A_1 : vector<16xf32> to vector<1x16xf32>
            tpu.vector_store %arg7[%swap3A_778, %swap3A_779], %swap3A_782 {strides = array<i32>} : memref<32x1024xf32, #tpu.memory_space<vmem>>, vector<1x16xf32>,
            %swap3A_783 = arith.index_cast %while3A_468 : i32 to index
            %swap3A_784 = arith.constant 1008 : index
            %swap3A_785 = tpu.vector_load %arg7[%swap3A_783, %swap3A_784] {strides = array<i32>} : memref<32x1024xf32, #tpu.memory_space<vmem>>, vector<1x16xf32>,
            %swap3A_786 = vector.shape_cast %swap3A_785 : vector<1x16xf32> to vector<16xf32>
            %swap3A_787 = vector.shape_cast %broadcast_in_dim3A_1 : vector<16xf32> to vector<1x16xf32>
            tpu.vector_store %arg7[%swap3A_783, %swap3A_784], %swap3A_787 {strides = array<i32>} : memref<32x1024xf32, #tpu.memory_space<vmem>>, vector<1x16xf32>,
          }
          %multiple_of3A_462 = tpu.assume_multiple %mul3A_420, 8 : i32
          %dma_start3A = arith.constant 0 : i32
          %dma_start3A_463 = tpu.memref_slice %arg5[%min3A_418, %multiple_of3A_462, %dma_start3A] : memref<255x256x1024xf32, #tpu.memory_space<hbm>> -> memref<1x32x1024xf32, #tpu.memory_space<hbm>>
          %dma_start3A_464 = tpu.memref_squeeze %dma_start3A_463 : memref<1x32x1024xf32, #tpu.memory_space<hbm>> -> memref<32x1024xf32, #tpu.memory_space<hbm>>
          %dma_start3A_465 = arith.constant 0 : i32
          %dma_start3A_466 = tpu.memref_slice %arg5[%min3A_418, %multiple_of3A_462, %dma_start3A_465] : memref<255x256x1024xf32, #tpu.memory_space<hbm>> -> memref<1x32x1024xf32, #tpu.memory_space<hbm>>
          %dma_start3A_467 = tpu.memref_squeeze %dma_start3A_466 : memref<1x32x1024xf32, #tpu.memory_space<hbm>> -> memref<32x1024xf32, #tpu.memory_space<hbm>>
          tpu.enqueue_dma source(%arg7 : memref<32x1024xf32, #tpu.memory_space<vmem>>) target(%dma_start3A_467 : memref<32x1024xf32, #tpu.memory_space<hbm>>) target_semaphore(%arg11 : memref<!tpu.dma_semaphore, #tpu.memory_space<semaphore_mem>>)
        } else {
        }
        %add3A_429 = arith.constant 32 : i32
        %add3A_430 = arith.addi %mul3A_420, %add3A_429 : i32
        %sub3A_431 = arith.constant 1 : i32
        %sub3A_432 = arith.subi %add3A_430, %sub3A_431 : i32
        %ge3A_433 = arith.cmpi sge, %min3A_418, %sub3A_432 : i32
        %convert_element_type3A_434 = arith.extui %ge3A_433 : i1 to i32
        %cond3A_435 = arith.constant 0 : i32
        %cond3A_436 = arith.cmpi ne, %convert_element_type3A_434, %cond3A_435 : i32
        scf.if %cond3A_436 {
          %multiple_of3A_437 = tpu.assume_multiple %mul3A_420, 8 : i32
          %dma_start3A = arith.constant 0 : i32
          %dma_start3A_438 = tpu.memref_slice %arg5[%min3A_418, %multiple_of3A_437, %dma_start3A] : memref<255x256x1024xf32, #tpu.memory_space<hbm>> -> memref<1x32x1024xf32, #tpu.memory_space<hbm>>
          %dma_start3A_439 = tpu.memref_squeeze %dma_start3A_438 : memref<1x32x1024xf32, #tpu.memory_space<hbm>> -> memref<32x1024xf32, #tpu.memory_space<hbm>>
          %dma_start3A_440 = arith.constant 0 : i32
          %dma_start3A_441 = tpu.memref_slice %arg5[%min3A_418, %multiple_of3A_437, %dma_start3A_440] : memref<255x256x1024xf32, #tpu.memory_space<hbm>> -> memref<1x32x1024xf32, #tpu.memory_space<hbm>>
          %dma_start3A_442 = tpu.memref_squeeze %dma_start3A_441 : memref<1x32x1024xf32, #tpu.memory_space<hbm>> -> memref<32x1024xf32, #tpu.memory_space<hbm>>
          tpu.enqueue_dma source(%arg8 : memref<32x1024xf32, #tpu.memory_space<vmem>>) target(%dma_start3A_442 : memref<32x1024xf32, #tpu.memory_space<hbm>>) target_semaphore(%arg11 : memref<!tpu.dma_semaphore, #tpu.memory_space<semaphore_mem>>)
        } else {
        }
      } else {
      }
      %mul3A_283 = arith.constant 2 : i32
      %mul3A_284 = arith.muli %mul3A_283, %while3A_203 : i32
      %add3A_285 = arith.constant 1 : i32
      %add3A_286 = arith.addi %mul3A_284, %add3A_285 : i32
      %jit3A_287 = arith.constant 8 : i64
      %convert_element_type3A_288 = arith.trunci %jit3A_287 : i64 to i32
      %div3A_289 = arith.divsi %add3A_286, %convert_element_type3A_288 : i32
      %sign3A_290 = arith.constant 0 : i32
      %sign3A_291 = arith.cmpi sgt, %add3A_286, %sign3A_290 : i32
      %sign3A_292 = arith.extui %sign3A_291 : i1 to i32
      %sign3A_293 = arith.constant 0 : i32
      %sign3A_294 = arith.cmpi slt, %add3A_286, %sign3A_293 : i32
      %sign3A_295 = arith.extui %sign3A_294 : i1 to i32
      %sign3A_296 = arith.subi %sign3A_292, %sign3A_295 : i32
      %sign3A_297 = arith.constant 0 : i32
      %sign3A_298 = arith.cmpi sgt, %convert_element_type3A_288, %sign3A_297 : i32
      %sign3A_299 = arith.extui %sign3A_298 : i1 to i32
      %sign3A_300 = arith.constant 0 : i32
      %sign3A_301 = arith.cmpi slt, %convert_element_type3A_288, %sign3A_300 : i32
      %sign3A_302 = arith.extui %sign3A_301 : i1 to i32
      %sign3A_303 = arith.subi %sign3A_299, %sign3A_302 : i32
      %ne3A_304 = arith.cmpi ne, %sign3A_296, %sign3A_303 : i32
      %rem3A_305 = arith.remsi %add3A_286, %convert_element_type3A_288 : i32
      %ne3A_306 = arith.constant 0 : i32
      %ne3A_307 = arith.cmpi ne, %rem3A_305, %ne3A_306 : i32
      %and3A_308 = arith.andi %ne3A_304, %ne3A_307 : i1
      %sub3A_309 = arith.constant 1 : i32
      %sub3A_310 = arith.subi %div3A_289, %sub3A_309 : i32
      %select_n3A_311 = arith.select %and3A_308, %sub3A_310, %div3A_289 : i32
      %mul3A_312 = arith.constant 8 : i32
      %mul3A_313 = arith.muli %select_n3A_311, %mul3A_312 : i32
      %sub3A_314 = arith.subi %add3A_286, %mul3A_313 : i32
      %jit3A_315 = arith.constant 2 : i64
      %convert_element_type3A_316 = arith.trunci %jit3A_315 : i64 to i32
      %eq3A_317 = arith.constant 0 : i32
      %eq3A_318 = arith.cmpi eq, %convert_element_type3A_316, %eq3A_317 : i32
      %jit3A_319 = arith.constant 1 : i32
      %select_n3A_320 = arith.select %eq3A_318, %jit3A_319, %convert_element_type3A_316 : i32
      %rem3A_321 = arith.remsi %select_n3A_311, %select_n3A_320 : i32
      %ne3A_322 = arith.constant 0 : i32
      %ne3A_323 = arith.cmpi ne, %rem3A_321, %ne3A_322 : i32
      %lt3A_324 = arith.constant 0 : i32
      %lt3A_325 = arith.cmpi slt, %rem3A_321, %lt3A_324 : i32
      %lt3A_326 = arith.constant 0 : i32
      %lt3A_327 = arith.cmpi slt, %select_n3A_320, %lt3A_326 : i32
      %ne3A_328 = arith.xori %lt3A_325, %lt3A_327 : i1
      %and3A_329 = arith.andi %ne3A_328, %ne3A_323 : i1
      %add3A_330 = arith.addi %rem3A_321, %select_n3A_320 : i32
      %select_n3A_331 = arith.select %and3A_329, %add3A_330, %rem3A_321 : i32
      %eq3A_332 = arith.constant 0 : i32
      %eq3A_333 = arith.cmpi eq, %select_n3A_331, %eq3A_332 : i32
      %sub3A_334 = arith.constant 31 : i32
      %sub3A_335 = arith.subi %sub3A_334, %add3A : i32
      %select_n3A_336 = arith.select %eq3A_333, %add3A, %sub3A_335 : i32
      %mul3A_337 = arith.constant 32 : i32
      %mul3A_338 = arith.muli %mul3A_337, %select_n3A_311 : i32
      %add3A_339 = arith.addi %select_n3A_336, %mul3A_338 : i32
      %min3A_340 = arith.constant 254 : i32
      %min3A_341 = arith.minsi %add3A_339, %min3A_340 : i32
      %mul3A_342 = arith.constant 32 : i32
      %mul3A_343 = arith.muli %sub3A_314, %mul3A_342 : i32
      %ge3A_344 = arith.constant 2 : i32
      %ge3A_345 = arith.cmpi sge, %add3A_286, %ge3A_344 : i32
      %convert_element_type3A_346 = arith.extui %ge3A_345 : i1 to i32
      %cond3A_347 = arith.constant 0 : i32
      %cond3A_348 = arith.cmpi ne, %convert_element_type3A_346, %cond3A_347 : i32
      scf.if %cond3A_348 {
        %multiple_of3A_362 = tpu.assume_multiple %mul3A_343, 8 : i32
        %dma_wait3A_363 = arith.constant 0 : i32
        %dma_wait3A_364 = tpu.memref_slice %arg5[%min3A_341, %multiple_of3A_362, %dma_wait3A_363] : memref<255x256x1024xf32, #tpu.memory_space<hbm>> -> memref<1x32x1024xf32, #tpu.memory_space<hbm>>
        %dma_wait3A_365 = tpu.memref_squeeze %dma_wait3A_364 : memref<1x32x1024xf32, #tpu.memory_space<hbm>> -> memref<32x1024xf32, #tpu.memory_space<hbm>>
        %dma_wait3A_366 = arith.constant 0 : i32
        %dma_wait3A_367 = tpu.memref_slice %arg5[%min3A_341, %multiple_of3A_362, %dma_wait3A_366] : memref<255x256x1024xf32, #tpu.memory_space<hbm>> -> memref<1x32x1024xf32, #tpu.memory_space<hbm>>
        %dma_wait3A_368 = tpu.memref_squeeze %dma_wait3A_367 : memref<1x32x1024xf32, #tpu.memory_space<hbm>> -> memref<32x1024xf32, #tpu.memory_space<hbm>>
        tpu.wait_dma2 semaphore(%arg11 : memref<!tpu.dma_semaphore, #tpu.memory_space<semaphore_mem>>) src(%arg7 : memref<32x1024xf32, #tpu.memory_space<vmem>>) dst(%dma_wait3A_368 : memref<32x1024xf32, #tpu.memory_space<hbm>>)
      } else {
      }
      %add3A_349 = arith.constant 32 : i32
      %add3A_350 = arith.addi %mul3A_343, %add3A_349 : i32
      %sub3A_351 = arith.constant 1 : i32
      %sub3A_352 = arith.subi %add3A_350, %sub3A_351 : i32
      %lt3A_353 = arith.cmpi slt, %min3A_341, %sub3A_352 : i32
      %convert_element_type3A_354 = arith.extui %lt3A_353 : i1 to i32
      %cond3A_355 = arith.constant 0 : i32
      %cond3A_356 = arith.cmpi ne, %convert_element_type3A_354, %cond3A_355 : i32
      scf.if %cond3A_356 {
        %run_scoped3A = arith.constant 1 : i32
        "tpu.region"() ({
          %run_scoped3A_368 = tpu.sem_alloc : memref<!tpu.dma_semaphore, #tpu.memory_space<semaphore_mem>>
          %dma_start3A_369 = arith.constant 0 : i32
          %dma_start3A_370 = tpu.memref_slice %arg9[%run_scoped3A, %dma_start3A_369] : memref<2x32xi32, #tpu.memory_space<vmem>> -> memref<1x32xi32, #tpu.memory_space<vmem>>
          %dma_start3A_371 = tpu.memref_squeeze %dma_start3A_370 : memref<1x32xi32, #tpu.memory_space<vmem>> -> memref<32xi32, #tpu.memory_space<vmem>>
          %dma_start3A_372 = arith.constant 0 : i32
          %dma_start3A_373 = tpu.memref_slice %arg4[%add3A, %add3A_286, %dma_start3A_372] : memref<32x64x32xi32, #tpu.memory_space<hbm>> -> memref<1x1x32xi32, #tpu.memory_space<hbm>>
          %dma_start3A_374 = tpu.memref_squeeze %dma_start3A_373 : memref<1x1x32xi32, #tpu.memory_space<hbm>> -> memref<32xi32, #tpu.memory_space<hbm>>
          %dma_start3A_375 = arith.constant 0 : i32
          %dma_start3A_376 = tpu.memref_slice %arg9[%run_scoped3A, %dma_start3A_375] : memref<2x32xi32, #tpu.memory_space<vmem>> -> memref<1x32xi32, #tpu.memory_space<vmem>>
          %dma_start3A_377 = tpu.memref_squeeze %dma_start3A_376 : memref<1x32xi32, #tpu.memory_space<vmem>> -> memref<32xi32, #tpu.memory_space<vmem>>
          %dma_start3A_378 = arith.constant 0 : i32
          %dma_start3A_379 = tpu.memref_slice %arg4[%add3A, %add3A_286, %dma_start3A_378] : memref<32x64x32xi32, #tpu.memory_space<hbm>> -> memref<1x1x32xi32, #tpu.memory_space<hbm>>
          %dma_start3A_380 = tpu.memref_squeeze %dma_start3A_379 : memref<1x1x32xi32, #tpu.memory_space<hbm>> -> memref<32xi32, #tpu.memory_space<hbm>>
          tpu.enqueue_dma source(%dma_start3A_380 : memref<32xi32, #tpu.memory_space<hbm>>) target(%dma_start3A_377 : memref<32xi32, #tpu.memory_space<vmem>>) target_semaphore(%run_scoped3A_368 : memref<!tpu.dma_semaphore, #tpu.memory_space<semaphore_mem>>)
          %dma_wait3A_381 = arith.constant 0 : i32
          %dma_wait3A_382 = tpu.memref_slice %arg9[%run_scoped3A, %dma_wait3A_381] : memref<2x32xi32, #tpu.memory_space<vmem>> -> memref<1x32xi32, #tpu.memory_space<vmem>>
          %dma_wait3A_383 = tpu.memref_squeeze %dma_wait3A_382 : memref<1x32xi32, #tpu.memory_space<vmem>> -> memref<32xi32, #tpu.memory_space<vmem>>
          %dma_wait3A_384 = arith.constant 0 : i32
          %dma_wait3A_385 = tpu.memref_slice %arg4[%add3A, %add3A_286, %dma_wait3A_384] : memref<32x64x32xi32, #tpu.memory_space<hbm>> -> memref<1x1x32xi32, #tpu.memory_space<hbm>>
          %dma_wait3A_386 = tpu.memref_squeeze %dma_wait3A_385 : memref<1x1x32xi32, #tpu.memory_space<hbm>> -> memref<32xi32, #tpu.memory_space<hbm>>
          %dma_wait3A_387 = arith.constant 0 : i32
          %dma_wait3A_388 = tpu.memref_slice %arg9[%run_scoped3A, %dma_wait3A_387] : memref<2x32xi32, #tpu.memory_space<vmem>> -> memref<1x32xi32, #tpu.memory_space<vmem>>
          %dma_wait3A_389 = tpu.memref_squeeze %dma_wait3A_388 : memref<1x32xi32, #tpu.memory_space<vmem>> -> memref<32xi32, #tpu.memory_space<vmem>>
          %dma_wait3A_390 = arith.constant 0 : i32
          %dma_wait3A_391 = tpu.memref_slice %arg4[%add3A, %add3A_286, %dma_wait3A_390] : memref<32x64x32xi32, #tpu.memory_space<hbm>> -> memref<1x1x32xi32, #tpu.memory_space<hbm>>
          %dma_wait3A_392 = tpu.memref_squeeze %dma_wait3A_391 : memref<1x1x32xi32, #tpu.memory_space<hbm>> -> memref<32xi32, #tpu.memory_space<hbm>>
          tpu.wait_dma2 semaphore(%run_scoped3A_368 : memref<!tpu.dma_semaphore, #tpu.memory_space<semaphore_mem>>) src(%dma_wait3A_392 : memref<32xi32, #tpu.memory_space<hbm>>) dst(%dma_wait3A_389 : memref<32xi32, #tpu.memory_space<vmem>>)
          tpu.yield
        }) : () -> ()
        %dma_start3A = arith.constant 1 : i32
        %dma_start3A_362 = arith.constant 0 : i32
        %dma_start3A_363 = tpu.memref_slice %arg9[%dma_start3A, %dma_start3A_362] : memref<2x32xi32, #tpu.memory_space<vmem>> -> memref<1x32xi32, #tpu.memory_space<vmem>>
        %dma_start3A_364 = tpu.memref_squeeze %dma_start3A_363 : memref<1x32xi32, #tpu.memory_space<vmem>> -> memref<32xi32, #tpu.memory_space<vmem>>
        %dma_start3A_365 = arith.constant 0 : i32
        %dma_start3A_366 = arith.constant 0 : i32
        %dma_start3A_367 = tpu.memref_slice %arg2[%dma_start3A_365, %dma_start3A_366] : memref<32640x1024xf32, #tpu.memory_space<hbm>> -> memref<32640x1024xf32, #tpu.memory_space<hbm>>
        tpu.enqueue_indirect_dma source(%dma_start3A_367 : memref<32640x1024xf32, #tpu.memory_space<hbm>>) target(%arg7 : memref<32x1024xf32, #tpu.memory_space<vmem>>) offsets(%dma_start3A_364 : memref<32xi32, #tpu.memory_space<vmem>>) semaphore(%arg13 : memref<!tpu.dma_semaphore, #tpu.memory_space<semaphore_mem>>)
      } else {
      }
      %ge3A_357 = arith.constant 1 : i32
      %ge3A_358 = arith.cmpi sge, %add3A_286, %ge3A_357 : i32
      %convert_element_type3A_359 = arith.extui %ge3A_358 : i1 to i32
      %cond3A_360 = arith.constant 0 : i32
      %cond3A_361 = arith.cmpi ne, %convert_element_type3A_359, %cond3A_360 : i32
      scf.if %cond3A_361 {
        %sub3A_362 = arith.constant 1 : i32
        %sub3A_363 = arith.subi %add3A_286, %sub3A_362 : i32
        %jit3A_364 = arith.constant 8 : i64
        %convert_element_type3A_365 = arith.trunci %jit3A_364 : i64 to i32
        %div3A_366 = arith.divsi %sub3A_363, %convert_element_type3A_365 : i32
        %sign3A_367 = arith.constant 0 : i32
        %sign3A_368 = arith.cmpi sgt, %sub3A_363, %sign3A_367 : i32
        %sign3A_369 = arith.extui %sign3A_368 : i1 to i32
        %sign3A_370 = arith.constant 0 : i32
        %sign3A_371 = arith.cmpi slt, %sub3A_363, %sign3A_370 : i32
        %sign3A_372 = arith.extui %sign3A_371 : i1 to i32
        %sign3A_373 = arith.subi %sign3A_369, %sign3A_372 : i32
        %sign3A_374 = arith.constant 0 : i32
        %sign3A_375 = arith.cmpi sgt, %convert_element_type3A_365, %sign3A_374 : i32
        %sign3A_376 = arith.extui %sign3A_375 : i1 to i32
        %sign3A_377 = arith.constant 0 : i32
        %sign3A_378 = arith.cmpi slt, %convert_element_type3A_365, %sign3A_377 : i32
        %sign3A_379 = arith.extui %sign3A_378 : i1 to i32
        %sign3A_380 = arith.subi %sign3A_376, %sign3A_379 : i32
        %ne3A_381 = arith.cmpi ne, %sign3A_373, %sign3A_380 : i32
        %rem3A_382 = arith.remsi %sub3A_363, %convert_element_type3A_365 : i32
        %ne3A_383 = arith.constant 0 : i32
        %ne3A_384 = arith.cmpi ne, %rem3A_382, %ne3A_383 : i32
        %and3A_385 = arith.andi %ne3A_381, %ne3A_384 : i1
        %sub3A_386 = arith.constant 1 : i32
        %sub3A_387 = arith.subi %div3A_366, %sub3A_386 : i32
        %select_n3A_388 = arith.select %and3A_385, %sub3A_387, %div3A_366 : i32
        %mul3A_389 = arith.constant 8 : i32
        %mul3A_390 = arith.muli %select_n3A_388, %mul3A_389 : i32
        %sub3A_391 = arith.subi %sub3A_363, %mul3A_390 : i32
        %jit3A_392 = arith.constant 2 : i64
        %convert_element_type3A_393 = arith.trunci %jit3A_392 : i64 to i32
        %eq3A_394 = arith.constant 0 : i32
        %eq3A_395 = arith.cmpi eq, %convert_element_type3A_393, %eq3A_394 : i32
        %jit3A_396 = arith.constant 1 : i32
        %select_n3A_397 = arith.select %eq3A_395, %jit3A_396, %convert_element_type3A_393 : i32
        %rem3A_398 = arith.remsi %select_n3A_388, %select_n3A_397 : i32
        %ne3A_399 = arith.constant 0 : i32
        %ne3A_400 = arith.cmpi ne, %rem3A_398, %ne3A_399 : i32
        %lt3A_401 = arith.constant 0 : i32
        %lt3A_402 = arith.cmpi slt, %rem3A_398, %lt3A_401 : i32
        %lt3A_403 = arith.constant 0 : i32
        %lt3A_404 = arith.cmpi slt, %select_n3A_397, %lt3A_403 : i32
        %ne3A_405 = arith.xori %lt3A_402, %lt3A_404 : i1
        %and3A_406 = arith.andi %ne3A_405, %ne3A_400 : i1
        %add3A_407 = arith.addi %rem3A_398, %select_n3A_397 : i32
        %select_n3A_408 = arith.select %and3A_406, %add3A_407, %rem3A_398 : i32
        %eq3A_409 = arith.constant 0 : i32
        %eq3A_410 = arith.cmpi eq, %select_n3A_408, %eq3A_409 : i32
        %sub3A_411 = arith.constant 31 : i32
        %sub3A_412 = arith.subi %sub3A_411, %add3A : i32
        %select_n3A_413 = arith.select %eq3A_410, %add3A, %sub3A_412 : i32
        %mul3A_414 = arith.constant 32 : i32
        %mul3A_415 = arith.muli %mul3A_414, %select_n3A_388 : i32
        %add3A_416 = arith.addi %select_n3A_413, %mul3A_415 : i32
        %min3A_417 = arith.constant 254 : i32
        %min3A_418 = arith.minsi %add3A_416, %min3A_417 : i32
        %mul3A_419 = arith.constant 32 : i32
        %mul3A_420 = arith.muli %sub3A_391, %mul3A_419 : i32
        %add3A_421 = arith.constant 32 : i32
        %add3A_422 = arith.addi %mul3A_420, %add3A_421 : i32
        %sub3A_423 = arith.constant 1 : i32
        %sub3A_424 = arith.subi %add3A_422, %sub3A_423 : i32
        %lt3A_425 = arith.cmpi slt, %min3A_418, %sub3A_424 : i32
        %convert_element_type3A_426 = arith.extui %lt3A_425 : i1 to i32
        %cond3A_427 = arith.constant 0 : i32
        %cond3A_428 = arith.cmpi ne, %convert_element_type3A_426, %cond3A_427 : i32
        scf.if %cond3A_428 {
          %dma_wait3A_437 = arith.constant 0 : i32
          %dma_wait3A_438 = arith.constant 0 : i32
          %dma_wait3A_439 = tpu.memref_slice %arg9[%dma_wait3A_437, %dma_wait3A_438] : memref<2x32xi32, #tpu.memory_space<vmem>> -> memref<1x32xi32, #tpu.memory_space<vmem>>
          %dma_wait3A_440 = tpu.memref_squeeze %dma_wait3A_439 : memref<1x32xi32, #tpu.memory_space<vmem>> -> memref<32xi32, #tpu.memory_space<vmem>>
          %dma_wait3A_441 = arith.constant 0 : i32
          %dma_wait3A_442 = arith.constant 0 : i32
          %dma_wait3A_443 = tpu.memref_slice %arg2[%dma_wait3A_441, %dma_wait3A_442] : memref<32640x1024xf32, #tpu.memory_space<hbm>> -> memref<32640x1024xf32, #tpu.memory_space<hbm>>
          tpu.wait_indirect_dma semaphore(%arg12 : memref<!tpu.dma_semaphore, #tpu.memory_space<semaphore_mem>>) src(%dma_wait3A_443 : memref<32640x1024xf32, #tpu.memory_space<hbm>>) dst(%arg6 : memref<32x1024xf32, #tpu.memory_space<vmem>>)
          %sub3A_444 = arith.subi %min3A_418, %mul3A_420 : i32
          %add3A_445 = arith.constant 1 : i32
          %add3A_446 = arith.addi %sub3A_444, %add3A_445 : i32
          %jit3A_447 = arith.constant 0 : i64
          %jit3A_448 = arith.constant 32 : i64
          %convert_element_type3A_449 = arith.trunci %jit3A_447 : i64 to i32
          %max3A = arith.maxsi %convert_element_type3A_449, %add3A_446 : i32
          %convert_element_type3A_450 = arith.trunci %jit3A_448 : i64 to i32
          %min3A_451 = arith.minsi %convert_element_type3A_450, %max3A : i32
          %while3A_452 = arith.constant 0 : i32
          %while3A_453 = arith.constant 0 : i32
          %while3A_454 = arith.subi %min3A_451, %while3A_453 : i32
          %while3A_455 = arith.addi %while3A_453, %while3A_454 : i32
          %while3A_456 = arith.constant 1 : i32
          %while3A_457 = arith.divsi %while3A_454, %while3A_456 : i32
          %while3A_458 = arith.muli %while3A_457, %while3A_456 : i32
          %while3A_459 = arith.addi %while3A_453, %while3A_458 : i32
          %while3A_460 = arith.constant 1 : i32
          scf.for %while3A_468 = %while3A_453 to %while3A_459 step %while3A_460  : i32 {
            %swap3A = arith.index_cast %while3A_468 : i32 to index
            %swap3A_469 = arith.constant 0 : index
            %swap3A_470 = tpu.vector_load %arg6[%swap3A, %swap3A_469] {strides = array<i32>} : memref<32x1024xf32, #tpu.memory_space<vmem>>, vector<1x16xf32>,
            %swap3A_471 = vector.shape_cast %swap3A_470 : vector<1x16xf32> to vector<16xf32>
            %swap3A_472 = vector.shape_cast %broadcast_in_dim3A_1 : vector<16xf32> to vector<1x16xf32>
            tpu.vector_store %arg6[%swap3A, %swap3A_469], %swap3A_472 {strides = array<i32>} : memref<32x1024xf32, #tpu.memory_space<vmem>>, vector<1x16xf32>,
            %swap3A_473 = arith.index_cast %while3A_468 : i32 to index
            %swap3A_474 = arith.constant 16 : index
            %swap3A_475 = tpu.vector_load %arg6[%swap3A_473, %swap3A_474] {strides = array<i32>} : memref<32x1024xf32, #tpu.memory_space<vmem>>, vector<1x16xf32>,
            %swap3A_476 = vector.shape_cast %swap3A_475 : vector<1x16xf32> to vector<16xf32>
            %swap3A_477 = vector.shape_cast %broadcast_in_dim3A_1 : vector<16xf32> to vector<1x16xf32>
            tpu.vector_store %arg6[%swap3A_473, %swap3A_474], %swap3A_477 {strides = array<i32>} : memref<32x1024xf32, #tpu.memory_space<vmem>>, vector<1x16xf32>,
            %swap3A_478 = arith.index_cast %while3A_468 : i32 to index
            %swap3A_479 = arith.constant 32 : index
            %swap3A_480 = tpu.vector_load %arg6[%swap3A_478, %swap3A_479] {strides = array<i32>} : memref<32x1024xf32, #tpu.memory_space<vmem>>, vector<1x16xf32>,
            %swap3A_481 = vector.shape_cast %swap3A_480 : vector<1x16xf32> to vector<16xf32>
            %swap3A_482 = vector.shape_cast %broadcast_in_dim3A_1 : vector<16xf32> to vector<1x16xf32>
            tpu.vector_store %arg6[%swap3A_478, %swap3A_479], %swap3A_482 {strides = array<i32>} : memref<32x1024xf32, #tpu.memory_space<vmem>>, vector<1x16xf32>,
            %swap3A_483 = arith.index_cast %while3A_468 : i32 to index
            %swap3A_484 = arith.constant 48 : index
            %swap3A_485 = tpu.vector_load %arg6[%swap3A_483, %swap3A_484] {strides = array<i32>} : memref<32x1024xf32, #tpu.memory_space<vmem>>, vector<1x16xf32>,
            %swap3A_486 = vector.shape_cast %swap3A_485 : vector<1x16xf32> to vector<16xf32>
            %swap3A_487 = vector.shape_cast %broadcast_in_dim3A_1 : vector<16xf32> to vector<1x16xf32>
            tpu.vector_store %arg6[%swap3A_483, %swap3A_484], %swap3A_487 {strides = array<i32>} : memref<32x1024xf32, #tpu.memory_space<vmem>>, vector<1x16xf32>,
            %swap3A_488 = arith.index_cast %while3A_468 : i32 to index
            %swap3A_489 = arith.constant 64 : index
            %swap3A_490 = tpu.vector_load %arg6[%swap3A_488, %swap3A_489] {strides = array<i32>} : memref<32x1024xf32, #tpu.memory_space<vmem>>, vector<1x16xf32>,
            %swap3A_491 = vector.shape_cast %swap3A_490 : vector<1x16xf32> to vector<16xf32>
            %swap3A_492 = vector.shape_cast %broadcast_in_dim3A_1 : vector<16xf32> to vector<1x16xf32>
            tpu.vector_store %arg6[%swap3A_488, %swap3A_489], %swap3A_492 {strides = array<i32>} : memref<32x1024xf32, #tpu.memory_space<vmem>>, vector<1x16xf32>,
            %swap3A_493 = arith.index_cast %while3A_468 : i32 to index
            %swap3A_494 = arith.constant 80 : index
            %swap3A_495 = tpu.vector_load %arg6[%swap3A_493, %swap3A_494] {strides = array<i32>} : memref<32x1024xf32, #tpu.memory_space<vmem>>, vector<1x16xf32>,
            %swap3A_496 = vector.shape_cast %swap3A_495 : vector<1x16xf32> to vector<16xf32>
            %swap3A_497 = vector.shape_cast %broadcast_in_dim3A_1 : vector<16xf32> to vector<1x16xf32>
            tpu.vector_store %arg6[%swap3A_493, %swap3A_494], %swap3A_497 {strides = array<i32>} : memref<32x1024xf32, #tpu.memory_space<vmem>>, vector<1x16xf32>,
            %swap3A_498 = arith.index_cast %while3A_468 : i32 to index
            %swap3A_499 = arith.constant 96 : index
            %swap3A_500 = tpu.vector_load %arg6[%swap3A_498, %swap3A_499] {strides = array<i32>} : memref<32x1024xf32, #tpu.memory_space<vmem>>, vector<1x16xf32>,
            %swap3A_501 = vector.shape_cast %swap3A_500 : vector<1x16xf32> to vector<16xf32>
            %swap3A_502 = vector.shape_cast %broadcast_in_dim3A_1 : vector<16xf32> to vector<1x16xf32>
            tpu.vector_store %arg6[%swap3A_498, %swap3A_499], %swap3A_502 {strides = array<i32>} : memref<32x1024xf32, #tpu.memory_space<vmem>>, vector<1x16xf32>,
            %swap3A_503 = arith.index_cast %while3A_468 : i32 to index
            %swap3A_504 = arith.constant 112 : index
            %swap3A_505 = tpu.vector_load %arg6[%swap3A_503, %swap3A_504] {strides = array<i32>} : memref<32x1024xf32, #tpu.memory_space<vmem>>, vector<1x16xf32>,
            %swap3A_506 = vector.shape_cast %swap3A_505 : vector<1x16xf32> to vector<16xf32>
            %swap3A_507 = vector.shape_cast %broadcast_in_dim3A_1 : vector<16xf32> to vector<1x16xf32>
            tpu.vector_store %arg6[%swap3A_503, %swap3A_504], %swap3A_507 {strides = array<i32>} : memref<32x1024xf32, #tpu.memory_space<vmem>>, vector<1x16xf32>,
            %swap3A_508 = arith.index_cast %while3A_468 : i32 to index
            %swap3A_509 = arith.constant 128 : index
            %swap3A_510 = tpu.vector_load %arg6[%swap3A_508, %swap3A_509] {strides = array<i32>} : memref<32x1024xf32, #tpu.memory_space<vmem>>, vector<1x16xf32>,
            %swap3A_511 = vector.shape_cast %swap3A_510 : vector<1x16xf32> to vector<16xf32>
            %swap3A_512 = vector.shape_cast %broadcast_in_dim3A_1 : vector<16xf32> to vector<1x16xf32>
            tpu.vector_store %arg6[%swap3A_508, %swap3A_509], %swap3A_512 {strides = array<i32>} : memref<32x1024xf32, #tpu.memory_space<vmem>>, vector<1x16xf32>,
            %swap3A_513 = arith.index_cast %while3A_468 : i32 to index
            %swap3A_514 = arith.constant 144 : index
            %swap3A_515 = tpu.vector_load %arg6[%swap3A_513, %swap3A_514] {strides = array<i32>} : memref<32x1024xf32, #tpu.memory_space<vmem>>, vector<1x16xf32>,
            %swap3A_516 = vector.shape_cast %swap3A_515 : vector<1x16xf32> to vector<16xf32>
            %swap3A_517 = vector.shape_cast %broadcast_in_dim3A_1 : vector<16xf32> to vector<1x16xf32>
            tpu.vector_store %arg6[%swap3A_513, %swap3A_514], %swap3A_517 {strides = array<i32>} : memref<32x1024xf32, #tpu.memory_space<vmem>>, vector<1x16xf32>,
            %swap3A_518 = arith.index_cast %while3A_468 : i32 to index
            %swap3A_519 = arith.constant 160 : index
            %swap3A_520 = tpu.vector_load %arg6[%swap3A_518, %swap3A_519] {strides = array<i32>} : memref<32x1024xf32, #tpu.memory_space<vmem>>, vector<1x16xf32>,
            %swap3A_521 = vector.shape_cast %swap3A_520 : vector<1x16xf32> to vector<16xf32>
            %swap3A_522 = vector.shape_cast %broadcast_in_dim3A_1 : vector<16xf32> to vector<1x16xf32>
            tpu.vector_store %arg6[%swap3A_518, %swap3A_519], %swap3A_522 {strides = array<i32>} : memref<32x1024xf32, #tpu.memory_space<vmem>>, vector<1x16xf32>,
            %swap3A_523 = arith.index_cast %while3A_468 : i32 to index
            %swap3A_524 = arith.constant 176 : index
            %swap3A_525 = tpu.vector_load %arg6[%swap3A_523, %swap3A_524] {strides = array<i32>} : memref<32x1024xf32, #tpu.memory_space<vmem>>, vector<1x16xf32>,
            %swap3A_526 = vector.shape_cast %swap3A_525 : vector<1x16xf32> to vector<16xf32>
            %swap3A_527 = vector.shape_cast %broadcast_in_dim3A_1 : vector<16xf32> to vector<1x16xf32>
            tpu.vector_store %arg6[%swap3A_523, %swap3A_524], %swap3A_527 {strides = array<i32>} : memref<32x1024xf32, #tpu.memory_space<vmem>>, vector<1x16xf32>,
            %swap3A_528 = arith.index_cast %while3A_468 : i32 to index
            %swap3A_529 = arith.constant 192 : index
            %swap3A_530 = tpu.vector_load %arg6[%swap3A_528, %swap3A_529] {strides = array<i32>} : memref<32x1024xf32, #tpu.memory_space<vmem>>, vector<1x16xf32>,
            %swap3A_531 = vector.shape_cast %swap3A_530 : vector<1x16xf32> to vector<16xf32>
            %swap3A_532 = vector.shape_cast %broadcast_in_dim3A_1 : vector<16xf32> to vector<1x16xf32>
            tpu.vector_store %arg6[%swap3A_528, %swap3A_529], %swap3A_532 {strides = array<i32>} : memref<32x1024xf32, #tpu.memory_space<vmem>>, vector<1x16xf32>,
            %swap3A_533 = arith.index_cast %while3A_468 : i32 to index
            %swap3A_534 = arith.constant 208 : index
            %swap3A_535 = tpu.vector_load %arg6[%swap3A_533, %swap3A_534] {strides = array<i32>} : memref<32x1024xf32, #tpu.memory_space<vmem>>, vector<1x16xf32>,
            %swap3A_536 = vector.shape_cast %swap3A_535 : vector<1x16xf32> to vector<16xf32>
            %swap3A_537 = vector.shape_cast %broadcast_in_dim3A_1 : vector<16xf32> to vector<1x16xf32>
            tpu.vector_store %arg6[%swap3A_533, %swap3A_534], %swap3A_537 {strides = array<i32>} : memref<32x1024xf32, #tpu.memory_space<vmem>>, vector<1x16xf32>,
            %swap3A_538 = arith.index_cast %while3A_468 : i32 to index
            %swap3A_539 = arith.constant 224 : index
            %swap3A_540 = tpu.vector_load %arg6[%swap3A_538, %swap3A_539] {strides = array<i32>} : memref<32x1024xf32, #tpu.memory_space<vmem>>, vector<1x16xf32>,
            %swap3A_541 = vector.shape_cast %swap3A_540 : vector<1x16xf32> to vector<16xf32>
            %swap3A_542 = vector.shape_cast %broadcast_in_dim3A_1 : vector<16xf32> to vector<1x16xf32>
            tpu.vector_store %arg6[%swap3A_538, %swap3A_539], %swap3A_542 {strides = array<i32>} : memref<32x1024xf32, #tpu.memory_space<vmem>>, vector<1x16xf32>,
            %swap3A_543 = arith.index_cast %while3A_468 : i32 to index
            %swap3A_544 = arith.constant 240 : index
            %swap3A_545 = tpu.vector_load %arg6[%swap3A_543, %swap3A_544] {strides = array<i32>} : memref<32x1024xf32, #tpu.memory_space<vmem>>, vector<1x16xf32>,
            %swap3A_546 = vector.shape_cast %swap3A_545 : vector<1x16xf32> to vector<16xf32>
            %swap3A_547 = vector.shape_cast %broadcast_in_dim3A_1 : vector<16xf32> to vector<1x16xf32>
            tpu.vector_store %arg6[%swap3A_543, %swap3A_544], %swap3A_547 {strides = array<i32>} : memref<32x1024xf32, #tpu.memory_space<vmem>>, vector<1x16xf32>,
            %swap3A_548 = arith.index_cast %while3A_468 : i32 to index
            %swap3A_549 = arith.constant 256 : index
            %swap3A_550 = tpu.vector_load %arg6[%swap3A_548, %swap3A_549] {strides = array<i32>} : memref<32x1024xf32, #tpu.memory_space<vmem>>, vector<1x16xf32>,
            %swap3A_551 = vector.shape_cast %swap3A_550 : vector<1x16xf32> to vector<16xf32>
            %swap3A_552 = vector.shape_cast %broadcast_in_dim3A_1 : vector<16xf32> to vector<1x16xf32>
            tpu.vector_store %arg6[%swap3A_548, %swap3A_549], %swap3A_552 {strides = array<i32>} : memref<32x1024xf32, #tpu.memory_space<vmem>>, vector<1x16xf32>,
            %swap3A_553 = arith.index_cast %while3A_468 : i32 to index
            %swap3A_554 = arith.constant 272 : index
            %swap3A_555 = tpu.vector_load %arg6[%swap3A_553, %swap3A_554] {strides = array<i32>} : memref<32x1024xf32, #tpu.memory_space<vmem>>, vector<1x16xf32>,
            %swap3A_556 = vector.shape_cast %swap3A_555 : vector<1x16xf32> to vector<16xf32>
            %swap3A_557 = vector.shape_cast %broadcast_in_dim3A_1 : vector<16xf32> to vector<1x16xf32>
            tpu.vector_store %arg6[%swap3A_553, %swap3A_554], %swap3A_557 {strides = array<i32>} : memref<32x1024xf32, #tpu.memory_space<vmem>>, vector<1x16xf32>,
            %swap3A_558 = arith.index_cast %while3A_468 : i32 to index
            %swap3A_559 = arith.constant 288 : index
            %swap3A_560 = tpu.vector_load %arg6[%swap3A_558, %swap3A_559] {strides = array<i32>} : memref<32x1024xf32, #tpu.memory_space<vmem>>, vector<1x16xf32>,
            %swap3A_561 = vector.shape_cast %swap3A_560 : vector<1x16xf32> to vector<16xf32>
            %swap3A_562 = vector.shape_cast %broadcast_in_dim3A_1 : vector<16xf32> to vector<1x16xf32>
            tpu.vector_store %arg6[%swap3A_558, %swap3A_559], %swap3A_562 {strides = array<i32>} : memref<32x1024xf32, #tpu.memory_space<vmem>>, vector<1x16xf32>,
            %swap3A_563 = arith.index_cast %while3A_468 : i32 to index
            %swap3A_564 = arith.constant 304 : index
            %swap3A_565 = tpu.vector_load %arg6[%swap3A_563, %swap3A_564] {strides = array<i32>} : memref<32x1024xf32, #tpu.memory_space<vmem>>, vector<1x16xf32>,
            %swap3A_566 = vector.shape_cast %swap3A_565 : vector<1x16xf32> to vector<16xf32>
            %swap3A_567 = vector.shape_cast %broadcast_in_dim3A_1 : vector<16xf32> to vector<1x16xf32>
            tpu.vector_store %arg6[%swap3A_563, %swap3A_564], %swap3A_567 {strides = array<i32>} : memref<32x1024xf32, #tpu.memory_space<vmem>>, vector<1x16xf32>,
            %swap3A_568 = arith.index_cast %while3A_468 : i32 to index
            %swap3A_569 = arith.constant 320 : index
            %swap3A_570 = tpu.vector_load %arg6[%swap3A_568, %swap3A_569] {strides = array<i32>} : memref<32x1024xf32, #tpu.memory_space<vmem>>, vector<1x16xf32>,
            %swap3A_571 = vector.shape_cast %swap3A_570 : vector<1x16xf32> to vector<16xf32>
            %swap3A_572 = vector.shape_cast %broadcast_in_dim3A_1 : vector<16xf32> to vector<1x16xf32>
            tpu.vector_store %arg6[%swap3A_568, %swap3A_569], %swap3A_572 {strides = array<i32>} : memref<32x1024xf32, #tpu.memory_space<vmem>>, vector<1x16xf32>,
            %swap3A_573 = arith.index_cast %while3A_468 : i32 to index
            %swap3A_574 = arith.constant 336 : index
            %swap3A_575 = tpu.vector_load %arg6[%swap3A_573, %swap3A_574] {strides = array<i32>} : memref<32x1024xf32, #tpu.memory_space<vmem>>, vector<1x16xf32>,
            %swap3A_576 = vector.shape_cast %swap3A_575 : vector<1x16xf32> to vector<16xf32>
            %swap3A_577 = vector.shape_cast %broadcast_in_dim3A_1 : vector<16xf32> to vector<1x16xf32>
            tpu.vector_store %arg6[%swap3A_573, %swap3A_574], %swap3A_577 {strides = array<i32>} : memref<32x1024xf32, #tpu.memory_space<vmem>>, vector<1x16xf32>,
            %swap3A_578 = arith.index_cast %while3A_468 : i32 to index
            %swap3A_579 = arith.constant 352 : index
            %swap3A_580 = tpu.vector_load %arg6[%swap3A_578, %swap3A_579] {strides = array<i32>} : memref<32x1024xf32, #tpu.memory_space<vmem>>, vector<1x16xf32>,
            %swap3A_581 = vector.shape_cast %swap3A_580 : vector<1x16xf32> to vector<16xf32>
            %swap3A_582 = vector.shape_cast %broadcast_in_dim3A_1 : vector<16xf32> to vector<1x16xf32>
            tpu.vector_store %arg6[%swap3A_578, %swap3A_579], %swap3A_582 {strides = array<i32>} : memref<32x1024xf32, #tpu.memory_space<vmem>>, vector<1x16xf32>,
            %swap3A_583 = arith.index_cast %while3A_468 : i32 to index
            %swap3A_584 = arith.constant 368 : index
            %swap3A_585 = tpu.vector_load %arg6[%swap3A_583, %swap3A_584] {strides = array<i32>} : memref<32x1024xf32, #tpu.memory_space<vmem>>, vector<1x16xf32>,
            %swap3A_586 = vector.shape_cast %swap3A_585 : vector<1x16xf32> to vector<16xf32>
            %swap3A_587 = vector.shape_cast %broadcast_in_dim3A_1 : vector<16xf32> to vector<1x16xf32>
            tpu.vector_store %arg6[%swap3A_583, %swap3A_584], %swap3A_587 {strides = array<i32>} : memref<32x1024xf32, #tpu.memory_space<vmem>>, vector<1x16xf32>,
            %swap3A_588 = arith.index_cast %while3A_468 : i32 to index
            %swap3A_589 = arith.constant 384 : index
            %swap3A_590 = tpu.vector_load %arg6[%swap3A_588, %swap3A_589] {strides = array<i32>} : memref<32x1024xf32, #tpu.memory_space<vmem>>, vector<1x16xf32>,
            %swap3A_591 = vector.shape_cast %swap3A_590 : vector<1x16xf32> to vector<16xf32>
            %swap3A_592 = vector.shape_cast %broadcast_in_dim3A_1 : vector<16xf32> to vector<1x16xf32>
            tpu.vector_store %arg6[%swap3A_588, %swap3A_589], %swap3A_592 {strides = array<i32>} : memref<32x1024xf32, #tpu.memory_space<vmem>>, vector<1x16xf32>,
            %swap3A_593 = arith.index_cast %while3A_468 : i32 to index
            %swap3A_594 = arith.constant 400 : index
            %swap3A_595 = tpu.vector_load %arg6[%swap3A_593, %swap3A_594] {strides = array<i32>} : memref<32x1024xf32, #tpu.memory_space<vmem>>, vector<1x16xf32>,
            %swap3A_596 = vector.shape_cast %swap3A_595 : vector<1x16xf32> to vector<16xf32>
            %swap3A_597 = vector.shape_cast %broadcast_in_dim3A_1 : vector<16xf32> to vector<1x16xf32>
            tpu.vector_store %arg6[%swap3A_593, %swap3A_594], %swap3A_597 {strides = array<i32>} : memref<32x1024xf32, #tpu.memory_space<vmem>>, vector<1x16xf32>,
            %swap3A_598 = arith.index_cast %while3A_468 : i32 to index
            %swap3A_599 = arith.constant 416 : index
            %swap3A_600 = tpu.vector_load %arg6[%swap3A_598, %swap3A_599] {strides = array<i32>} : memref<32x1024xf32, #tpu.memory_space<vmem>>, vector<1x16xf32>,
            %swap3A_601 = vector.shape_cast %swap3A_600 : vector<1x16xf32> to vector<16xf32>
            %swap3A_602 = vector.shape_cast %broadcast_in_dim3A_1 : vector<16xf32> to vector<1x16xf32>
            tpu.vector_store %arg6[%swap3A_598, %swap3A_599], %swap3A_602 {strides = array<i32>} : memref<32x1024xf32, #tpu.memory_space<vmem>>, vector<1x16xf32>,
            %swap3A_603 = arith.index_cast %while3A_468 : i32 to index
            %swap3A_604 = arith.constant 432 : index
            %swap3A_605 = tpu.vector_load %arg6[%swap3A_603, %swap3A_604] {strides = array<i32>} : memref<32x1024xf32, #tpu.memory_space<vmem>>, vector<1x16xf32>,
            %swap3A_606 = vector.shape_cast %swap3A_605 : vector<1x16xf32> to vector<16xf32>
            %swap3A_607 = vector.shape_cast %broadcast_in_dim3A_1 : vector<16xf32> to vector<1x16xf32>
            tpu.vector_store %arg6[%swap3A_603, %swap3A_604], %swap3A_607 {strides = array<i32>} : memref<32x1024xf32, #tpu.memory_space<vmem>>, vector<1x16xf32>,
            %swap3A_608 = arith.index_cast %while3A_468 : i32 to index
            %swap3A_609 = arith.constant 448 : index
            %swap3A_610 = tpu.vector_load %arg6[%swap3A_608, %swap3A_609] {strides = array<i32>} : memref<32x1024xf32, #tpu.memory_space<vmem>>, vector<1x16xf32>,
            %swap3A_611 = vector.shape_cast %swap3A_610 : vector<1x16xf32> to vector<16xf32>
            %swap3A_612 = vector.shape_cast %broadcast_in_dim3A_1 : vector<16xf32> to vector<1x16xf32>
            tpu.vector_store %arg6[%swap3A_608, %swap3A_609], %swap3A_612 {strides = array<i32>} : memref<32x1024xf32, #tpu.memory_space<vmem>>, vector<1x16xf32>,
            %swap3A_613 = arith.index_cast %while3A_468 : i32 to index
            %swap3A_614 = arith.constant 464 : index
            %swap3A_615 = tpu.vector_load %arg6[%swap3A_613, %swap3A_614] {strides = array<i32>} : memref<32x1024xf32, #tpu.memory_space<vmem>>, vector<1x16xf32>,
            %swap3A_616 = vector.shape_cast %swap3A_615 : vector<1x16xf32> to vector<16xf32>
            %swap3A_617 = vector.shape_cast %broadcast_in_dim3A_1 : vector<16xf32> to vector<1x16xf32>
            tpu.vector_store %arg6[%swap3A_613, %swap3A_614], %swap3A_617 {strides = array<i32>} : memref<32x1024xf32, #tpu.memory_space<vmem>>, vector<1x16xf32>,
            %swap3A_618 = arith.index_cast %while3A_468 : i32 to index
            %swap3A_619 = arith.constant 480 : index
            %swap3A_620 = tpu.vector_load %arg6[%swap3A_618, %swap3A_619] {strides = array<i32>} : memref<32x1024xf32, #tpu.memory_space<vmem>>, vector<1x16xf32>,
            %swap3A_621 = vector.shape_cast %swap3A_620 : vector<1x16xf32> to vector<16xf32>
            %swap3A_622 = vector.shape_cast %broadcast_in_dim3A_1 : vector<16xf32> to vector<1x16xf32>
            tpu.vector_store %arg6[%swap3A_618, %swap3A_619], %swap3A_622 {strides = array<i32>} : memref<32x1024xf32, #tpu.memory_space<vmem>>, vector<1x16xf32>,
            %swap3A_623 = arith.index_cast %while3A_468 : i32 to index
            %swap3A_624 = arith.constant 496 : index
            %swap3A_625 = tpu.vector_load %arg6[%swap3A_623, %swap3A_624] {strides = array<i32>} : memref<32x1024xf32, #tpu.memory_space<vmem>>, vector<1x16xf32>,
            %swap3A_626 = vector.shape_cast %swap3A_625 : vector<1x16xf32> to vector<16xf32>
            %swap3A_627 = vector.shape_cast %broadcast_in_dim3A_1 : vector<16xf32> to vector<1x16xf32>
            tpu.vector_store %arg6[%swap3A_623, %swap3A_624], %swap3A_627 {strides = array<i32>} : memref<32x1024xf32, #tpu.memory_space<vmem>>, vector<1x16xf32>,
            %swap3A_628 = arith.index_cast %while3A_468 : i32 to index
            %swap3A_629 = arith.constant 512 : index
            %swap3A_630 = tpu.vector_load %arg6[%swap3A_628, %swap3A_629] {strides = array<i32>} : memref<32x1024xf32, #tpu.memory_space<vmem>>, vector<1x16xf32>,
            %swap3A_631 = vector.shape_cast %swap3A_630 : vector<1x16xf32> to vector<16xf32>
            %swap3A_632 = vector.shape_cast %broadcast_in_dim3A_1 : vector<16xf32> to vector<1x16xf32>
            tpu.vector_store %arg6[%swap3A_628, %swap3A_629], %swap3A_632 {strides = array<i32>} : memref<32x1024xf32, #tpu.memory_space<vmem>>, vector<1x16xf32>,
            %swap3A_633 = arith.index_cast %while3A_468 : i32 to index
            %swap3A_634 = arith.constant 528 : index
            %swap3A_635 = tpu.vector_load %arg6[%swap3A_633, %swap3A_634] {strides = array<i32>} : memref<32x1024xf32, #tpu.memory_space<vmem>>, vector<1x16xf32>,
            %swap3A_636 = vector.shape_cast %swap3A_635 : vector<1x16xf32> to vector<16xf32>
            %swap3A_637 = vector.shape_cast %broadcast_in_dim3A_1 : vector<16xf32> to vector<1x16xf32>
            tpu.vector_store %arg6[%swap3A_633, %swap3A_634], %swap3A_637 {strides = array<i32>} : memref<32x1024xf32, #tpu.memory_space<vmem>>, vector<1x16xf32>,
            %swap3A_638 = arith.index_cast %while3A_468 : i32 to index
            %swap3A_639 = arith.constant 544 : index
            %swap3A_640 = tpu.vector_load %arg6[%swap3A_638, %swap3A_639] {strides = array<i32>} : memref<32x1024xf32, #tpu.memory_space<vmem>>, vector<1x16xf32>,
            %swap3A_641 = vector.shape_cast %swap3A_640 : vector<1x16xf32> to vector<16xf32>
            %swap3A_642 = vector.shape_cast %broadcast_in_dim3A_1 : vector<16xf32> to vector<1x16xf32>
            tpu.vector_store %arg6[%swap3A_638, %swap3A_639], %swap3A_642 {strides = array<i32>} : memref<32x1024xf32, #tpu.memory_space<vmem>>, vector<1x16xf32>,
            %swap3A_643 = arith.index_cast %while3A_468 : i32 to index
            %swap3A_644 = arith.constant 560 : index
            %swap3A_645 = tpu.vector_load %arg6[%swap3A_643, %swap3A_644] {strides = array<i32>} : memref<32x1024xf32, #tpu.memory_space<vmem>>, vector<1x16xf32>,
            %swap3A_646 = vector.shape_cast %swap3A_645 : vector<1x16xf32> to vector<16xf32>
            %swap3A_647 = vector.shape_cast %broadcast_in_dim3A_1 : vector<16xf32> to vector<1x16xf32>
            tpu.vector_store %arg6[%swap3A_643, %swap3A_644], %swap3A_647 {strides = array<i32>} : memref<32x1024xf32, #tpu.memory_space<vmem>>, vector<1x16xf32>,
            %swap3A_648 = arith.index_cast %while3A_468 : i32 to index
            %swap3A_649 = arith.constant 576 : index
            %swap3A_650 = tpu.vector_load %arg6[%swap3A_648, %swap3A_649] {strides = array<i32>} : memref<32x1024xf32, #tpu.memory_space<vmem>>, vector<1x16xf32>,
            %swap3A_651 = vector.shape_cast %swap3A_650 : vector<1x16xf32> to vector<16xf32>
            %swap3A_652 = vector.shape_cast %broadcast_in_dim3A_1 : vector<16xf32> to vector<1x16xf32>
            tpu.vector_store %arg6[%swap3A_648, %swap3A_649], %swap3A_652 {strides = array<i32>} : memref<32x1024xf32, #tpu.memory_space<vmem>>, vector<1x16xf32>,
            %swap3A_653 = arith.index_cast %while3A_468 : i32 to index
            %swap3A_654 = arith.constant 592 : index
            %swap3A_655 = tpu.vector_load %arg6[%swap3A_653, %swap3A_654] {strides = array<i32>} : memref<32x1024xf32, #tpu.memory_space<vmem>>, vector<1x16xf32>,
            %swap3A_656 = vector.shape_cast %swap3A_655 : vector<1x16xf32> to vector<16xf32>
            %swap3A_657 = vector.shape_cast %broadcast_in_dim3A_1 : vector<16xf32> to vector<1x16xf32>
            tpu.vector_store %arg6[%swap3A_653, %swap3A_654], %swap3A_657 {strides = array<i32>} : memref<32x1024xf32, #tpu.memory_space<vmem>>, vector<1x16xf32>,
            %swap3A_658 = arith.index_cast %while3A_468 : i32 to index
            %swap3A_659 = arith.constant 608 : index
            %swap3A_660 = tpu.vector_load %arg6[%swap3A_658, %swap3A_659] {strides = array<i32>} : memref<32x1024xf32, #tpu.memory_space<vmem>>, vector<1x16xf32>,
            %swap3A_661 = vector.shape_cast %swap3A_660 : vector<1x16xf32> to vector<16xf32>
            %swap3A_662 = vector.shape_cast %broadcast_in_dim3A_1 : vector<16xf32> to vector<1x16xf32>
            tpu.vector_store %arg6[%swap3A_658, %swap3A_659], %swap3A_662 {strides = array<i32>} : memref<32x1024xf32, #tpu.memory_space<vmem>>, vector<1x16xf32>,
            %swap3A_663 = arith.index_cast %while3A_468 : i32 to index
            %swap3A_664 = arith.constant 624 : index
            %swap3A_665 = tpu.vector_load %arg6[%swap3A_663, %swap3A_664] {strides = array<i32>} : memref<32x1024xf32, #tpu.memory_space<vmem>>, vector<1x16xf32>,
            %swap3A_666 = vector.shape_cast %swap3A_665 : vector<1x16xf32> to vector<16xf32>
            %swap3A_667 = vector.shape_cast %broadcast_in_dim3A_1 : vector<16xf32> to vector<1x16xf32>
            tpu.vector_store %arg6[%swap3A_663, %swap3A_664], %swap3A_667 {strides = array<i32>} : memref<32x1024xf32, #tpu.memory_space<vmem>>, vector<1x16xf32>,
            %swap3A_668 = arith.index_cast %while3A_468 : i32 to index
            %swap3A_669 = arith.constant 640 : index
            %swap3A_670 = tpu.vector_load %arg6[%swap3A_668, %swap3A_669] {strides = array<i32>} : memref<32x1024xf32, #tpu.memory_space<vmem>>, vector<1x16xf32>,
            %swap3A_671 = vector.shape_cast %swap3A_670 : vector<1x16xf32> to vector<16xf32>
            %swap3A_672 = vector.shape_cast %broadcast_in_dim3A_1 : vector<16xf32> to vector<1x16xf32>
            tpu.vector_store %arg6[%swap3A_668, %swap3A_669], %swap3A_672 {strides = array<i32>} : memref<32x1024xf32, #tpu.memory_space<vmem>>, vector<1x16xf32>,
            %swap3A_673 = arith.index_cast %while3A_468 : i32 to index
            %swap3A_674 = arith.constant 656 : index
            %swap3A_675 = tpu.vector_load %arg6[%swap3A_673, %swap3A_674] {strides = array<i32>} : memref<32x1024xf32, #tpu.memory_space<vmem>>, vector<1x16xf32>,
            %swap3A_676 = vector.shape_cast %swap3A_675 : vector<1x16xf32> to vector<16xf32>
            %swap3A_677 = vector.shape_cast %broadcast_in_dim3A_1 : vector<16xf32> to vector<1x16xf32>
            tpu.vector_store %arg6[%swap3A_673, %swap3A_674], %swap3A_677 {strides = array<i32>} : memref<32x1024xf32, #tpu.memory_space<vmem>>, vector<1x16xf32>,
            %swap3A_678 = arith.index_cast %while3A_468 : i32 to index
            %swap3A_679 = arith.constant 672 : index
            %swap3A_680 = tpu.vector_load %arg6[%swap3A_678, %swap3A_679] {strides = array<i32>} : memref<32x1024xf32, #tpu.memory_space<vmem>>, vector<1x16xf32>,
            %swap3A_681 = vector.shape_cast %swap3A_680 : vector<1x16xf32> to vector<16xf32>
            %swap3A_682 = vector.shape_cast %broadcast_in_dim3A_1 : vector<16xf32> to vector<1x16xf32>
            tpu.vector_store %arg6[%swap3A_678, %swap3A_679], %swap3A_682 {strides = array<i32>} : memref<32x1024xf32, #tpu.memory_space<vmem>>, vector<1x16xf32>,
            %swap3A_683 = arith.index_cast %while3A_468 : i32 to index
            %swap3A_684 = arith.constant 688 : index
            %swap3A_685 = tpu.vector_load %arg6[%swap3A_683, %swap3A_684] {strides = array<i32>} : memref<32x1024xf32, #tpu.memory_space<vmem>>, vector<1x16xf32>,
            %swap3A_686 = vector.shape_cast %swap3A_685 : vector<1x16xf32> to vector<16xf32>
            %swap3A_687 = vector.shape_cast %broadcast_in_dim3A_1 : vector<16xf32> to vector<1x16xf32>
            tpu.vector_store %arg6[%swap3A_683, %swap3A_684], %swap3A_687 {strides = array<i32>} : memref<32x1024xf32, #tpu.memory_space<vmem>>, vector<1x16xf32>,
            %swap3A_688 = arith.index_cast %while3A_468 : i32 to index
            %swap3A_689 = arith.constant 704 : index
            %swap3A_690 = tpu.vector_load %arg6[%swap3A_688, %swap3A_689] {strides = array<i32>} : memref<32x1024xf32, #tpu.memory_space<vmem>>, vector<1x16xf32>,
            %swap3A_691 = vector.shape_cast %swap3A_690 : vector<1x16xf32> to vector<16xf32>
            %swap3A_692 = vector.shape_cast %broadcast_in_dim3A_1 : vector<16xf32> to vector<1x16xf32>
            tpu.vector_store %arg6[%swap3A_688, %swap3A_689], %swap3A_692 {strides = array<i32>} : memref<32x1024xf32, #tpu.memory_space<vmem>>, vector<1x16xf32>,
            %swap3A_693 = arith.index_cast %while3A_468 : i32 to index
            %swap3A_694 = arith.constant 720 : index
            %swap3A_695 = tpu.vector_load %arg6[%swap3A_693, %swap3A_694] {strides = array<i32>} : memref<32x1024xf32, #tpu.memory_space<vmem>>, vector<1x16xf32>,
            %swap3A_696 = vector.shape_cast %swap3A_695 : vector<1x16xf32> to vector<16xf32>
            %swap3A_697 = vector.shape_cast %broadcast_in_dim3A_1 : vector<16xf32> to vector<1x16xf32>
            tpu.vector_store %arg6[%swap3A_693, %swap3A_694], %swap3A_697 {strides = array<i32>} : memref<32x1024xf32, #tpu.memory_space<vmem>>, vector<1x16xf32>,
            %swap3A_698 = arith.index_cast %while3A_468 : i32 to index
            %swap3A_699 = arith.constant 736 : index
            %swap3A_700 = tpu.vector_load %arg6[%swap3A_698, %swap3A_699] {strides = array<i32>} : memref<32x1024xf32, #tpu.memory_space<vmem>>, vector<1x16xf32>,
            %swap3A_701 = vector.shape_cast %swap3A_700 : vector<1x16xf32> to vector<16xf32>
            %swap3A_702 = vector.shape_cast %broadcast_in_dim3A_1 : vector<16xf32> to vector<1x16xf32>
            tpu.vector_store %arg6[%swap3A_698, %swap3A_699], %swap3A_702 {strides = array<i32>} : memref<32x1024xf32, #tpu.memory_space<vmem>>, vector<1x16xf32>,
            %swap3A_703 = arith.index_cast %while3A_468 : i32 to index
            %swap3A_704 = arith.constant 752 : index
            %swap3A_705 = tpu.vector_load %arg6[%swap3A_703, %swap3A_704] {strides = array<i32>} : memref<32x1024xf32, #tpu.memory_space<vmem>>, vector<1x16xf32>,
            %swap3A_706 = vector.shape_cast %swap3A_705 : vector<1x16xf32> to vector<16xf32>
            %swap3A_707 = vector.shape_cast %broadcast_in_dim3A_1 : vector<16xf32> to vector<1x16xf32>
            tpu.vector_store %arg6[%swap3A_703, %swap3A_704], %swap3A_707 {strides = array<i32>} : memref<32x1024xf32, #tpu.memory_space<vmem>>, vector<1x16xf32>,
            %swap3A_708 = arith.index_cast %while3A_468 : i32 to index
            %swap3A_709 = arith.constant 768 : index
            %swap3A_710 = tpu.vector_load %arg6[%swap3A_708, %swap3A_709] {strides = array<i32>} : memref<32x1024xf32, #tpu.memory_space<vmem>>, vector<1x16xf32>,
            %swap3A_711 = vector.shape_cast %swap3A_710 : vector<1x16xf32> to vector<16xf32>
            %swap3A_712 = vector.shape_cast %broadcast_in_dim3A_1 : vector<16xf32> to vector<1x16xf32>
            tpu.vector_store %arg6[%swap3A_708, %swap3A_709], %swap3A_712 {strides = array<i32>} : memref<32x1024xf32, #tpu.memory_space<vmem>>, vector<1x16xf32>,
            %swap3A_713 = arith.index_cast %while3A_468 : i32 to index
            %swap3A_714 = arith.constant 784 : index
            %swap3A_715 = tpu.vector_load %arg6[%swap3A_713, %swap3A_714] {strides = array<i32>} : memref<32x1024xf32, #tpu.memory_space<vmem>>, vector<1x16xf32>,
            %swap3A_716 = vector.shape_cast %swap3A_715 : vector<1x16xf32> to vector<16xf32>
            %swap3A_717 = vector.shape_cast %broadcast_in_dim3A_1 : vector<16xf32> to vector<1x16xf32>
            tpu.vector_store %arg6[%swap3A_713, %swap3A_714], %swap3A_717 {strides = array<i32>} : memref<32x1024xf32, #tpu.memory_space<vmem>>, vector<1x16xf32>,
            %swap3A_718 = arith.index_cast %while3A_468 : i32 to index
            %swap3A_719 = arith.constant 800 : index
            %swap3A_720 = tpu.vector_load %arg6[%swap3A_718, %swap3A_719] {strides = array<i32>} : memref<32x1024xf32, #tpu.memory_space<vmem>>, vector<1x16xf32>,
            %swap3A_721 = vector.shape_cast %swap3A_720 : vector<1x16xf32> to vector<16xf32>
            %swap3A_722 = vector.shape_cast %broadcast_in_dim3A_1 : vector<16xf32> to vector<1x16xf32>
            tpu.vector_store %arg6[%swap3A_718, %swap3A_719], %swap3A_722 {strides = array<i32>} : memref<32x1024xf32, #tpu.memory_space<vmem>>, vector<1x16xf32>,
            %swap3A_723 = arith.index_cast %while3A_468 : i32 to index
            %swap3A_724 = arith.constant 816 : index
            %swap3A_725 = tpu.vector_load %arg6[%swap3A_723, %swap3A_724] {strides = array<i32>} : memref<32x1024xf32, #tpu.memory_space<vmem>>, vector<1x16xf32>,
            %swap3A_726 = vector.shape_cast %swap3A_725 : vector<1x16xf32> to vector<16xf32>
            %swap3A_727 = vector.shape_cast %broadcast_in_dim3A_1 : vector<16xf32> to vector<1x16xf32>
            tpu.vector_store %arg6[%swap3A_723, %swap3A_724], %swap3A_727 {strides = array<i32>} : memref<32x1024xf32, #tpu.memory_space<vmem>>, vector<1x16xf32>,
            %swap3A_728 = arith.index_cast %while3A_468 : i32 to index
            %swap3A_729 = arith.constant 832 : index
            %swap3A_730 = tpu.vector_load %arg6[%swap3A_728, %swap3A_729] {strides = array<i32>} : memref<32x1024xf32, #tpu.memory_space<vmem>>, vector<1x16xf32>,
            %swap3A_731 = vector.shape_cast %swap3A_730 : vector<1x16xf32> to vector<16xf32>
            %swap3A_732 = vector.shape_cast %broadcast_in_dim3A_1 : vector<16xf32> to vector<1x16xf32>
            tpu.vector_store %arg6[%swap3A_728, %swap3A_729], %swap3A_732 {strides = array<i32>} : memref<32x1024xf32, #tpu.memory_space<vmem>>, vector<1x16xf32>,
            %swap3A_733 = arith.index_cast %while3A_468 : i32 to index
            %swap3A_734 = arith.constant 848 : index
            %swap3A_735 = tpu.vector_load %arg6[%swap3A_733, %swap3A_734] {strides = array<i32>} : memref<32x1024xf32, #tpu.memory_space<vmem>>, vector<1x16xf32>,
            %swap3A_736 = vector.shape_cast %swap3A_735 : vector<1x16xf32> to vector<16xf32>
            %swap3A_737 = vector.shape_cast %broadcast_in_dim3A_1 : vector<16xf32> to vector<1x16xf32>
            tpu.vector_store %arg6[%swap3A_733, %swap3A_734], %swap3A_737 {strides = array<i32>} : memref<32x1024xf32, #tpu.memory_space<vmem>>, vector<1x16xf32>,
            %swap3A_738 = arith.index_cast %while3A_468 : i32 to index
            %swap3A_739 = arith.constant 864 : index
            %swap3A_740 = tpu.vector_load %arg6[%swap3A_738, %swap3A_739] {strides = array<i32>} : memref<32x1024xf32, #tpu.memory_space<vmem>>, vector<1x16xf32>,
            %swap3A_741 = vector.shape_cast %swap3A_740 : vector<1x16xf32> to vector<16xf32>
            %swap3A_742 = vector.shape_cast %broadcast_in_dim3A_1 : vector<16xf32> to vector<1x16xf32>
            tpu.vector_store %arg6[%swap3A_738, %swap3A_739], %swap3A_742 {strides = array<i32>} : memref<32x1024xf32, #tpu.memory_space<vmem>>, vector<1x16xf32>,
            %swap3A_743 = arith.index_cast %while3A_468 : i32 to index
            %swap3A_744 = arith.constant 880 : index
            %swap3A_745 = tpu.vector_load %arg6[%swap3A_743, %swap3A_744] {strides = array<i32>} : memref<32x1024xf32, #tpu.memory_space<vmem>>, vector<1x16xf32>,
            %swap3A_746 = vector.shape_cast %swap3A_745 : vector<1x16xf32> to vector<16xf32>
            %swap3A_747 = vector.shape_cast %broadcast_in_dim3A_1 : vector<16xf32> to vector<1x16xf32>
            tpu.vector_store %arg6[%swap3A_743, %swap3A_744], %swap3A_747 {strides = array<i32>} : memref<32x1024xf32, #tpu.memory_space<vmem>>, vector<1x16xf32>,
            %swap3A_748 = arith.index_cast %while3A_468 : i32 to index
            %swap3A_749 = arith.constant 896 : index
            %swap3A_750 = tpu.vector_load %arg6[%swap3A_748, %swap3A_749] {strides = array<i32>} : memref<32x1024xf32, #tpu.memory_space<vmem>>, vector<1x16xf32>,
            %swap3A_751 = vector.shape_cast %swap3A_750 : vector<1x16xf32> to vector<16xf32>
            %swap3A_752 = vector.shape_cast %broadcast_in_dim3A_1 : vector<16xf32> to vector<1x16xf32>
            tpu.vector_store %arg6[%swap3A_748, %swap3A_749], %swap3A_752 {strides = array<i32>} : memref<32x1024xf32, #tpu.memory_space<vmem>>, vector<1x16xf32>,
            %swap3A_753 = arith.index_cast %while3A_468 : i32 to index
            %swap3A_754 = arith.constant 912 : index
            %swap3A_755 = tpu.vector_load %arg6[%swap3A_753, %swap3A_754] {strides = array<i32>} : memref<32x1024xf32, #tpu.memory_space<vmem>>, vector<1x16xf32>,
            %swap3A_756 = vector.shape_cast %swap3A_755 : vector<1x16xf32> to vector<16xf32>
            %swap3A_757 = vector.shape_cast %broadcast_in_dim3A_1 : vector<16xf32> to vector<1x16xf32>
            tpu.vector_store %arg6[%swap3A_753, %swap3A_754], %swap3A_757 {strides = array<i32>} : memref<32x1024xf32, #tpu.memory_space<vmem>>, vector<1x16xf32>,
            %swap3A_758 = arith.index_cast %while3A_468 : i32 to index
            %swap3A_759 = arith.constant 928 : index
            %swap3A_760 = tpu.vector_load %arg6[%swap3A_758, %swap3A_759] {strides = array<i32>} : memref<32x1024xf32, #tpu.memory_space<vmem>>, vector<1x16xf32>,
            %swap3A_761 = vector.shape_cast %swap3A_760 : vector<1x16xf32> to vector<16xf32>
            %swap3A_762 = vector.shape_cast %broadcast_in_dim3A_1 : vector<16xf32> to vector<1x16xf32>
            tpu.vector_store %arg6[%swap3A_758, %swap3A_759], %swap3A_762 {strides = array<i32>} : memref<32x1024xf32, #tpu.memory_space<vmem>>, vector<1x16xf32>,
            %swap3A_763 = arith.index_cast %while3A_468 : i32 to index
            %swap3A_764 = arith.constant 944 : index
            %swap3A_765 = tpu.vector_load %arg6[%swap3A_763, %swap3A_764] {strides = array<i32>} : memref<32x1024xf32, #tpu.memory_space<vmem>>, vector<1x16xf32>,
            %swap3A_766 = vector.shape_cast %swap3A_765 : vector<1x16xf32> to vector<16xf32>
            %swap3A_767 = vector.shape_cast %broadcast_in_dim3A_1 : vector<16xf32> to vector<1x16xf32>
            tpu.vector_store %arg6[%swap3A_763, %swap3A_764], %swap3A_767 {strides = array<i32>} : memref<32x1024xf32, #tpu.memory_space<vmem>>, vector<1x16xf32>,
            %swap3A_768 = arith.index_cast %while3A_468 : i32 to index
            %swap3A_769 = arith.constant 960 : index
            %swap3A_770 = tpu.vector_load %arg6[%swap3A_768, %swap3A_769] {strides = array<i32>} : memref<32x1024xf32, #tpu.memory_space<vmem>>, vector<1x16xf32>,
            %swap3A_771 = vector.shape_cast %swap3A_770 : vector<1x16xf32> to vector<16xf32>
            %swap3A_772 = vector.shape_cast %broadcast_in_dim3A_1 : vector<16xf32> to vector<1x16xf32>
            tpu.vector_store %arg6[%swap3A_768, %swap3A_769], %swap3A_772 {strides = array<i32>} : memref<32x1024xf32, #tpu.memory_space<vmem>>, vector<1x16xf32>,
            %swap3A_773 = arith.index_cast %while3A_468 : i32 to index
            %swap3A_774 = arith.constant 976 : index
            %swap3A_775 = tpu.vector_load %arg6[%swap3A_773, %swap3A_774] {strides = array<i32>} : memref<32x1024xf32, #tpu.memory_space<vmem>>, vector<1x16xf32>,
            %swap3A_776 = vector.shape_cast %swap3A_775 : vector<1x16xf32> to vector<16xf32>
            %swap3A_777 = vector.shape_cast %broadcast_in_dim3A_1 : vector<16xf32> to vector<1x16xf32>
            tpu.vector_store %arg6[%swap3A_773, %swap3A_774], %swap3A_777 {strides = array<i32>} : memref<32x1024xf32, #tpu.memory_space<vmem>>, vector<1x16xf32>,
            %swap3A_778 = arith.index_cast %while3A_468 : i32 to index
            %swap3A_779 = arith.constant 992 : index
            %swap3A_780 = tpu.vector_load %arg6[%swap3A_778, %swap3A_779] {strides = array<i32>} : memref<32x1024xf32, #tpu.memory_space<vmem>>, vector<1x16xf32>,
            %swap3A_781 = vector.shape_cast %swap3A_780 : vector<1x16xf32> to vector<16xf32>
            %swap3A_782 = vector.shape_cast %broadcast_in_dim3A_1 : vector<16xf32> to vector<1x16xf32>
            tpu.vector_store %arg6[%swap3A_778, %swap3A_779], %swap3A_782 {strides = array<i32>} : memref<32x1024xf32, #tpu.memory_space<vmem>>, vector<1x16xf32>,
            %swap3A_783 = arith.index_cast %while3A_468 : i32 to index
            %swap3A_784 = arith.constant 1008 : index
            %swap3A_785 = tpu.vector_load %arg6[%swap3A_783, %swap3A_784] {strides = array<i32>} : memref<32x1024xf32, #tpu.memory_space<vmem>>, vector<1x16xf32>,
            %swap3A_786 = vector.shape_cast %swap3A_785 : vector<1x16xf32> to vector<16xf32>
            %swap3A_787 = vector.shape_cast %broadcast_in_dim3A_1 : vector<16xf32> to vector<1x16xf32>
            tpu.vector_store %arg6[%swap3A_783, %swap3A_784], %swap3A_787 {strides = array<i32>} : memref<32x1024xf32, #tpu.memory_space<vmem>>, vector<1x16xf32>,
          }
          %while3A_461 = arith.constant 1 : i32
          scf.for %while3A_468 = %while3A_459 to %while3A_455 step %while3A_461  : i32 {
            %swap3A = arith.index_cast %while3A_468 : i32 to index
            %swap3A_469 = arith.constant 0 : index
            %swap3A_470 = tpu.vector_load %arg6[%swap3A, %swap3A_469] {strides = array<i32>} : memref<32x1024xf32, #tpu.memory_space<vmem>>, vector<1x16xf32>,
            %swap3A_471 = vector.shape_cast %swap3A_470 : vector<1x16xf32> to vector<16xf32>
            %swap3A_472 = vector.shape_cast %broadcast_in_dim3A_1 : vector<16xf32> to vector<1x16xf32>
            tpu.vector_store %arg6[%swap3A, %swap3A_469], %swap3A_472 {strides = array<i32>} : memref<32x1024xf32, #tpu.memory_space<vmem>>, vector<1x16xf32>,
            %swap3A_473 = arith.index_cast %while3A_468 : i32 to index
            %swap3A_474 = arith.constant 16 : index
            %swap3A_475 = tpu.vector_load %arg6[%swap3A_473, %swap3A_474] {strides = array<i32>} : memref<32x1024xf32, #tpu.memory_space<vmem>>, vector<1x16xf32>,
            %swap3A_476 = vector.shape_cast %swap3A_475 : vector<1x16xf32> to vector<16xf32>
            %swap3A_477 = vector.shape_cast %broadcast_in_dim3A_1 : vector<16xf32> to vector<1x16xf32>
            tpu.vector_store %arg6[%swap3A_473, %swap3A_474], %swap3A_477 {strides = array<i32>} : memref<32x1024xf32, #tpu.memory_space<vmem>>, vector<1x16xf32>,
            %swap3A_478 = arith.index_cast %while3A_468 : i32 to index
            %swap3A_479 = arith.constant 32 : index
            %swap3A_480 = tpu.vector_load %arg6[%swap3A_478, %swap3A_479] {strides = array<i32>} : memref<32x1024xf32, #tpu.memory_space<vmem>>, vector<1x16xf32>,
            %swap3A_481 = vector.shape_cast %swap3A_480 : vector<1x16xf32> to vector<16xf32>
            %swap3A_482 = vector.shape_cast %broadcast_in_dim3A_1 : vector<16xf32> to vector<1x16xf32>
            tpu.vector_store %arg6[%swap3A_478, %swap3A_479], %swap3A_482 {strides = array<i32>} : memref<32x1024xf32, #tpu.memory_space<vmem>>, vector<1x16xf32>,
            %swap3A_483 = arith.index_cast %while3A_468 : i32 to index
            %swap3A_484 = arith.constant 48 : index
            %swap3A_485 = tpu.vector_load %arg6[%swap3A_483, %swap3A_484] {strides = array<i32>} : memref<32x1024xf32, #tpu.memory_space<vmem>>, vector<1x16xf32>,
            %swap3A_486 = vector.shape_cast %swap3A_485 : vector<1x16xf32> to vector<16xf32>
            %swap3A_487 = vector.shape_cast %broadcast_in_dim3A_1 : vector<16xf32> to vector<1x16xf32>
            tpu.vector_store %arg6[%swap3A_483, %swap3A_484], %swap3A_487 {strides = array<i32>} : memref<32x1024xf32, #tpu.memory_space<vmem>>, vector<1x16xf32>,
            %swap3A_488 = arith.index_cast %while3A_468 : i32 to index
            %swap3A_489 = arith.constant 64 : index
            %swap3A_490 = tpu.vector_load %arg6[%swap3A_488, %swap3A_489] {strides = array<i32>} : memref<32x1024xf32, #tpu.memory_space<vmem>>, vector<1x16xf32>,
            %swap3A_491 = vector.shape_cast %swap3A_490 : vector<1x16xf32> to vector<16xf32>
            %swap3A_492 = vector.shape_cast %broadcast_in_dim3A_1 : vector<16xf32> to vector<1x16xf32>
            tpu.vector_store %arg6[%swap3A_488, %swap3A_489], %swap3A_492 {strides = array<i32>} : memref<32x1024xf32, #tpu.memory_space<vmem>>, vector<1x16xf32>,
            %swap3A_493 = arith.index_cast %while3A_468 : i32 to index
            %swap3A_494 = arith.constant 80 : index
            %swap3A_495 = tpu.vector_load %arg6[%swap3A_493, %swap3A_494] {strides = array<i32>} : memref<32x1024xf32, #tpu.memory_space<vmem>>, vector<1x16xf32>,
            %swap3A_496 = vector.shape_cast %swap3A_495 : vector<1x16xf32> to vector<16xf32>
            %swap3A_497 = vector.shape_cast %broadcast_in_dim3A_1 : vector<16xf32> to vector<1x16xf32>
            tpu.vector_store %arg6[%swap3A_493, %swap3A_494], %swap3A_497 {strides = array<i32>} : memref<32x1024xf32, #tpu.memory_space<vmem>>, vector<1x16xf32>,
            %swap3A_498 = arith.index_cast %while3A_468 : i32 to index
            %swap3A_499 = arith.constant 96 : index
            %swap3A_500 = tpu.vector_load %arg6[%swap3A_498, %swap3A_499] {strides = array<i32>} : memref<32x1024xf32, #tpu.memory_space<vmem>>, vector<1x16xf32>,
            %swap3A_501 = vector.shape_cast %swap3A_500 : vector<1x16xf32> to vector<16xf32>
            %swap3A_502 = vector.shape_cast %broadcast_in_dim3A_1 : vector<16xf32> to vector<1x16xf32>
            tpu.vector_store %arg6[%swap3A_498, %swap3A_499], %swap3A_502 {strides = array<i32>} : memref<32x1024xf32, #tpu.memory_space<vmem>>, vector<1x16xf32>,
            %swap3A_503 = arith.index_cast %while3A_468 : i32 to index
            %swap3A_504 = arith.constant 112 : index
            %swap3A_505 = tpu.vector_load %arg6[%swap3A_503, %swap3A_504] {strides = array<i32>} : memref<32x1024xf32, #tpu.memory_space<vmem>>, vector<1x16xf32>,
            %swap3A_506 = vector.shape_cast %swap3A_505 : vector<1x16xf32> to vector<16xf32>
            %swap3A_507 = vector.shape_cast %broadcast_in_dim3A_1 : vector<16xf32> to vector<1x16xf32>
            tpu.vector_store %arg6[%swap3A_503, %swap3A_504], %swap3A_507 {strides = array<i32>} : memref<32x1024xf32, #tpu.memory_space<vmem>>, vector<1x16xf32>,
            %swap3A_508 = arith.index_cast %while3A_468 : i32 to index
            %swap3A_509 = arith.constant 128 : index
            %swap3A_510 = tpu.vector_load %arg6[%swap3A_508, %swap3A_509] {strides = array<i32>} : memref<32x1024xf32, #tpu.memory_space<vmem>>, vector<1x16xf32>,
            %swap3A_511 = vector.shape_cast %swap3A_510 : vector<1x16xf32> to vector<16xf32>
            %swap3A_512 = vector.shape_cast %broadcast_in_dim3A_1 : vector<16xf32> to vector<1x16xf32>
            tpu.vector_store %arg6[%swap3A_508, %swap3A_509], %swap3A_512 {strides = array<i32>} : memref<32x1024xf32, #tpu.memory_space<vmem>>, vector<1x16xf32>,
            %swap3A_513 = arith.index_cast %while3A_468 : i32 to index
            %swap3A_514 = arith.constant 144 : index
            %swap3A_515 = tpu.vector_load %arg6[%swap3A_513, %swap3A_514] {strides = array<i32>} : memref<32x1024xf32, #tpu.memory_space<vmem>>, vector<1x16xf32>,
            %swap3A_516 = vector.shape_cast %swap3A_515 : vector<1x16xf32> to vector<16xf32>
            %swap3A_517 = vector.shape_cast %broadcast_in_dim3A_1 : vector<16xf32> to vector<1x16xf32>
            tpu.vector_store %arg6[%swap3A_513, %swap3A_514], %swap3A_517 {strides = array<i32>} : memref<32x1024xf32, #tpu.memory_space<vmem>>, vector<1x16xf32>,
            %swap3A_518 = arith.index_cast %while3A_468 : i32 to index
            %swap3A_519 = arith.constant 160 : index
            %swap3A_520 = tpu.vector_load %arg6[%swap3A_518, %swap3A_519] {strides = array<i32>} : memref<32x1024xf32, #tpu.memory_space<vmem>>, vector<1x16xf32>,
            %swap3A_521 = vector.shape_cast %swap3A_520 : vector<1x16xf32> to vector<16xf32>
            %swap3A_522 = vector.shape_cast %broadcast_in_dim3A_1 : vector<16xf32> to vector<1x16xf32>
            tpu.vector_store %arg6[%swap3A_518, %swap3A_519], %swap3A_522 {strides = array<i32>} : memref<32x1024xf32, #tpu.memory_space<vmem>>, vector<1x16xf32>,
            %swap3A_523 = arith.index_cast %while3A_468 : i32 to index
            %swap3A_524 = arith.constant 176 : index
            %swap3A_525 = tpu.vector_load %arg6[%swap3A_523, %swap3A_524] {strides = array<i32>} : memref<32x1024xf32, #tpu.memory_space<vmem>>, vector<1x16xf32>,
            %swap3A_526 = vector.shape_cast %swap3A_525 : vector<1x16xf32> to vector<16xf32>
            %swap3A_527 = vector.shape_cast %broadcast_in_dim3A_1 : vector<16xf32> to vector<1x16xf32>
            tpu.vector_store %arg6[%swap3A_523, %swap3A_524], %swap3A_527 {strides = array<i32>} : memref<32x1024xf32, #tpu.memory_space<vmem>>, vector<1x16xf32>,
            %swap3A_528 = arith.index_cast %while3A_468 : i32 to index
            %swap3A_529 = arith.constant 192 : index
            %swap3A_530 = tpu.vector_load %arg6[%swap3A_528, %swap3A_529] {strides = array<i32>} : memref<32x1024xf32, #tpu.memory_space<vmem>>, vector<1x16xf32>,
            %swap3A_531 = vector.shape_cast %swap3A_530 : vector<1x16xf32> to vector<16xf32>
            %swap3A_532 = vector.shape_cast %broadcast_in_dim3A_1 : vector<16xf32> to vector<1x16xf32>
            tpu.vector_store %arg6[%swap3A_528, %swap3A_529], %swap3A_532 {strides = array<i32>} : memref<32x1024xf32, #tpu.memory_space<vmem>>, vector<1x16xf32>,
            %swap3A_533 = arith.index_cast %while3A_468 : i32 to index
            %swap3A_534 = arith.constant 208 : index
            %swap3A_535 = tpu.vector_load %arg6[%swap3A_533, %swap3A_534] {strides = array<i32>} : memref<32x1024xf32, #tpu.memory_space<vmem>>, vector<1x16xf32>,
            %swap3A_536 = vector.shape_cast %swap3A_535 : vector<1x16xf32> to vector<16xf32>
            %swap3A_537 = vector.shape_cast %broadcast_in_dim3A_1 : vector<16xf32> to vector<1x16xf32>
            tpu.vector_store %arg6[%swap3A_533, %swap3A_534], %swap3A_537 {strides = array<i32>} : memref<32x1024xf32, #tpu.memory_space<vmem>>, vector<1x16xf32>,
            %swap3A_538 = arith.index_cast %while3A_468 : i32 to index
            %swap3A_539 = arith.constant 224 : index
            %swap3A_540 = tpu.vector_load %arg6[%swap3A_538, %swap3A_539] {strides = array<i32>} : memref<32x1024xf32, #tpu.memory_space<vmem>>, vector<1x16xf32>,
            %swap3A_541 = vector.shape_cast %swap3A_540 : vector<1x16xf32> to vector<16xf32>
            %swap3A_542 = vector.shape_cast %broadcast_in_dim3A_1 : vector<16xf32> to vector<1x16xf32>
            tpu.vector_store %arg6[%swap3A_538, %swap3A_539], %swap3A_542 {strides = array<i32>} : memref<32x1024xf32, #tpu.memory_space<vmem>>, vector<1x16xf32>,
            %swap3A_543 = arith.index_cast %while3A_468 : i32 to index
            %swap3A_544 = arith.constant 240 : index
            %swap3A_545 = tpu.vector_load %arg6[%swap3A_543, %swap3A_544] {strides = array<i32>} : memref<32x1024xf32, #tpu.memory_space<vmem>>, vector<1x16xf32>,
            %swap3A_546 = vector.shape_cast %swap3A_545 : vector<1x16xf32> to vector<16xf32>
            %swap3A_547 = vector.shape_cast %broadcast_in_dim3A_1 : vector<16xf32> to vector<1x16xf32>
            tpu.vector_store %arg6[%swap3A_543, %swap3A_544], %swap3A_547 {strides = array<i32>} : memref<32x1024xf32, #tpu.memory_space<vmem>>, vector<1x16xf32>,
            %swap3A_548 = arith.index_cast %while3A_468 : i32 to index
            %swap3A_549 = arith.constant 256 : index
            %swap3A_550 = tpu.vector_load %arg6[%swap3A_548, %swap3A_549] {strides = array<i32>} : memref<32x1024xf32, #tpu.memory_space<vmem>>, vector<1x16xf32>,
            %swap3A_551 = vector.shape_cast %swap3A_550 : vector<1x16xf32> to vector<16xf32>
            %swap3A_552 = vector.shape_cast %broadcast_in_dim3A_1 : vector<16xf32> to vector<1x16xf32>
            tpu.vector_store %arg6[%swap3A_548, %swap3A_549], %swap3A_552 {strides = array<i32>} : memref<32x1024xf32, #tpu.memory_space<vmem>>, vector<1x16xf32>,
            %swap3A_553 = arith.index_cast %while3A_468 : i32 to index
            %swap3A_554 = arith.constant 272 : index
            %swap3A_555 = tpu.vector_load %arg6[%swap3A_553, %swap3A_554] {strides = array<i32>} : memref<32x1024xf32, #tpu.memory_space<vmem>>, vector<1x16xf32>,
            %swap3A_556 = vector.shape_cast %swap3A_555 : vector<1x16xf32> to vector<16xf32>
            %swap3A_557 = vector.shape_cast %broadcast_in_dim3A_1 : vector<16xf32> to vector<1x16xf32>
            tpu.vector_store %arg6[%swap3A_553, %swap3A_554], %swap3A_557 {strides = array<i32>} : memref<32x1024xf32, #tpu.memory_space<vmem>>, vector<1x16xf32>,
            %swap3A_558 = arith.index_cast %while3A_468 : i32 to index
            %swap3A_559 = arith.constant 288 : index
            %swap3A_560 = tpu.vector_load %arg6[%swap3A_558, %swap3A_559] {strides = array<i32>} : memref<32x1024xf32, #tpu.memory_space<vmem>>, vector<1x16xf32>,
            %swap3A_561 = vector.shape_cast %swap3A_560 : vector<1x16xf32> to vector<16xf32>
            %swap3A_562 = vector.shape_cast %broadcast_in_dim3A_1 : vector<16xf32> to vector<1x16xf32>
            tpu.vector_store %arg6[%swap3A_558, %swap3A_559], %swap3A_562 {strides = array<i32>} : memref<32x1024xf32, #tpu.memory_space<vmem>>, vector<1x16xf32>,
            %swap3A_563 = arith.index_cast %while3A_468 : i32 to index
            %swap3A_564 = arith.constant 304 : index
            %swap3A_565 = tpu.vector_load %arg6[%swap3A_563, %swap3A_564] {strides = array<i32>} : memref<32x1024xf32, #tpu.memory_space<vmem>>, vector<1x16xf32>,
            %swap3A_566 = vector.shape_cast %swap3A_565 : vector<1x16xf32> to vector<16xf32>
            %swap3A_567 = vector.shape_cast %broadcast_in_dim3A_1 : vector<16xf32> to vector<1x16xf32>
            tpu.vector_store %arg6[%swap3A_563, %swap3A_564], %swap3A_567 {strides = array<i32>} : memref<32x1024xf32, #tpu.memory_space<vmem>>, vector<1x16xf32>,
            %swap3A_568 = arith.index_cast %while3A_468 : i32 to index
            %swap3A_569 = arith.constant 320 : index
            %swap3A_570 = tpu.vector_load %arg6[%swap3A_568, %swap3A_569] {strides = array<i32>} : memref<32x1024xf32, #tpu.memory_space<vmem>>, vector<1x16xf32>,
            %swap3A_571 = vector.shape_cast %swap3A_570 : vector<1x16xf32> to vector<16xf32>
            %swap3A_572 = vector.shape_cast %broadcast_in_dim3A_1 : vector<16xf32> to vector<1x16xf32>
            tpu.vector_store %arg6[%swap3A_568, %swap3A_569], %swap3A_572 {strides = array<i32>} : memref<32x1024xf32, #tpu.memory_space<vmem>>, vector<1x16xf32>,
            %swap3A_573 = arith.index_cast %while3A_468 : i32 to index
            %swap3A_574 = arith.constant 336 : index
            %swap3A_575 = tpu.vector_load %arg6[%swap3A_573, %swap3A_574] {strides = array<i32>} : memref<32x1024xf32, #tpu.memory_space<vmem>>, vector<1x16xf32>,
            %swap3A_576 = vector.shape_cast %swap3A_575 : vector<1x16xf32> to vector<16xf32>
            %swap3A_577 = vector.shape_cast %broadcast_in_dim3A_1 : vector<16xf32> to vector<1x16xf32>
            tpu.vector_store %arg6[%swap3A_573, %swap3A_574], %swap3A_577 {strides = array<i32>} : memref<32x1024xf32, #tpu.memory_space<vmem>>, vector<1x16xf32>,
            %swap3A_578 = arith.index_cast %while3A_468 : i32 to index
            %swap3A_579 = arith.constant 352 : index
            %swap3A_580 = tpu.vector_load %arg6[%swap3A_578, %swap3A_579] {strides = array<i32>} : memref<32x1024xf32, #tpu.memory_space<vmem>>, vector<1x16xf32>,
            %swap3A_581 = vector.shape_cast %swap3A_580 : vector<1x16xf32> to vector<16xf32>
            %swap3A_582 = vector.shape_cast %broadcast_in_dim3A_1 : vector<16xf32> to vector<1x16xf32>
            tpu.vector_store %arg6[%swap3A_578, %swap3A_579], %swap3A_582 {strides = array<i32>} : memref<32x1024xf32, #tpu.memory_space<vmem>>, vector<1x16xf32>,
            %swap3A_583 = arith.index_cast %while3A_468 : i32 to index
            %swap3A_584 = arith.constant 368 : index
            %swap3A_585 = tpu.vector_load %arg6[%swap3A_583, %swap3A_584] {strides = array<i32>} : memref<32x1024xf32, #tpu.memory_space<vmem>>, vector<1x16xf32>,
            %swap3A_586 = vector.shape_cast %swap3A_585 : vector<1x16xf32> to vector<16xf32>
            %swap3A_587 = vector.shape_cast %broadcast_in_dim3A_1 : vector<16xf32> to vector<1x16xf32>
            tpu.vector_store %arg6[%swap3A_583, %swap3A_584], %swap3A_587 {strides = array<i32>} : memref<32x1024xf32, #tpu.memory_space<vmem>>, vector<1x16xf32>,
            %swap3A_588 = arith.index_cast %while3A_468 : i32 to index
            %swap3A_589 = arith.constant 384 : index
            %swap3A_590 = tpu.vector_load %arg6[%swap3A_588, %swap3A_589] {strides = array<i32>} : memref<32x1024xf32, #tpu.memory_space<vmem>>, vector<1x16xf32>,
            %swap3A_591 = vector.shape_cast %swap3A_590 : vector<1x16xf32> to vector<16xf32>
            %swap3A_592 = vector.shape_cast %broadcast_in_dim3A_1 : vector<16xf32> to vector<1x16xf32>
            tpu.vector_store %arg6[%swap3A_588, %swap3A_589], %swap3A_592 {strides = array<i32>} : memref<32x1024xf32, #tpu.memory_space<vmem>>, vector<1x16xf32>,
            %swap3A_593 = arith.index_cast %while3A_468 : i32 to index
            %swap3A_594 = arith.constant 400 : index
            %swap3A_595 = tpu.vector_load %arg6[%swap3A_593, %swap3A_594] {strides = array<i32>} : memref<32x1024xf32, #tpu.memory_space<vmem>>, vector<1x16xf32>,
            %swap3A_596 = vector.shape_cast %swap3A_595 : vector<1x16xf32> to vector<16xf32>
            %swap3A_597 = vector.shape_cast %broadcast_in_dim3A_1 : vector<16xf32> to vector<1x16xf32>
            tpu.vector_store %arg6[%swap3A_593, %swap3A_594], %swap3A_597 {strides = array<i32>} : memref<32x1024xf32, #tpu.memory_space<vmem>>, vector<1x16xf32>,
            %swap3A_598 = arith.index_cast %while3A_468 : i32 to index
            %swap3A_599 = arith.constant 416 : index
            %swap3A_600 = tpu.vector_load %arg6[%swap3A_598, %swap3A_599] {strides = array<i32>} : memref<32x1024xf32, #tpu.memory_space<vmem>>, vector<1x16xf32>,
            %swap3A_601 = vector.shape_cast %swap3A_600 : vector<1x16xf32> to vector<16xf32>
            %swap3A_602 = vector.shape_cast %broadcast_in_dim3A_1 : vector<16xf32> to vector<1x16xf32>
            tpu.vector_store %arg6[%swap3A_598, %swap3A_599], %swap3A_602 {strides = array<i32>} : memref<32x1024xf32, #tpu.memory_space<vmem>>, vector<1x16xf32>,
            %swap3A_603 = arith.index_cast %while3A_468 : i32 to index
            %swap3A_604 = arith.constant 432 : index
            %swap3A_605 = tpu.vector_load %arg6[%swap3A_603, %swap3A_604] {strides = array<i32>} : memref<32x1024xf32, #tpu.memory_space<vmem>>, vector<1x16xf32>,
            %swap3A_606 = vector.shape_cast %swap3A_605 : vector<1x16xf32> to vector<16xf32>
            %swap3A_607 = vector.shape_cast %broadcast_in_dim3A_1 : vector<16xf32> to vector<1x16xf32>
            tpu.vector_store %arg6[%swap3A_603, %swap3A_604], %swap3A_607 {strides = array<i32>} : memref<32x1024xf32, #tpu.memory_space<vmem>>, vector<1x16xf32>,
            %swap3A_608 = arith.index_cast %while3A_468 : i32 to index
            %swap3A_609 = arith.constant 448 : index
            %swap3A_610 = tpu.vector_load %arg6[%swap3A_608, %swap3A_609] {strides = array<i32>} : memref<32x1024xf32, #tpu.memory_space<vmem>>, vector<1x16xf32>,
            %swap3A_611 = vector.shape_cast %swap3A_610 : vector<1x16xf32> to vector<16xf32>
            %swap3A_612 = vector.shape_cast %broadcast_in_dim3A_1 : vector<16xf32> to vector<1x16xf32>
            tpu.vector_store %arg6[%swap3A_608, %swap3A_609], %swap3A_612 {strides = array<i32>} : memref<32x1024xf32, #tpu.memory_space<vmem>>, vector<1x16xf32>,
            %swap3A_613 = arith.index_cast %while3A_468 : i32 to index
            %swap3A_614 = arith.constant 464 : index
            %swap3A_615 = tpu.vector_load %arg6[%swap3A_613, %swap3A_614] {strides = array<i32>} : memref<32x1024xf32, #tpu.memory_space<vmem>>, vector<1x16xf32>,
            %swap3A_616 = vector.shape_cast %swap3A_615 : vector<1x16xf32> to vector<16xf32>
            %swap3A_617 = vector.shape_cast %broadcast_in_dim3A_1 : vector<16xf32> to vector<1x16xf32>
            tpu.vector_store %arg6[%swap3A_613, %swap3A_614], %swap3A_617 {strides = array<i32>} : memref<32x1024xf32, #tpu.memory_space<vmem>>, vector<1x16xf32>,
            %swap3A_618 = arith.index_cast %while3A_468 : i32 to index
            %swap3A_619 = arith.constant 480 : index
            %swap3A_620 = tpu.vector_load %arg6[%swap3A_618, %swap3A_619] {strides = array<i32>} : memref<32x1024xf32, #tpu.memory_space<vmem>>, vector<1x16xf32>,
            %swap3A_621 = vector.shape_cast %swap3A_620 : vector<1x16xf32> to vector<16xf32>
            %swap3A_622 = vector.shape_cast %broadcast_in_dim3A_1 : vector<16xf32> to vector<1x16xf32>
            tpu.vector_store %arg6[%swap3A_618, %swap3A_619], %swap3A_622 {strides = array<i32>} : memref<32x1024xf32, #tpu.memory_space<vmem>>, vector<1x16xf32>,
            %swap3A_623 = arith.index_cast %while3A_468 : i32 to index
            %swap3A_624 = arith.constant 496 : index
            %swap3A_625 = tpu.vector_load %arg6[%swap3A_623, %swap3A_624] {strides = array<i32>} : memref<32x1024xf32, #tpu.memory_space<vmem>>, vector<1x16xf32>,
            %swap3A_626 = vector.shape_cast %swap3A_625 : vector<1x16xf32> to vector<16xf32>
            %swap3A_627 = vector.shape_cast %broadcast_in_dim3A_1 : vector<16xf32> to vector<1x16xf32>
            tpu.vector_store %arg6[%swap3A_623, %swap3A_624], %swap3A_627 {strides = array<i32>} : memref<32x1024xf32, #tpu.memory_space<vmem>>, vector<1x16xf32>,
            %swap3A_628 = arith.index_cast %while3A_468 : i32 to index
            %swap3A_629 = arith.constant 512 : index
            %swap3A_630 = tpu.vector_load %arg6[%swap3A_628, %swap3A_629] {strides = array<i32>} : memref<32x1024xf32, #tpu.memory_space<vmem>>, vector<1x16xf32>,
            %swap3A_631 = vector.shape_cast %swap3A_630 : vector<1x16xf32> to vector<16xf32>
            %swap3A_632 = vector.shape_cast %broadcast_in_dim3A_1 : vector<16xf32> to vector<1x16xf32>
            tpu.vector_store %arg6[%swap3A_628, %swap3A_629], %swap3A_632 {strides = array<i32>} : memref<32x1024xf32, #tpu.memory_space<vmem>>, vector<1x16xf32>,
            %swap3A_633 = arith.index_cast %while3A_468 : i32 to index
            %swap3A_634 = arith.constant 528 : index
            %swap3A_635 = tpu.vector_load %arg6[%swap3A_633, %swap3A_634] {strides = array<i32>} : memref<32x1024xf32, #tpu.memory_space<vmem>>, vector<1x16xf32>,
            %swap3A_636 = vector.shape_cast %swap3A_635 : vector<1x16xf32> to vector<16xf32>
            %swap3A_637 = vector.shape_cast %broadcast_in_dim3A_1 : vector<16xf32> to vector<1x16xf32>
            tpu.vector_store %arg6[%swap3A_633, %swap3A_634], %swap3A_637 {strides = array<i32>} : memref<32x1024xf32, #tpu.memory_space<vmem>>, vector<1x16xf32>,
            %swap3A_638 = arith.index_cast %while3A_468 : i32 to index
            %swap3A_639 = arith.constant 544 : index
            %swap3A_640 = tpu.vector_load %arg6[%swap3A_638, %swap3A_639] {strides = array<i32>} : memref<32x1024xf32, #tpu.memory_space<vmem>>, vector<1x16xf32>,
            %swap3A_641 = vector.shape_cast %swap3A_640 : vector<1x16xf32> to vector<16xf32>
            %swap3A_642 = vector.shape_cast %broadcast_in_dim3A_1 : vector<16xf32> to vector<1x16xf32>
            tpu.vector_store %arg6[%swap3A_638, %swap3A_639], %swap3A_642 {strides = array<i32>} : memref<32x1024xf32, #tpu.memory_space<vmem>>, vector<1x16xf32>,
            %swap3A_643 = arith.index_cast %while3A_468 : i32 to index
            %swap3A_644 = arith.constant 560 : index
            %swap3A_645 = tpu.vector_load %arg6[%swap3A_643, %swap3A_644] {strides = array<i32>} : memref<32x1024xf32, #tpu.memory_space<vmem>>, vector<1x16xf32>,
            %swap3A_646 = vector.shape_cast %swap3A_645 : vector<1x16xf32> to vector<16xf32>
            %swap3A_647 = vector.shape_cast %broadcast_in_dim3A_1 : vector<16xf32> to vector<1x16xf32>
            tpu.vector_store %arg6[%swap3A_643, %swap3A_644], %swap3A_647 {strides = array<i32>} : memref<32x1024xf32, #tpu.memory_space<vmem>>, vector<1x16xf32>,
            %swap3A_648 = arith.index_cast %while3A_468 : i32 to index
            %swap3A_649 = arith.constant 576 : index
            %swap3A_650 = tpu.vector_load %arg6[%swap3A_648, %swap3A_649] {strides = array<i32>} : memref<32x1024xf32, #tpu.memory_space<vmem>>, vector<1x16xf32>,
            %swap3A_651 = vector.shape_cast %swap3A_650 : vector<1x16xf32> to vector<16xf32>
            %swap3A_652 = vector.shape_cast %broadcast_in_dim3A_1 : vector<16xf32> to vector<1x16xf32>
            tpu.vector_store %arg6[%swap3A_648, %swap3A_649], %swap3A_652 {strides = array<i32>} : memref<32x1024xf32, #tpu.memory_space<vmem>>, vector<1x16xf32>,
            %swap3A_653 = arith.index_cast %while3A_468 : i32 to index
            %swap3A_654 = arith.constant 592 : index
            %swap3A_655 = tpu.vector_load %arg6[%swap3A_653, %swap3A_654] {strides = array<i32>} : memref<32x1024xf32, #tpu.memory_space<vmem>>, vector<1x16xf32>,
            %swap3A_656 = vector.shape_cast %swap3A_655 : vector<1x16xf32> to vector<16xf32>
            %swap3A_657 = vector.shape_cast %broadcast_in_dim3A_1 : vector<16xf32> to vector<1x16xf32>
            tpu.vector_store %arg6[%swap3A_653, %swap3A_654], %swap3A_657 {strides = array<i32>} : memref<32x1024xf32, #tpu.memory_space<vmem>>, vector<1x16xf32>,
            %swap3A_658 = arith.index_cast %while3A_468 : i32 to index
            %swap3A_659 = arith.constant 608 : index
            %swap3A_660 = tpu.vector_load %arg6[%swap3A_658, %swap3A_659] {strides = array<i32>} : memref<32x1024xf32, #tpu.memory_space<vmem>>, vector<1x16xf32>,
            %swap3A_661 = vector.shape_cast %swap3A_660 : vector<1x16xf32> to vector<16xf32>
            %swap3A_662 = vector.shape_cast %broadcast_in_dim3A_1 : vector<16xf32> to vector<1x16xf32>
            tpu.vector_store %arg6[%swap3A_658, %swap3A_659], %swap3A_662 {strides = array<i32>} : memref<32x1024xf32, #tpu.memory_space<vmem>>, vector<1x16xf32>,
            %swap3A_663 = arith.index_cast %while3A_468 : i32 to index
            %swap3A_664 = arith.constant 624 : index
            %swap3A_665 = tpu.vector_load %arg6[%swap3A_663, %swap3A_664] {strides = array<i32>} : memref<32x1024xf32, #tpu.memory_space<vmem>>, vector<1x16xf32>,
            %swap3A_666 = vector.shape_cast %swap3A_665 : vector<1x16xf32> to vector<16xf32>
            %swap3A_667 = vector.shape_cast %broadcast_in_dim3A_1 : vector<16xf32> to vector<1x16xf32>
            tpu.vector_store %arg6[%swap3A_663, %swap3A_664], %swap3A_667 {strides = array<i32>} : memref<32x1024xf32, #tpu.memory_space<vmem>>, vector<1x16xf32>,
            %swap3A_668 = arith.index_cast %while3A_468 : i32 to index
            %swap3A_669 = arith.constant 640 : index
            %swap3A_670 = tpu.vector_load %arg6[%swap3A_668, %swap3A_669] {strides = array<i32>} : memref<32x1024xf32, #tpu.memory_space<vmem>>, vector<1x16xf32>,
            %swap3A_671 = vector.shape_cast %swap3A_670 : vector<1x16xf32> to vector<16xf32>
            %swap3A_672 = vector.shape_cast %broadcast_in_dim3A_1 : vector<16xf32> to vector<1x16xf32>
            tpu.vector_store %arg6[%swap3A_668, %swap3A_669], %swap3A_672 {strides = array<i32>} : memref<32x1024xf32, #tpu.memory_space<vmem>>, vector<1x16xf32>,
            %swap3A_673 = arith.index_cast %while3A_468 : i32 to index
            %swap3A_674 = arith.constant 656 : index
            %swap3A_675 = tpu.vector_load %arg6[%swap3A_673, %swap3A_674] {strides = array<i32>} : memref<32x1024xf32, #tpu.memory_space<vmem>>, vector<1x16xf32>,
            %swap3A_676 = vector.shape_cast %swap3A_675 : vector<1x16xf32> to vector<16xf32>
            %swap3A_677 = vector.shape_cast %broadcast_in_dim3A_1 : vector<16xf32> to vector<1x16xf32>
            tpu.vector_store %arg6[%swap3A_673, %swap3A_674], %swap3A_677 {strides = array<i32>} : memref<32x1024xf32, #tpu.memory_space<vmem>>, vector<1x16xf32>,
            %swap3A_678 = arith.index_cast %while3A_468 : i32 to index
            %swap3A_679 = arith.constant 672 : index
            %swap3A_680 = tpu.vector_load %arg6[%swap3A_678, %swap3A_679] {strides = array<i32>} : memref<32x1024xf32, #tpu.memory_space<vmem>>, vector<1x16xf32>,
            %swap3A_681 = vector.shape_cast %swap3A_680 : vector<1x16xf32> to vector<16xf32>
            %swap3A_682 = vector.shape_cast %broadcast_in_dim3A_1 : vector<16xf32> to vector<1x16xf32>
            tpu.vector_store %arg6[%swap3A_678, %swap3A_679], %swap3A_682 {strides = array<i32>} : memref<32x1024xf32, #tpu.memory_space<vmem>>, vector<1x16xf32>,
            %swap3A_683 = arith.index_cast %while3A_468 : i32 to index
            %swap3A_684 = arith.constant 688 : index
            %swap3A_685 = tpu.vector_load %arg6[%swap3A_683, %swap3A_684] {strides = array<i32>} : memref<32x1024xf32, #tpu.memory_space<vmem>>, vector<1x16xf32>,
            %swap3A_686 = vector.shape_cast %swap3A_685 : vector<1x16xf32> to vector<16xf32>
            %swap3A_687 = vector.shape_cast %broadcast_in_dim3A_1 : vector<16xf32> to vector<1x16xf32>
            tpu.vector_store %arg6[%swap3A_683, %swap3A_684], %swap3A_687 {strides = array<i32>} : memref<32x1024xf32, #tpu.memory_space<vmem>>, vector<1x16xf32>,
            %swap3A_688 = arith.index_cast %while3A_468 : i32 to index
            %swap3A_689 = arith.constant 704 : index
            %swap3A_690 = tpu.vector_load %arg6[%swap3A_688, %swap3A_689] {strides = array<i32>} : memref<32x1024xf32, #tpu.memory_space<vmem>>, vector<1x16xf32>,
            %swap3A_691 = vector.shape_cast %swap3A_690 : vector<1x16xf32> to vector<16xf32>
            %swap3A_692 = vector.shape_cast %broadcast_in_dim3A_1 : vector<16xf32> to vector<1x16xf32>
            tpu.vector_store %arg6[%swap3A_688, %swap3A_689], %swap3A_692 {strides = array<i32>} : memref<32x1024xf32, #tpu.memory_space<vmem>>, vector<1x16xf32>,
            %swap3A_693 = arith.index_cast %while3A_468 : i32 to index
            %swap3A_694 = arith.constant 720 : index
            %swap3A_695 = tpu.vector_load %arg6[%swap3A_693, %swap3A_694] {strides = array<i32>} : memref<32x1024xf32, #tpu.memory_space<vmem>>, vector<1x16xf32>,
            %swap3A_696 = vector.shape_cast %swap3A_695 : vector<1x16xf32> to vector<16xf32>
            %swap3A_697 = vector.shape_cast %broadcast_in_dim3A_1 : vector<16xf32> to vector<1x16xf32>
            tpu.vector_store %arg6[%swap3A_693, %swap3A_694], %swap3A_697 {strides = array<i32>} : memref<32x1024xf32, #tpu.memory_space<vmem>>, vector<1x16xf32>,
            %swap3A_698 = arith.index_cast %while3A_468 : i32 to index
            %swap3A_699 = arith.constant 736 : index
            %swap3A_700 = tpu.vector_load %arg6[%swap3A_698, %swap3A_699] {strides = array<i32>} : memref<32x1024xf32, #tpu.memory_space<vmem>>, vector<1x16xf32>,
            %swap3A_701 = vector.shape_cast %swap3A_700 : vector<1x16xf32> to vector<16xf32>
            %swap3A_702 = vector.shape_cast %broadcast_in_dim3A_1 : vector<16xf32> to vector<1x16xf32>
            tpu.vector_store %arg6[%swap3A_698, %swap3A_699], %swap3A_702 {strides = array<i32>} : memref<32x1024xf32, #tpu.memory_space<vmem>>, vector<1x16xf32>,
            %swap3A_703 = arith.index_cast %while3A_468 : i32 to index
            %swap3A_704 = arith.constant 752 : index
            %swap3A_705 = tpu.vector_load %arg6[%swap3A_703, %swap3A_704] {strides = array<i32>} : memref<32x1024xf32, #tpu.memory_space<vmem>>, vector<1x16xf32>,
            %swap3A_706 = vector.shape_cast %swap3A_705 : vector<1x16xf32> to vector<16xf32>
            %swap3A_707 = vector.shape_cast %broadcast_in_dim3A_1 : vector<16xf32> to vector<1x16xf32>
            tpu.vector_store %arg6[%swap3A_703, %swap3A_704], %swap3A_707 {strides = array<i32>} : memref<32x1024xf32, #tpu.memory_space<vmem>>, vector<1x16xf32>,
            %swap3A_708 = arith.index_cast %while3A_468 : i32 to index
            %swap3A_709 = arith.constant 768 : index
            %swap3A_710 = tpu.vector_load %arg6[%swap3A_708, %swap3A_709] {strides = array<i32>} : memref<32x1024xf32, #tpu.memory_space<vmem>>, vector<1x16xf32>,
            %swap3A_711 = vector.shape_cast %swap3A_710 : vector<1x16xf32> to vector<16xf32>
            %swap3A_712 = vector.shape_cast %broadcast_in_dim3A_1 : vector<16xf32> to vector<1x16xf32>
            tpu.vector_store %arg6[%swap3A_708, %swap3A_709], %swap3A_712 {strides = array<i32>} : memref<32x1024xf32, #tpu.memory_space<vmem>>, vector<1x16xf32>,
            %swap3A_713 = arith.index_cast %while3A_468 : i32 to index
            %swap3A_714 = arith.constant 784 : index
            %swap3A_715 = tpu.vector_load %arg6[%swap3A_713, %swap3A_714] {strides = array<i32>} : memref<32x1024xf32, #tpu.memory_space<vmem>>, vector<1x16xf32>,
            %swap3A_716 = vector.shape_cast %swap3A_715 : vector<1x16xf32> to vector<16xf32>
            %swap3A_717 = vector.shape_cast %broadcast_in_dim3A_1 : vector<16xf32> to vector<1x16xf32>
            tpu.vector_store %arg6[%swap3A_713, %swap3A_714], %swap3A_717 {strides = array<i32>} : memref<32x1024xf32, #tpu.memory_space<vmem>>, vector<1x16xf32>,
            %swap3A_718 = arith.index_cast %while3A_468 : i32 to index
            %swap3A_719 = arith.constant 800 : index
            %swap3A_720 = tpu.vector_load %arg6[%swap3A_718, %swap3A_719] {strides = array<i32>} : memref<32x1024xf32, #tpu.memory_space<vmem>>, vector<1x16xf32>,
            %swap3A_721 = vector.shape_cast %swap3A_720 : vector<1x16xf32> to vector<16xf32>
            %swap3A_722 = vector.shape_cast %broadcast_in_dim3A_1 : vector<16xf32> to vector<1x16xf32>
            tpu.vector_store %arg6[%swap3A_718, %swap3A_719], %swap3A_722 {strides = array<i32>} : memref<32x1024xf32, #tpu.memory_space<vmem>>, vector<1x16xf32>,
            %swap3A_723 = arith.index_cast %while3A_468 : i32 to index
            %swap3A_724 = arith.constant 816 : index
            %swap3A_725 = tpu.vector_load %arg6[%swap3A_723, %swap3A_724] {strides = array<i32>} : memref<32x1024xf32, #tpu.memory_space<vmem>>, vector<1x16xf32>,
            %swap3A_726 = vector.shape_cast %swap3A_725 : vector<1x16xf32> to vector<16xf32>
            %swap3A_727 = vector.shape_cast %broadcast_in_dim3A_1 : vector<16xf32> to vector<1x16xf32>
            tpu.vector_store %arg6[%swap3A_723, %swap3A_724], %swap3A_727 {strides = array<i32>} : memref<32x1024xf32, #tpu.memory_space<vmem>>, vector<1x16xf32>,
            %swap3A_728 = arith.index_cast %while3A_468 : i32 to index
            %swap3A_729 = arith.constant 832 : index
            %swap3A_730 = tpu.vector_load %arg6[%swap3A_728, %swap3A_729] {strides = array<i32>} : memref<32x1024xf32, #tpu.memory_space<vmem>>, vector<1x16xf32>,
            %swap3A_731 = vector.shape_cast %swap3A_730 : vector<1x16xf32> to vector<16xf32>
            %swap3A_732 = vector.shape_cast %broadcast_in_dim3A_1 : vector<16xf32> to vector<1x16xf32>
            tpu.vector_store %arg6[%swap3A_728, %swap3A_729], %swap3A_732 {strides = array<i32>} : memref<32x1024xf32, #tpu.memory_space<vmem>>, vector<1x16xf32>,
            %swap3A_733 = arith.index_cast %while3A_468 : i32 to index
            %swap3A_734 = arith.constant 848 : index
            %swap3A_735 = tpu.vector_load %arg6[%swap3A_733, %swap3A_734] {strides = array<i32>} : memref<32x1024xf32, #tpu.memory_space<vmem>>, vector<1x16xf32>,
            %swap3A_736 = vector.shape_cast %swap3A_735 : vector<1x16xf32> to vector<16xf32>
            %swap3A_737 = vector.shape_cast %broadcast_in_dim3A_1 : vector<16xf32> to vector<1x16xf32>
            tpu.vector_store %arg6[%swap3A_733, %swap3A_734], %swap3A_737 {strides = array<i32>} : memref<32x1024xf32, #tpu.memory_space<vmem>>, vector<1x16xf32>,
            %swap3A_738 = arith.index_cast %while3A_468 : i32 to index
            %swap3A_739 = arith.constant 864 : index
            %swap3A_740 = tpu.vector_load %arg6[%swap3A_738, %swap3A_739] {strides = array<i32>} : memref<32x1024xf32, #tpu.memory_space<vmem>>, vector<1x16xf32>,
            %swap3A_741 = vector.shape_cast %swap3A_740 : vector<1x16xf32> to vector<16xf32>
            %swap3A_742 = vector.shape_cast %broadcast_in_dim3A_1 : vector<16xf32> to vector<1x16xf32>
            tpu.vector_store %arg6[%swap3A_738, %swap3A_739], %swap3A_742 {strides = array<i32>} : memref<32x1024xf32, #tpu.memory_space<vmem>>, vector<1x16xf32>,
            %swap3A_743 = arith.index_cast %while3A_468 : i32 to index
            %swap3A_744 = arith.constant 880 : index
            %swap3A_745 = tpu.vector_load %arg6[%swap3A_743, %swap3A_744] {strides = array<i32>} : memref<32x1024xf32, #tpu.memory_space<vmem>>, vector<1x16xf32>,
            %swap3A_746 = vector.shape_cast %swap3A_745 : vector<1x16xf32> to vector<16xf32>
            %swap3A_747 = vector.shape_cast %broadcast_in_dim3A_1 : vector<16xf32> to vector<1x16xf32>
            tpu.vector_store %arg6[%swap3A_743, %swap3A_744], %swap3A_747 {strides = array<i32>} : memref<32x1024xf32, #tpu.memory_space<vmem>>, vector<1x16xf32>,
            %swap3A_748 = arith.index_cast %while3A_468 : i32 to index
            %swap3A_749 = arith.constant 896 : index
            %swap3A_750 = tpu.vector_load %arg6[%swap3A_748, %swap3A_749] {strides = array<i32>} : memref<32x1024xf32, #tpu.memory_space<vmem>>, vector<1x16xf32>,
            %swap3A_751 = vector.shape_cast %swap3A_750 : vector<1x16xf32> to vector<16xf32>
            %swap3A_752 = vector.shape_cast %broadcast_in_dim3A_1 : vector<16xf32> to vector<1x16xf32>
            tpu.vector_store %arg6[%swap3A_748, %swap3A_749], %swap3A_752 {strides = array<i32>} : memref<32x1024xf32, #tpu.memory_space<vmem>>, vector<1x16xf32>,
            %swap3A_753 = arith.index_cast %while3A_468 : i32 to index
            %swap3A_754 = arith.constant 912 : index
            %swap3A_755 = tpu.vector_load %arg6[%swap3A_753, %swap3A_754] {strides = array<i32>} : memref<32x1024xf32, #tpu.memory_space<vmem>>, vector<1x16xf32>,
            %swap3A_756 = vector.shape_cast %swap3A_755 : vector<1x16xf32> to vector<16xf32>
            %swap3A_757 = vector.shape_cast %broadcast_in_dim3A_1 : vector<16xf32> to vector<1x16xf32>
            tpu.vector_store %arg6[%swap3A_753, %swap3A_754], %swap3A_757 {strides = array<i32>} : memref<32x1024xf32, #tpu.memory_space<vmem>>, vector<1x16xf32>,
            %swap3A_758 = arith.index_cast %while3A_468 : i32 to index
            %swap3A_759 = arith.constant 928 : index
            %swap3A_760 = tpu.vector_load %arg6[%swap3A_758, %swap3A_759] {strides = array<i32>} : memref<32x1024xf32, #tpu.memory_space<vmem>>, vector<1x16xf32>,
            %swap3A_761 = vector.shape_cast %swap3A_760 : vector<1x16xf32> to vector<16xf32>
            %swap3A_762 = vector.shape_cast %broadcast_in_dim3A_1 : vector<16xf32> to vector<1x16xf32>
            tpu.vector_store %arg6[%swap3A_758, %swap3A_759], %swap3A_762 {strides = array<i32>} : memref<32x1024xf32, #tpu.memory_space<vmem>>, vector<1x16xf32>,
            %swap3A_763 = arith.index_cast %while3A_468 : i32 to index
            %swap3A_764 = arith.constant 944 : index
            %swap3A_765 = tpu.vector_load %arg6[%swap3A_763, %swap3A_764] {strides = array<i32>} : memref<32x1024xf32, #tpu.memory_space<vmem>>, vector<1x16xf32>,
            %swap3A_766 = vector.shape_cast %swap3A_765 : vector<1x16xf32> to vector<16xf32>
            %swap3A_767 = vector.shape_cast %broadcast_in_dim3A_1 : vector<16xf32> to vector<1x16xf32>
            tpu.vector_store %arg6[%swap3A_763, %swap3A_764], %swap3A_767 {strides = array<i32>} : memref<32x1024xf32, #tpu.memory_space<vmem>>, vector<1x16xf32>,
            %swap3A_768 = arith.index_cast %while3A_468 : i32 to index
            %swap3A_769 = arith.constant 960 : index
            %swap3A_770 = tpu.vector_load %arg6[%swap3A_768, %swap3A_769] {strides = array<i32>} : memref<32x1024xf32, #tpu.memory_space<vmem>>, vector<1x16xf32>,
            %swap3A_771 = vector.shape_cast %swap3A_770 : vector<1x16xf32> to vector<16xf32>
            %swap3A_772 = vector.shape_cast %broadcast_in_dim3A_1 : vector<16xf32> to vector<1x16xf32>
            tpu.vector_store %arg6[%swap3A_768, %swap3A_769], %swap3A_772 {strides = array<i32>} : memref<32x1024xf32, #tpu.memory_space<vmem>>, vector<1x16xf32>,
            %swap3A_773 = arith.index_cast %while3A_468 : i32 to index
            %swap3A_774 = arith.constant 976 : index
            %swap3A_775 = tpu.vector_load %arg6[%swap3A_773, %swap3A_774] {strides = array<i32>} : memref<32x1024xf32, #tpu.memory_space<vmem>>, vector<1x16xf32>,
            %swap3A_776 = vector.shape_cast %swap3A_775 : vector<1x16xf32> to vector<16xf32>
            %swap3A_777 = vector.shape_cast %broadcast_in_dim3A_1 : vector<16xf32> to vector<1x16xf32>
            tpu.vector_store %arg6[%swap3A_773, %swap3A_774], %swap3A_777 {strides = array<i32>} : memref<32x1024xf32, #tpu.memory_space<vmem>>, vector<1x16xf32>,
            %swap3A_778 = arith.index_cast %while3A_468 : i32 to index
            %swap3A_779 = arith.constant 992 : index
            %swap3A_780 = tpu.vector_load %arg6[%swap3A_778, %swap3A_779] {strides = array<i32>} : memref<32x1024xf32, #tpu.memory_space<vmem>>, vector<1x16xf32>,
            %swap3A_781 = vector.shape_cast %swap3A_780 : vector<1x16xf32> to vector<16xf32>
            %swap3A_782 = vector.shape_cast %broadcast_in_dim3A_1 : vector<16xf32> to vector<1x16xf32>
            tpu.vector_store %arg6[%swap3A_778, %swap3A_779], %swap3A_782 {strides = array<i32>} : memref<32x1024xf32, #tpu.memory_space<vmem>>, vector<1x16xf32>,
            %swap3A_783 = arith.index_cast %while3A_468 : i32 to index
            %swap3A_784 = arith.constant 1008 : index
            %swap3A_785 = tpu.vector_load %arg6[%swap3A_783, %swap3A_784] {strides = array<i32>} : memref<32x1024xf32, #tpu.memory_space<vmem>>, vector<1x16xf32>,
            %swap3A_786 = vector.shape_cast %swap3A_785 : vector<1x16xf32> to vector<16xf32>
            %swap3A_787 = vector.shape_cast %broadcast_in_dim3A_1 : vector<16xf32> to vector<1x16xf32>
            tpu.vector_store %arg6[%swap3A_783, %swap3A_784], %swap3A_787 {strides = array<i32>} : memref<32x1024xf32, #tpu.memory_space<vmem>>, vector<1x16xf32>,
          }
          %multiple_of3A_462 = tpu.assume_multiple %mul3A_420, 8 : i32
          %dma_start3A = arith.constant 0 : i32
          %dma_start3A_463 = tpu.memref_slice %arg5[%min3A_418, %multiple_of3A_462, %dma_start3A] : memref<255x256x1024xf32, #tpu.memory_space<hbm>> -> memref<1x32x1024xf32, #tpu.memory_space<hbm>>
          %dma_start3A_464 = tpu.memref_squeeze %dma_start3A_463 : memref<1x32x1024xf32, #tpu.memory_space<hbm>> -> memref<32x1024xf32, #tpu.memory_space<hbm>>
          %dma_start3A_465 = arith.constant 0 : i32
          %dma_start3A_466 = tpu.memref_slice %arg5[%min3A_418, %multiple_of3A_462, %dma_start3A_465] : memref<255x256x1024xf32, #tpu.memory_space<hbm>> -> memref<1x32x1024xf32, #tpu.memory_space<hbm>>
          %dma_start3A_467 = tpu.memref_squeeze %dma_start3A_466 : memref<1x32x1024xf32, #tpu.memory_space<hbm>> -> memref<32x1024xf32, #tpu.memory_space<hbm>>
          tpu.enqueue_dma source(%arg6 : memref<32x1024xf32, #tpu.memory_space<vmem>>) target(%dma_start3A_467 : memref<32x1024xf32, #tpu.memory_space<hbm>>) target_semaphore(%arg10 : memref<!tpu.dma_semaphore, #tpu.memory_space<semaphore_mem>>)
        } else {
        }
        %add3A_429 = arith.constant 32 : i32
        %add3A_430 = arith.addi %mul3A_420, %add3A_429 : i32
        %sub3A_431 = arith.constant 1 : i32
        %sub3A_432 = arith.subi %add3A_430, %sub3A_431 : i32
        %ge3A_433 = arith.cmpi sge, %min3A_418, %sub3A_432 : i32
        %convert_element_type3A_434 = arith.extui %ge3A_433 : i1 to i32
        %cond3A_435 = arith.constant 0 : i32
        %cond3A_436 = arith.cmpi ne, %convert_element_type3A_434, %cond3A_435 : i32
        scf.if %cond3A_436 {
          %multiple_of3A_437 = tpu.assume_multiple %mul3A_420, 8 : i32
          %dma_start3A = arith.constant 0 : i32
          %dma_start3A_438 = tpu.memref_slice %arg5[%min3A_418, %multiple_of3A_437, %dma_start3A] : memref<255x256x1024xf32, #tpu.memory_space<hbm>> -> memref<1x32x1024xf32, #tpu.memory_space<hbm>>
          %dma_start3A_439 = tpu.memref_squeeze %dma_start3A_438 : memref<1x32x1024xf32, #tpu.memory_space<hbm>> -> memref<32x1024xf32, #tpu.memory_space<hbm>>
          %dma_start3A_440 = arith.constant 0 : i32
          %dma_start3A_441 = tpu.memref_slice %arg5[%min3A_418, %multiple_of3A_437, %dma_start3A_440] : memref<255x256x1024xf32, #tpu.memory_space<hbm>> -> memref<1x32x1024xf32, #tpu.memory_space<hbm>>
          %dma_start3A_442 = tpu.memref_squeeze %dma_start3A_441 : memref<1x32x1024xf32, #tpu.memory_space<hbm>> -> memref<32x1024xf32, #tpu.memory_space<hbm>>
          tpu.enqueue_dma source(%arg8 : memref<32x1024xf32, #tpu.memory_space<vmem>>) target(%dma_start3A_442 : memref<32x1024xf32, #tpu.memory_space<hbm>>) target_semaphore(%arg10 : memref<!tpu.dma_semaphore, #tpu.memory_space<semaphore_mem>>)
        } else {
        }
      } else {
      }
    }
    %jit3A = arith.constant 63 : i32
    %jit3A_12 = arith.constant 8 : i64
    %convert_element_type3A = arith.trunci %jit3A_12 : i64 to i32
    %div3A = arith.divsi %jit3A, %convert_element_type3A : i32
    %sign3A = arith.constant 0 : i32
    %sign3A_13 = arith.cmpi sgt, %jit3A, %sign3A : i32
    %sign3A_14 = arith.extui %sign3A_13 : i1 to i32
    %sign3A_15 = arith.constant 0 : i32
    %sign3A_16 = arith.cmpi slt, %jit3A, %sign3A_15 : i32
    %sign3A_17 = arith.extui %sign3A_16 : i1 to i32
    %sign3A_18 = arith.subi %sign3A_14, %sign3A_17 : i32
    %sign3A_19 = arith.constant 0 : i32
    %sign3A_20 = arith.cmpi sgt, %convert_element_type3A, %sign3A_19 : i32
    %sign3A_21 = arith.extui %sign3A_20 : i1 to i32
    %sign3A_22 = arith.constant 0 : i32
    %sign3A_23 = arith.cmpi slt, %convert_element_type3A, %sign3A_22 : i32
    %sign3A_24 = arith.extui %sign3A_23 : i1 to i32
    %sign3A_25 = arith.subi %sign3A_21, %sign3A_24 : i32
    %ne3A = arith.cmpi ne, %sign3A_18, %sign3A_25 : i32
    %rem3A = arith.remsi %jit3A, %convert_element_type3A : i32
    %ne3A_26 = arith.constant 0 : i32
    %ne3A_27 = arith.cmpi ne, %rem3A, %ne3A_26 : i32
    %and3A = arith.andi %ne3A, %ne3A_27 : i1
    %sub3A = arith.constant 1 : i32
    %sub3A_28 = arith.subi %div3A, %sub3A : i32
    %select_n3A = arith.select %and3A, %sub3A_28, %div3A : i32
    %mul3A_29 = arith.constant 8 : i32
    %mul3A_30 = arith.muli %select_n3A, %mul3A_29 : i32
    %sub3A_31 = arith.constant 63 : i32
    %sub3A_32 = arith.subi %sub3A_31, %mul3A_30 : i32
    %jit3A_33 = arith.constant 2 : i64
    %convert_element_type3A_34 = arith.trunci %jit3A_33 : i64 to i32
    %eq3A = arith.constant 0 : i32
    %eq3A_35 = arith.cmpi eq, %convert_element_type3A_34, %eq3A : i32
    %jit3A_36 = arith.constant 1 : i32
    %select_n3A_37 = arith.select %eq3A_35, %jit3A_36, %convert_element_type3A_34 : i32
    %rem3A_38 = arith.remsi %select_n3A, %select_n3A_37 : i32
    %ne3A_39 = arith.constant 0 : i32
    %ne3A_40 = arith.cmpi ne, %rem3A_38, %ne3A_39 : i32
    %lt3A = arith.constant 0 : i32
    %lt3A_41 = arith.cmpi slt, %rem3A_38, %lt3A : i32
    %lt3A_42 = arith.constant 0 : i32
    %lt3A_43 = arith.cmpi slt, %select_n3A_37, %lt3A_42 : i32
    %ne3A_44 = arith.xori %lt3A_41, %lt3A_43 : i1
    %and3A_45 = arith.andi %ne3A_44, %ne3A_40 : i1
    %add3A_46 = arith.addi %rem3A_38, %select_n3A_37 : i32
    %select_n3A_47 = arith.select %and3A_45, %add3A_46, %rem3A_38 : i32
    %eq3A_48 = arith.constant 0 : i32
    %eq3A_49 = arith.cmpi eq, %select_n3A_47, %eq3A_48 : i32
    %sub3A_50 = arith.constant 31 : i32
    %sub3A_51 = arith.subi %sub3A_50, %add3A : i32
    %select_n3A_52 = arith.select %eq3A_49, %add3A, %sub3A_51 : i32
    %mul3A_53 = arith.constant 32 : i32
    %mul3A_54 = arith.muli %mul3A_53, %select_n3A : i32
    %add3A_55 = arith.addi %select_n3A_52, %mul3A_54 : i32
    %min3A = arith.constant 254 : i32
    %min3A_56 = arith.minsi %add3A_55, %min3A : i32
    %mul3A_57 = arith.constant 32 : i32
    %mul3A_58 = arith.muli %sub3A_32, %mul3A_57 : i32
    %add3A_59 = arith.constant 32 : i32
    %add3A_60 = arith.addi %mul3A_58, %add3A_59 : i32
    %sub3A_61 = arith.constant 1 : i32
    %sub3A_62 = arith.subi %add3A_60, %sub3A_61 : i32
    %lt3A_63 = arith.cmpi slt, %min3A_56, %sub3A_62 : i32
    %convert_element_type3A_64 = arith.extui %lt3A_63 : i1 to i32
    %cond3A = arith.constant 0 : i32
    %cond3A_65 = arith.cmpi ne, %convert_element_type3A_64, %cond3A : i32
    scf.if %cond3A_65 {
      %dma_wait3A_203 = arith.constant 1 : i32
      %dma_wait3A_204 = arith.constant 0 : i32
      %dma_wait3A_205 = tpu.memref_slice %arg9[%dma_wait3A_203, %dma_wait3A_204] : memref<2x32xi32, #tpu.memory_space<vmem>> -> memref<1x32xi32, #tpu.memory_space<vmem>>
      %dma_wait3A_206 = tpu.memref_squeeze %dma_wait3A_205 : memref<1x32xi32, #tpu.memory_space<vmem>> -> memref<32xi32, #tpu.memory_space<vmem>>
      %dma_wait3A_207 = arith.constant 0 : i32
      %dma_wait3A_208 = arith.constant 0 : i32
      %dma_wait3A_209 = tpu.memref_slice %arg2[%dma_wait3A_207, %dma_wait3A_208] : memref<32640x1024xf32, #tpu.memory_space<hbm>> -> memref<32640x1024xf32, #tpu.memory_space<hbm>>
      tpu.wait_indirect_dma semaphore(%arg13 : memref<!tpu.dma_semaphore, #tpu.memory_space<semaphore_mem>>) src(%dma_wait3A_209 : memref<32640x1024xf32, #tpu.memory_space<hbm>>) dst(%arg7 : memref<32x1024xf32, #tpu.memory_space<vmem>>)
      %sub3A_210 = arith.subi %min3A_56, %mul3A_58 : i32
      %add3A_211 = arith.constant 1 : i32
      %add3A_212 = arith.addi %sub3A_210, %add3A_211 : i32
      %jit3A_213 = arith.constant 0 : i64
      %jit3A_214 = arith.constant 32 : i64
      %convert_element_type3A_215 = arith.trunci %jit3A_213 : i64 to i32
      %max3A = arith.maxsi %convert_element_type3A_215, %add3A_212 : i32
      %convert_element_type3A_216 = arith.trunci %jit3A_214 : i64 to i32
      %min3A_217 = arith.minsi %convert_element_type3A_216, %max3A : i32
      %while3A_218 = arith.constant 0 : i32
      %while3A_219 = arith.constant 0 : i32
      %while3A_220 = arith.subi %min3A_217, %while3A_219 : i32
      %while3A_221 = arith.addi %while3A_219, %while3A_220 : i32
      %while3A_222 = arith.constant 1 : i32
      %while3A_223 = arith.divsi %while3A_220, %while3A_222 : i32
      %while3A_224 = arith.muli %while3A_223, %while3A_222 : i32
      %while3A_225 = arith.addi %while3A_219, %while3A_224 : i32
      %while3A_226 = arith.constant 1 : i32
      scf.for %while3A_234 = %while3A_219 to %while3A_225 step %while3A_226  : i32 {
        %swap3A = arith.index_cast %while3A_234 : i32 to index
        %swap3A_235 = arith.constant 0 : index
        %swap3A_236 = tpu.vector_load %arg7[%swap3A, %swap3A_235] {strides = array<i32>} : memref<32x1024xf32, #tpu.memory_space<vmem>>, vector<1x16xf32>,
        %swap3A_237 = vector.shape_cast %swap3A_236 : vector<1x16xf32> to vector<16xf32>
        %swap3A_238 = vector.shape_cast %broadcast_in_dim3A_1 : vector<16xf32> to vector<1x16xf32>
        tpu.vector_store %arg7[%swap3A, %swap3A_235], %swap3A_238 {strides = array<i32>} : memref<32x1024xf32, #tpu.memory_space<vmem>>, vector<1x16xf32>,
        %swap3A_239 = arith.index_cast %while3A_234 : i32 to index
        %swap3A_240 = arith.constant 16 : index
        %swap3A_241 = tpu.vector_load %arg7[%swap3A_239, %swap3A_240] {strides = array<i32>} : memref<32x1024xf32, #tpu.memory_space<vmem>>, vector<1x16xf32>,
        %swap3A_242 = vector.shape_cast %swap3A_241 : vector<1x16xf32> to vector<16xf32>
        %swap3A_243 = vector.shape_cast %broadcast_in_dim3A_1 : vector<16xf32> to vector<1x16xf32>
        tpu.vector_store %arg7[%swap3A_239, %swap3A_240], %swap3A_243 {strides = array<i32>} : memref<32x1024xf32, #tpu.memory_space<vmem>>, vector<1x16xf32>,
        %swap3A_244 = arith.index_cast %while3A_234 : i32 to index
        %swap3A_245 = arith.constant 32 : index
        %swap3A_246 = tpu.vector_load %arg7[%swap3A_244, %swap3A_245] {strides = array<i32>} : memref<32x1024xf32, #tpu.memory_space<vmem>>, vector<1x16xf32>,
        %swap3A_247 = vector.shape_cast %swap3A_246 : vector<1x16xf32> to vector<16xf32>
        %swap3A_248 = vector.shape_cast %broadcast_in_dim3A_1 : vector<16xf32> to vector<1x16xf32>
        tpu.vector_store %arg7[%swap3A_244, %swap3A_245], %swap3A_248 {strides = array<i32>} : memref<32x1024xf32, #tpu.memory_space<vmem>>, vector<1x16xf32>,
        %swap3A_249 = arith.index_cast %while3A_234 : i32 to index
        %swap3A_250 = arith.constant 48 : index
        %swap3A_251 = tpu.vector_load %arg7[%swap3A_249, %swap3A_250] {strides = array<i32>} : memref<32x1024xf32, #tpu.memory_space<vmem>>, vector<1x16xf32>,
        %swap3A_252 = vector.shape_cast %swap3A_251 : vector<1x16xf32> to vector<16xf32>
        %swap3A_253 = vector.shape_cast %broadcast_in_dim3A_1 : vector<16xf32> to vector<1x16xf32>
        tpu.vector_store %arg7[%swap3A_249, %swap3A_250], %swap3A_253 {strides = array<i32>} : memref<32x1024xf32, #tpu.memory_space<vmem>>, vector<1x16xf32>,
        %swap3A_254 = arith.index_cast %while3A_234 : i32 to index
        %swap3A_255 = arith.constant 64 : index
        %swap3A_256 = tpu.vector_load %arg7[%swap3A_254, %swap3A_255] {strides = array<i32>} : memref<32x1024xf32, #tpu.memory_space<vmem>>, vector<1x16xf32>,
        %swap3A_257 = vector.shape_cast %swap3A_256 : vector<1x16xf32> to vector<16xf32>
        %swap3A_258 = vector.shape_cast %broadcast_in_dim3A_1 : vector<16xf32> to vector<1x16xf32>
        tpu.vector_store %arg7[%swap3A_254, %swap3A_255], %swap3A_258 {strides = array<i32>} : memref<32x1024xf32, #tpu.memory_space<vmem>>, vector<1x16xf32>,
        %swap3A_259 = arith.index_cast %while3A_234 : i32 to index
        %swap3A_260 = arith.constant 80 : index
        %swap3A_261 = tpu.vector_load %arg7[%swap3A_259, %swap3A_260] {strides = array<i32>} : memref<32x1024xf32, #tpu.memory_space<vmem>>, vector<1x16xf32>,
        %swap3A_262 = vector.shape_cast %swap3A_261 : vector<1x16xf32> to vector<16xf32>
        %swap3A_263 = vector.shape_cast %broadcast_in_dim3A_1 : vector<16xf32> to vector<1x16xf32>
        tpu.vector_store %arg7[%swap3A_259, %swap3A_260], %swap3A_263 {strides = array<i32>} : memref<32x1024xf32, #tpu.memory_space<vmem>>, vector<1x16xf32>,
        %swap3A_264 = arith.index_cast %while3A_234 : i32 to index
        %swap3A_265 = arith.constant 96 : index
        %swap3A_266 = tpu.vector_load %arg7[%swap3A_264, %swap3A_265] {strides = array<i32>} : memref<32x1024xf32, #tpu.memory_space<vmem>>, vector<1x16xf32>,
        %swap3A_267 = vector.shape_cast %swap3A_266 : vector<1x16xf32> to vector<16xf32>
        %swap3A_268 = vector.shape_cast %broadcast_in_dim3A_1 : vector<16xf32> to vector<1x16xf32>
        tpu.vector_store %arg7[%swap3A_264, %swap3A_265], %swap3A_268 {strides = array<i32>} : memref<32x1024xf32, #tpu.memory_space<vmem>>, vector<1x16xf32>,
        %swap3A_269 = arith.index_cast %while3A_234 : i32 to index
        %swap3A_270 = arith.constant 112 : index
        %swap3A_271 = tpu.vector_load %arg7[%swap3A_269, %swap3A_270] {strides = array<i32>} : memref<32x1024xf32, #tpu.memory_space<vmem>>, vector<1x16xf32>,
        %swap3A_272 = vector.shape_cast %swap3A_271 : vector<1x16xf32> to vector<16xf32>
        %swap3A_273 = vector.shape_cast %broadcast_in_dim3A_1 : vector<16xf32> to vector<1x16xf32>
        tpu.vector_store %arg7[%swap3A_269, %swap3A_270], %swap3A_273 {strides = array<i32>} : memref<32x1024xf32, #tpu.memory_space<vmem>>, vector<1x16xf32>,
        %swap3A_274 = arith.index_cast %while3A_234 : i32 to index
        %swap3A_275 = arith.constant 128 : index
        %swap3A_276 = tpu.vector_load %arg7[%swap3A_274, %swap3A_275] {strides = array<i32>} : memref<32x1024xf32, #tpu.memory_space<vmem>>, vector<1x16xf32>,
        %swap3A_277 = vector.shape_cast %swap3A_276 : vector<1x16xf32> to vector<16xf32>
        %swap3A_278 = vector.shape_cast %broadcast_in_dim3A_1 : vector<16xf32> to vector<1x16xf32>
        tpu.vector_store %arg7[%swap3A_274, %swap3A_275], %swap3A_278 {strides = array<i32>} : memref<32x1024xf32, #tpu.memory_space<vmem>>, vector<1x16xf32>,
        %swap3A_279 = arith.index_cast %while3A_234 : i32 to index
        %swap3A_280 = arith.constant 144 : index
        %swap3A_281 = tpu.vector_load %arg7[%swap3A_279, %swap3A_280] {strides = array<i32>} : memref<32x1024xf32, #tpu.memory_space<vmem>>, vector<1x16xf32>,
        %swap3A_282 = vector.shape_cast %swap3A_281 : vector<1x16xf32> to vector<16xf32>
        %swap3A_283 = vector.shape_cast %broadcast_in_dim3A_1 : vector<16xf32> to vector<1x16xf32>
        tpu.vector_store %arg7[%swap3A_279, %swap3A_280], %swap3A_283 {strides = array<i32>} : memref<32x1024xf32, #tpu.memory_space<vmem>>, vector<1x16xf32>,
        %swap3A_284 = arith.index_cast %while3A_234 : i32 to index
        %swap3A_285 = arith.constant 160 : index
        %swap3A_286 = tpu.vector_load %arg7[%swap3A_284, %swap3A_285] {strides = array<i32>} : memref<32x1024xf32, #tpu.memory_space<vmem>>, vector<1x16xf32>,
        %swap3A_287 = vector.shape_cast %swap3A_286 : vector<1x16xf32> to vector<16xf32>
        %swap3A_288 = vector.shape_cast %broadcast_in_dim3A_1 : vector<16xf32> to vector<1x16xf32>
        tpu.vector_store %arg7[%swap3A_284, %swap3A_285], %swap3A_288 {strides = array<i32>} : memref<32x1024xf32, #tpu.memory_space<vmem>>, vector<1x16xf32>,
        %swap3A_289 = arith.index_cast %while3A_234 : i32 to index
        %swap3A_290 = arith.constant 176 : index
        %swap3A_291 = tpu.vector_load %arg7[%swap3A_289, %swap3A_290] {strides = array<i32>} : memref<32x1024xf32, #tpu.memory_space<vmem>>, vector<1x16xf32>,
        %swap3A_292 = vector.shape_cast %swap3A_291 : vector<1x16xf32> to vector<16xf32>
        %swap3A_293 = vector.shape_cast %broadcast_in_dim3A_1 : vector<16xf32> to vector<1x16xf32>
        tpu.vector_store %arg7[%swap3A_289, %swap3A_290], %swap3A_293 {strides = array<i32>} : memref<32x1024xf32, #tpu.memory_space<vmem>>, vector<1x16xf32>,
        %swap3A_294 = arith.index_cast %while3A_234 : i32 to index
        %swap3A_295 = arith.constant 192 : index
        %swap3A_296 = tpu.vector_load %arg7[%swap3A_294, %swap3A_295] {strides = array<i32>} : memref<32x1024xf32, #tpu.memory_space<vmem>>, vector<1x16xf32>,
        %swap3A_297 = vector.shape_cast %swap3A_296 : vector<1x16xf32> to vector<16xf32>
        %swap3A_298 = vector.shape_cast %broadcast_in_dim3A_1 : vector<16xf32> to vector<1x16xf32>
        tpu.vector_store %arg7[%swap3A_294, %swap3A_295], %swap3A_298 {strides = array<i32>} : memref<32x1024xf32, #tpu.memory_space<vmem>>, vector<1x16xf32>,
        %swap3A_299 = arith.index_cast %while3A_234 : i32 to index
        %swap3A_300 = arith.constant 208 : index
        %swap3A_301 = tpu.vector_load %arg7[%swap3A_299, %swap3A_300] {strides = array<i32>} : memref<32x1024xf32, #tpu.memory_space<vmem>>, vector<1x16xf32>,
        %swap3A_302 = vector.shape_cast %swap3A_301 : vector<1x16xf32> to vector<16xf32>
        %swap3A_303 = vector.shape_cast %broadcast_in_dim3A_1 : vector<16xf32> to vector<1x16xf32>
        tpu.vector_store %arg7[%swap3A_299, %swap3A_300], %swap3A_303 {strides = array<i32>} : memref<32x1024xf32, #tpu.memory_space<vmem>>, vector<1x16xf32>,
        %swap3A_304 = arith.index_cast %while3A_234 : i32 to index
        %swap3A_305 = arith.constant 224 : index
        %swap3A_306 = tpu.vector_load %arg7[%swap3A_304, %swap3A_305] {strides = array<i32>} : memref<32x1024xf32, #tpu.memory_space<vmem>>, vector<1x16xf32>,
        %swap3A_307 = vector.shape_cast %swap3A_306 : vector<1x16xf32> to vector<16xf32>
        %swap3A_308 = vector.shape_cast %broadcast_in_dim3A_1 : vector<16xf32> to vector<1x16xf32>
        tpu.vector_store %arg7[%swap3A_304, %swap3A_305], %swap3A_308 {strides = array<i32>} : memref<32x1024xf32, #tpu.memory_space<vmem>>, vector<1x16xf32>,
        %swap3A_309 = arith.index_cast %while3A_234 : i32 to index
        %swap3A_310 = arith.constant 240 : index
        %swap3A_311 = tpu.vector_load %arg7[%swap3A_309, %swap3A_310] {strides = array<i32>} : memref<32x1024xf32, #tpu.memory_space<vmem>>, vector<1x16xf32>,
        %swap3A_312 = vector.shape_cast %swap3A_311 : vector<1x16xf32> to vector<16xf32>
        %swap3A_313 = vector.shape_cast %broadcast_in_dim3A_1 : vector<16xf32> to vector<1x16xf32>
        tpu.vector_store %arg7[%swap3A_309, %swap3A_310], %swap3A_313 {strides = array<i32>} : memref<32x1024xf32, #tpu.memory_space<vmem>>, vector<1x16xf32>,
        %swap3A_314 = arith.index_cast %while3A_234 : i32 to index
        %swap3A_315 = arith.constant 256 : index
        %swap3A_316 = tpu.vector_load %arg7[%swap3A_314, %swap3A_315] {strides = array<i32>} : memref<32x1024xf32, #tpu.memory_space<vmem>>, vector<1x16xf32>,
        %swap3A_317 = vector.shape_cast %swap3A_316 : vector<1x16xf32> to vector<16xf32>
        %swap3A_318 = vector.shape_cast %broadcast_in_dim3A_1 : vector<16xf32> to vector<1x16xf32>
        tpu.vector_store %arg7[%swap3A_314, %swap3A_315], %swap3A_318 {strides = array<i32>} : memref<32x1024xf32, #tpu.memory_space<vmem>>, vector<1x16xf32>,
        %swap3A_319 = arith.index_cast %while3A_234 : i32 to index
        %swap3A_320 = arith.constant 272 : index
        %swap3A_321 = tpu.vector_load %arg7[%swap3A_319, %swap3A_320] {strides = array<i32>} : memref<32x1024xf32, #tpu.memory_space<vmem>>, vector<1x16xf32>,
        %swap3A_322 = vector.shape_cast %swap3A_321 : vector<1x16xf32> to vector<16xf32>
        %swap3A_323 = vector.shape_cast %broadcast_in_dim3A_1 : vector<16xf32> to vector<1x16xf32>
        tpu.vector_store %arg7[%swap3A_319, %swap3A_320], %swap3A_323 {strides = array<i32>} : memref<32x1024xf32, #tpu.memory_space<vmem>>, vector<1x16xf32>,
        %swap3A_324 = arith.index_cast %while3A_234 : i32 to index
        %swap3A_325 = arith.constant 288 : index
        %swap3A_326 = tpu.vector_load %arg7[%swap3A_324, %swap3A_325] {strides = array<i32>} : memref<32x1024xf32, #tpu.memory_space<vmem>>, vector<1x16xf32>,
        %swap3A_327 = vector.shape_cast %swap3A_326 : vector<1x16xf32> to vector<16xf32>
        %swap3A_328 = vector.shape_cast %broadcast_in_dim3A_1 : vector<16xf32> to vector<1x16xf32>
        tpu.vector_store %arg7[%swap3A_324, %swap3A_325], %swap3A_328 {strides = array<i32>} : memref<32x1024xf32, #tpu.memory_space<vmem>>, vector<1x16xf32>,
        %swap3A_329 = arith.index_cast %while3A_234 : i32 to index
        %swap3A_330 = arith.constant 304 : index
        %swap3A_331 = tpu.vector_load %arg7[%swap3A_329, %swap3A_330] {strides = array<i32>} : memref<32x1024xf32, #tpu.memory_space<vmem>>, vector<1x16xf32>,
        %swap3A_332 = vector.shape_cast %swap3A_331 : vector<1x16xf32> to vector<16xf32>
        %swap3A_333 = vector.shape_cast %broadcast_in_dim3A_1 : vector<16xf32> to vector<1x16xf32>
        tpu.vector_store %arg7[%swap3A_329, %swap3A_330], %swap3A_333 {strides = array<i32>} : memref<32x1024xf32, #tpu.memory_space<vmem>>, vector<1x16xf32>,
        %swap3A_334 = arith.index_cast %while3A_234 : i32 to index
        %swap3A_335 = arith.constant 320 : index
        %swap3A_336 = tpu.vector_load %arg7[%swap3A_334, %swap3A_335] {strides = array<i32>} : memref<32x1024xf32, #tpu.memory_space<vmem>>, vector<1x16xf32>,
        %swap3A_337 = vector.shape_cast %swap3A_336 : vector<1x16xf32> to vector<16xf32>
        %swap3A_338 = vector.shape_cast %broadcast_in_dim3A_1 : vector<16xf32> to vector<1x16xf32>
        tpu.vector_store %arg7[%swap3A_334, %swap3A_335], %swap3A_338 {strides = array<i32>} : memref<32x1024xf32, #tpu.memory_space<vmem>>, vector<1x16xf32>,
        %swap3A_339 = arith.index_cast %while3A_234 : i32 to index
        %swap3A_340 = arith.constant 336 : index
        %swap3A_341 = tpu.vector_load %arg7[%swap3A_339, %swap3A_340] {strides = array<i32>} : memref<32x1024xf32, #tpu.memory_space<vmem>>, vector<1x16xf32>,
        %swap3A_342 = vector.shape_cast %swap3A_341 : vector<1x16xf32> to vector<16xf32>
        %swap3A_343 = vector.shape_cast %broadcast_in_dim3A_1 : vector<16xf32> to vector<1x16xf32>
        tpu.vector_store %arg7[%swap3A_339, %swap3A_340], %swap3A_343 {strides = array<i32>} : memref<32x1024xf32, #tpu.memory_space<vmem>>, vector<1x16xf32>,
        %swap3A_344 = arith.index_cast %while3A_234 : i32 to index
        %swap3A_345 = arith.constant 352 : index
        %swap3A_346 = tpu.vector_load %arg7[%swap3A_344, %swap3A_345] {strides = array<i32>} : memref<32x1024xf32, #tpu.memory_space<vmem>>, vector<1x16xf32>,
        %swap3A_347 = vector.shape_cast %swap3A_346 : vector<1x16xf32> to vector<16xf32>
        %swap3A_348 = vector.shape_cast %broadcast_in_dim3A_1 : vector<16xf32> to vector<1x16xf32>
        tpu.vector_store %arg7[%swap3A_344, %swap3A_345], %swap3A_348 {strides = array<i32>} : memref<32x1024xf32, #tpu.memory_space<vmem>>, vector<1x16xf32>,
        %swap3A_349 = arith.index_cast %while3A_234 : i32 to index
        %swap3A_350 = arith.constant 368 : index
        %swap3A_351 = tpu.vector_load %arg7[%swap3A_349, %swap3A_350] {strides = array<i32>} : memref<32x1024xf32, #tpu.memory_space<vmem>>, vector<1x16xf32>,
        %swap3A_352 = vector.shape_cast %swap3A_351 : vector<1x16xf32> to vector<16xf32>
        %swap3A_353 = vector.shape_cast %broadcast_in_dim3A_1 : vector<16xf32> to vector<1x16xf32>
        tpu.vector_store %arg7[%swap3A_349, %swap3A_350], %swap3A_353 {strides = array<i32>} : memref<32x1024xf32, #tpu.memory_space<vmem>>, vector<1x16xf32>,
        %swap3A_354 = arith.index_cast %while3A_234 : i32 to index
        %swap3A_355 = arith.constant 384 : index
        %swap3A_356 = tpu.vector_load %arg7[%swap3A_354, %swap3A_355] {strides = array<i32>} : memref<32x1024xf32, #tpu.memory_space<vmem>>, vector<1x16xf32>,
        %swap3A_357 = vector.shape_cast %swap3A_356 : vector<1x16xf32> to vector<16xf32>
        %swap3A_358 = vector.shape_cast %broadcast_in_dim3A_1 : vector<16xf32> to vector<1x16xf32>
        tpu.vector_store %arg7[%swap3A_354, %swap3A_355], %swap3A_358 {strides = array<i32>} : memref<32x1024xf32, #tpu.memory_space<vmem>>, vector<1x16xf32>,
        %swap3A_359 = arith.index_cast %while3A_234 : i32 to index
        %swap3A_360 = arith.constant 400 : index
        %swap3A_361 = tpu.vector_load %arg7[%swap3A_359, %swap3A_360] {strides = array<i32>} : memref<32x1024xf32, #tpu.memory_space<vmem>>, vector<1x16xf32>,
        %swap3A_362 = vector.shape_cast %swap3A_361 : vector<1x16xf32> to vector<16xf32>
        %swap3A_363 = vector.shape_cast %broadcast_in_dim3A_1 : vector<16xf32> to vector<1x16xf32>
        tpu.vector_store %arg7[%swap3A_359, %swap3A_360], %swap3A_363 {strides = array<i32>} : memref<32x1024xf32, #tpu.memory_space<vmem>>, vector<1x16xf32>,
        %swap3A_364 = arith.index_cast %while3A_234 : i32 to index
        %swap3A_365 = arith.constant 416 : index
        %swap3A_366 = tpu.vector_load %arg7[%swap3A_364, %swap3A_365] {strides = array<i32>} : memref<32x1024xf32, #tpu.memory_space<vmem>>, vector<1x16xf32>,
        %swap3A_367 = vector.shape_cast %swap3A_366 : vector<1x16xf32> to vector<16xf32>
        %swap3A_368 = vector.shape_cast %broadcast_in_dim3A_1 : vector<16xf32> to vector<1x16xf32>
        tpu.vector_store %arg7[%swap3A_364, %swap3A_365], %swap3A_368 {strides = array<i32>} : memref<32x1024xf32, #tpu.memory_space<vmem>>, vector<1x16xf32>,
        %swap3A_369 = arith.index_cast %while3A_234 : i32 to index
        %swap3A_370 = arith.constant 432 : index
        %swap3A_371 = tpu.vector_load %arg7[%swap3A_369, %swap3A_370] {strides = array<i32>} : memref<32x1024xf32, #tpu.memory_space<vmem>>, vector<1x16xf32>,
        %swap3A_372 = vector.shape_cast %swap3A_371 : vector<1x16xf32> to vector<16xf32>
        %swap3A_373 = vector.shape_cast %broadcast_in_dim3A_1 : vector<16xf32> to vector<1x16xf32>
        tpu.vector_store %arg7[%swap3A_369, %swap3A_370], %swap3A_373 {strides = array<i32>} : memref<32x1024xf32, #tpu.memory_space<vmem>>, vector<1x16xf32>,
        %swap3A_374 = arith.index_cast %while3A_234 : i32 to index
        %swap3A_375 = arith.constant 448 : index
        %swap3A_376 = tpu.vector_load %arg7[%swap3A_374, %swap3A_375] {strides = array<i32>} : memref<32x1024xf32, #tpu.memory_space<vmem>>, vector<1x16xf32>,
        %swap3A_377 = vector.shape_cast %swap3A_376 : vector<1x16xf32> to vector<16xf32>
        %swap3A_378 = vector.shape_cast %broadcast_in_dim3A_1 : vector<16xf32> to vector<1x16xf32>
        tpu.vector_store %arg7[%swap3A_374, %swap3A_375], %swap3A_378 {strides = array<i32>} : memref<32x1024xf32, #tpu.memory_space<vmem>>, vector<1x16xf32>,
        %swap3A_379 = arith.index_cast %while3A_234 : i32 to index
        %swap3A_380 = arith.constant 464 : index
        %swap3A_381 = tpu.vector_load %arg7[%swap3A_379, %swap3A_380] {strides = array<i32>} : memref<32x1024xf32, #tpu.memory_space<vmem>>, vector<1x16xf32>,
        %swap3A_382 = vector.shape_cast %swap3A_381 : vector<1x16xf32> to vector<16xf32>
        %swap3A_383 = vector.shape_cast %broadcast_in_dim3A_1 : vector<16xf32> to vector<1x16xf32>
        tpu.vector_store %arg7[%swap3A_379, %swap3A_380], %swap3A_383 {strides = array<i32>} : memref<32x1024xf32, #tpu.memory_space<vmem>>, vector<1x16xf32>,
        %swap3A_384 = arith.index_cast %while3A_234 : i32 to index
        %swap3A_385 = arith.constant 480 : index
        %swap3A_386 = tpu.vector_load %arg7[%swap3A_384, %swap3A_385] {strides = array<i32>} : memref<32x1024xf32, #tpu.memory_space<vmem>>, vector<1x16xf32>,
        %swap3A_387 = vector.shape_cast %swap3A_386 : vector<1x16xf32> to vector<16xf32>
        %swap3A_388 = vector.shape_cast %broadcast_in_dim3A_1 : vector<16xf32> to vector<1x16xf32>
        tpu.vector_store %arg7[%swap3A_384, %swap3A_385], %swap3A_388 {strides = array<i32>} : memref<32x1024xf32, #tpu.memory_space<vmem>>, vector<1x16xf32>,
        %swap3A_389 = arith.index_cast %while3A_234 : i32 to index
        %swap3A_390 = arith.constant 496 : index
        %swap3A_391 = tpu.vector_load %arg7[%swap3A_389, %swap3A_390] {strides = array<i32>} : memref<32x1024xf32, #tpu.memory_space<vmem>>, vector<1x16xf32>,
        %swap3A_392 = vector.shape_cast %swap3A_391 : vector<1x16xf32> to vector<16xf32>
        %swap3A_393 = vector.shape_cast %broadcast_in_dim3A_1 : vector<16xf32> to vector<1x16xf32>
        tpu.vector_store %arg7[%swap3A_389, %swap3A_390], %swap3A_393 {strides = array<i32>} : memref<32x1024xf32, #tpu.memory_space<vmem>>, vector<1x16xf32>,
        %swap3A_394 = arith.index_cast %while3A_234 : i32 to index
        %swap3A_395 = arith.constant 512 : index
        %swap3A_396 = tpu.vector_load %arg7[%swap3A_394, %swap3A_395] {strides = array<i32>} : memref<32x1024xf32, #tpu.memory_space<vmem>>, vector<1x16xf32>,
        %swap3A_397 = vector.shape_cast %swap3A_396 : vector<1x16xf32> to vector<16xf32>
        %swap3A_398 = vector.shape_cast %broadcast_in_dim3A_1 : vector<16xf32> to vector<1x16xf32>
        tpu.vector_store %arg7[%swap3A_394, %swap3A_395], %swap3A_398 {strides = array<i32>} : memref<32x1024xf32, #tpu.memory_space<vmem>>, vector<1x16xf32>,
        %swap3A_399 = arith.index_cast %while3A_234 : i32 to index
        %swap3A_400 = arith.constant 528 : index
        %swap3A_401 = tpu.vector_load %arg7[%swap3A_399, %swap3A_400] {strides = array<i32>} : memref<32x1024xf32, #tpu.memory_space<vmem>>, vector<1x16xf32>,
        %swap3A_402 = vector.shape_cast %swap3A_401 : vector<1x16xf32> to vector<16xf32>
        %swap3A_403 = vector.shape_cast %broadcast_in_dim3A_1 : vector<16xf32> to vector<1x16xf32>
        tpu.vector_store %arg7[%swap3A_399, %swap3A_400], %swap3A_403 {strides = array<i32>} : memref<32x1024xf32, #tpu.memory_space<vmem>>, vector<1x16xf32>,
        %swap3A_404 = arith.index_cast %while3A_234 : i32 to index
        %swap3A_405 = arith.constant 544 : index
        %swap3A_406 = tpu.vector_load %arg7[%swap3A_404, %swap3A_405] {strides = array<i32>} : memref<32x1024xf32, #tpu.memory_space<vmem>>, vector<1x16xf32>,
        %swap3A_407 = vector.shape_cast %swap3A_406 : vector<1x16xf32> to vector<16xf32>
        %swap3A_408 = vector.shape_cast %broadcast_in_dim3A_1 : vector<16xf32> to vector<1x16xf32>
        tpu.vector_store %arg7[%swap3A_404, %swap3A_405], %swap3A_408 {strides = array<i32>} : memref<32x1024xf32, #tpu.memory_space<vmem>>, vector<1x16xf32>,
        %swap3A_409 = arith.index_cast %while3A_234 : i32 to index
        %swap3A_410 = arith.constant 560 : index
        %swap3A_411 = tpu.vector_load %arg7[%swap3A_409, %swap3A_410] {strides = array<i32>} : memref<32x1024xf32, #tpu.memory_space<vmem>>, vector<1x16xf32>,
        %swap3A_412 = vector.shape_cast %swap3A_411 : vector<1x16xf32> to vector<16xf32>
        %swap3A_413 = vector.shape_cast %broadcast_in_dim3A_1 : vector<16xf32> to vector<1x16xf32>
        tpu.vector_store %arg7[%swap3A_409, %swap3A_410], %swap3A_413 {strides = array<i32>} : memref<32x1024xf32, #tpu.memory_space<vmem>>, vector<1x16xf32>,
        %swap3A_414 = arith.index_cast %while3A_234 : i32 to index
        %swap3A_415 = arith.constant 576 : index
        %swap3A_416 = tpu.vector_load %arg7[%swap3A_414, %swap3A_415] {strides = array<i32>} : memref<32x1024xf32, #tpu.memory_space<vmem>>, vector<1x16xf32>,
        %swap3A_417 = vector.shape_cast %swap3A_416 : vector<1x16xf32> to vector<16xf32>
        %swap3A_418 = vector.shape_cast %broadcast_in_dim3A_1 : vector<16xf32> to vector<1x16xf32>
        tpu.vector_store %arg7[%swap3A_414, %swap3A_415], %swap3A_418 {strides = array<i32>} : memref<32x1024xf32, #tpu.memory_space<vmem>>, vector<1x16xf32>,
        %swap3A_419 = arith.index_cast %while3A_234 : i32 to index
        %swap3A_420 = arith.constant 592 : index
        %swap3A_421 = tpu.vector_load %arg7[%swap3A_419, %swap3A_420] {strides = array<i32>} : memref<32x1024xf32, #tpu.memory_space<vmem>>, vector<1x16xf32>,
        %swap3A_422 = vector.shape_cast %swap3A_421 : vector<1x16xf32> to vector<16xf32>
        %swap3A_423 = vector.shape_cast %broadcast_in_dim3A_1 : vector<16xf32> to vector<1x16xf32>
        tpu.vector_store %arg7[%swap3A_419, %swap3A_420], %swap3A_423 {strides = array<i32>} : memref<32x1024xf32, #tpu.memory_space<vmem>>, vector<1x16xf32>,
        %swap3A_424 = arith.index_cast %while3A_234 : i32 to index
        %swap3A_425 = arith.constant 608 : index
        %swap3A_426 = tpu.vector_load %arg7[%swap3A_424, %swap3A_425] {strides = array<i32>} : memref<32x1024xf32, #tpu.memory_space<vmem>>, vector<1x16xf32>,
        %swap3A_427 = vector.shape_cast %swap3A_426 : vector<1x16xf32> to vector<16xf32>
        %swap3A_428 = vector.shape_cast %broadcast_in_dim3A_1 : vector<16xf32> to vector<1x16xf32>
        tpu.vector_store %arg7[%swap3A_424, %swap3A_425], %swap3A_428 {strides = array<i32>} : memref<32x1024xf32, #tpu.memory_space<vmem>>, vector<1x16xf32>,
        %swap3A_429 = arith.index_cast %while3A_234 : i32 to index
        %swap3A_430 = arith.constant 624 : index
        %swap3A_431 = tpu.vector_load %arg7[%swap3A_429, %swap3A_430] {strides = array<i32>} : memref<32x1024xf32, #tpu.memory_space<vmem>>, vector<1x16xf32>,
        %swap3A_432 = vector.shape_cast %swap3A_431 : vector<1x16xf32> to vector<16xf32>
        %swap3A_433 = vector.shape_cast %broadcast_in_dim3A_1 : vector<16xf32> to vector<1x16xf32>
        tpu.vector_store %arg7[%swap3A_429, %swap3A_430], %swap3A_433 {strides = array<i32>} : memref<32x1024xf32, #tpu.memory_space<vmem>>, vector<1x16xf32>,
        %swap3A_434 = arith.index_cast %while3A_234 : i32 to index
        %swap3A_435 = arith.constant 640 : index
        %swap3A_436 = tpu.vector_load %arg7[%swap3A_434, %swap3A_435] {strides = array<i32>} : memref<32x1024xf32, #tpu.memory_space<vmem>>, vector<1x16xf32>,
        %swap3A_437 = vector.shape_cast %swap3A_436 : vector<1x16xf32> to vector<16xf32>
        %swap3A_438 = vector.shape_cast %broadcast_in_dim3A_1 : vector<16xf32> to vector<1x16xf32>
        tpu.vector_store %arg7[%swap3A_434, %swap3A_435], %swap3A_438 {strides = array<i32>} : memref<32x1024xf32, #tpu.memory_space<vmem>>, vector<1x16xf32>,
        %swap3A_439 = arith.index_cast %while3A_234 : i32 to index
        %swap3A_440 = arith.constant 656 : index
        %swap3A_441 = tpu.vector_load %arg7[%swap3A_439, %swap3A_440] {strides = array<i32>} : memref<32x1024xf32, #tpu.memory_space<vmem>>, vector<1x16xf32>,
        %swap3A_442 = vector.shape_cast %swap3A_441 : vector<1x16xf32> to vector<16xf32>
        %swap3A_443 = vector.shape_cast %broadcast_in_dim3A_1 : vector<16xf32> to vector<1x16xf32>
        tpu.vector_store %arg7[%swap3A_439, %swap3A_440], %swap3A_443 {strides = array<i32>} : memref<32x1024xf32, #tpu.memory_space<vmem>>, vector<1x16xf32>,
        %swap3A_444 = arith.index_cast %while3A_234 : i32 to index
        %swap3A_445 = arith.constant 672 : index
        %swap3A_446 = tpu.vector_load %arg7[%swap3A_444, %swap3A_445] {strides = array<i32>} : memref<32x1024xf32, #tpu.memory_space<vmem>>, vector<1x16xf32>,
        %swap3A_447 = vector.shape_cast %swap3A_446 : vector<1x16xf32> to vector<16xf32>
        %swap3A_448 = vector.shape_cast %broadcast_in_dim3A_1 : vector<16xf32> to vector<1x16xf32>
        tpu.vector_store %arg7[%swap3A_444, %swap3A_445], %swap3A_448 {strides = array<i32>} : memref<32x1024xf32, #tpu.memory_space<vmem>>, vector<1x16xf32>,
        %swap3A_449 = arith.index_cast %while3A_234 : i32 to index
        %swap3A_450 = arith.constant 688 : index
        %swap3A_451 = tpu.vector_load %arg7[%swap3A_449, %swap3A_450] {strides = array<i32>} : memref<32x1024xf32, #tpu.memory_space<vmem>>, vector<1x16xf32>,
        %swap3A_452 = vector.shape_cast %swap3A_451 : vector<1x16xf32> to vector<16xf32>
        %swap3A_453 = vector.shape_cast %broadcast_in_dim3A_1 : vector<16xf32> to vector<1x16xf32>
        tpu.vector_store %arg7[%swap3A_449, %swap3A_450], %swap3A_453 {strides = array<i32>} : memref<32x1024xf32, #tpu.memory_space<vmem>>, vector<1x16xf32>,
        %swap3A_454 = arith.index_cast %while3A_234 : i32 to index
        %swap3A_455 = arith.constant 704 : index
        %swap3A_456 = tpu.vector_load %arg7[%swap3A_454, %swap3A_455] {strides = array<i32>} : memref<32x1024xf32, #tpu.memory_space<vmem>>, vector<1x16xf32>,
        %swap3A_457 = vector.shape_cast %swap3A_456 : vector<1x16xf32> to vector<16xf32>
        %swap3A_458 = vector.shape_cast %broadcast_in_dim3A_1 : vector<16xf32> to vector<1x16xf32>
        tpu.vector_store %arg7[%swap3A_454, %swap3A_455], %swap3A_458 {strides = array<i32>} : memref<32x1024xf32, #tpu.memory_space<vmem>>, vector<1x16xf32>,
        %swap3A_459 = arith.index_cast %while3A_234 : i32 to index
        %swap3A_460 = arith.constant 720 : index
        %swap3A_461 = tpu.vector_load %arg7[%swap3A_459, %swap3A_460] {strides = array<i32>} : memref<32x1024xf32, #tpu.memory_space<vmem>>, vector<1x16xf32>,
        %swap3A_462 = vector.shape_cast %swap3A_461 : vector<1x16xf32> to vector<16xf32>
        %swap3A_463 = vector.shape_cast %broadcast_in_dim3A_1 : vector<16xf32> to vector<1x16xf32>
        tpu.vector_store %arg7[%swap3A_459, %swap3A_460], %swap3A_463 {strides = array<i32>} : memref<32x1024xf32, #tpu.memory_space<vmem>>, vector<1x16xf32>,
        %swap3A_464 = arith.index_cast %while3A_234 : i32 to index
        %swap3A_465 = arith.constant 736 : index
        %swap3A_466 = tpu.vector_load %arg7[%swap3A_464, %swap3A_465] {strides = array<i32>} : memref<32x1024xf32, #tpu.memory_space<vmem>>, vector<1x16xf32>,
        %swap3A_467 = vector.shape_cast %swap3A_466 : vector<1x16xf32> to vector<16xf32>
        %swap3A_468 = vector.shape_cast %broadcast_in_dim3A_1 : vector<16xf32> to vector<1x16xf32>
        tpu.vector_store %arg7[%swap3A_464, %swap3A_465], %swap3A_468 {strides = array<i32>} : memref<32x1024xf32, #tpu.memory_space<vmem>>, vector<1x16xf32>,
        %swap3A_469 = arith.index_cast %while3A_234 : i32 to index
        %swap3A_470 = arith.constant 752 : index
        %swap3A_471 = tpu.vector_load %arg7[%swap3A_469, %swap3A_470] {strides = array<i32>} : memref<32x1024xf32, #tpu.memory_space<vmem>>, vector<1x16xf32>,
        %swap3A_472 = vector.shape_cast %swap3A_471 : vector<1x16xf32> to vector<16xf32>
        %swap3A_473 = vector.shape_cast %broadcast_in_dim3A_1 : vector<16xf32> to vector<1x16xf32>
        tpu.vector_store %arg7[%swap3A_469, %swap3A_470], %swap3A_473 {strides = array<i32>} : memref<32x1024xf32, #tpu.memory_space<vmem>>, vector<1x16xf32>,
        %swap3A_474 = arith.index_cast %while3A_234 : i32 to index
        %swap3A_475 = arith.constant 768 : index
        %swap3A_476 = tpu.vector_load %arg7[%swap3A_474, %swap3A_475] {strides = array<i32>} : memref<32x1024xf32, #tpu.memory_space<vmem>>, vector<1x16xf32>,
        %swap3A_477 = vector.shape_cast %swap3A_476 : vector<1x16xf32> to vector<16xf32>
        %swap3A_478 = vector.shape_cast %broadcast_in_dim3A_1 : vector<16xf32> to vector<1x16xf32>
        tpu.vector_store %arg7[%swap3A_474, %swap3A_475], %swap3A_478 {strides = array<i32>} : memref<32x1024xf32, #tpu.memory_space<vmem>>, vector<1x16xf32>,
        %swap3A_479 = arith.index_cast %while3A_234 : i32 to index
        %swap3A_480 = arith.constant 784 : index
        %swap3A_481 = tpu.vector_load %arg7[%swap3A_479, %swap3A_480] {strides = array<i32>} : memref<32x1024xf32, #tpu.memory_space<vmem>>, vector<1x16xf32>,
        %swap3A_482 = vector.shape_cast %swap3A_481 : vector<1x16xf32> to vector<16xf32>
        %swap3A_483 = vector.shape_cast %broadcast_in_dim3A_1 : vector<16xf32> to vector<1x16xf32>
        tpu.vector_store %arg7[%swap3A_479, %swap3A_480], %swap3A_483 {strides = array<i32>} : memref<32x1024xf32, #tpu.memory_space<vmem>>, vector<1x16xf32>,
        %swap3A_484 = arith.index_cast %while3A_234 : i32 to index
        %swap3A_485 = arith.constant 800 : index
        %swap3A_486 = tpu.vector_load %arg7[%swap3A_484, %swap3A_485] {strides = array<i32>} : memref<32x1024xf32, #tpu.memory_space<vmem>>, vector<1x16xf32>,
        %swap3A_487 = vector.shape_cast %swap3A_486 : vector<1x16xf32> to vector<16xf32>
        %swap3A_488 = vector.shape_cast %broadcast_in_dim3A_1 : vector<16xf32> to vector<1x16xf32>
        tpu.vector_store %arg7[%swap3A_484, %swap3A_485], %swap3A_488 {strides = array<i32>} : memref<32x1024xf32, #tpu.memory_space<vmem>>, vector<1x16xf32>,
        %swap3A_489 = arith.index_cast %while3A_234 : i32 to index
        %swap3A_490 = arith.constant 816 : index
        %swap3A_491 = tpu.vector_load %arg7[%swap3A_489, %swap3A_490] {strides = array<i32>} : memref<32x1024xf32, #tpu.memory_space<vmem>>, vector<1x16xf32>,
        %swap3A_492 = vector.shape_cast %swap3A_491 : vector<1x16xf32> to vector<16xf32>
        %swap3A_493 = vector.shape_cast %broadcast_in_dim3A_1 : vector<16xf32> to vector<1x16xf32>
        tpu.vector_store %arg7[%swap3A_489, %swap3A_490], %swap3A_493 {strides = array<i32>} : memref<32x1024xf32, #tpu.memory_space<vmem>>, vector<1x16xf32>,
        %swap3A_494 = arith.index_cast %while3A_234 : i32 to index
        %swap3A_495 = arith.constant 832 : index
        %swap3A_496 = tpu.vector_load %arg7[%swap3A_494, %swap3A_495] {strides = array<i32>} : memref<32x1024xf32, #tpu.memory_space<vmem>>, vector<1x16xf32>,
        %swap3A_497 = vector.shape_cast %swap3A_496 : vector<1x16xf32> to vector<16xf32>
        %swap3A_498 = vector.shape_cast %broadcast_in_dim3A_1 : vector<16xf32> to vector<1x16xf32>
        tpu.vector_store %arg7[%swap3A_494, %swap3A_495], %swap3A_498 {strides = array<i32>} : memref<32x1024xf32, #tpu.memory_space<vmem>>, vector<1x16xf32>,
        %swap3A_499 = arith.index_cast %while3A_234 : i32 to index
        %swap3A_500 = arith.constant 848 : index
        %swap3A_501 = tpu.vector_load %arg7[%swap3A_499, %swap3A_500] {strides = array<i32>} : memref<32x1024xf32, #tpu.memory_space<vmem>>, vector<1x16xf32>,
        %swap3A_502 = vector.shape_cast %swap3A_501 : vector<1x16xf32> to vector<16xf32>
        %swap3A_503 = vector.shape_cast %broadcast_in_dim3A_1 : vector<16xf32> to vector<1x16xf32>
        tpu.vector_store %arg7[%swap3A_499, %swap3A_500], %swap3A_503 {strides = array<i32>} : memref<32x1024xf32, #tpu.memory_space<vmem>>, vector<1x16xf32>,
        %swap3A_504 = arith.index_cast %while3A_234 : i32 to index
        %swap3A_505 = arith.constant 864 : index
        %swap3A_506 = tpu.vector_load %arg7[%swap3A_504, %swap3A_505] {strides = array<i32>} : memref<32x1024xf32, #tpu.memory_space<vmem>>, vector<1x16xf32>,
        %swap3A_507 = vector.shape_cast %swap3A_506 : vector<1x16xf32> to vector<16xf32>
        %swap3A_508 = vector.shape_cast %broadcast_in_dim3A_1 : vector<16xf32> to vector<1x16xf32>
        tpu.vector_store %arg7[%swap3A_504, %swap3A_505], %swap3A_508 {strides = array<i32>} : memref<32x1024xf32, #tpu.memory_space<vmem>>, vector<1x16xf32>,
        %swap3A_509 = arith.index_cast %while3A_234 : i32 to index
        %swap3A_510 = arith.constant 880 : index
        %swap3A_511 = tpu.vector_load %arg7[%swap3A_509, %swap3A_510] {strides = array<i32>} : memref<32x1024xf32, #tpu.memory_space<vmem>>, vector<1x16xf32>,
        %swap3A_512 = vector.shape_cast %swap3A_511 : vector<1x16xf32> to vector<16xf32>
        %swap3A_513 = vector.shape_cast %broadcast_in_dim3A_1 : vector<16xf32> to vector<1x16xf32>
        tpu.vector_store %arg7[%swap3A_509, %swap3A_510], %swap3A_513 {strides = array<i32>} : memref<32x1024xf32, #tpu.memory_space<vmem>>, vector<1x16xf32>,
        %swap3A_514 = arith.index_cast %while3A_234 : i32 to index
        %swap3A_515 = arith.constant 896 : index
        %swap3A_516 = tpu.vector_load %arg7[%swap3A_514, %swap3A_515] {strides = array<i32>} : memref<32x1024xf32, #tpu.memory_space<vmem>>, vector<1x16xf32>,
        %swap3A_517 = vector.shape_cast %swap3A_516 : vector<1x16xf32> to vector<16xf32>
        %swap3A_518 = vector.shape_cast %broadcast_in_dim3A_1 : vector<16xf32> to vector<1x16xf32>
        tpu.vector_store %arg7[%swap3A_514, %swap3A_515], %swap3A_518 {strides = array<i32>} : memref<32x1024xf32, #tpu.memory_space<vmem>>, vector<1x16xf32>,
        %swap3A_519 = arith.index_cast %while3A_234 : i32 to index
        %swap3A_520 = arith.constant 912 : index
        %swap3A_521 = tpu.vector_load %arg7[%swap3A_519, %swap3A_520] {strides = array<i32>} : memref<32x1024xf32, #tpu.memory_space<vmem>>, vector<1x16xf32>,
        %swap3A_522 = vector.shape_cast %swap3A_521 : vector<1x16xf32> to vector<16xf32>
        %swap3A_523 = vector.shape_cast %broadcast_in_dim3A_1 : vector<16xf32> to vector<1x16xf32>
        tpu.vector_store %arg7[%swap3A_519, %swap3A_520], %swap3A_523 {strides = array<i32>} : memref<32x1024xf32, #tpu.memory_space<vmem>>, vector<1x16xf32>,
        %swap3A_524 = arith.index_cast %while3A_234 : i32 to index
        %swap3A_525 = arith.constant 928 : index
        %swap3A_526 = tpu.vector_load %arg7[%swap3A_524, %swap3A_525] {strides = array<i32>} : memref<32x1024xf32, #tpu.memory_space<vmem>>, vector<1x16xf32>,
        %swap3A_527 = vector.shape_cast %swap3A_526 : vector<1x16xf32> to vector<16xf32>
        %swap3A_528 = vector.shape_cast %broadcast_in_dim3A_1 : vector<16xf32> to vector<1x16xf32>
        tpu.vector_store %arg7[%swap3A_524, %swap3A_525], %swap3A_528 {strides = array<i32>} : memref<32x1024xf32, #tpu.memory_space<vmem>>, vector<1x16xf32>,
        %swap3A_529 = arith.index_cast %while3A_234 : i32 to index
        %swap3A_530 = arith.constant 944 : index
        %swap3A_531 = tpu.vector_load %arg7[%swap3A_529, %swap3A_530] {strides = array<i32>} : memref<32x1024xf32, #tpu.memory_space<vmem>>, vector<1x16xf32>,
        %swap3A_532 = vector.shape_cast %swap3A_531 : vector<1x16xf32> to vector<16xf32>
        %swap3A_533 = vector.shape_cast %broadcast_in_dim3A_1 : vector<16xf32> to vector<1x16xf32>
        tpu.vector_store %arg7[%swap3A_529, %swap3A_530], %swap3A_533 {strides = array<i32>} : memref<32x1024xf32, #tpu.memory_space<vmem>>, vector<1x16xf32>,
        %swap3A_534 = arith.index_cast %while3A_234 : i32 to index
        %swap3A_535 = arith.constant 960 : index
        %swap3A_536 = tpu.vector_load %arg7[%swap3A_534, %swap3A_535] {strides = array<i32>} : memref<32x1024xf32, #tpu.memory_space<vmem>>, vector<1x16xf32>,
        %swap3A_537 = vector.shape_cast %swap3A_536 : vector<1x16xf32> to vector<16xf32>
        %swap3A_538 = vector.shape_cast %broadcast_in_dim3A_1 : vector<16xf32> to vector<1x16xf32>
        tpu.vector_store %arg7[%swap3A_534, %swap3A_535], %swap3A_538 {strides = array<i32>} : memref<32x1024xf32, #tpu.memory_space<vmem>>, vector<1x16xf32>,
        %swap3A_539 = arith.index_cast %while3A_234 : i32 to index
        %swap3A_540 = arith.constant 976 : index
        %swap3A_541 = tpu.vector_load %arg7[%swap3A_539, %swap3A_540] {strides = array<i32>} : memref<32x1024xf32, #tpu.memory_space<vmem>>, vector<1x16xf32>,
        %swap3A_542 = vector.shape_cast %swap3A_541 : vector<1x16xf32> to vector<16xf32>
        %swap3A_543 = vector.shape_cast %broadcast_in_dim3A_1 : vector<16xf32> to vector<1x16xf32>
        tpu.vector_store %arg7[%swap3A_539, %swap3A_540], %swap3A_543 {strides = array<i32>} : memref<32x1024xf32, #tpu.memory_space<vmem>>, vector<1x16xf32>,
        %swap3A_544 = arith.index_cast %while3A_234 : i32 to index
        %swap3A_545 = arith.constant 992 : index
        %swap3A_546 = tpu.vector_load %arg7[%swap3A_544, %swap3A_545] {strides = array<i32>} : memref<32x1024xf32, #tpu.memory_space<vmem>>, vector<1x16xf32>,
        %swap3A_547 = vector.shape_cast %swap3A_546 : vector<1x16xf32> to vector<16xf32>
        %swap3A_548 = vector.shape_cast %broadcast_in_dim3A_1 : vector<16xf32> to vector<1x16xf32>
        tpu.vector_store %arg7[%swap3A_544, %swap3A_545], %swap3A_548 {strides = array<i32>} : memref<32x1024xf32, #tpu.memory_space<vmem>>, vector<1x16xf32>,
        %swap3A_549 = arith.index_cast %while3A_234 : i32 to index
        %swap3A_550 = arith.constant 1008 : index
        %swap3A_551 = tpu.vector_load %arg7[%swap3A_549, %swap3A_550] {strides = array<i32>} : memref<32x1024xf32, #tpu.memory_space<vmem>>, vector<1x16xf32>,
        %swap3A_552 = vector.shape_cast %swap3A_551 : vector<1x16xf32> to vector<16xf32>
        %swap3A_553 = vector.shape_cast %broadcast_in_dim3A_1 : vector<16xf32> to vector<1x16xf32>
        tpu.vector_store %arg7[%swap3A_549, %swap3A_550], %swap3A_553 {strides = array<i32>} : memref<32x1024xf32, #tpu.memory_space<vmem>>, vector<1x16xf32>,
      }
      %while3A_227 = arith.constant 1 : i32
      scf.for %while3A_234 = %while3A_225 to %while3A_221 step %while3A_227  : i32 {
        %swap3A = arith.index_cast %while3A_234 : i32 to index
        %swap3A_235 = arith.constant 0 : index
        %swap3A_236 = tpu.vector_load %arg7[%swap3A, %swap3A_235] {strides = array<i32>} : memref<32x1024xf32, #tpu.memory_space<vmem>>, vector<1x16xf32>,
        %swap3A_237 = vector.shape_cast %swap3A_236 : vector<1x16xf32> to vector<16xf32>
        %swap3A_238 = vector.shape_cast %broadcast_in_dim3A_1 : vector<16xf32> to vector<1x16xf32>
        tpu.vector_store %arg7[%swap3A, %swap3A_235], %swap3A_238 {strides = array<i32>} : memref<32x1024xf32, #tpu.memory_space<vmem>>, vector<1x16xf32>,
        %swap3A_239 = arith.index_cast %while3A_234 : i32 to index
        %swap3A_240 = arith.constant 16 : index
        %swap3A_241 = tpu.vector_load %arg7[%swap3A_239, %swap3A_240] {strides = array<i32>} : memref<32x1024xf32, #tpu.memory_space<vmem>>, vector<1x16xf32>,
        %swap3A_242 = vector.shape_cast %swap3A_241 : vector<1x16xf32> to vector<16xf32>
        %swap3A_243 = vector.shape_cast %broadcast_in_dim3A_1 : vector<16xf32> to vector<1x16xf32>
        tpu.vector_store %arg7[%swap3A_239, %swap3A_240], %swap3A_243 {strides = array<i32>} : memref<32x1024xf32, #tpu.memory_space<vmem>>, vector<1x16xf32>,
        %swap3A_244 = arith.index_cast %while3A_234 : i32 to index
        %swap3A_245 = arith.constant 32 : index
        %swap3A_246 = tpu.vector_load %arg7[%swap3A_244, %swap3A_245] {strides = array<i32>} : memref<32x1024xf32, #tpu.memory_space<vmem>>, vector<1x16xf32>,
        %swap3A_247 = vector.shape_cast %swap3A_246 : vector<1x16xf32> to vector<16xf32>
        %swap3A_248 = vector.shape_cast %broadcast_in_dim3A_1 : vector<16xf32> to vector<1x16xf32>
        tpu.vector_store %arg7[%swap3A_244, %swap3A_245], %swap3A_248 {strides = array<i32>} : memref<32x1024xf32, #tpu.memory_space<vmem>>, vector<1x16xf32>,
        %swap3A_249 = arith.index_cast %while3A_234 : i32 to index
        %swap3A_250 = arith.constant 48 : index
        %swap3A_251 = tpu.vector_load %arg7[%swap3A_249, %swap3A_250] {strides = array<i32>} : memref<32x1024xf32, #tpu.memory_space<vmem>>, vector<1x16xf32>,
        %swap3A_252 = vector.shape_cast %swap3A_251 : vector<1x16xf32> to vector<16xf32>
        %swap3A_253 = vector.shape_cast %broadcast_in_dim3A_1 : vector<16xf32> to vector<1x16xf32>
        tpu.vector_store %arg7[%swap3A_249, %swap3A_250], %swap3A_253 {strides = array<i32>} : memref<32x1024xf32, #tpu.memory_space<vmem>>, vector<1x16xf32>,
        %swap3A_254 = arith.index_cast %while3A_234 : i32 to index
        %swap3A_255 = arith.constant 64 : index
        %swap3A_256 = tpu.vector_load %arg7[%swap3A_254, %swap3A_255] {strides = array<i32>} : memref<32x1024xf32, #tpu.memory_space<vmem>>, vector<1x16xf32>,
        %swap3A_257 = vector.shape_cast %swap3A_256 : vector<1x16xf32> to vector<16xf32>
        %swap3A_258 = vector.shape_cast %broadcast_in_dim3A_1 : vector<16xf32> to vector<1x16xf32>
        tpu.vector_store %arg7[%swap3A_254, %swap3A_255], %swap3A_258 {strides = array<i32>} : memref<32x1024xf32, #tpu.memory_space<vmem>>, vector<1x16xf32>,
        %swap3A_259 = arith.index_cast %while3A_234 : i32 to index
        %swap3A_260 = arith.constant 80 : index
        %swap3A_261 = tpu.vector_load %arg7[%swap3A_259, %swap3A_260] {strides = array<i32>} : memref<32x1024xf32, #tpu.memory_space<vmem>>, vector<1x16xf32>,
        %swap3A_262 = vector.shape_cast %swap3A_261 : vector<1x16xf32> to vector<16xf32>
        %swap3A_263 = vector.shape_cast %broadcast_in_dim3A_1 : vector<16xf32> to vector<1x16xf32>
        tpu.vector_store %arg7[%swap3A_259, %swap3A_260], %swap3A_263 {strides = array<i32>} : memref<32x1024xf32, #tpu.memory_space<vmem>>, vector<1x16xf32>,
        %swap3A_264 = arith.index_cast %while3A_234 : i32 to index
        %swap3A_265 = arith.constant 96 : index
        %swap3A_266 = tpu.vector_load %arg7[%swap3A_264, %swap3A_265] {strides = array<i32>} : memref<32x1024xf32, #tpu.memory_space<vmem>>, vector<1x16xf32>,
        %swap3A_267 = vector.shape_cast %swap3A_266 : vector<1x16xf32> to vector<16xf32>
        %swap3A_268 = vector.shape_cast %broadcast_in_dim3A_1 : vector<16xf32> to vector<1x16xf32>
        tpu.vector_store %arg7[%swap3A_264, %swap3A_265], %swap3A_268 {strides = array<i32>} : memref<32x1024xf32, #tpu.memory_space<vmem>>, vector<1x16xf32>,
        %swap3A_269 = arith.index_cast %while3A_234 : i32 to index
        %swap3A_270 = arith.constant 112 : index
        %swap3A_271 = tpu.vector_load %arg7[%swap3A_269, %swap3A_270] {strides = array<i32>} : memref<32x1024xf32, #tpu.memory_space<vmem>>, vector<1x16xf32>,
        %swap3A_272 = vector.shape_cast %swap3A_271 : vector<1x16xf32> to vector<16xf32>
        %swap3A_273 = vector.shape_cast %broadcast_in_dim3A_1 : vector<16xf32> to vector<1x16xf32>
        tpu.vector_store %arg7[%swap3A_269, %swap3A_270], %swap3A_273 {strides = array<i32>} : memref<32x1024xf32, #tpu.memory_space<vmem>>, vector<1x16xf32>,
        %swap3A_274 = arith.index_cast %while3A_234 : i32 to index
        %swap3A_275 = arith.constant 128 : index
        %swap3A_276 = tpu.vector_load %arg7[%swap3A_274, %swap3A_275] {strides = array<i32>} : memref<32x1024xf32, #tpu.memory_space<vmem>>, vector<1x16xf32>,
        %swap3A_277 = vector.shape_cast %swap3A_276 : vector<1x16xf32> to vector<16xf32>
        %swap3A_278 = vector.shape_cast %broadcast_in_dim3A_1 : vector<16xf32> to vector<1x16xf32>
        tpu.vector_store %arg7[%swap3A_274, %swap3A_275], %swap3A_278 {strides = array<i32>} : memref<32x1024xf32, #tpu.memory_space<vmem>>, vector<1x16xf32>,
        %swap3A_279 = arith.index_cast %while3A_234 : i32 to index
        %swap3A_280 = arith.constant 144 : index
        %swap3A_281 = tpu.vector_load %arg7[%swap3A_279, %swap3A_280] {strides = array<i32>} : memref<32x1024xf32, #tpu.memory_space<vmem>>, vector<1x16xf32>,
        %swap3A_282 = vector.shape_cast %swap3A_281 : vector<1x16xf32> to vector<16xf32>
        %swap3A_283 = vector.shape_cast %broadcast_in_dim3A_1 : vector<16xf32> to vector<1x16xf32>
        tpu.vector_store %arg7[%swap3A_279, %swap3A_280], %swap3A_283 {strides = array<i32>} : memref<32x1024xf32, #tpu.memory_space<vmem>>, vector<1x16xf32>,
        %swap3A_284 = arith.index_cast %while3A_234 : i32 to index
        %swap3A_285 = arith.constant 160 : index
        %swap3A_286 = tpu.vector_load %arg7[%swap3A_284, %swap3A_285] {strides = array<i32>} : memref<32x1024xf32, #tpu.memory_space<vmem>>, vector<1x16xf32>,
        %swap3A_287 = vector.shape_cast %swap3A_286 : vector<1x16xf32> to vector<16xf32>
        %swap3A_288 = vector.shape_cast %broadcast_in_dim3A_1 : vector<16xf32> to vector<1x16xf32>
        tpu.vector_store %arg7[%swap3A_284, %swap3A_285], %swap3A_288 {strides = array<i32>} : memref<32x1024xf32, #tpu.memory_space<vmem>>, vector<1x16xf32>,
        %swap3A_289 = arith.index_cast %while3A_234 : i32 to index
        %swap3A_290 = arith.constant 176 : index
        %swap3A_291 = tpu.vector_load %arg7[%swap3A_289, %swap3A_290] {strides = array<i32>} : memref<32x1024xf32, #tpu.memory_space<vmem>>, vector<1x16xf32>,
        %swap3A_292 = vector.shape_cast %swap3A_291 : vector<1x16xf32> to vector<16xf32>
        %swap3A_293 = vector.shape_cast %broadcast_in_dim3A_1 : vector<16xf32> to vector<1x16xf32>
        tpu.vector_store %arg7[%swap3A_289, %swap3A_290], %swap3A_293 {strides = array<i32>} : memref<32x1024xf32, #tpu.memory_space<vmem>>, vector<1x16xf32>,
        %swap3A_294 = arith.index_cast %while3A_234 : i32 to index
        %swap3A_295 = arith.constant 192 : index
        %swap3A_296 = tpu.vector_load %arg7[%swap3A_294, %swap3A_295] {strides = array<i32>} : memref<32x1024xf32, #tpu.memory_space<vmem>>, vector<1x16xf32>,
        %swap3A_297 = vector.shape_cast %swap3A_296 : vector<1x16xf32> to vector<16xf32>
        %swap3A_298 = vector.shape_cast %broadcast_in_dim3A_1 : vector<16xf32> to vector<1x16xf32>
        tpu.vector_store %arg7[%swap3A_294, %swap3A_295], %swap3A_298 {strides = array<i32>} : memref<32x1024xf32, #tpu.memory_space<vmem>>, vector<1x16xf32>,
        %swap3A_299 = arith.index_cast %while3A_234 : i32 to index
        %swap3A_300 = arith.constant 208 : index
        %swap3A_301 = tpu.vector_load %arg7[%swap3A_299, %swap3A_300] {strides = array<i32>} : memref<32x1024xf32, #tpu.memory_space<vmem>>, vector<1x16xf32>,
        %swap3A_302 = vector.shape_cast %swap3A_301 : vector<1x16xf32> to vector<16xf32>
        %swap3A_303 = vector.shape_cast %broadcast_in_dim3A_1 : vector<16xf32> to vector<1x16xf32>
        tpu.vector_store %arg7[%swap3A_299, %swap3A_300], %swap3A_303 {strides = array<i32>} : memref<32x1024xf32, #tpu.memory_space<vmem>>, vector<1x16xf32>,
        %swap3A_304 = arith.index_cast %while3A_234 : i32 to index
        %swap3A_305 = arith.constant 224 : index
        %swap3A_306 = tpu.vector_load %arg7[%swap3A_304, %swap3A_305] {strides = array<i32>} : memref<32x1024xf32, #tpu.memory_space<vmem>>, vector<1x16xf32>,
        %swap3A_307 = vector.shape_cast %swap3A_306 : vector<1x16xf32> to vector<16xf32>
        %swap3A_308 = vector.shape_cast %broadcast_in_dim3A_1 : vector<16xf32> to vector<1x16xf32>
        tpu.vector_store %arg7[%swap3A_304, %swap3A_305], %swap3A_308 {strides = array<i32>} : memref<32x1024xf32, #tpu.memory_space<vmem>>, vector<1x16xf32>,
        %swap3A_309 = arith.index_cast %while3A_234 : i32 to index
        %swap3A_310 = arith.constant 240 : index
        %swap3A_311 = tpu.vector_load %arg7[%swap3A_309, %swap3A_310] {strides = array<i32>} : memref<32x1024xf32, #tpu.memory_space<vmem>>, vector<1x16xf32>,
        %swap3A_312 = vector.shape_cast %swap3A_311 : vector<1x16xf32> to vector<16xf32>
        %swap3A_313 = vector.shape_cast %broadcast_in_dim3A_1 : vector<16xf32> to vector<1x16xf32>
        tpu.vector_store %arg7[%swap3A_309, %swap3A_310], %swap3A_313 {strides = array<i32>} : memref<32x1024xf32, #tpu.memory_space<vmem>>, vector<1x16xf32>,
        %swap3A_314 = arith.index_cast %while3A_234 : i32 to index
        %swap3A_315 = arith.constant 256 : index
        %swap3A_316 = tpu.vector_load %arg7[%swap3A_314, %swap3A_315] {strides = array<i32>} : memref<32x1024xf32, #tpu.memory_space<vmem>>, vector<1x16xf32>,
        %swap3A_317 = vector.shape_cast %swap3A_316 : vector<1x16xf32> to vector<16xf32>
        %swap3A_318 = vector.shape_cast %broadcast_in_dim3A_1 : vector<16xf32> to vector<1x16xf32>
        tpu.vector_store %arg7[%swap3A_314, %swap3A_315], %swap3A_318 {strides = array<i32>} : memref<32x1024xf32, #tpu.memory_space<vmem>>, vector<1x16xf32>,
        %swap3A_319 = arith.index_cast %while3A_234 : i32 to index
        %swap3A_320 = arith.constant 272 : index
        %swap3A_321 = tpu.vector_load %arg7[%swap3A_319, %swap3A_320] {strides = array<i32>} : memref<32x1024xf32, #tpu.memory_space<vmem>>, vector<1x16xf32>,
        %swap3A_322 = vector.shape_cast %swap3A_321 : vector<1x16xf32> to vector<16xf32>
        %swap3A_323 = vector.shape_cast %broadcast_in_dim3A_1 : vector<16xf32> to vector<1x16xf32>
        tpu.vector_store %arg7[%swap3A_319, %swap3A_320], %swap3A_323 {strides = array<i32>} : memref<32x1024xf32, #tpu.memory_space<vmem>>, vector<1x16xf32>,
        %swap3A_324 = arith.index_cast %while3A_234 : i32 to index
        %swap3A_325 = arith.constant 288 : index
        %swap3A_326 = tpu.vector_load %arg7[%swap3A_324, %swap3A_325] {strides = array<i32>} : memref<32x1024xf32, #tpu.memory_space<vmem>>, vector<1x16xf32>,
        %swap3A_327 = vector.shape_cast %swap3A_326 : vector<1x16xf32> to vector<16xf32>
        %swap3A_328 = vector.shape_cast %broadcast_in_dim3A_1 : vector<16xf32> to vector<1x16xf32>
        tpu.vector_store %arg7[%swap3A_324, %swap3A_325], %swap3A_328 {strides = array<i32>} : memref<32x1024xf32, #tpu.memory_space<vmem>>, vector<1x16xf32>,
        %swap3A_329 = arith.index_cast %while3A_234 : i32 to index
        %swap3A_330 = arith.constant 304 : index
        %swap3A_331 = tpu.vector_load %arg7[%swap3A_329, %swap3A_330] {strides = array<i32>} : memref<32x1024xf32, #tpu.memory_space<vmem>>, vector<1x16xf32>,
        %swap3A_332 = vector.shape_cast %swap3A_331 : vector<1x16xf32> to vector<16xf32>
        %swap3A_333 = vector.shape_cast %broadcast_in_dim3A_1 : vector<16xf32> to vector<1x16xf32>
        tpu.vector_store %arg7[%swap3A_329, %swap3A_330], %swap3A_333 {strides = array<i32>} : memref<32x1024xf32, #tpu.memory_space<vmem>>, vector<1x16xf32>,
        %swap3A_334 = arith.index_cast %while3A_234 : i32 to index
        %swap3A_335 = arith.constant 320 : index
        %swap3A_336 = tpu.vector_load %arg7[%swap3A_334, %swap3A_335] {strides = array<i32>} : memref<32x1024xf32, #tpu.memory_space<vmem>>, vector<1x16xf32>,
        %swap3A_337 = vector.shape_cast %swap3A_336 : vector<1x16xf32> to vector<16xf32>
        %swap3A_338 = vector.shape_cast %broadcast_in_dim3A_1 : vector<16xf32> to vector<1x16xf32>
        tpu.vector_store %arg7[%swap3A_334, %swap3A_335], %swap3A_338 {strides = array<i32>} : memref<32x1024xf32, #tpu.memory_space<vmem>>, vector<1x16xf32>,
        %swap3A_339 = arith.index_cast %while3A_234 : i32 to index
        %swap3A_340 = arith.constant 336 : index
        %swap3A_341 = tpu.vector_load %arg7[%swap3A_339, %swap3A_340] {strides = array<i32>} : memref<32x1024xf32, #tpu.memory_space<vmem>>, vector<1x16xf32>,
        %swap3A_342 = vector.shape_cast %swap3A_341 : vector<1x16xf32> to vector<16xf32>
        %swap3A_343 = vector.shape_cast %broadcast_in_dim3A_1 : vector<16xf32> to vector<1x16xf32>
        tpu.vector_store %arg7[%swap3A_339, %swap3A_340], %swap3A_343 {strides = array<i32>} : memref<32x1024xf32, #tpu.memory_space<vmem>>, vector<1x16xf32>,
        %swap3A_344 = arith.index_cast %while3A_234 : i32 to index
        %swap3A_345 = arith.constant 352 : index
        %swap3A_346 = tpu.vector_load %arg7[%swap3A_344, %swap3A_345] {strides = array<i32>} : memref<32x1024xf32, #tpu.memory_space<vmem>>, vector<1x16xf32>,
        %swap3A_347 = vector.shape_cast %swap3A_346 : vector<1x16xf32> to vector<16xf32>
        %swap3A_348 = vector.shape_cast %broadcast_in_dim3A_1 : vector<16xf32> to vector<1x16xf32>
        tpu.vector_store %arg7[%swap3A_344, %swap3A_345], %swap3A_348 {strides = array<i32>} : memref<32x1024xf32, #tpu.memory_space<vmem>>, vector<1x16xf32>,
        %swap3A_349 = arith.index_cast %while3A_234 : i32 to index
        %swap3A_350 = arith.constant 368 : index
        %swap3A_351 = tpu.vector_load %arg7[%swap3A_349, %swap3A_350] {strides = array<i32>} : memref<32x1024xf32, #tpu.memory_space<vmem>>, vector<1x16xf32>,
        %swap3A_352 = vector.shape_cast %swap3A_351 : vector<1x16xf32> to vector<16xf32>
        %swap3A_353 = vector.shape_cast %broadcast_in_dim3A_1 : vector<16xf32> to vector<1x16xf32>
        tpu.vector_store %arg7[%swap3A_349, %swap3A_350], %swap3A_353 {strides = array<i32>} : memref<32x1024xf32, #tpu.memory_space<vmem>>, vector<1x16xf32>,
        %swap3A_354 = arith.index_cast %while3A_234 : i32 to index
        %swap3A_355 = arith.constant 384 : index
        %swap3A_356 = tpu.vector_load %arg7[%swap3A_354, %swap3A_355] {strides = array<i32>} : memref<32x1024xf32, #tpu.memory_space<vmem>>, vector<1x16xf32>,
        %swap3A_357 = vector.shape_cast %swap3A_356 : vector<1x16xf32> to vector<16xf32>
        %swap3A_358 = vector.shape_cast %broadcast_in_dim3A_1 : vector<16xf32> to vector<1x16xf32>
        tpu.vector_store %arg7[%swap3A_354, %swap3A_355], %swap3A_358 {strides = array<i32>} : memref<32x1024xf32, #tpu.memory_space<vmem>>, vector<1x16xf32>,
        %swap3A_359 = arith.index_cast %while3A_234 : i32 to index
        %swap3A_360 = arith.constant 400 : index
        %swap3A_361 = tpu.vector_load %arg7[%swap3A_359, %swap3A_360] {strides = array<i32>} : memref<32x1024xf32, #tpu.memory_space<vmem>>, vector<1x16xf32>,
        %swap3A_362 = vector.shape_cast %swap3A_361 : vector<1x16xf32> to vector<16xf32>
        %swap3A_363 = vector.shape_cast %broadcast_in_dim3A_1 : vector<16xf32> to vector<1x16xf32>
        tpu.vector_store %arg7[%swap3A_359, %swap3A_360], %swap3A_363 {strides = array<i32>} : memref<32x1024xf32, #tpu.memory_space<vmem>>, vector<1x16xf32>,
        %swap3A_364 = arith.index_cast %while3A_234 : i32 to index
        %swap3A_365 = arith.constant 416 : index
        %swap3A_366 = tpu.vector_load %arg7[%swap3A_364, %swap3A_365] {strides = array<i32>} : memref<32x1024xf32, #tpu.memory_space<vmem>>, vector<1x16xf32>,
        %swap3A_367 = vector.shape_cast %swap3A_366 : vector<1x16xf32> to vector<16xf32>
        %swap3A_368 = vector.shape_cast %broadcast_in_dim3A_1 : vector<16xf32> to vector<1x16xf32>
        tpu.vector_store %arg7[%swap3A_364, %swap3A_365], %swap3A_368 {strides = array<i32>} : memref<32x1024xf32, #tpu.memory_space<vmem>>, vector<1x16xf32>,
        %swap3A_369 = arith.index_cast %while3A_234 : i32 to index
        %swap3A_370 = arith.constant 432 : index
        %swap3A_371 = tpu.vector_load %arg7[%swap3A_369, %swap3A_370] {strides = array<i32>} : memref<32x1024xf32, #tpu.memory_space<vmem>>, vector<1x16xf32>,
        %swap3A_372 = vector.shape_cast %swap3A_371 : vector<1x16xf32> to vector<16xf32>
        %swap3A_373 = vector.shape_cast %broadcast_in_dim3A_1 : vector<16xf32> to vector<1x16xf32>
        tpu.vector_store %arg7[%swap3A_369, %swap3A_370], %swap3A_373 {strides = array<i32>} : memref<32x1024xf32, #tpu.memory_space<vmem>>, vector<1x16xf32>,
        %swap3A_374 = arith.index_cast %while3A_234 : i32 to index
        %swap3A_375 = arith.constant 448 : index
        %swap3A_376 = tpu.vector_load %arg7[%swap3A_374, %swap3A_375] {strides = array<i32>} : memref<32x1024xf32, #tpu.memory_space<vmem>>, vector<1x16xf32>,
        %swap3A_377 = vector.shape_cast %swap3A_376 : vector<1x16xf32> to vector<16xf32>
        %swap3A_378 = vector.shape_cast %broadcast_in_dim3A_1 : vector<16xf32> to vector<1x16xf32>
        tpu.vector_store %arg7[%swap3A_374, %swap3A_375], %swap3A_378 {strides = array<i32>} : memref<32x1024xf32, #tpu.memory_space<vmem>>, vector<1x16xf32>,
        %swap3A_379 = arith.index_cast %while3A_234 : i32 to index
        %swap3A_380 = arith.constant 464 : index
        %swap3A_381 = tpu.vector_load %arg7[%swap3A_379, %swap3A_380] {strides = array<i32>} : memref<32x1024xf32, #tpu.memory_space<vmem>>, vector<1x16xf32>,
        %swap3A_382 = vector.shape_cast %swap3A_381 : vector<1x16xf32> to vector<16xf32>
        %swap3A_383 = vector.shape_cast %broadcast_in_dim3A_1 : vector<16xf32> to vector<1x16xf32>
        tpu.vector_store %arg7[%swap3A_379, %swap3A_380], %swap3A_383 {strides = array<i32>} : memref<32x1024xf32, #tpu.memory_space<vmem>>, vector<1x16xf32>,
        %swap3A_384 = arith.index_cast %while3A_234 : i32 to index
        %swap3A_385 = arith.constant 480 : index
        %swap3A_386 = tpu.vector_load %arg7[%swap3A_384, %swap3A_385] {strides = array<i32>} : memref<32x1024xf32, #tpu.memory_space<vmem>>, vector<1x16xf32>,
        %swap3A_387 = vector.shape_cast %swap3A_386 : vector<1x16xf32> to vector<16xf32>
        %swap3A_388 = vector.shape_cast %broadcast_in_dim3A_1 : vector<16xf32> to vector<1x16xf32>
        tpu.vector_store %arg7[%swap3A_384, %swap3A_385], %swap3A_388 {strides = array<i32>} : memref<32x1024xf32, #tpu.memory_space<vmem>>, vector<1x16xf32>,
        %swap3A_389 = arith.index_cast %while3A_234 : i32 to index
        %swap3A_390 = arith.constant 496 : index
        %swap3A_391 = tpu.vector_load %arg7[%swap3A_389, %swap3A_390] {strides = array<i32>} : memref<32x1024xf32, #tpu.memory_space<vmem>>, vector<1x16xf32>,
        %swap3A_392 = vector.shape_cast %swap3A_391 : vector<1x16xf32> to vector<16xf32>
        %swap3A_393 = vector.shape_cast %broadcast_in_dim3A_1 : vector<16xf32> to vector<1x16xf32>
        tpu.vector_store %arg7[%swap3A_389, %swap3A_390], %swap3A_393 {strides = array<i32>} : memref<32x1024xf32, #tpu.memory_space<vmem>>, vector<1x16xf32>,
        %swap3A_394 = arith.index_cast %while3A_234 : i32 to index
        %swap3A_395 = arith.constant 512 : index
        %swap3A_396 = tpu.vector_load %arg7[%swap3A_394, %swap3A_395] {strides = array<i32>} : memref<32x1024xf32, #tpu.memory_space<vmem>>, vector<1x16xf32>,
        %swap3A_397 = vector.shape_cast %swap3A_396 : vector<1x16xf32> to vector<16xf32>
        %swap3A_398 = vector.shape_cast %broadcast_in_dim3A_1 : vector<16xf32> to vector<1x16xf32>
        tpu.vector_store %arg7[%swap3A_394, %swap3A_395], %swap3A_398 {strides = array<i32>} : memref<32x1024xf32, #tpu.memory_space<vmem>>, vector<1x16xf32>,
        %swap3A_399 = arith.index_cast %while3A_234 : i32 to index
        %swap3A_400 = arith.constant 528 : index
        %swap3A_401 = tpu.vector_load %arg7[%swap3A_399, %swap3A_400] {strides = array<i32>} : memref<32x1024xf32, #tpu.memory_space<vmem>>, vector<1x16xf32>,
        %swap3A_402 = vector.shape_cast %swap3A_401 : vector<1x16xf32> to vector<16xf32>
        %swap3A_403 = vector.shape_cast %broadcast_in_dim3A_1 : vector<16xf32> to vector<1x16xf32>
        tpu.vector_store %arg7[%swap3A_399, %swap3A_400], %swap3A_403 {strides = array<i32>} : memref<32x1024xf32, #tpu.memory_space<vmem>>, vector<1x16xf32>,
        %swap3A_404 = arith.index_cast %while3A_234 : i32 to index
        %swap3A_405 = arith.constant 544 : index
        %swap3A_406 = tpu.vector_load %arg7[%swap3A_404, %swap3A_405] {strides = array<i32>} : memref<32x1024xf32, #tpu.memory_space<vmem>>, vector<1x16xf32>,
        %swap3A_407 = vector.shape_cast %swap3A_406 : vector<1x16xf32> to vector<16xf32>
        %swap3A_408 = vector.shape_cast %broadcast_in_dim3A_1 : vector<16xf32> to vector<1x16xf32>
        tpu.vector_store %arg7[%swap3A_404, %swap3A_405], %swap3A_408 {strides = array<i32>} : memref<32x1024xf32, #tpu.memory_space<vmem>>, vector<1x16xf32>,
        %swap3A_409 = arith.index_cast %while3A_234 : i32 to index
        %swap3A_410 = arith.constant 560 : index
        %swap3A_411 = tpu.vector_load %arg7[%swap3A_409, %swap3A_410] {strides = array<i32>} : memref<32x1024xf32, #tpu.memory_space<vmem>>, vector<1x16xf32>,
        %swap3A_412 = vector.shape_cast %swap3A_411 : vector<1x16xf32> to vector<16xf32>
        %swap3A_413 = vector.shape_cast %broadcast_in_dim3A_1 : vector<16xf32> to vector<1x16xf32>
        tpu.vector_store %arg7[%swap3A_409, %swap3A_410], %swap3A_413 {strides = array<i32>} : memref<32x1024xf32, #tpu.memory_space<vmem>>, vector<1x16xf32>,
        %swap3A_414 = arith.index_cast %while3A_234 : i32 to index
        %swap3A_415 = arith.constant 576 : index
        %swap3A_416 = tpu.vector_load %arg7[%swap3A_414, %swap3A_415] {strides = array<i32>} : memref<32x1024xf32, #tpu.memory_space<vmem>>, vector<1x16xf32>,
        %swap3A_417 = vector.shape_cast %swap3A_416 : vector<1x16xf32> to vector<16xf32>
        %swap3A_418 = vector.shape_cast %broadcast_in_dim3A_1 : vector<16xf32> to vector<1x16xf32>
        tpu.vector_store %arg7[%swap3A_414, %swap3A_415], %swap3A_418 {strides = array<i32>} : memref<32x1024xf32, #tpu.memory_space<vmem>>, vector<1x16xf32>,
        %swap3A_419 = arith.index_cast %while3A_234 : i32 to index
        %swap3A_420 = arith.constant 592 : index
        %swap3A_421 = tpu.vector_load %arg7[%swap3A_419, %swap3A_420] {strides = array<i32>} : memref<32x1024xf32, #tpu.memory_space<vmem>>, vector<1x16xf32>,
        %swap3A_422 = vector.shape_cast %swap3A_421 : vector<1x16xf32> to vector<16xf32>
        %swap3A_423 = vector.shape_cast %broadcast_in_dim3A_1 : vector<16xf32> to vector<1x16xf32>
        tpu.vector_store %arg7[%swap3A_419, %swap3A_420], %swap3A_423 {strides = array<i32>} : memref<32x1024xf32, #tpu.memory_space<vmem>>, vector<1x16xf32>,
        %swap3A_424 = arith.index_cast %while3A_234 : i32 to index
        %swap3A_425 = arith.constant 608 : index
        %swap3A_426 = tpu.vector_load %arg7[%swap3A_424, %swap3A_425] {strides = array<i32>} : memref<32x1024xf32, #tpu.memory_space<vmem>>, vector<1x16xf32>,
        %swap3A_427 = vector.shape_cast %swap3A_426 : vector<1x16xf32> to vector<16xf32>
        %swap3A_428 = vector.shape_cast %broadcast_in_dim3A_1 : vector<16xf32> to vector<1x16xf32>
        tpu.vector_store %arg7[%swap3A_424, %swap3A_425], %swap3A_428 {strides = array<i32>} : memref<32x1024xf32, #tpu.memory_space<vmem>>, vector<1x16xf32>,
        %swap3A_429 = arith.index_cast %while3A_234 : i32 to index
        %swap3A_430 = arith.constant 624 : index
        %swap3A_431 = tpu.vector_load %arg7[%swap3A_429, %swap3A_430] {strides = array<i32>} : memref<32x1024xf32, #tpu.memory_space<vmem>>, vector<1x16xf32>,
        %swap3A_432 = vector.shape_cast %swap3A_431 : vector<1x16xf32> to vector<16xf32>
        %swap3A_433 = vector.shape_cast %broadcast_in_dim3A_1 : vector<16xf32> to vector<1x16xf32>
        tpu.vector_store %arg7[%swap3A_429, %swap3A_430], %swap3A_433 {strides = array<i32>} : memref<32x1024xf32, #tpu.memory_space<vmem>>, vector<1x16xf32>,
        %swap3A_434 = arith.index_cast %while3A_234 : i32 to index
        %swap3A_435 = arith.constant 640 : index
        %swap3A_436 = tpu.vector_load %arg7[%swap3A_434, %swap3A_435] {strides = array<i32>} : memref<32x1024xf32, #tpu.memory_space<vmem>>, vector<1x16xf32>,
        %swap3A_437 = vector.shape_cast %swap3A_436 : vector<1x16xf32> to vector<16xf32>
        %swap3A_438 = vector.shape_cast %broadcast_in_dim3A_1 : vector<16xf32> to vector<1x16xf32>
        tpu.vector_store %arg7[%swap3A_434, %swap3A_435], %swap3A_438 {strides = array<i32>} : memref<32x1024xf32, #tpu.memory_space<vmem>>, vector<1x16xf32>,
        %swap3A_439 = arith.index_cast %while3A_234 : i32 to index
        %swap3A_440 = arith.constant 656 : index
        %swap3A_441 = tpu.vector_load %arg7[%swap3A_439, %swap3A_440] {strides = array<i32>} : memref<32x1024xf32, #tpu.memory_space<vmem>>, vector<1x16xf32>,
        %swap3A_442 = vector.shape_cast %swap3A_441 : vector<1x16xf32> to vector<16xf32>
        %swap3A_443 = vector.shape_cast %broadcast_in_dim3A_1 : vector<16xf32> to vector<1x16xf32>
        tpu.vector_store %arg7[%swap3A_439, %swap3A_440], %swap3A_443 {strides = array<i32>} : memref<32x1024xf32, #tpu.memory_space<vmem>>, vector<1x16xf32>,
        %swap3A_444 = arith.index_cast %while3A_234 : i32 to index
        %swap3A_445 = arith.constant 672 : index
        %swap3A_446 = tpu.vector_load %arg7[%swap3A_444, %swap3A_445] {strides = array<i32>} : memref<32x1024xf32, #tpu.memory_space<vmem>>, vector<1x16xf32>,
        %swap3A_447 = vector.shape_cast %swap3A_446 : vector<1x16xf32> to vector<16xf32>
        %swap3A_448 = vector.shape_cast %broadcast_in_dim3A_1 : vector<16xf32> to vector<1x16xf32>
        tpu.vector_store %arg7[%swap3A_444, %swap3A_445], %swap3A_448 {strides = array<i32>} : memref<32x1024xf32, #tpu.memory_space<vmem>>, vector<1x16xf32>,
        %swap3A_449 = arith.index_cast %while3A_234 : i32 to index
        %swap3A_450 = arith.constant 688 : index
        %swap3A_451 = tpu.vector_load %arg7[%swap3A_449, %swap3A_450] {strides = array<i32>} : memref<32x1024xf32, #tpu.memory_space<vmem>>, vector<1x16xf32>,
        %swap3A_452 = vector.shape_cast %swap3A_451 : vector<1x16xf32> to vector<16xf32>
        %swap3A_453 = vector.shape_cast %broadcast_in_dim3A_1 : vector<16xf32> to vector<1x16xf32>
        tpu.vector_store %arg7[%swap3A_449, %swap3A_450], %swap3A_453 {strides = array<i32>} : memref<32x1024xf32, #tpu.memory_space<vmem>>, vector<1x16xf32>,
        %swap3A_454 = arith.index_cast %while3A_234 : i32 to index
        %swap3A_455 = arith.constant 704 : index
        %swap3A_456 = tpu.vector_load %arg7[%swap3A_454, %swap3A_455] {strides = array<i32>} : memref<32x1024xf32, #tpu.memory_space<vmem>>, vector<1x16xf32>,
        %swap3A_457 = vector.shape_cast %swap3A_456 : vector<1x16xf32> to vector<16xf32>
        %swap3A_458 = vector.shape_cast %broadcast_in_dim3A_1 : vector<16xf32> to vector<1x16xf32>
        tpu.vector_store %arg7[%swap3A_454, %swap3A_455], %swap3A_458 {strides = array<i32>} : memref<32x1024xf32, #tpu.memory_space<vmem>>, vector<1x16xf32>,
        %swap3A_459 = arith.index_cast %while3A_234 : i32 to index
        %swap3A_460 = arith.constant 720 : index
        %swap3A_461 = tpu.vector_load %arg7[%swap3A_459, %swap3A_460] {strides = array<i32>} : memref<32x1024xf32, #tpu.memory_space<vmem>>, vector<1x16xf32>,
        %swap3A_462 = vector.shape_cast %swap3A_461 : vector<1x16xf32> to vector<16xf32>
        %swap3A_463 = vector.shape_cast %broadcast_in_dim3A_1 : vector<16xf32> to vector<1x16xf32>
        tpu.vector_store %arg7[%swap3A_459, %swap3A_460], %swap3A_463 {strides = array<i32>} : memref<32x1024xf32, #tpu.memory_space<vmem>>, vector<1x16xf32>,
        %swap3A_464 = arith.index_cast %while3A_234 : i32 to index
        %swap3A_465 = arith.constant 736 : index
        %swap3A_466 = tpu.vector_load %arg7[%swap3A_464, %swap3A_465] {strides = array<i32>} : memref<32x1024xf32, #tpu.memory_space<vmem>>, vector<1x16xf32>,
        %swap3A_467 = vector.shape_cast %swap3A_466 : vector<1x16xf32> to vector<16xf32>
        %swap3A_468 = vector.shape_cast %broadcast_in_dim3A_1 : vector<16xf32> to vector<1x16xf32>
        tpu.vector_store %arg7[%swap3A_464, %swap3A_465], %swap3A_468 {strides = array<i32>} : memref<32x1024xf32, #tpu.memory_space<vmem>>, vector<1x16xf32>,
        %swap3A_469 = arith.index_cast %while3A_234 : i32 to index
        %swap3A_470 = arith.constant 752 : index
        %swap3A_471 = tpu.vector_load %arg7[%swap3A_469, %swap3A_470] {strides = array<i32>} : memref<32x1024xf32, #tpu.memory_space<vmem>>, vector<1x16xf32>,
        %swap3A_472 = vector.shape_cast %swap3A_471 : vector<1x16xf32> to vector<16xf32>
        %swap3A_473 = vector.shape_cast %broadcast_in_dim3A_1 : vector<16xf32> to vector<1x16xf32>
        tpu.vector_store %arg7[%swap3A_469, %swap3A_470], %swap3A_473 {strides = array<i32>} : memref<32x1024xf32, #tpu.memory_space<vmem>>, vector<1x16xf32>,
        %swap3A_474 = arith.index_cast %while3A_234 : i32 to index
        %swap3A_475 = arith.constant 768 : index
        %swap3A_476 = tpu.vector_load %arg7[%swap3A_474, %swap3A_475] {strides = array<i32>} : memref<32x1024xf32, #tpu.memory_space<vmem>>, vector<1x16xf32>,
        %swap3A_477 = vector.shape_cast %swap3A_476 : vector<1x16xf32> to vector<16xf32>
        %swap3A_478 = vector.shape_cast %broadcast_in_dim3A_1 : vector<16xf32> to vector<1x16xf32>
        tpu.vector_store %arg7[%swap3A_474, %swap3A_475], %swap3A_478 {strides = array<i32>} : memref<32x1024xf32, #tpu.memory_space<vmem>>, vector<1x16xf32>,
        %swap3A_479 = arith.index_cast %while3A_234 : i32 to index
        %swap3A_480 = arith.constant 784 : index
        %swap3A_481 = tpu.vector_load %arg7[%swap3A_479, %swap3A_480] {strides = array<i32>} : memref<32x1024xf32, #tpu.memory_space<vmem>>, vector<1x16xf32>,
        %swap3A_482 = vector.shape_cast %swap3A_481 : vector<1x16xf32> to vector<16xf32>
        %swap3A_483 = vector.shape_cast %broadcast_in_dim3A_1 : vector<16xf32> to vector<1x16xf32>
        tpu.vector_store %arg7[%swap3A_479, %swap3A_480], %swap3A_483 {strides = array<i32>} : memref<32x1024xf32, #tpu.memory_space<vmem>>, vector<1x16xf32>,
        %swap3A_484 = arith.index_cast %while3A_234 : i32 to index
        %swap3A_485 = arith.constant 800 : index
        %swap3A_486 = tpu.vector_load %arg7[%swap3A_484, %swap3A_485] {strides = array<i32>} : memref<32x1024xf32, #tpu.memory_space<vmem>>, vector<1x16xf32>,
        %swap3A_487 = vector.shape_cast %swap3A_486 : vector<1x16xf32> to vector<16xf32>
        %swap3A_488 = vector.shape_cast %broadcast_in_dim3A_1 : vector<16xf32> to vector<1x16xf32>
        tpu.vector_store %arg7[%swap3A_484, %swap3A_485], %swap3A_488 {strides = array<i32>} : memref<32x1024xf32, #tpu.memory_space<vmem>>, vector<1x16xf32>,
        %swap3A_489 = arith.index_cast %while3A_234 : i32 to index
        %swap3A_490 = arith.constant 816 : index
        %swap3A_491 = tpu.vector_load %arg7[%swap3A_489, %swap3A_490] {strides = array<i32>} : memref<32x1024xf32, #tpu.memory_space<vmem>>, vector<1x16xf32>,
        %swap3A_492 = vector.shape_cast %swap3A_491 : vector<1x16xf32> to vector<16xf32>
        %swap3A_493 = vector.shape_cast %broadcast_in_dim3A_1 : vector<16xf32> to vector<1x16xf32>
        tpu.vector_store %arg7[%swap3A_489, %swap3A_490], %swap3A_493 {strides = array<i32>} : memref<32x1024xf32, #tpu.memory_space<vmem>>, vector<1x16xf32>,
        %swap3A_494 = arith.index_cast %while3A_234 : i32 to index
        %swap3A_495 = arith.constant 832 : index
        %swap3A_496 = tpu.vector_load %arg7[%swap3A_494, %swap3A_495] {strides = array<i32>} : memref<32x1024xf32, #tpu.memory_space<vmem>>, vector<1x16xf32>,
        %swap3A_497 = vector.shape_cast %swap3A_496 : vector<1x16xf32> to vector<16xf32>
        %swap3A_498 = vector.shape_cast %broadcast_in_dim3A_1 : vector<16xf32> to vector<1x16xf32>
        tpu.vector_store %arg7[%swap3A_494, %swap3A_495], %swap3A_498 {strides = array<i32>} : memref<32x1024xf32, #tpu.memory_space<vmem>>, vector<1x16xf32>,
        %swap3A_499 = arith.index_cast %while3A_234 : i32 to index
        %swap3A_500 = arith.constant 848 : index
        %swap3A_501 = tpu.vector_load %arg7[%swap3A_499, %swap3A_500] {strides = array<i32>} : memref<32x1024xf32, #tpu.memory_space<vmem>>, vector<1x16xf32>,
        %swap3A_502 = vector.shape_cast %swap3A_501 : vector<1x16xf32> to vector<16xf32>
        %swap3A_503 = vector.shape_cast %broadcast_in_dim3A_1 : vector<16xf32> to vector<1x16xf32>
        tpu.vector_store %arg7[%swap3A_499, %swap3A_500], %swap3A_503 {strides = array<i32>} : memref<32x1024xf32, #tpu.memory_space<vmem>>, vector<1x16xf32>,
        %swap3A_504 = arith.index_cast %while3A_234 : i32 to index
        %swap3A_505 = arith.constant 864 : index
        %swap3A_506 = tpu.vector_load %arg7[%swap3A_504, %swap3A_505] {strides = array<i32>} : memref<32x1024xf32, #tpu.memory_space<vmem>>, vector<1x16xf32>,
        %swap3A_507 = vector.shape_cast %swap3A_506 : vector<1x16xf32> to vector<16xf32>
        %swap3A_508 = vector.shape_cast %broadcast_in_dim3A_1 : vector<16xf32> to vector<1x16xf32>
        tpu.vector_store %arg7[%swap3A_504, %swap3A_505], %swap3A_508 {strides = array<i32>} : memref<32x1024xf32, #tpu.memory_space<vmem>>, vector<1x16xf32>,
        %swap3A_509 = arith.index_cast %while3A_234 : i32 to index
        %swap3A_510 = arith.constant 880 : index
        %swap3A_511 = tpu.vector_load %arg7[%swap3A_509, %swap3A_510] {strides = array<i32>} : memref<32x1024xf32, #tpu.memory_space<vmem>>, vector<1x16xf32>,
        %swap3A_512 = vector.shape_cast %swap3A_511 : vector<1x16xf32> to vector<16xf32>
        %swap3A_513 = vector.shape_cast %broadcast_in_dim3A_1 : vector<16xf32> to vector<1x16xf32>
        tpu.vector_store %arg7[%swap3A_509, %swap3A_510], %swap3A_513 {strides = array<i32>} : memref<32x1024xf32, #tpu.memory_space<vmem>>, vector<1x16xf32>,
        %swap3A_514 = arith.index_cast %while3A_234 : i32 to index
        %swap3A_515 = arith.constant 896 : index
        %swap3A_516 = tpu.vector_load %arg7[%swap3A_514, %swap3A_515] {strides = array<i32>} : memref<32x1024xf32, #tpu.memory_space<vmem>>, vector<1x16xf32>,
        %swap3A_517 = vector.shape_cast %swap3A_516 : vector<1x16xf32> to vector<16xf32>
        %swap3A_518 = vector.shape_cast %broadcast_in_dim3A_1 : vector<16xf32> to vector<1x16xf32>
        tpu.vector_store %arg7[%swap3A_514, %swap3A_515], %swap3A_518 {strides = array<i32>} : memref<32x1024xf32, #tpu.memory_space<vmem>>, vector<1x16xf32>,
        %swap3A_519 = arith.index_cast %while3A_234 : i32 to index
        %swap3A_520 = arith.constant 912 : index
        %swap3A_521 = tpu.vector_load %arg7[%swap3A_519, %swap3A_520] {strides = array<i32>} : memref<32x1024xf32, #tpu.memory_space<vmem>>, vector<1x16xf32>,
        %swap3A_522 = vector.shape_cast %swap3A_521 : vector<1x16xf32> to vector<16xf32>
        %swap3A_523 = vector.shape_cast %broadcast_in_dim3A_1 : vector<16xf32> to vector<1x16xf32>
        tpu.vector_store %arg7[%swap3A_519, %swap3A_520], %swap3A_523 {strides = array<i32>} : memref<32x1024xf32, #tpu.memory_space<vmem>>, vector<1x16xf32>,
        %swap3A_524 = arith.index_cast %while3A_234 : i32 to index
        %swap3A_525 = arith.constant 928 : index
        %swap3A_526 = tpu.vector_load %arg7[%swap3A_524, %swap3A_525] {strides = array<i32>} : memref<32x1024xf32, #tpu.memory_space<vmem>>, vector<1x16xf32>,
        %swap3A_527 = vector.shape_cast %swap3A_526 : vector<1x16xf32> to vector<16xf32>
        %swap3A_528 = vector.shape_cast %broadcast_in_dim3A_1 : vector<16xf32> to vector<1x16xf32>
        tpu.vector_store %arg7[%swap3A_524, %swap3A_525], %swap3A_528 {strides = array<i32>} : memref<32x1024xf32, #tpu.memory_space<vmem>>, vector<1x16xf32>,
        %swap3A_529 = arith.index_cast %while3A_234 : i32 to index
        %swap3A_530 = arith.constant 944 : index
        %swap3A_531 = tpu.vector_load %arg7[%swap3A_529, %swap3A_530] {strides = array<i32>} : memref<32x1024xf32, #tpu.memory_space<vmem>>, vector<1x16xf32>,
        %swap3A_532 = vector.shape_cast %swap3A_531 : vector<1x16xf32> to vector<16xf32>
        %swap3A_533 = vector.shape_cast %broadcast_in_dim3A_1 : vector<16xf32> to vector<1x16xf32>
        tpu.vector_store %arg7[%swap3A_529, %swap3A_530], %swap3A_533 {strides = array<i32>} : memref<32x1024xf32, #tpu.memory_space<vmem>>, vector<1x16xf32>,
        %swap3A_534 = arith.index_cast %while3A_234 : i32 to index
        %swap3A_535 = arith.constant 960 : index
        %swap3A_536 = tpu.vector_load %arg7[%swap3A_534, %swap3A_535] {strides = array<i32>} : memref<32x1024xf32, #tpu.memory_space<vmem>>, vector<1x16xf32>,
        %swap3A_537 = vector.shape_cast %swap3A_536 : vector<1x16xf32> to vector<16xf32>
        %swap3A_538 = vector.shape_cast %broadcast_in_dim3A_1 : vector<16xf32> to vector<1x16xf32>
        tpu.vector_store %arg7[%swap3A_534, %swap3A_535], %swap3A_538 {strides = array<i32>} : memref<32x1024xf32, #tpu.memory_space<vmem>>, vector<1x16xf32>,
        %swap3A_539 = arith.index_cast %while3A_234 : i32 to index
        %swap3A_540 = arith.constant 976 : index
        %swap3A_541 = tpu.vector_load %arg7[%swap3A_539, %swap3A_540] {strides = array<i32>} : memref<32x1024xf32, #tpu.memory_space<vmem>>, vector<1x16xf32>,
        %swap3A_542 = vector.shape_cast %swap3A_541 : vector<1x16xf32> to vector<16xf32>
        %swap3A_543 = vector.shape_cast %broadcast_in_dim3A_1 : vector<16xf32> to vector<1x16xf32>
        tpu.vector_store %arg7[%swap3A_539, %swap3A_540], %swap3A_543 {strides = array<i32>} : memref<32x1024xf32, #tpu.memory_space<vmem>>, vector<1x16xf32>,
        %swap3A_544 = arith.index_cast %while3A_234 : i32 to index
        %swap3A_545 = arith.constant 992 : index
        %swap3A_546 = tpu.vector_load %arg7[%swap3A_544, %swap3A_545] {strides = array<i32>} : memref<32x1024xf32, #tpu.memory_space<vmem>>, vector<1x16xf32>,
        %swap3A_547 = vector.shape_cast %swap3A_546 : vector<1x16xf32> to vector<16xf32>
        %swap3A_548 = vector.shape_cast %broadcast_in_dim3A_1 : vector<16xf32> to vector<1x16xf32>
        tpu.vector_store %arg7[%swap3A_544, %swap3A_545], %swap3A_548 {strides = array<i32>} : memref<32x1024xf32, #tpu.memory_space<vmem>>, vector<1x16xf32>,
        %swap3A_549 = arith.index_cast %while3A_234 : i32 to index
        %swap3A_550 = arith.constant 1008 : index
        %swap3A_551 = tpu.vector_load %arg7[%swap3A_549, %swap3A_550] {strides = array<i32>} : memref<32x1024xf32, #tpu.memory_space<vmem>>, vector<1x16xf32>,
        %swap3A_552 = vector.shape_cast %swap3A_551 : vector<1x16xf32> to vector<16xf32>
        %swap3A_553 = vector.shape_cast %broadcast_in_dim3A_1 : vector<16xf32> to vector<1x16xf32>
        tpu.vector_store %arg7[%swap3A_549, %swap3A_550], %swap3A_553 {strides = array<i32>} : memref<32x1024xf32, #tpu.memory_space<vmem>>, vector<1x16xf32>,
      }
      %multiple_of3A_228 = tpu.assume_multiple %mul3A_58, 8 : i32
      %dma_start3A = arith.constant 0 : i32
      %dma_start3A_229 = tpu.memref_slice %arg5[%min3A_56, %multiple_of3A_228, %dma_start3A] : memref<255x256x1024xf32, #tpu.memory_space<hbm>> -> memref<1x32x1024xf32, #tpu.memory_space<hbm>>
      %dma_start3A_230 = tpu.memref_squeeze %dma_start3A_229 : memref<1x32x1024xf32, #tpu.memory_space<hbm>> -> memref<32x1024xf32, #tpu.memory_space<hbm>>
      %dma_start3A_231 = arith.constant 0 : i32
      %dma_start3A_232 = tpu.memref_slice %arg5[%min3A_56, %multiple_of3A_228, %dma_start3A_231] : memref<255x256x1024xf32, #tpu.memory_space<hbm>> -> memref<1x32x1024xf32, #tpu.memory_space<hbm>>
      %dma_start3A_233 = tpu.memref_squeeze %dma_start3A_232 : memref<1x32x1024xf32, #tpu.memory_space<hbm>> -> memref<32x1024xf32, #tpu.memory_space<hbm>>
      tpu.enqueue_dma source(%arg7 : memref<32x1024xf32, #tpu.memory_space<vmem>>) target(%dma_start3A_233 : memref<32x1024xf32, #tpu.memory_space<hbm>>) target_semaphore(%arg11 : memref<!tpu.dma_semaphore, #tpu.memory_space<semaphore_mem>>)
    } else {
    }
    %add3A_66 = arith.constant 32 : i32
    %add3A_67 = arith.addi %mul3A_58, %add3A_66 : i32
    %sub3A_68 = arith.constant 1 : i32
    %sub3A_69 = arith.subi %add3A_67, %sub3A_68 : i32
    %ge3A = arith.cmpi sge, %min3A_56, %sub3A_69 : i32
    %convert_element_type3A_70 = arith.extui %ge3A : i1 to i32
    %cond3A_71 = arith.constant 0 : i32
    %cond3A_72 = arith.cmpi ne, %convert_element_type3A_70, %cond3A_71 : i32
    scf.if %cond3A_72 {
      %multiple_of3A_203 = tpu.assume_multiple %mul3A_58, 8 : i32
      %dma_start3A = arith.constant 0 : i32
      %dma_start3A_204 = tpu.memref_slice %arg5[%min3A_56, %multiple_of3A_203, %dma_start3A] : memref<255x256x1024xf32, #tpu.memory_space<hbm>> -> memref<1x32x1024xf32, #tpu.memory_space<hbm>>
      %dma_start3A_205 = tpu.memref_squeeze %dma_start3A_204 : memref<1x32x1024xf32, #tpu.memory_space<hbm>> -> memref<32x1024xf32, #tpu.memory_space<hbm>>
      %dma_start3A_206 = arith.constant 0 : i32
      %dma_start3A_207 = tpu.memref_slice %arg5[%min3A_56, %multiple_of3A_203, %dma_start3A_206] : memref<255x256x1024xf32, #tpu.memory_space<hbm>> -> memref<1x32x1024xf32, #tpu.memory_space<hbm>>
      %dma_start3A_208 = tpu.memref_squeeze %dma_start3A_207 : memref<1x32x1024xf32, #tpu.memory_space<hbm>> -> memref<32x1024xf32, #tpu.memory_space<hbm>>
      tpu.enqueue_dma source(%arg8 : memref<32x1024xf32, #tpu.memory_space<vmem>>) target(%dma_start3A_208 : memref<32x1024xf32, #tpu.memory_space<hbm>>) target_semaphore(%arg11 : memref<!tpu.dma_semaphore, #tpu.memory_space<semaphore_mem>>)
    } else {
    }
    %jit3A_73 = arith.constant 62 : i32
    %jit3A_74 = arith.constant 8 : i64
    %convert_element_type3A_75 = arith.trunci %jit3A_74 : i64 to i32
    %div3A_76 = arith.divsi %jit3A_73, %convert_element_type3A_75 : i32
    %sign3A_77 = arith.constant 0 : i32
    %sign3A_78 = arith.cmpi sgt, %jit3A_73, %sign3A_77 : i32
    %sign3A_79 = arith.extui %sign3A_78 : i1 to i32
    %sign3A_80 = arith.constant 0 : i32
    %sign3A_81 = arith.cmpi slt, %jit3A_73, %sign3A_80 : i32
    %sign3A_82 = arith.extui %sign3A_81 : i1 to i32
    %sign3A_83 = arith.subi %sign3A_79, %sign3A_82 : i32
    %sign3A_84 = arith.constant 0 : i32
    %sign3A_85 = arith.cmpi sgt, %convert_element_type3A_75, %sign3A_84 : i32
    %sign3A_86 = arith.extui %sign3A_85 : i1 to i32
    %sign3A_87 = arith.constant 0 : i32
    %sign3A_88 = arith.cmpi slt, %convert_element_type3A_75, %sign3A_87 : i32
    %sign3A_89 = arith.extui %sign3A_88 : i1 to i32
    %sign3A_90 = arith.subi %sign3A_86, %sign3A_89 : i32
    %ne3A_91 = arith.cmpi ne, %sign3A_83, %sign3A_90 : i32
    %rem3A_92 = arith.remsi %jit3A_73, %convert_element_type3A_75 : i32
    %ne3A_93 = arith.constant 0 : i32
    %ne3A_94 = arith.cmpi ne, %rem3A_92, %ne3A_93 : i32
    %and3A_95 = arith.andi %ne3A_91, %ne3A_94 : i1
    %sub3A_96 = arith.constant 1 : i32
    %sub3A_97 = arith.subi %div3A_76, %sub3A_96 : i32
    %select_n3A_98 = arith.select %and3A_95, %sub3A_97, %div3A_76 : i32
    %mul3A_99 = arith.constant 8 : i32
    %mul3A_100 = arith.muli %select_n3A_98, %mul3A_99 : i32
    %sub3A_101 = arith.constant 62 : i32
    %sub3A_102 = arith.subi %sub3A_101, %mul3A_100 : i32
    %jit3A_103 = arith.constant 2 : i64
    %convert_element_type3A_104 = arith.trunci %jit3A_103 : i64 to i32
    %eq3A_105 = arith.constant 0 : i32
    %eq3A_106 = arith.cmpi eq, %convert_element_type3A_104, %eq3A_105 : i32
    %jit3A_107 = arith.constant 1 : i32
    %select_n3A_108 = arith.select %eq3A_106, %jit3A_107, %convert_element_type3A_104 : i32
    %rem3A_109 = arith.remsi %select_n3A_98, %select_n3A_108 : i32
    %ne3A_110 = arith.constant 0 : i32
    %ne3A_111 = arith.cmpi ne, %rem3A_109, %ne3A_110 : i32
    %lt3A_112 = arith.constant 0 : i32
    %lt3A_113 = arith.cmpi slt, %rem3A_109, %lt3A_112 : i32
    %lt3A_114 = arith.constant 0 : i32
    %lt3A_115 = arith.cmpi slt, %select_n3A_108, %lt3A_114 : i32
    %ne3A_116 = arith.xori %lt3A_113, %lt3A_115 : i1
    %and3A_117 = arith.andi %ne3A_116, %ne3A_111 : i1
    %add3A_118 = arith.addi %rem3A_109, %select_n3A_108 : i32
    %select_n3A_119 = arith.select %and3A_117, %add3A_118, %rem3A_109 : i32
    %eq3A_120 = arith.constant 0 : i32
    %eq3A_121 = arith.cmpi eq, %select_n3A_119, %eq3A_120 : i32
    %sub3A_122 = arith.constant 31 : i32
    %sub3A_123 = arith.subi %sub3A_122, %add3A : i32
    %select_n3A_124 = arith.select %eq3A_121, %add3A, %sub3A_123 : i32
    %mul3A_125 = arith.constant 32 : i32
    %mul3A_126 = arith.muli %mul3A_125, %select_n3A_98 : i32
    %add3A_127 = arith.addi %select_n3A_124, %mul3A_126 : i32
    %min3A_128 = arith.constant 254 : i32
    %min3A_129 = arith.minsi %add3A_127, %min3A_128 : i32
    %mul3A_130 = arith.constant 32 : i32
    %mul3A_131 = arith.muli %sub3A_102, %mul3A_130 : i32
    %multiple_of3A = tpu.assume_multiple %mul3A_131, 8 : i32
    %dma_wait3A = arith.constant 0 : i32
    %dma_wait3A_132 = tpu.memref_slice %arg5[%min3A_129, %multiple_of3A, %dma_wait3A] : memref<255x256x1024xf32, #tpu.memory_space<hbm>> -> memref<1x32x1024xf32, #tpu.memory_space<hbm>>
    %dma_wait3A_133 = tpu.memref_squeeze %dma_wait3A_132 : memref<1x32x1024xf32, #tpu.memory_space<hbm>> -> memref<32x1024xf32, #tpu.memory_space<hbm>>
    %dma_wait3A_134 = arith.constant 0 : i32
    %dma_wait3A_135 = tpu.memref_slice %arg5[%min3A_129, %multiple_of3A, %dma_wait3A_134] : memref<255x256x1024xf32, #tpu.memory_space<hbm>> -> memref<1x32x1024xf32, #tpu.memory_space<hbm>>
    %dma_wait3A_136 = tpu.memref_squeeze %dma_wait3A_135 : memref<1x32x1024xf32, #tpu.memory_space<hbm>> -> memref<32x1024xf32, #tpu.memory_space<hbm>>
    tpu.wait_dma2 semaphore(%arg10 : memref<!tpu.dma_semaphore, #tpu.memory_space<semaphore_mem>>) src(%arg6 : memref<32x1024xf32, #tpu.memory_space<vmem>>) dst(%dma_wait3A_136 : memref<32x1024xf32, #tpu.memory_space<hbm>>)
    %jit3A_137 = arith.constant 63 : i32
    %jit3A_138 = arith.constant 8 : i64
    %convert_element_type3A_139 = arith.trunci %jit3A_138 : i64 to i32
    %div3A_140 = arith.divsi %jit3A_137, %convert_element_type3A_139 : i32
    %sign3A_141 = arith.constant 0 : i32
    %sign3A_142 = arith.cmpi sgt, %jit3A_137, %sign3A_141 : i32
    %sign3A_143 = arith.extui %sign3A_142 : i1 to i32
    %sign3A_144 = arith.constant 0 : i32
    %sign3A_145 = arith.cmpi slt, %jit3A_137, %sign3A_144 : i32
    %sign3A_146 = arith.extui %sign3A_145 : i1 to i32
    %sign3A_147 = arith.subi %sign3A_143, %sign3A_146 : i32
    %sign3A_148 = arith.constant 0 : i32
    %sign3A_149 = arith.cmpi sgt, %convert_element_type3A_139, %sign3A_148 : i32
    %sign3A_150 = arith.extui %sign3A_149 : i1 to i32
    %sign3A_151 = arith.constant 0 : i32
    %sign3A_152 = arith.cmpi slt, %convert_element_type3A_139, %sign3A_151 : i32
    %sign3A_153 = arith.extui %sign3A_152 : i1 to i32
    %sign3A_154 = arith.subi %sign3A_150, %sign3A_153 : i32
    %ne3A_155 = arith.cmpi ne, %sign3A_147, %sign3A_154 : i32
    %rem3A_156 = arith.remsi %jit3A_137, %convert_element_type3A_139 : i32
    %ne3A_157 = arith.constant 0 : i32
    %ne3A_158 = arith.cmpi ne, %rem3A_156, %ne3A_157 : i32
    %and3A_159 = arith.andi %ne3A_155, %ne3A_158 : i1
    %sub3A_160 = arith.constant 1 : i32
    %sub3A_161 = arith.subi %div3A_140, %sub3A_160 : i32
    %select_n3A_162 = arith.select %and3A_159, %sub3A_161, %div3A_140 : i32
    %mul3A_163 = arith.constant 8 : i32
    %mul3A_164 = arith.muli %select_n3A_162, %mul3A_163 : i32
    %sub3A_165 = arith.constant 63 : i32
    %sub3A_166 = arith.subi %sub3A_165, %mul3A_164 : i32
    %jit3A_167 = arith.constant 2 : i64
    %convert_element_type3A_168 = arith.trunci %jit3A_167 : i64 to i32
    %eq3A_169 = arith.constant 0 : i32
    %eq3A_170 = arith.cmpi eq, %convert_element_type3A_168, %eq3A_169 : i32
    %jit3A_171 = arith.constant 1 : i32
    %select_n3A_172 = arith.select %eq3A_170, %jit3A_171, %convert_element_type3A_168 : i32
    %rem3A_173 = arith.remsi %select_n3A_162, %select_n3A_172 : i32
    %ne3A_174 = arith.constant 0 : i32
    %ne3A_175 = arith.cmpi ne, %rem3A_173, %ne3A_174 : i32
    %lt3A_176 = arith.constant 0 : i32
    %lt3A_177 = arith.cmpi slt, %rem3A_173, %lt3A_176 : i32
    %lt3A_178 = arith.constant 0 : i32
    %lt3A_179 = arith.cmpi slt, %select_n3A_172, %lt3A_178 : i32
    %ne3A_180 = arith.xori %lt3A_177, %lt3A_179 : i1
    %and3A_181 = arith.andi %ne3A_180, %ne3A_175 : i1
    %add3A_182 = arith.addi %rem3A_173, %select_n3A_172 : i32
    %select_n3A_183 = arith.select %and3A_181, %add3A_182, %rem3A_173 : i32
    %eq3A_184 = arith.constant 0 : i32
    %eq3A_185 = arith.cmpi eq, %select_n3A_183, %eq3A_184 : i32
    %sub3A_186 = arith.constant 31 : i32
    %sub3A_187 = arith.subi %sub3A_186, %add3A : i32
    %select_n3A_188 = arith.select %eq3A_185, %add3A, %sub3A_187 : i32
    %mul3A_189 = arith.constant 32 : i32
    %mul3A_190 = arith.muli %mul3A_189, %select_n3A_162 : i32
    %add3A_191 = arith.addi %select_n3A_188, %mul3A_190 : i32
    %min3A_192 = arith.constant 254 : i32
    %min3A_193 = arith.minsi %add3A_191, %min3A_192 : i32
    %mul3A_194 = arith.constant 32 : i32
    %mul3A_195 = arith.muli %sub3A_166, %mul3A_194 : i32
    %multiple_of3A_196 = tpu.assume_multiple %mul3A_195, 8 : i32
    %dma_wait3A_197 = arith.constant 0 : i32
    %dma_wait3A_198 = tpu.memref_slice %arg5[%min3A_193, %multiple_of3A_196, %dma_wait3A_197] : memref<255x256x1024xf32, #tpu.memory_space<hbm>> -> memref<1x32x1024xf32, #tpu.memory_space<hbm>>
    %dma_wait3A_199 = tpu.memref_squeeze %dma_wait3A_198 : memref<1x32x1024xf32, #tpu.memory_space<hbm>> -> memref<32x1024xf32, #tpu.memory_space<hbm>>
    %dma_wait3A_200 = arith.constant 0 : i32
    %dma_wait3A_201 = tpu.memref_slice %arg5[%min3A_193, %multiple_of3A_196, %dma_wait3A_200] : memref<255x256x1024xf32, #tpu.memory_space<hbm>> -> memref<1x32x1024xf32, #tpu.memory_space<hbm>>
    %dma_wait3A_202 = tpu.memref_squeeze %dma_wait3A_201 : memref<1x32x1024xf32, #tpu.memory_space<hbm>> -> memref<32x1024xf32, #tpu.memory_space<hbm>>
    tpu.wait_dma2 semaphore(%arg11 : memref<!tpu.dma_semaphore, #tpu.memory_space<semaphore_mem>>) src(%arg7 : memref<32x1024xf32, #tpu.memory_space<vmem>>) dst(%dma_wait3A_202 : memref<32x1024xf32, #tpu.memory_space<hbm>>)
    return
  }
}

module attributes {stable_mosaic.version = 14 : i64} {
  func.func @_mask_body(%arg0: memref<256x1xi32, #tpu.memory_space<vmem>>, %arg1: memref<256x255xi32, #tpu.memory_space<vmem>>) attributes {dimension_semantics = [], scalar_prefetch = 0 : i64, scratch_operands = 0 : i64, tpu.core_type = #tpu.core_type<tc>} {
    %iota3A = tpu.iota {dimensions = array<i32: 1>} : vector<256x255xi32>
    %get3A = arith.constant 0 : index
    %get3A_0 = arith.constant 0 : index
    %get3A_1 = vector.load %arg0[%get3A, %get3A_0] : memref<256x1xi32, #tpu.memory_space<vmem>>, vector<256x1xi32>
    %lt3A = vector.broadcast %get3A_1 : vector<256x1xi32> to vector<256x255xi32>
    %lt3A_2 = arith.cmpi slt, %iota3A, %lt3A : vector<256x255xi32>
    %swap3A = arith.constant 0 : index
    %swap3A_3 = arith.constant 0 : index
    %swap3A_4 = vector.load %arg1[%swap3A, %swap3A_3] : memref<256x255xi32, #tpu.memory_space<vmem>>, vector<256x255xi32>
    %swap3A_5 = arith.extui %lt3A_2 : vector<256x255xi1> to vector<256x255xi32>
    %swap3A_6 = arith.constant dense<0> : vector<256x255xi32>
    %swap3A_7 = arith.cmpi ne, %swap3A_4, %swap3A_6 : vector<256x255xi32>
    tpu.vector_store %arg1[%swap3A, %swap3A_3], %swap3A_5 {strides = array<i32>} : memref<256x255xi32, #tpu.memory_space<vmem>>, vector<256x255xi32>,
    return
  }
}

</mosaic_0001>

<sc_bundles>
// kernel: kernel.4.cloned.1.call-start
scs
__scs_entry_jumppad:
0x0: {  	(pc) =	sbr.rel $0x88, $3  }
0x1: {  	(tag) =	ssettag $0x0;
	lr =	simm.s32 $0x1  }
0x2: {  	[smem:$0x3F9F] =	sst lr;
	_ =	strace $0xD0000000  }
0x3: {  	_ = 	snop  }
0x4: {  	_ = 	snop  }
0x5: {  	_ = 	snop  }
0x6: {  	_ = 	snop  }
0x7: {  	_ = 	snop  }
__scs_overlays_trampoline_lowered:
0x8: {  	[smem:$0x3FAE] =	sst s0  }
0x9: {  	[smem:$0x3FAF] =	sst s1  }
0xa: {  	[smem:$0x3FB0] =	sst s2  }
0xb: {  	[smem:$0x3FB1] =	sst s3  }
0xc: {  	[smem:$0x3FB2] =	sst s4  }
0xd: {  	[smem:$0x3FB3] =	sst s5  }
0xe: {  	[smem:$0x3FB4] =	sst s6  }
0xf: {  	[smem:$0x3FB5] =	sst s7  }
0x10: {  	[smem:$0x3FB6] =	sst s8  }
0x11: {  	[smem:$0x3FB7] =	sst s9;
	s0 =	simm.s32 @!p0 $0x0  }
0x12: {  	s1 =	sld [smem:$0x3F9D];
	s0 =	simm.s32 @p0 $0x1  }
0x13: {  	[smem:$0x3FB8] =	sst s0;
	s0 =	simm.s32 @!p1 $0x0  }
0x14: {  	s2 =	sld [smem:$0x3F9C];
	s0 =	simm.s32 @p1 $0x1  }
0x15: {  	[smem:$0x3FB9] =	sst s0;
	s0 =	simm.s32 @!p2 $0x0  }
0x16: {  	s3 =	sld [smem:$0x3FDB];
	s0 =	simm.s32 @p2 $0x1  }
0x17: {  	s4 =	simm.s32 $0x1BF5;
	[smem:$0x3FBB] =	sst s0  }
0x18: {  	s0 =	sld [smem:$0x3F9E];
	_ =	swait.ge [sflag:s4], $0x0  }
0x19: {  	s7 =	sld [smem:$0x3F9F]  }
0x1a: {  	s8 =	sadd.s32 $0xFFFFE003, lr  }
0x1b: {  	s9 =	sadd.s32 $0xFFFFFEF7, lr;
	s5 =	simm.s32 $0xFFFFFFFF;
	p2 =	slt.u32 s8, $0xFFFFF086  }
0x1c: {  	p1 =	slt.u32 s9, $0xF7A;
	s5 =	simm.s32 @!p2 $0x0  }
0x1d: {  	s5 =	simm.s32 @p1 $0x1;
	p0 =	seq.s32 s7, s2  }
0x1e: {  	s7 =	smul.u32 @!p0 $0xF7A, s2;
	p2 =	seq.s32 @!p0 s5, $0x0  }
0x1f: {  	s9 =	smul.u32 $0xF7A, s1;
	s8 =	simm.s32 @!p0 $0x1BF5;
	p2 =	por !p2, p0  }
0x20: {  	[sflag:s8] =	ssyncset.s32 @!p0 $0xFFFFF086;
	s6 =	sadd.s32 @!p0 s3, s7;
	s7 =	simm.s32 @!p0 $0x108  }
0x21: {  	s3 =	sadd.s32 s3, s9;
	s6 =	sadd.s32 @!p0 $0x88, s6;
	s7 =	simm.s32 @p2 $0x1082  }
0x22: {  	[simem:s7], [sflag:s8] =	dma.local @!p0 [hbm:s6], $0xF7A  }
0x23: {  	s9 =	sor.u32 $0xD0000000, s2;
	s6 =	simm.s32 $0x108;
	_ =	swait.ge @!p0 [sflag:s8], $0x0  }
0x24: {  	s3 =	sadd.s32 $0x88, s3;
	s6 =	simm.s32 @!p1 $0x1082;
	[sflag:s4] =	ssyncset.s32 $0xFFFFF086  }
0x25: {  	[simem:s6], [sflag:s4] =	dma.local [hbm:s3], $0xF7A  }
0x26: {  	[smem:$0x3F9F] =	sst s1;
	(tag) =	ssettag s2;
	_ =	strace s9  }
0x27: {  	s1 =	sld [smem:$0x3FAF]  }
0x28: {  	s2 =	sld [smem:$0x3FB0]  }
0x29: {  	s4 =	sld [smem:$0x3FB2]  }
0x2a: {  	p0 =	seq.s32 s5, $0x0;
	s5 =	sld [smem:$0x3FB3]  }
0x2b: {  	s6 =	sld [smem:$0x3FB4]  }
0x2c: {  	s7 =	sld [smem:$0x3FB5]  }
0x2d: {  	s3 =	simm.s32 $0x108;
	s8 =	sld [smem:$0x3FB6]  }
0x2e: {  	s3 =	simm.s32 @!p0 $0x1082;
	s9 =	sld [smem:$0x3FB7]  }
0x2f: {  	lr =	sadd.s32 s0, s3;
	s0 =	sld [smem:$0x3FAE]  }
0x30: {  	s3 =	sld [smem:$0x3FB1]  }
0x31: {  	[smem:$0x3FBA] =	sst s10  }
0x32: {  	s10 =	sld [smem:$0x3FB8];
	_ =	sdelay $0x3  }
0x33: {  	p0 =	seq.s32 s10, $0x1;
	s10 =	sld [smem:$0x3FBA];
	_ =	sdelay $0x3  }
0x34: {  	[smem:$0x3FBA] =	sst s10  }
0x35: {  	s10 =	sld [smem:$0x3FB9];
	_ =	sdelay $0x3  }
0x36: {  	p1 =	seq.s32 s10, $0x1;
	s10 =	sld [smem:$0x3FBA];
	_ =	sdelay $0x3  }
0x37: {  	[smem:$0x3FBA] =	sst s10  }
0x38: {  	s10 =	sld [smem:$0x3FBB]  }
0x39: {  	_ = 	snop;
	(pc) =	sbr.ind lr, $3  }
0x3a: {  	_ = 	snop  }
0x3b: {  	_ = 	snop  }
0x3c: {  	p2 =	seq.s32 s10, $0x1;
	s10 =	sld [smem:$0x3FBA]  }
0x3d: {  	_ =	shalt  }
0x3e: {  	_ =	shalt  }
0x3f: {  	_ =	shalt  }
0x40: {  	_ =	shalt  }
0x41: {  	_ =	shalt  }
0x42: {  	_ =	shalt  }
0x43: {  	_ =	shalt  }
0x44: {  	_ =	shalt  }
0x45: {  	_ =	shalt  }
0x46: {  	_ =	shalt  }
0x47: {  	_ =	shalt  }
0x48: {  	_ =	shalt  }
0x49: {  	_ =	shalt  }
0x4a: {  	_ =	shalt  }
0x4b: {  	_ =	shalt  }
0x4c: {  	_ =	shalt  }
0x4d: {  	_ =	shalt  }
0x4e: {  	_ =	shalt  }
0x4f: {  	_ =	shalt  }
0x50: {  	_ =	shalt  }
0x51: {  	_ =	shalt  }
0x52: {  	_ =	shalt  }
0x53: {  	_ =	shalt  }
0x54: {  	_ =	shalt  }
0x55: {  	_ =	shalt  }
0x56: {  	_ =	shalt  }
0x57: {  	_ =	shalt  }
0x58: {  	_ =	shalt  }
0x59: {  	_ =	shalt  }
0x5a: {  	_ =	shalt  }
0x5b: {  	_ =	shalt  }
0x5c: {  	_ =	shalt  }
0x5d: {  	_ =	shalt  }
0x5e: {  	_ =	shalt  }
0x5f: {  	_ =	shalt  }
0x60: {  	_ =	shalt  }
0x61: {  	_ =	shalt  }
0x62: {  	_ =	shalt  }
0x63: {  	_ =	shalt  }
0x64: {  	_ =	shalt  }
0x65: {  	_ =	shalt  }
0x66: {  	_ =	shalt  }
0x67: {  	_ =	shalt  }
0x68: {  	_ =	shalt  }
0x69: {  	_ =	shalt  }
0x6a: {  	_ =	shalt  }
0x6b: {  	_ =	shalt  }
0x6c: {  	_ =	shalt  }
0x6d: {  	_ =	shalt  }
0x6e: {  	_ =	shalt  }
0x6f: {  	_ =	shalt  }
0x70: {  	_ =	shalt  }
0x71: {  	_ =	shalt  }
0x72: {  	_ =	shalt  }
0x73: {  	_ =	shalt  }
0x74: {  	_ =	shalt  }
0x75: {  	_ =	shalt  }
0x76: {  	_ =	shalt  }
0x77: {  	_ =	shalt  }
0x78: {  	_ =	shalt  }
0x79: {  	_ =	shalt  }
0x7a: {  	_ =	shalt  }
0x7b: {  	_ =	shalt  }
0x7c: {  	_ =	shalt  }
0x7d: {  	_ =	shalt  }
0x7e: {  	_ =	shalt  }
0x7f: {  	_ =	shalt  }
0x80: {  	_ =	shalt  }
0x81: {  	_ =	shalt  }
0x82: {  	_ =	shalt  }
0x83: {  	_ =	shalt  }
0x84: {  	_ =	shalt  }
0x85: {  	_ =	shalt  }
0x86: {  	_ =	shalt  }
0x87: {  	_ =	shalt  }
.Lfunc_end0:
.L_simem_size_0:
called_computation_lowered:
.L_overlay_start_0:
0x88: {  	s2 =	sld [smem:$0x3FD9]  }
0x89: {  	s3 =	sld [smem:$0x3FFE];
	_ =	sdelay $0x1  }
0x8a: {  	s1 =	srdreg.scid  }
0x8b: {  	s0 =	sand.u32 $0x1, s1  }
0x8c: {  	s14 =	sshll.u32 s0, $0xA;
	s2 =	sadd.s32 s3, s2  }
0x8d: {  	s2 =	sadd.s32 s2, s14  }
0x8e: {  	[smem:$0x3FC6] =	sst s2  }
0x8f: {  	_ = 	snop  }
0x90: {  	s2 =	sld [smem:$0x3FD0];
	_ =	sdelay $0x2  }
0x91: {  	s4 =	simm.s32 $0xA;
	s5 =	simm.s32 $0x10;
	s15 =	sld [smem:$0x3FC9]  }
0x92: {  	[smem:s5], [sflag:s4] =	dma.local [hbm:s2], $0x1  }
0x93: {  	_ =	swait.eq [sflag:s4], $0x1  }
0x94: {  	[sflag:s4] =	ssyncset.done $0x0  }
0x95: {  	[sflag:s4] =	ssyncadd.s32 $0xFFFFFFFF  }
0x96: {  	s16 =	sld [smem:$0x10];
	(tm) =	ssettm $0x1  }
0x97: {  	s17 =	sld [smem:$0x3FFB];
	_ =	sdelay $0x3  }
0x98: {  	_ =	strace s17  }
0x99: {  	s4 =	sld [smem:$0x3FFC];
	_ =	sdelay $0x3  }
0x9a: {  	_ =	strace s4  }
0x9b: {  	s4 =	sld [smem:$0x3FFD];
	_ =	sdelay $0x3  }
0x9c: {  	_ =	strace s4  }
0x9d: {  	_ =	strace $0x8FFFFFFF  }
0x9e: {  	s18 =	sld [smem:$0x3FDB];
	_ =	sdelay $0x1  }
0x9f: {  	s19 =	simm.s32 $_scs_section_size  }
0xa0: {  	s6 =	simm.s32 $_size__tile_overlayer_lowered;
	s7 =	simm.s32 $_tile_overlayer_lowered  }
0xa1: {  	s22 =	simm.s32 $0x1BFF;
	s21 =	sshll.u32 s7, $0x1;
	s4 =	sadd.s32 s19, s18  }
0xa2: {  	s8 =	simm.s32 $0x0;
	s20 =	sshll.u32 s6, $0x1;
	s6 =	sadd.s32 s21, s4  }
0xa3: {  	[timem:s8], [sflag:s22] =	dma.local [hbm:s6], s20  }
0xa4: {  	_ =	swait.ge [sflag:s22], s20  }
0xa5: {  	s5 =	ssub.s32 $0x0, s20;
	[sflag:s22] =	ssyncset.done $0x0  }
0xa6: {  	[sflag:s22] =	ssyncadd.s32 s5;
	_ =	sdelay $0x1  }
0xa7: {  	s23 =	simm.s32 $0x1B8B  }
0xa8: {  	_ =	swait.ge [sflag:s23], $0x1  }
0xa9: {  	[sflag:s23] =	ssyncset.done $0x0  }
0xaa: {  	s25 =	simm.s32 $0x1B8E;
	s24 =	sld [smem:$0x3FFE];
	[sflag:s23] =	ssyncadd.s32 $0xFFFFFFFF  }
0xab: {  	s26 =	simm.s32 $execute0_lowered;
	[smem:$0x3FD2] =	sst s25  }
0xac: {  	s6 =	sshll.u32 s26, $0x1;
	_ =	strace $0x80000046;
	[dreg:$0x1] =	wrdreg $0xFFFFFFFF  }
0xad: {  	s28 =	simm.s32 $_size_execute0_lowered;
	s4 =	sadd.s32 s4, s6;
	[dreg:$0x0] =	wrdreg $0x0  }
0xae: {  	s6 =	sshll.u32 s28, $0x1;
	[dreg:$0x2] =	wrdreg s4  }
0xaf: {  	[dreg:$0x3] =	wrdreg s6  }
0xb0: {  	[dreg:$0x4] =	wrdreg $0xC0  }
0xb1: {  	_ =	task [dreg:s8], $0x5FFFF  }
0xb2: {  	[dreg:$0x1] =	wrdreg $0xFFFFFFFF  }
0xb3: {  	[dreg:$0x0] =	wrdreg $0x60  }
0xb4: {  	[dreg:$0x2] =	wrdreg s15  }
0xb5: {  	[dreg:$0x3] =	wrdreg s24  }
0xb6: {  	[dreg:$0x4] =	wrdreg s16  }
0xb7: {  	[dreg:$0x5] =	wrdreg $0x9  }
0xb8: {  	_ =	task.clear_ibuf [dreg:s8], $0x6FFFF;
	_ =	strace $0x90000046  }
0xb9: {  	s29 =	simm.s32 $0x9;
	_ =	strace $0x80000048  }
0xba: {  	_ =	swait.ge [sflag:s29], $0x1  }
0xbb: {  	[sflag:s29] =	ssyncadd.s32 $0xFFFFFFFF  }
0xbc: {  	_ =	strace $0x90000048  }
0xbd: {  	_ =	sfence  }
0xbe: {  	s30 =	sld [smem:$0x0];
	_ =	sdelay $0x2  }
0xbf: {  	s31 =	sshll.u32 s1, $0xD;
	s1 =	sshrl.u32 s1, $0x2  }
0xc0: {  	s3 =	sand.u32 $0x4000, s31;
	s1 =	sadd.s32 s1, s30  }
0xc1: {  	s0 =	sor.u32 s3, s0;
	s1 =	sshll.u32 s1, $0x11  }
0xc2: {  	s0 =	sor.u32 s1, s0  }
0xc3: {  	s0 =	sadd.s32 $0x8F2B, s0  }
0xc4: {  	[sflag:s0] =	ssyncadd.remote.s32 $0x1  }
0xc5: {  	_ =	sfence.sel $0xFFFF  }
0xc6: {  	[dreg:$0x0] =	wrdreg $0xFFFFFFFF;
	(pc) =	sbr.abs _section_cstart, $3  }
0xc7: {  	[dreg:$0x1] =	wrdreg $0xFFFFFFFF  }
0xc8: {  	_ =	task.clear_ibuf [dreg:s8], $0x2FFFF;
	_ =	strace $0x9FFFFFFF  }
0xc9: {  	(tm) =	ssettm $0x7FFFFFFF  }
tec
execute0_lowered:
.L_overlay_start_1:
0x0: {  	(tag) =	ssettag $0x1  }
0x1: {  	s1 =	rddreg [dreg:$0x0]  }
0x2: {  	s0 =	rddreg [dreg:$0x1]  }
0x3: {  	s2 =	rddreg [dreg:$0x2];
	s3 =	srdreg.scid  }
0x4: {  	s4 =	simm.s32 $0x0;
	s6 =	stileid.u32;
	s16 =	simm.s32 $0x5  }
0x5: {  	s18 =	simm.s32 $0x8000;
	s13 =	simm.s32 $0x2;
	s3 =	sand.u32 $0x1, s3  }
0x6: {  	[smem:$0x7FF] =	sst s4;
	s24 =	sadd.s32 $0x8400, s0;
	s9 =	sadd.s32 $0x100, s1  }
0x7: {  	s10 =	sadd.s32 $0x200, s1;
	s11 =	sadd.s32 $0x300, s1;
	s5 =	sshll.u32 s3, $0x4  }
0x8: {  	_ =	strace $0x80000047;
	s3 =	ssub.s32 $0x2, s3;
	s5 =	sor.u32 s6, s5  }
0x9: {  	[dreg:$0x4] =	wrdreg s24;
	s26 =	sshrl.u32 s3, $0x1;
	s7 =	sxor.u32 $0xFF, s5  }
0xa: {  	s25 =	sshll.u32 s5, $0xA;
	s3 =	ssub.s32 s3, s26;
	s28 =	smin.u32 s7, $0xFE  }
0xb: {  	s24 =	sxor.u32 $0x1F, s5;
	s0 =	sadd.s32 s25, s0;
	s29 =	sshll.u32 s28, $0xF  }
0xc: {  	v2 =	vlaneseq.u32;
	s30 =	smax.u32 s3, $0x1;
	s8 =	sadd.s32 $0x400, s0;
	s0 =	sadd.s32 s29, s2  }
0xd: {  	vm0 =	vmmov $0xffff;
	v3 =	vimm.f32 $0.0e+00;
	v1 =	vshrl.u32 v2, $0x3;
	[dreg:$0x6] =	wrdreg s30;
	s31 =	sshll.u32 s28, $0x7;
	s0 =	sadd.s32 $0x7000, s0  }
0xe: {  	v0 =	vand.u32 $0x7, v2;
	v2 =	vor.u32 $0x8, v2;
	v1 =	vmul.u32 $0x8, v1;
	s3 =	simm.s32 $0x0;
	s14 =	sadd.s32 $0xFFFF9080, s31;
	[dreg:$0x5] =	wrdreg s0  }
.LBB2_1:
0xf: {  	[dreg:$0x7] =	wrdreg s3  }
.Ltmp0:
0x10: {  	s0 =	rddreg [dreg:$0x4];
	s31 =	simm.s32 $0x10000;
	(pc) =	sbr.rel .LBB2_2-.Ltmp0, $4  }
0x11: {  	[tilespmem:s31], [sflag:$0x5] =	stream.linear.gather [hbm4b:s0+s4], $0x8000, $0x38;
	[tilespmem:$0x18100] =	vst v63  }
0x12: {  	_ =	swait.ge [sflag:s16], $0x8000  }
0x13: {  	s12 =	simm.s32 $0xFFFFFFFE;
	s6 =	simm.s32 $0x21;
	[sflag:s16] =	ssyncset.done $0x0  }
0x14: {  	s17 =	simm.s32 $0x1;
	s19 =	simm.s32 $0x0;
	[sflag:s16] =	ssyncadd.s32 $0xFFFF8000  }
.LBB2_13:
0x15: {  	s7 =	simm.s32 @!p0 $0x0  }
0x16: {  	s7 =	simm.s32 @p0 $0x10000  }
.LBB2_16:
0x17: {  	s19 =	sadd.s32 $0x1, s19  }
0x18: {  	p0 =	sne.s32 s19, $0x20  }
.Ltmp1:
0x19: {  	s0 =	sshll.u32 s21, $0x12;
	s3 =	sshll.u32 s20, $0xA;
	(pc) =	sbr.rel @!p0 .LBB2_17-.Ltmp1, $4  }
0x1a: {  	s0 =	sadd.s32 s3, s0  }
0x1b: {  	s12 =	sadd.s32 $0x2, s12;
	s0 =	sshrl.u32 s0, $0x3  }
0x1c: {  	s6 =	sadd.s32 $0xFFFFFFC0, s6;
	s17 =	sadd.s32 $0xFFFFFFC0, s17;
	s0 =	sadd.s32 s2, s0  }
0x1d: {  	[hbm4b:s0+s4] =	stream.linear.scatter [tilespmem:s7], [sflag:$0x1], $0x8000, $0x38;
	[tilespmem:$0x18100] =	vst v63  }
.LBB2_2:
0x1e: {  	s0 =	sshrl.u32 s19, $0x2;
	s7 =	sand.u32 $0x4, s19;
	s31 =	sshll.u32 s19, $0x6  }
0x1f: {  	p1 =	seq.s32 s19, $0x0;
	p0 =	seq.s32 s7, $0x0;
	s7 =	smov.u32 s24  }
0x20: {  	s23 =	sshll.u32 s0, $0x5;
	s22 =	sshll.u32 s0, $0x8;
	s7 =	smov.u32 @p0 s5  }
0x21: {  	s0 =	simm.s32 @!p1 $0x1;
	s20 =	ssub.s32 s31, s22;
	s21 =	sor.u32 s23, s7  }
0x22: {  	_ =	swait.ge @!p1 [sflag:s0], $0x8000;
	s25 =	sor.u32 $0x1F, s20;
	s21 =	smin.u32 s21, $0xFE  }
0x23: {  	[sflag:s0] =	ssyncset.done @!p1 $0x0;
	p0 =	sge.s32 s21, s25  }
0x24: {  	[sflag:s0] =	ssyncadd.s32 @!p1 $0xFFFF8000;
	s0 =	sshll.u32 @!p0 s19, $0x5  }
0x25: {  	s25 =	simm.s32 @!p0 $0x0;
	s26 =	simm.s32 @!p0 $0x18000;
	s0 =	sadd.s32 @!p0 s0, s8  }
0x26: {  	[tilespmem:s26], [sflag:$0x5] =	stream.linear.gather @!p0 [hbm4b:s0+s25], $0x80, $0x38;
	[tilespmem:$0x18100] =	vst v63  }
0x27: {  	s0 =	simm.s32 @!p0 $0x5  }
0x28: {  	_ =	swait.ge @!p0 [sflag:s0], $0x80  }
0x29: {  	[sflag:s0] =	ssyncset.done @!p0 $0x0  }
0x2a: {  	[sflag:s0] =	ssyncadd.s32 @!p0 $0xFFFFFF80  }
0x2b: {  	v4 =	vld @!p0 [tilespmem:$0x18000];
	_ =	sdelay $0x4  }
0x2c: {  	v5 =	vshll.u32 @!p0 v4, $0x3  }
0x2d: {  	v6 =	vlaneseq.u32 @!p0;
	v4 =	vand.u32 @!p0 $0x7, v4;
	v5 =	vand.u32 @!p0 $0xFFFFFFC0, v5  }
0x2e: {  	v7 =	vshrl.u32 @!p0 v6, $0x3;
	v4 =	vor.u32 @!p0 v4, v5;
	v5 =	vand.u32 @!p0 $0x7, v6  }
0x2f: {  	v7 =	vmul.u32 @!p0 $0x8, v7;
	v8 =	vperm.xlane @!p0 v4, v5;
	_ =	sdelay $0x1  }
0x30: {  	v8 =	vadd.s32 @!p0 v7, v8;
	_ =	sdelay $0x3  }
0x31: {  	vm1 =	vmmov @!p0 $0xffff  }
0x32: {  	v6 =	vor.u32 @!p0 $0x8, v6;
	[tilespmem:s25], [sflag:$0x3] =	stream.indirect_vreg.gather @!p0 [hbm4b:s1+s25], $0x80, v8, vm1, $0xb8;
	[tilespmem:$0x18100] =	vst v63  }
0x33: {  	s0 =	simm.s32 @!p0 $0x800;
	v4 =	vperm.xlane @!p0 v4, v6  }
0x34: {  	[tilespmem:s0], [sflag:$0x3] =	stream.indirect_vreg.gather @!p0 [hbm4b:s9+s25], $0x80, v8, vm1, $0xb8;
	[tilespmem:$0x18100] =	vst v63  }
0x35: {  	v4 =	vadd.s32 @!p0 v7, v4;
	s0 =	simm.s32 @!p0 $0x1000  }
0x36: {  	[tilespmem:s0], [sflag:$0x3] =	stream.indirect_vreg.gather @!p0 [hbm4b:s10+s25], $0x80, v8, vm1, $0xb8;
	[tilespmem:$0x18100] =	vst v63  }
0x37: {  	s0 =	simm.s32 @!p0 $0x1800  }
0x38: {  	[tilespmem:s0], [sflag:$0x3] =	stream.indirect_vreg.gather @!p0 [hbm4b:s11+s25], $0x80, v8, vm1, $0xb8;
	[tilespmem:$0x18100] =	vst v63  }
0x39: {  	s0 =	simm.s32 @!p0 $0x2000  }
0x3a: {  	[tilespmem:s0], [sflag:$0x3] =	stream.indirect_vreg.gather @!p0 [hbm4b:s1+s25], $0x80, v4, vm1, $0xb8;
	[tilespmem:$0x18100] =	vst v63  }
0x3b: {  	s0 =	simm.s32 @!p0 $0x2800  }
0x3c: {  	[tilespmem:s0], [sflag:$0x3] =	stream.indirect_vreg.gather @!p0 [hbm4b:s9+s25], $0x80, v4, vm1, $0xb8;
	[tilespmem:$0x18100] =	vst v63  }
0x3d: {  	s0 =	simm.s32 @!p0 $0x3000  }
0x3e: {  	[tilespmem:s0], [sflag:$0x3] =	stream.indirect_vreg.gather @!p0 [hbm4b:s10+s25], $0x80, v4, vm1, $0xb8;
	[tilespmem:$0x18100] =	vst v63  }
0x3f: {  	s0 =	simm.s32 @!p0 $0x3800  }
0x40: {  	[tilespmem:s0], [sflag:$0x3] =	stream.indirect_vreg.gather @!p0 [hbm4b:s11+s25], $0x80, v4, vm1, $0xb8;
	[tilespmem:$0x18100] =	vst v63  }
0x41: {  	v4 =	vld @!p0 [tilespmem:$0x18010];
	_ =	sdelay $0x4  }
0x42: {  	v8 =	vshll.u32 @!p0 v4, $0x3  }
0x43: {  	v4 =	vand.u32 @!p0 $0x7, v4;
	v8 =	vand.u32 @!p0 $0xFFFFFFC0, v8  }
0x44: {  	v4 =	vor.u32 @!p0 v4, v8  }
0x45: {  	v5 =	vperm.xlane @!p0 v4, v5;
	_ =	sdelay $0x1  }
0x46: {  	v5 =	vadd.s32 @!p0 v7, v5;
	_ =	sdelay $0x3  }
0x47: {  	s0 =	simm.s32 @!p0 $0x4000  }
0x48: {  	[tilespmem:s0], [sflag:$0x3] =	stream.indirect_vreg.gather @!p0 [hbm4b:s1+s25], $0x80, v5, vm1, $0xb8;
	[tilespmem:$0x18100] =	vst v63  }
0x49: {  	v4 =	vperm.xlane @!p0 v4, v6;
	s0 =	simm.s32 @!p0 $0x4800  }
0x4a: {  	[tilespmem:s0], [sflag:$0x3] =	stream.indirect_vreg.gather @!p0 [hbm4b:s9+s25], $0x80, v5, vm1, $0xb8;
	[tilespmem:$0x18100] =	vst v63  }
0x4b: {  	v4 =	vadd.s32 @!p0 v7, v4;
	s0 =	simm.s32 @!p0 $0x5000  }
0x4c: {  	[tilespmem:s0], [sflag:$0x3] =	stream.indirect_vreg.gather @!p0 [hbm4b:s10+s25], $0x80, v5, vm1, $0xb8;
	[tilespmem:$0x18100] =	vst v63  }
0x4d: {  	s0 =	simm.s32 @!p0 $0x5800  }
0x4e: {  	[tilespmem:s0], [sflag:$0x3] =	stream.indirect_vreg.gather @!p0 [hbm4b:s11+s25], $0x80, v5, vm1, $0xb8;
	[tilespmem:$0x18100] =	vst v63  }
0x4f: {  	s0 =	simm.s32 @!p0 $0x6000  }
0x50: {  	[tilespmem:s0], [sflag:$0x3] =	stream.indirect_vreg.gather @!p0 [hbm4b:s1+s25], $0x80, v4, vm1, $0xb8;
	[tilespmem:$0x18100] =	vst v63  }
0x51: {  	s0 =	simm.s32 @!p0 $0x6800  }
0x52: {  	[tilespmem:s0], [sflag:$0x3] =	stream.indirect_vreg.gather @!p0 [hbm4b:s9+s25], $0x80, v4, vm1, $0xb8;
	[tilespmem:$0x18100] =	vst v63  }
.Ltmp2:
0x53: {  	_ = 	snop;
	(pc) =	sbr.rel @p1 .LBB2_3-.Ltmp2, $4  }
0x54: {  	s0 =	simm.s32 @!p0 $0x7000  }
0x55: {  	[tilespmem:s0], [sflag:$0x3] =	stream.indirect_vreg.gather @!p0 [hbm4b:s10+s25], $0x80, v4, vm1, $0xb8;
	[tilespmem:$0x18100] =	vst v63  }
0x56: {  	s0 =	simm.s32 @!p0 $0x7800  }
0x57: {  	[tilespmem:s0], [sflag:$0x3] =	stream.indirect_vreg.gather @!p0 [hbm4b:s11+s25], $0x80, v4, vm1, $0xb8;
	[tilespmem:$0x18100] =	vst v63  }
0x58: {  	s25 =	sshll.u32 s19, $0x1  }
0x59: {  	s28 =	sadd.s32 $0xFFFFFFFF, s25  }
0x5a: {  	s0 =	sand.u32 $0x8, s28  }
0x5b: {  	s29 =	sshrl.u32 s28, $0x3;
	p1 =	seq.s32 s0, $0x0;
	s0 =	smov.u32 s24  }
0x5c: {  	s26 =	sshll.u32 s29, $0x5;
	s0 =	smov.u32 @p1 s5  }
0x5d: {  	s28 =	sshll.u32 s28, $0x5;
	s29 =	sshll.u32 s29, $0x8;
	s26 =	sor.u32 s26, s0  }
0x5e: {  	s28 =	ssub.s32 s28, s29;
	p1 =	slt.s32 s26, $0xFE  }
0x5f: {  	s29 =	sor.u32 $0x1F, s28;
	s26 =	simm.s32 @!p1 $0xFE  }
0x60: {  	p1 =	sge.s32 s26, s29  }
0x61: {  	s30 =	ssub.s32 @!p1 s26, s28  }
0x62: {  	p2 =	sgt.u32 @!p1 s30, $0x7FFFFFFE  }
0x63: {  	p2 =	por p1, p2  }
.Ltmp3:
0x64: {  	_ = 	snop;
	(pc) =	sbr.rel @!p2 .LBB2_6-.Ltmp3, $4  }
0x65: {  	s29 =	simm.s32 @!p1 $0x4  }
0x66: {  	_ =	swait.ge @!p1 [sflag:s29], $0x8000  }
0x67: {  	[sflag:s29] =	ssyncset.done @!p1 $0x0  }
0x68: {  	[sflag:s29] =	ssyncadd.s32 @!p1 $0xFFFF8000  }
.Ltmp4:
0x69: {  	(pc) =	sbr.rel .LBB2_9-.Ltmp4, $3  }
0x6a: {  	_ =	sdelay $0x1  }
0x6b: {  	s0 =	simm.s32 @!p1 $0x8000  }
0x6c: {  	s0 =	simm.s32 @p1 $0x10000  }
.LBB2_3:
.Ltmp5:
0x6d: {  	(pc) =	sbr.rel .LBB2_10-.Ltmp5, $2  }
0x6e: {  	_ =	sdelay $0x2  }
0x6f: {  	s0 =	simm.s32 $0x10;
	s25 =	simm.s32 $0x20  }
.LBB2_6:
0x70: {  	s29 =	sshrl.u32 s12, $0x3  }
0x71: {  	s30 =	sshll.u32 s29, $0x5  }
0x72: {  	s0 =	sadd.s32 s30, s0  }
0x73: {  	p1 =	slt.s32 s0, $0xFE  }
0x74: {  	s0 =	simm.s32 @!p1 $0xFE  }
0x75: {  	s29 =	sshll.u32 s29, $0x8;
	s0 =	sadd.s32 s6, s0  }
0x76: {  	s0 =	sadd.s32 s29, s0  }
0x77: {  	p1 =	sgt.s32 s0, $0x1  }
0x78: {  	s0 =	simm.s32 @!p1 $0x1  }
0x79: {  	s31 =	simm.s32 $0x0;
	s0 =	smin.u32 s0, $0x20  }
0x7a: {  	s30 =	simm.s32 $0x0;
	s29 =	sshll.u32 s0, $0x7;
	s0 =	simm.s32 $0x0  }
.LBB2_7:
0x7b: {  	s3 =	sand.u32 $0xFFFFE000, s31;
	s15 =	sand.u32 $0x380, s0  }
0x7c: {  	s3 =	sor.u32 s15, s3  }
0x7d: {  	[tilespmem:s3+$0x8000] =	vst v3  }
0x7e: {  	[tilespmem:s3+$0x8010] =	vst v3  }
0x7f: {  	[tilespmem:s3+$0x8020] =	vst v3  }
0x80: {  	[tilespmem:s3+$0x8030] =	vst v3  }
0x81: {  	[tilespmem:s3+$0x8040] =	vst v3  }
0x82: {  	[tilespmem:s3+$0x8050] =	vst v3  }
0x83: {  	[tilespmem:s3+$0x8060] =	vst v3  }
0x84: {  	[tilespmem:s3+$0x8070] =	vst v3  }
0x85: {  	[tilespmem:s3+$0x8400] =	vst v3  }
0x86: {  	[tilespmem:s3+$0x8410] =	vst v3  }
0x87: {  	[tilespmem:s3+$0x8420] =	vst v3  }
0x88: {  	[tilespmem:s3+$0x8430] =	vst v3  }
0x89: {  	[tilespmem:s3+$0x8440] =	vst v3  }
0x8a: {  	[tilespmem:s3+$0x8450] =	vst v3  }
0x8b: {  	[tilespmem:s3+$0x8460] =	vst v3  }
0x8c: {  	[tilespmem:s3+$0x8470] =	vst v3  }
0x8d: {  	[tilespmem:s3+$0x8800] =	vst v3  }
0x8e: {  	[tilespmem:s3+$0x8810] =	vst v3  }
0x8f: {  	[tilespmem:s3+$0x8820] =	vst v3  }
0x90: {  	[tilespmem:s3+$0x8830] =	vst v3  }
0x91: {  	[tilespmem:s3+$0x8840] =	vst v3  }
0x92: {  	[tilespmem:s3+$0x8850] =	vst v3  }
0x93: {  	[tilespmem:s3+$0x8860] =	vst v3  }
0x94: {  	[tilespmem:s3+$0x8870] =	vst v3  }
0x95: {  	[tilespmem:s3+$0x8C00] =	vst v3  }
0x96: {  	[tilespmem:s3+$0x8C10] =	vst v3  }
0x97: {  	[tilespmem:s3+$0x8C20] =	vst v3  }
0x98: {  	[tilespmem:s3+$0x8C30] =	vst v3  }
0x99: {  	[tilespmem:s3+$0x8C40] =	vst v3  }
0x9a: {  	[tilespmem:s3+$0x8C50] =	vst v3  }
0x9b: {  	[tilespmem:s3+$0x8C60] =	vst v3  }
0x9c: {  	[tilespmem:s3+$0x8C70] =	vst v3  }
0x9d: {  	[tilespmem:s3+$0x9000] =	vst v3  }
0x9e: {  	[tilespmem:s3+$0x9010] =	vst v3  }
0x9f: {  	[tilespmem:s3+$0x9020] =	vst v3  }
0xa0: {  	[tilespmem:s3+$0x9030] =	vst v3  }
0xa1: {  	[tilespmem:s3+$0x9040] =	vst v3  }
0xa2: {  	[tilespmem:s3+$0x9050] =	vst v3  }
0xa3: {  	[tilespmem:s3+$0x9060] =	vst v3  }
0xa4: {  	[tilespmem:s3+$0x9070] =	vst v3  }
0xa5: {  	[tilespmem:s3+$0x9400] =	vst v3  }
0xa6: {  	[tilespmem:s3+$0x9410] =	vst v3  }
0xa7: {  	[tilespmem:s3+$0x9420] =	vst v3  }
0xa8: {  	[tilespmem:s3+$0x9430] =	vst v3  }
0xa9: {  	[tilespmem:s3+$0x9440] =	vst v3  }
0xaa: {  	[tilespmem:s3+$0x9450] =	vst v3  }
0xab: {  	[tilespmem:s3+$0x9460] =	vst v3  }
0xac: {  	[tilespmem:s3+$0x9470] =	vst v3  }
0xad: {  	[tilespmem:s3+$0x9800] =	vst v3  }
0xae: {  	[tilespmem:s3+$0x9810] =	vst v3  }
0xaf: {  	[tilespmem:s3+$0x9820] =	vst v3  }
0xb0: {  	[tilespmem:s3+$0x9830] =	vst v3  }
0xb1: {  	s15 =	sand.u32 $0x7, s30;
	[tilespmem:s3+$0x9840] =	vst v3  }
0xb2: {  	s15 =	sshll.u32 s15, $0x7;
	[tilespmem:s3+$0x9850] =	vst v3  }
0xb3: {  	[tilespmem:s3+$0x9860] =	vst v3;
	s15 =	sadd.s32 s15, s31  }
0xb4: {  	[tilespmem:s3+$0x9870] =	vst v3;
	s3 =	sor.u32 $0x1C00, s15  }
0xb5: {  	[tilespmem:s3+$0x8000] =	vst v3;
	s3 =	sor.u32 $0x1C10, s15  }
0xb6: {  	s0 =	sadd.s32 $0x80, s0;
	[tilespmem:s3+$0x8000] =	vst v3;
	s3 =	sor.u32 $0x1C20, s15  }
0xb7: {  	p1 =	sne.s32 s29, s0;
	[tilespmem:s3+$0x8000] =	vst v3;
	s3 =	sor.u32 $0x1C30, s15  }
.Ltmp6:
0xb8: {  	[tilespmem:s3+$0x8000] =	vst v3;
	s3 =	sor.u32 $0x1C40, s15;
	(pc) =	sbr.rel @p1 .LBB2_7-.Ltmp6, $4  }
0xb9: {  	[tilespmem:s3+$0x8000] =	vst v3;
	s3 =	sor.u32 $0x1C50, s15  }
0xba: {  	[tilespmem:s3+$0x8000] =	vst v3;
	s3 =	sor.u32 $0x1C60, s15  }
0xbb: {  	s15 =	sor.u32 $0x1C70, s15;
	[tilespmem:s3+$0x8000] =	vst v3  }
0xbc: {  	s30 =	sadd.s32 $0x1, s30;
	s31 =	sadd.s32 $0x400, s31;
	[tilespmem:s15+$0x8000] =	vst v3  }
0xbd: {  	s0 =	simm.s32 $0x8000  }
.LBB2_9:
0xbe: {  	s3 =	sshll.u32 s26, $0x12;
	s15 =	sshll.u32 s28, $0xA  }
0xbf: {  	s3 =	sadd.s32 s15, s3  }
0xc0: {  	s3 =	sshrl.u32 s3, $0x3  }
0xc1: {  	s3 =	sadd.s32 s2, s3  }
0xc2: {  	[hbm4b:s3+s4] =	stream.linear.scatter [tilespmem:s0], [sflag:$0x2], $0x8000, $0x38;
	[tilespmem:$0x18100] =	vst v63  }
0xc3: {  	s30 =	sor.u32 $0x1, s25;
	_ =	swait.ge [sflag:s13], $0x8000  }
0xc4: {  	s31 =	sshll.u32 s30, $0x4;
	[sflag:s13] =	ssyncset.done $0x0  }
0xc5: {  	s25 =	sshll.u32 s30, $0x5;
	s0 =	sand.u32 $0x70, s31;
	[sflag:s13] =	ssyncadd.s32 $0xFFFF8000  }
.LBB2_10:
0xc6: {  	s3 =	ssub.s32 s25, s22  }
0xc7: {  	s3 =	sor.u32 $0x1F, s3  }
0xc8: {  	p1 =	sge.s32 s21, s3  }
.Ltmp7:
0xc9: {  	_ = 	snop;
	(pc) =	sbr.rel @p1 .LBB2_12-.Ltmp7, $1  }
0xca: {  	_ =	sdelay $0x3  }
0xcb: {  	s3 =	sshll.u32 s19, $0x5  }
0xcc: {  	s3 =	sand.u32 $0x380, s3  }
0xcd: {  	s3 =	sadd.s32 s3, s8  }
0xce: {  	s31 =	simm.s32 $0x18080;
	s0 =	sadd.s32 s0, s3  }
0xcf: {  	[tilespmem:s31], [sflag:$0x5] =	stream.linear.gather [hbm4b:s0+s4], $0x80, $0x38;
	[tilespmem:$0x18100] =	vst v63  }
0xd0: {  	_ =	swait.ge [sflag:s16], $0x80  }
0xd1: {  	[sflag:s16] =	ssyncset.done $0x0  }
0xd2: {  	[sflag:s16] =	ssyncadd.s32 $0xFFFFFF80  }
0xd3: {  	v4 =	vld [tilespmem:$0x18080];
	_ =	sdelay $0x4  }
0xd4: {  	v5 =	vshll.u32 v4, $0x3  }
0xd5: {  	v4 =	vand.u32 $0x7, v4;
	v5 =	vand.u32 $0xFFFFFFC0, v5  }
0xd6: {  	v4 =	vor.u32 v4, v5  }
0xd7: {  	v5 =	vperm.xlane v4, v0;
	_ =	sdelay $0x1  }
0xd8: {  	v5 =	vadd.s32 v1, v5;
	_ =	sdelay $0x4  }
0xd9: {  	[tilespmem:s18], [sflag:$0x4] =	stream.indirect_vreg.gather [hbm4b:s1+s4], $0x80, v5, vm0, $0xb8;
	[tilespmem:$0x18100] =	vst v63  }
0xda: {  	s15 =	simm.s32 $0x8800;
	v4 =	vperm.xlane v4, v2  }
0xdb: {  	[tilespmem:s15], [sflag:$0x4] =	stream.indirect_vreg.gather [hbm4b:s9+s4], $0x80, v5, vm0, $0xb8;
	[tilespmem:$0x18100] =	vst v63  }
0xdc: {  	s25 =	simm.s32 $0x9000;
	v4 =	vadd.s32 v1, v4  }
0xdd: {  	[tilespmem:s25], [sflag:$0x4] =	stream.indirect_vreg.gather [hbm4b:s10+s4], $0x80, v5, vm0, $0xb8;
	[tilespmem:$0x18100] =	vst v63  }
0xde: {  	s26 =	simm.s32 $0x9800  }
0xdf: {  	[tilespmem:s26], [sflag:$0x4] =	stream.indirect_vreg.gather [hbm4b:s11+s4], $0x80, v5, vm0, $0xb8;
	[tilespmem:$0x18100] =	vst v63  }
0xe0: {  	s28 =	simm.s32 $0xA000  }
0xe1: {  	[tilespmem:s28], [sflag:$0x4] =	stream.indirect_vreg.gather [hbm4b:s1+s4], $0x80, v4, vm0, $0xb8;
	[tilespmem:$0x18100] =	vst v63  }
0xe2: {  	s29 =	simm.s32 $0xA800  }
0xe3: {  	[tilespmem:s29], [sflag:$0x4] =	stream.indirect_vreg.gather [hbm4b:s9+s4], $0x80, v4, vm0, $0xb8;
	[tilespmem:$0x18100] =	vst v63  }
0xe4: {  	s30 =	simm.s32 $0xB000  }
0xe5: {  	[tilespmem:s30], [sflag:$0x4] =	stream.indirect_vreg.gather [hbm4b:s10+s4], $0x80, v4, vm0, $0xb8;
	[tilespmem:$0x18100] =	vst v63  }
0xe6: {  	s31 =	simm.s32 $0xB800  }
0xe7: {  	[tilespmem:s31], [sflag:$0x4] =	stream.indirect_vreg.gather [hbm4b:s11+s4], $0x80, v4, vm0, $0xb8;
	[tilespmem:$0x18100] =	vst v63  }
0xe8: {  	v4 =	vld [tilespmem:$0x18090];
	_ =	sdelay $0x4  }
0xe9: {  	v5 =	vshll.u32 v4, $0x3  }
0xea: {  	v4 =	vand.u32 $0x7, v4;
	v5 =	vand.u32 $0xFFFFFFC0, v5  }
0xeb: {  	v4 =	vor.u32 v4, v5  }
0xec: {  	v5 =	vperm.xlane v4, v0;
	_ =	sdelay $0x1  }
0xed: {  	v5 =	vadd.s32 v1, v5;
	_ =	sdelay $0x3  }
0xee: {  	s3 =	simm.s32 $0xC000  }
0xef: {  	[tilespmem:s3], [sflag:$0x4] =	stream.indirect_vreg.gather [hbm4b:s1+s4], $0x80, v5, vm0, $0xb8;
	[tilespmem:$0x18100] =	vst v63  }
0xf0: {  	s15 =	simm.s32 $0xC800;
	v4 =	vperm.xlane v4, v2  }
0xf1: {  	[tilespmem:s15], [sflag:$0x4] =	stream.indirect_vreg.gather [hbm4b:s9+s4], $0x80, v5, vm0, $0xb8;
	[tilespmem:$0x18100] =	vst v63  }
0xf2: {  	s25 =	simm.s32 $0xD000;
	v4 =	vadd.s32 v1, v4  }
0xf3: {  	[tilespmem:s25], [sflag:$0x4] =	stream.indirect_vreg.gather [hbm4b:s10+s4], $0x80, v5, vm0, $0xb8;
	[tilespmem:$0x18100] =	vst v63  }
0xf4: {  	s26 =	simm.s32 $0xD800  }
0xf5: {  	[tilespmem:s26], [sflag:$0x4] =	stream.indirect_vreg.gather [hbm4b:s11+s4], $0x80, v5, vm0, $0xb8;
	[tilespmem:$0x18100] =	vst v63  }
0xf6: {  	s28 =	simm.s32 $0xE000  }
0xf7: {  	[tilespmem:s28], [sflag:$0x4] =	stream.indirect_vreg.gather [hbm4b:s1+s4], $0x80, v4, vm0, $0xb8;
	[tilespmem:$0x18100] =	vst v63  }
0xf8: {  	s29 =	simm.s32 $0xE800  }
0xf9: {  	[tilespmem:s29], [sflag:$0x4] =	stream.indirect_vreg.gather [hbm4b:s9+s4], $0x80, v4, vm0, $0xb8;
	[tilespmem:$0x18100] =	vst v63  }
0xfa: {  	s30 =	simm.s32 $0xF000  }
0xfb: {  	[tilespmem:s30], [sflag:$0x4] =	stream.indirect_vreg.gather [hbm4b:s10+s4], $0x80, v4, vm0, $0xb8;
	[tilespmem:$0x18100] =	vst v63  }
0xfc: {  	s31 =	simm.s32 $0xF800  }
0xfd: {  	[tilespmem:s31], [sflag:$0x4] =	stream.indirect_vreg.gather [hbm4b:s11+s4], $0x80, v4, vm0, $0xb8;
	[tilespmem:$0x18100] =	vst v63  }
.LBB2_12:
0xfe: {  	s3 =	ssub.s32 @!p0 s21, s20  }
0xff: {  	p1 =	sgt.u32 @!p0 s3, $0x7FFFFFFE  }
0x100: {  	p1 =	por p0, p1  }
.Ltmp8:
0x101: {  	_ = 	snop;
	(pc) =	sbr.rel @p1 .LBB2_13-.Ltmp8, $4  }
0x102: {  	s0 =	simm.s32 @!p0 $0x3  }
0x103: {  	_ =	swait.ge @!p0 [sflag:s0], $0x8000  }
0x104: {  	[sflag:s0] =	ssyncset.done @!p0 $0x0  }
0x105: {  	[sflag:s0] =	ssyncadd.s32 @!p0 $0xFFFF8000  }
0x106: {  	s0 =	sadd.s32 s23, s7  }
0x107: {  	p0 =	slt.s32 s0, $0xFE  }
0x108: {  	s0 =	simm.s32 @!p0 $0xFE  }
0x109: {  	s0 =	sadd.s32 s17, s0  }
0x10a: {  	s0 =	sadd.s32 s22, s0  }
0x10b: {  	p0 =	sgt.s32 s0, $0x1  }
0x10c: {  	s0 =	simm.s32 @!p0 $0x1  }
0x10d: {  	s7 =	simm.s32 $0x0;
	s23 =	simm.s32 $0x0;
	s0 =	smin.u32 s0, $0x20  }
0x10e: {  	s25 =	simm.s32 $0x0;
	s22 =	sshll.u32 s0, $0x7;
	s0 =	simm.s32 $0x0  }
.LBB2_15:
0x10f: {  	s3 =	sand.u32 $0xFFFFE000, s25;
	s15 =	sand.u32 $0x380, s0  }
0x110: {  	s3 =	sor.u32 s15, s3  }
0x111: {  	[tilespmem:s3+$0x0] =	vst v3  }
0x112: {  	[tilespmem:s3+$0x10] =	vst v3  }
0x113: {  	[tilespmem:s3+$0x20] =	vst v3  }
0x114: {  	[tilespmem:s3+$0x30] =	vst v3  }
0x115: {  	[tilespmem:s3+$0x40] =	vst v3  }
0x116: {  	[tilespmem:s3+$0x50] =	vst v3  }
0x117: {  	[tilespmem:s3+$0x60] =	vst v3  }
0x118: {  	[tilespmem:s3+$0x70] =	vst v3  }
0x119: {  	[tilespmem:s3+$0x400] =	vst v3  }
0x11a: {  	[tilespmem:s3+$0x410] =	vst v3  }
0x11b: {  	[tilespmem:s3+$0x420] =	vst v3  }
0x11c: {  	[tilespmem:s3+$0x430] =	vst v3  }
0x11d: {  	[tilespmem:s3+$0x440] =	vst v3  }
0x11e: {  	[tilespmem:s3+$0x450] =	vst v3  }
0x11f: {  	[tilespmem:s3+$0x460] =	vst v3  }
0x120: {  	[tilespmem:s3+$0x470] =	vst v3  }
0x121: {  	[tilespmem:s3+$0x800] =	vst v3  }
0x122: {  	[tilespmem:s3+$0x810] =	vst v3  }
0x123: {  	[tilespmem:s3+$0x820] =	vst v3  }
0x124: {  	[tilespmem:s3+$0x830] =	vst v3  }
0x125: {  	[tilespmem:s3+$0x840] =	vst v3  }
0x126: {  	[tilespmem:s3+$0x850] =	vst v3  }
0x127: {  	[tilespmem:s3+$0x860] =	vst v3  }
0x128: {  	[tilespmem:s3+$0x870] =	vst v3  }
0x129: {  	[tilespmem:s3+$0xC00] =	vst v3  }
0x12a: {  	[tilespmem:s3+$0xC10] =	vst v3  }
0x12b: {  	[tilespmem:s3+$0xC20] =	vst v3  }
0x12c: {  	[tilespmem:s3+$0xC30] =	vst v3  }
0x12d: {  	[tilespmem:s3+$0xC40] =	vst v3  }
0x12e: {  	[tilespmem:s3+$0xC50] =	vst v3  }
0x12f: {  	[tilespmem:s3+$0xC60] =	vst v3  }
0x130: {  	[tilespmem:s3+$0xC70] =	vst v3  }
0x131: {  	[tilespmem:s3+$0x1000] =	vst v3  }
0x132: {  	[tilespmem:s3+$0x1010] =	vst v3  }
0x133: {  	[tilespmem:s3+$0x1020] =	vst v3  }
0x134: {  	[tilespmem:s3+$0x1030] =	vst v3  }
0x135: {  	[tilespmem:s3+$0x1040] =	vst v3  }
0x136: {  	[tilespmem:s3+$0x1050] =	vst v3  }
0x137: {  	[tilespmem:s3+$0x1060] =	vst v3  }
0x138: {  	[tilespmem:s3+$0x1070] =	vst v3  }
0x139: {  	[tilespmem:s3+$0x1400] =	vst v3  }
0x13a: {  	[tilespmem:s3+$0x1410] =	vst v3  }
0x13b: {  	[tilespmem:s3+$0x1420] =	vst v3  }
0x13c: {  	[tilespmem:s3+$0x1430] =	vst v3  }
0x13d: {  	[tilespmem:s3+$0x1440] =	vst v3  }
0x13e: {  	[tilespmem:s3+$0x1450] =	vst v3  }
0x13f: {  	[tilespmem:s3+$0x1460] =	vst v3  }
0x140: {  	[tilespmem:s3+$0x1470] =	vst v3  }
0x141: {  	[tilespmem:s3+$0x1800] =	vst v3  }
0x142: {  	[tilespmem:s3+$0x1810] =	vst v3  }
0x143: {  	[tilespmem:s3+$0x1820] =	vst v3  }
0x144: {  	[tilespmem:s3+$0x1830] =	vst v3  }
0x145: {  	s28 =	sand.u32 $0x7, s23;
	[tilespmem:s3+$0x1840] =	vst v3  }
0x146: {  	s15 =	sshll.u32 s28, $0x7;
	[tilespmem:s3+$0x1850] =	vst v3  }
0x147: {  	s15 =	sadd.s32 s15, s25;
	[tilespmem:s3+$0x1860] =	vst v3  }
0x148: {  	[tilespmem:s3+$0x1870] =	vst v3;
	s29 =	sor.u32 $0x1C00, s15  }
0x149: {  	s30 =	sor.u32 $0x1C10, s15;
	[tilespmem:s29+$0x0] =	vst v3  }
0x14a: {  	s0 =	sadd.s32 $0x80, s0;
	s31 =	sor.u32 $0x1C20, s15;
	[tilespmem:s30+$0x0] =	vst v3  }
0x14b: {  	p0 =	sne.s32 s22, s0;
	s26 =	sor.u32 $0x1C30, s15;
	[tilespmem:s31+$0x0] =	vst v3  }
.Ltmp9:
0x14c: {  	s28 =	sor.u32 $0x1C40, s15;
	[tilespmem:s26+$0x0] =	vst v3;
	(pc) =	sbr.rel @p0 .LBB2_15-.Ltmp9, $4  }
0x14d: {  	s29 =	sor.u32 $0x1C50, s15;
	[tilespmem:s28+$0x0] =	vst v3  }
0x14e: {  	s30 =	sor.u32 $0x1C60, s15;
	[tilespmem:s29+$0x0] =	vst v3  }
0x14f: {  	s31 =	sor.u32 $0x1C70, s15;
	[tilespmem:s30+$0x0] =	vst v3  }
0x150: {  	s23 =	sadd.s32 $0x1, s23;
	s25 =	sadd.s32 $0x400, s25;
	[tilespmem:s31+$0x0] =	vst v3  }
.Ltmp10:
0x151: {  	_ = 	snop;
	(pc) =	sbr.rel .LBB2_16-.Ltmp10, $1  }
0x152: {  	_ =	sdelay $0x3  }
.LBB2_17:
0x153: {  	s0 =	simm.s32 $0x4  }
0x154: {  	_ =	swait.ge [sflag:s0], $0x8000  }
0x155: {  	s6 =	simm.s32 $0x0;
	[sflag:s0] =	ssyncset.done $0x0  }
0x156: {  	s7 =	simm.s32 $0x0;
	s12 =	simm.s32 $0x0;
	[sflag:s0] =	ssyncadd.s32 $0xFFFF8000  }
.LBB2_18:
0x157: {  	s0 =	sand.u32 $0xFFFFE000, s7;
	s3 =	sand.u32 $0x380, s12  }
0x158: {  	s0 =	sor.u32 s3, s0  }
0x159: {  	[tilespmem:s0+$0x8000] =	vst v3  }
0x15a: {  	[tilespmem:s0+$0x8010] =	vst v3  }
0x15b: {  	[tilespmem:s0+$0x8020] =	vst v3  }
0x15c: {  	[tilespmem:s0+$0x8030] =	vst v3  }
0x15d: {  	[tilespmem:s0+$0x8040] =	vst v3  }
0x15e: {  	[tilespmem:s0+$0x8050] =	vst v3  }
0x15f: {  	[tilespmem:s0+$0x8060] =	vst v3  }
0x160: {  	[tilespmem:s0+$0x8070] =	vst v3  }
0x161: {  	[tilespmem:s0+$0x8400] =	vst v3  }
0x162: {  	[tilespmem:s0+$0x8410] =	vst v3  }
0x163: {  	[tilespmem:s0+$0x8420] =	vst v3  }
0x164: {  	[tilespmem:s0+$0x8430] =	vst v3  }
0x165: {  	[tilespmem:s0+$0x8440] =	vst v3  }
0x166: {  	[tilespmem:s0+$0x8450] =	vst v3  }
0x167: {  	[tilespmem:s0+$0x8460] =	vst v3  }
0x168: {  	[tilespmem:s0+$0x8470] =	vst v3  }
0x169: {  	[tilespmem:s0+$0x8800] =	vst v3  }
0x16a: {  	[tilespmem:s0+$0x8810] =	vst v3  }
0x16b: {  	[tilespmem:s0+$0x8820] =	vst v3  }
0x16c: {  	[tilespmem:s0+$0x8830] =	vst v3  }
0x16d: {  	[tilespmem:s0+$0x8840] =	vst v3  }
0x16e: {  	[tilespmem:s0+$0x8850] =	vst v3  }
0x16f: {  	[tilespmem:s0+$0x8860] =	vst v3  }
0x170: {  	[tilespmem:s0+$0x8870] =	vst v3  }
0x171: {  	[tilespmem:s0+$0x8C00] =	vst v3  }
0x172: {  	[tilespmem:s0+$0x8C10] =	vst v3  }
0x173: {  	[tilespmem:s0+$0x8C20] =	vst v3  }
0x174: {  	[tilespmem:s0+$0x8C30] =	vst v3  }
0x175: {  	[tilespmem:s0+$0x8C40] =	vst v3  }
0x176: {  	[tilespmem:s0+$0x8C50] =	vst v3  }
0x177: {  	[tilespmem:s0+$0x8C60] =	vst v3  }
0x178: {  	[tilespmem:s0+$0x8C70] =	vst v3  }
0x179: {  	[tilespmem:s0+$0x9000] =	vst v3  }
0x17a: {  	[tilespmem:s0+$0x9010] =	vst v3  }
0x17b: {  	[tilespmem:s0+$0x9020] =	vst v3  }
0x17c: {  	[tilespmem:s0+$0x9030] =	vst v3  }
0x17d: {  	[tilespmem:s0+$0x9040] =	vst v3  }
0x17e: {  	[tilespmem:s0+$0x9050] =	vst v3  }
0x17f: {  	[tilespmem:s0+$0x9060] =	vst v3  }
0x180: {  	[tilespmem:s0+$0x9070] =	vst v3  }
0x181: {  	[tilespmem:s0+$0x9400] =	vst v3  }
0x182: {  	[tilespmem:s0+$0x9410] =	vst v3  }
0x183: {  	[tilespmem:s0+$0x9420] =	vst v3  }
0x184: {  	[tilespmem:s0+$0x9430] =	vst v3  }
0x185: {  	[tilespmem:s0+$0x9440] =	vst v3  }
0x186: {  	[tilespmem:s0+$0x9450] =	vst v3  }
0x187: {  	[tilespmem:s0+$0x9460] =	vst v3  }
0x188: {  	[tilespmem:s0+$0x9470] =	vst v3  }
0x189: {  	[tilespmem:s0+$0x9800] =	vst v3  }
0x18a: {  	[tilespmem:s0+$0x9810] =	vst v3  }
0x18b: {  	[tilespmem:s0+$0x9820] =	vst v3  }
0x18c: {  	[tilespmem:s0+$0x9830] =	vst v3  }
0x18d: {  	s21 =	sand.u32 $0x7, s6;
	[tilespmem:s0+$0x9840] =	vst v3  }
0x18e: {  	s3 =	sshll.u32 s21, $0x7;
	[tilespmem:s0+$0x9850] =	vst v3  }
0x18f: {  	s3 =	sadd.s32 s3, s7;
	[tilespmem:s0+$0x9860] =	vst v3  }
0x190: {  	[tilespmem:s0+$0x9870] =	vst v3;
	s22 =	sor.u32 $0x1C00, s3  }
0x191: {  	s23 =	sor.u32 $0x1C10, s3;
	[tilespmem:s22+$0x8000] =	vst v3  }
0x192: {  	s12 =	sadd.s32 $0x80, s12;
	s25 =	sor.u32 $0x1C20, s3;
	[tilespmem:s23+$0x8000] =	vst v3  }
0x193: {  	p0 =	sne.s32 s14, s12;
	s26 =	sor.u32 $0x1C30, s3;
	[tilespmem:s25+$0x8000] =	vst v3  }
.Ltmp11:
0x194: {  	s28 =	sor.u32 $0x1C40, s3;
	[tilespmem:s26+$0x8000] =	vst v3;
	(pc) =	sbr.rel @p0 .LBB2_18-.Ltmp11, $4  }
0x195: {  	s29 =	sor.u32 $0x1C50, s3;
	[tilespmem:s28+$0x8000] =	vst v3  }
0x196: {  	s30 =	sor.u32 $0x1C60, s3;
	[tilespmem:s29+$0x8000] =	vst v3  }
0x197: {  	s31 =	sor.u32 $0x1C70, s3;
	[tilespmem:s30+$0x8000] =	vst v3  }
0x198: {  	s6 =	sadd.s32 $0x1, s6;
	s7 =	sadd.s32 $0x400, s7;
	[tilespmem:s31+$0x8000] =	vst v3  }
0x199: {  	s0 =	rddreg [dreg:$0x5];
	s30 =	simm.s32 $0x1  }
0x19a: {  	[hbm4b:s0+s4] =	stream.linear.scatter [tilespmem:s18], [sflag:$0x2], $0x8000, $0x38;
	[tilespmem:$0x18100] =	vst v63  }
0x19b: {  	_ =	swait.ge [sflag:s30], $0x8000  }
0x19c: {  	[sflag:s30] =	ssyncset.done $0x0  }
0x19d: {  	[sflag:s30] =	ssyncadd.s32 $0xFFFF8000  }
0x19e: {  	_ =	swait.ge [sflag:s13], $0x8000  }
0x19f: {  	s3 =	rddreg [dreg:$0x7]  }
0x1a0: {  	s31 =	rddreg [dreg:$0x6];
	s3 =	sadd.s32 $0x1, s3  }
0x1a1: {  	p0 =	sne.s32 s3, s31  }
.Ltmp12:
0x1a2: {  	_ = 	snop;
	(pc) =	sbr.rel @p0 .LBB2_1-.Ltmp12, $3  }
0x1a3: {  	_ =	sdelay $0x1  }
0x1a4: {  	[sflag:s13] =	ssyncset.done $0x0  }
0x1a5: {  	[sflag:s13] =	ssyncadd.s32 $0xFFFF8000  }
0x1a6: {  	_ =	sfence.sel $0x180000  }
0x1a7: {  	[bflag:$0x0] =	sbarrier.arrive $0xFFFF  }
0x1a8: {  	_ =	strace $0x90000047  }
0x1a9: {  	s0 =	stileid.u32;
	[bflag:$0x2] =	sbarrier.arrive $0xFFFF  }
0x1aa: {  	p0 =	sne.s32 s0, $0x0;
	s0 =	rddreg [dreg:$0x3]  }
0x1ab: {  	s0 =	sadd.s32 @!p0 $0x100000, s0  }
0x1ac: {  	[sflag:s0] =	ssyncadd.tile.s32 @!p0 $0x1;
	_ =	shalt  }
.Lfunc_end2:
_tile_overlayer_lowered:
.L_overlay_start_2:
0x1ad: {  	(tag) =	ssettag $0x2  }
0x1ae: {  	s0 =	rddreg [dreg:$0x0];
	s2 =	stileid.u32  }
0x1af: {  	s1 =	rddreg [dreg:$0x1];
	p0 =	sne.s32 s2, $0x0  }
0x1b0: {  	s3 =	rddreg [dreg:$0x2];
	[bflag:$0x3] =	sbarrier.arrive $0xFFFF;
	s2 =	simm.s32 @!p0 $0x1C05  }
0x1b1: {  	[timem:s3], [sflag:s2] =	dma.local @!p0 [hbm:s0], s1  }
0x1b2: {  	s0 =	simm.s32 @!p0 $0x5  }
0x1b3: {  	_ =	swait.ge @!p0 [sflag:s0], s1  }
0x1b4: {  	s1 =	ssub.s32 @!p0 $0x0, s1;
	[sflag:s0] =	ssyncset.done @!p0 $0x0  }
0x1b5: {  	[sflag:s0] =	ssyncadd.s32 @!p0 s1  }
0x1b6: {  	[bflag:$0x3] =	sbarrier.arrive $0xFFFF  }
0x1b7: {  	_ =	shalt  }

</sc_bundles>
